<compile_context>
chip_gen: v7x
topology: tpu7x:2x2x1
jax: 0.10.2.dev20260603
libtpu: 0.0.44.dev20260713+nightly
codegen_flags: <defaults>
</compile_context>

<pallas_src>
import functools

import jax
import jax.numpy as jnp
from jax import lax
from jax.experimental import pallas as pl
from jax.experimental.pallas import tpu as pltpu
from jax.experimental.pallas import tpu_sc as plsc

HOUR, WEEKDAY = 24, 7
NCOMB = HOUR * WEEKDAY
NC, NS = 2, 16
NW = NC * NS
CH = 128
NBUF = 5
NJ = CH // 128


def _prep_kernel(hour_ref, wk_ref, w_ref, b_ref, comb_ref):
    k_h = lax.broadcasted_iota(jnp.int32, (NCOMB, HOUR), 0) // WEEKDAY
    i_h = lax.broadcasted_iota(jnp.int32, (NCOMB, HOUR), 1)
    oh_h = (k_h == i_h).astype(jnp.float32)
    k_w = lax.broadcasted_iota(jnp.int32, (NCOMB, 8), 0) % WEEKDAY
    j_w = lax.broadcasted_iota(jnp.int32, (NCOMB, 8), 1)
    oh_w = (k_w == j_w).astype(jnp.float32)
    s = (lax.dot_general(oh_h, hour_ref[...], (((1,), (0,)), ((), ())),
                         preferred_element_type=jnp.float32)
         + lax.dot_general(oh_w, wk_ref[...], (((1,), (0,)), ((), ())),
                           preferred_element_type=jnp.float32))
    comb_ref[...] = lax.dot_general(
        s, w_ref[...], (((1,), (1,)), ((), ())),
        preferred_element_type=jnp.float32) + b_ref[...]


@functools.lru_cache(maxsize=None)
def _make_sc_gather(bl: int):
    per_tile = bl // NW
    nch = per_tile // CH
    assert bl % NW == 0 and per_tile % CH == 0 and nch % NBUF == 0

    mesh = plsc.VectorSubcoreMesh(core_axis_name="c", subcore_axis_name="s")

    @functools.partial(
        pl.kernel,
        mesh=mesh,
        out_type=jax.ShapeDtypeStruct((bl, 128), jnp.float32),
        scratch_types=(
            [pltpu.VMEM((NBUF, 2, CH), jnp.int32)]
            + [pltpu.VMEM((NBUF, NJ, 128), jnp.int32)]
            + [pltpu.VMEM((NBUF, CH, 128), jnp.float32)]
            + [pltpu.VMEM_SHARED((NCOMB, 128), jnp.float32)]
            + [pltpu.SemaphoreType.DMA] * (3 * NBUF)
        ),
    )
    def sc_gather(x0_hbm, x1_hbm, comb_hbm, out_hbm, xb, cv, rows, comb_v,
                  *sems):
        semx = sems[0:NBUF]
        semg = sems[NBUF:2 * NBUF]
        semw = sems[2 * NBUF:3 * NBUF]
        wid = lax.axis_index("c") * NS + lax.axis_index("s")
        base = wid * per_tile

        def xdescs(g, b):
            pos = base + g * CH
            return (
                pltpu.make_async_copy(x0_hbm.at[pl.ds(pos, CH)], xb.at[b, 0],
                                      semx[b]),
                pltpu.make_async_copy(x1_hbm.at[pl.ds(pos, CH)], xb.at[b, 1],
                                      semx[b]),
            )

        def gdescs(b):
            return [
                pltpu.make_async_copy(comb_v.at[cv.at[b, j]],
                                      rows.at[b, pl.ds(j * 128, 128)],
                                      semg[b])
                for j in range(NJ)
            ]

        def wdesc(g, b):
            pos = base + g * CH
            return pltpu.make_async_copy(rows.at[b], out_hbm.at[pl.ds(pos, CH)],
                                         semw[b])

        def chunk(g, b, first_round):
            d0, d1 = xdescs(g, b)
            d0.wait()
            d1.wait()
            for t in range(CH // 16):
                x0 = xb[b, 0, pl.ds(t * 16, 16)]
                x1 = xb[b, 1, pl.ds(t * 16, 16)]
                cv[b, t // 8, pl.ds((t % 8) * 16, 16)] = x0 * WEEKDAY + x1
            gx = jnp.minimum(g + NBUF, nch - 1)
            p0, p1 = xdescs(gx, b)
            p0.start()
            p1.start()
            if not first_round:
                wdesc(g, b).wait()
            for d in gdescs(b):
                d.start()
            if not (first_round and b == 0):
                pb = (b - 1) % NBUF
                for d in gdescs(pb):
                    d.wait()
                wdesc(g - 1, pb).start()

        @pl.when(lax.axis_index("s") == 0)
        def _():
            pltpu.sync_copy(comb_hbm, comb_v)
        plsc.subcore_barrier()

        for b in range(NBUF):
            d0, d1 = xdescs(b, b)
            d0.start()
            d1.start()
        for b in range(NBUF):
            chunk(b, b, first_round=True)

        def round_body(p, carry):
            for b in range(NBUF):
                chunk(p * NBUF + b, b, first_round=False)
            return carry

        lax.fori_loop(1, nch // NBUF, round_body, 0)

        last_b = (nch - 1) % NBUF
        for d in gdescs(last_b):
            d.wait()
        wdesc(nch - 1, last_b).start()
        for b in range(NBUF):
            wdesc(nch - 1, b).wait()
            d0, d1 = xdescs(nch - 1, b)
            d0.wait()
            d1.wait()

    return sc_gather


def kernel(x, hour_table, weekday_table, conv_w, conv_b):
    b, l, _ = x.shape
    d = hour_table.shape[1]
    x32 = x.astype(jnp.int32)
    wk8 = jnp.pad(weekday_table, ((0, 8 - WEEKDAY), (0, 0)))
    comb = pl.pallas_call(
        _prep_kernel,
        out_shape=jax.ShapeDtypeStruct((NCOMB, d), jnp.float32),
    )(hour_table, wk8, conv_w, conv_b.reshape(1, d))
    xt = x32.reshape(-1, 2).T
    out = _make_sc_gather(b * l)(xt[0], xt[1], comb)
    return out.reshape(b, l, d)

# --- scband reference (transcript-rebuilt; emitter-appended) ---
"""Pipeline reference for scband-temporal-embedding-33655363731472 (READ-ONLY COPY).

The authoritative reference and input builder live on the scoring server;
editing this copy changes nothing except your own understanding.
"""

import jax, jax.numpy as jnp
import numpy as np

B, L, D = 4096, 200, 128
HOUR, WEEKDAY = 24, 7

def setup_inputs(seed: int = 0) -> dict:
    key = jax.random.key(seed)
    k1, k2, k3, k4, k5 = jax.random.split(key, 5)
    x = jax.random.randint(k1, (B, L, 2), 0, 7, dtype=jnp.int64 if jax.config.jax_enable_x64 else jnp.int32)
    hour_table = jax.random.normal(k2, (HOUR, D), dtype=jnp.float32)
    weekday_table = jax.random.normal(k3, (WEEKDAY, D), dtype=jnp.float32)
    # Conv1d(D, D, kernel_size=1) == per-position linear: weight [D_out, D_in], bias [D_out]
    conv_w = jax.random.normal(k4, (D, D), dtype=jnp.float32) * (1.0 / np.sqrt(D))
    conv_b = jax.random.normal(k5, (D,), dtype=jnp.float32) * 0.01
    return {"x": x, "hour_table": hour_table, "weekday_table": weekday_table, "conv_w": conv_w, "conv_b": conv_b}

def reference(x, hour_table, weekday_table, conv_w, conv_b):
    x = x.astype(jnp.int32)
    hour_x = jnp.take(hour_table, x[:, :, 0], axis=0)      # [B, L, D]
    weekday_x = jnp.take(weekday_table, x[:, :, 1], axis=0)  # [B, L, D]
    s = hour_x + weekday_x                                   # [B, L, D]
    # Conv1d kernel_size=1 over transposed input == linear over feature dim
    timeemb = jnp.einsum('bld,od->blo', s, conv_w) + conv_b
    return timeemb

if __name__ == "__main__":
    import jax
    _d = setup_inputs()
    print(jax.jit(kernel)(*tuple(_d.values())))

</pallas_src>

<mosaic_0001>
#map = affine_map<(d0, d1) -> (0)>
#map1 = affine_map<(d0, d1) -> (0, 0)>
module attributes {stable_mosaic.version = 14 : i64} {
  func.func @sc_gather(%arg0: i32, %arg1: i32, %arg2: memref<819200xi32, #tpu.memory_space<hbm>>, %arg3: memref<819200xi32, #tpu.memory_space<hbm>>, %arg4: memref<168x128xf32, #tpu.memory_space<hbm>>, %arg5: memref<819200x128xf32, #tpu.memory_space<hbm>>, %arg6: memref<5x2x128xi32, #tpu.memory_space<vmem>>, %arg7: memref<5x1x128xi32, #tpu.memory_space<vmem>>, %arg8: memref<5x128x128xf32, #tpu.memory_space<vmem>>, %arg9: memref<168x128xf32, #tpu.memory_space<vmem_shared>>, %arg10: memref<!tpu.dma_semaphore, #tpu.memory_space<semaphore_mem>>, %arg11: memref<!tpu.dma_semaphore, #tpu.memory_space<semaphore_mem>>, %arg12: memref<!tpu.dma_semaphore, #tpu.memory_space<semaphore_mem>>, %arg13: memref<!tpu.dma_semaphore, #tpu.memory_space<semaphore_mem>>, %arg14: memref<!tpu.dma_semaphore, #tpu.memory_space<semaphore_mem>>, %arg15: memref<!tpu.dma_semaphore, #tpu.memory_space<semaphore_mem>>, %arg16: memref<!tpu.dma_semaphore, #tpu.memory_space<semaphore_mem>>, %arg17: memref<!tpu.dma_semaphore, #tpu.memory_space<semaphore_mem>>, %arg18: memref<!tpu.dma_semaphore, #tpu.memory_space<semaphore_mem>>, %arg19: memref<!tpu.dma_semaphore, #tpu.memory_space<semaphore_mem>>, %arg20: memref<!tpu.dma_semaphore, #tpu.memory_space<semaphore_mem>>, %arg21: memref<!tpu.dma_semaphore, #tpu.memory_space<semaphore_mem>>, %arg22: memref<!tpu.dma_semaphore, #tpu.memory_space<semaphore_mem>>, %arg23: memref<!tpu.dma_semaphore, #tpu.memory_space<semaphore_mem>>, %arg24: memref<!tpu.dma_semaphore, #tpu.memory_space<semaphore_mem>>) attributes {dimension_semantics = [#tpu.dimension_semantics<core_parallel>, #tpu.dimension_semantics<subcore_parallel>], iteration_bounds = array<i64: 2, 16>, scalar_prefetch = 0 : i64, scratch_operands = 19 : i64, tpu.core_type = #tpu.core_type<sc_vector_subcore>, window_params = [{transform_indices = #map}, {transform_indices = #map}, {transform_indices = #map1}, {transform_indices = #map1}]} {
    %mul3A = arith.constant 16 : i32
    %mul3A_0 = arith.muli %arg0, %mul3A : i32
    %add3A = arith.addi %mul3A_0, %arg1 : i32
    %mul3A_1 = arith.constant 25600 : i32
    %mul3A_2 = arith.muli %add3A, %mul3A_1 : i32
    %eq3A = arith.constant 0 : i32
    %eq3A_3 = arith.cmpi eq, %arg1, %eq3A : i32
    %convert_element_type3A = arith.extui %eq3A_3 : i1 to i32
    %cond3A = arith.constant 0 : i32
    %cond3A_4 = arith.cmpi ne, %convert_element_type3A, %cond3A : i32
    scf.if %cond3A_4 {
      "tpu.region"() ({
        %run_scoped3A = tpu.sem_alloc : memref<!tpu.dma_semaphore, #tpu.memory_space<semaphore_mem>>
        tpu.enqueue_dma source(%arg4 : memref<168x128xf32, #tpu.memory_space<hbm>>) target(%arg9 : memref<168x128xf32, #tpu.memory_space<vmem_shared>>) target_semaphore(%run_scoped3A : memref<!tpu.dma_semaphore, #tpu.memory_space<semaphore_mem>>)
        tpu.wait_dma2 semaphore(%run_scoped3A : memref<!tpu.dma_semaphore, #tpu.memory_space<semaphore_mem>>) src(%arg4 : memref<168x128xf32, #tpu.memory_space<hbm>>) dst(%arg9 : memref<168x128xf32, #tpu.memory_space<vmem_shared>>)
        tpu.yield
      }) : () -> ()
    } else {
    }
    %barrier3A = arith.constant 0 : index
    tpu.barrier barrier_id(%barrier3A)
    %add3A_5 = arith.constant 0 : i32
    %add3A_6 = arith.addi %mul3A_2, %add3A_5 : i32
    %dma_start3A = arith.constant 0 : i32
    %dma_start3A_7 = arith.constant 0 : i32
    %dma_start3A_8 = arith.constant 0 : i32
    %dma_start3A_9 = tpu.memref_slice %arg6[%dma_start3A, %dma_start3A_7, %dma_start3A_8] : memref<5x2x128xi32, #tpu.memory_space<vmem>> -> memref<1x1x128xi32, #tpu.memory_space<vmem>>
    %dma_start3A_10 = tpu.memref_squeeze %dma_start3A_9 : memref<1x1x128xi32, #tpu.memory_space<vmem>> -> memref<128xi32, #tpu.memory_space<vmem>>
    %dma_start3A_11 = tpu.memref_slice %arg2[%add3A_6] : memref<819200xi32, #tpu.memory_space<hbm>> -> memref<128xi32, #tpu.memory_space<hbm>>
    %dma_start3A_12 = arith.constant 0 : i32
    %dma_start3A_13 = tpu.memref_slice %arg6[%dma_start3A, %dma_start3A_7, %dma_start3A_12] : memref<5x2x128xi32, #tpu.memory_space<vmem>> -> memref<1x1x128xi32, #tpu.memory_space<vmem>>
    %dma_start3A_14 = tpu.memref_squeeze %dma_start3A_13 : memref<1x1x128xi32, #tpu.memory_space<vmem>> -> memref<128xi32, #tpu.memory_space<vmem>>
    %dma_start3A_15 = tpu.memref_slice %arg2[%add3A_6] : memref<819200xi32, #tpu.memory_space<hbm>> -> memref<128xi32, #tpu.memory_space<hbm>>
    tpu.enqueue_dma source(%dma_start3A_15 : memref<128xi32, #tpu.memory_space<hbm>>) target(%dma_start3A_14 : memref<128xi32, #tpu.memory_space<vmem>>) target_semaphore(%arg10 : memref<!tpu.dma_semaphore, #tpu.memory_space<semaphore_mem>>)
    %dma_start3A_16 = arith.constant 0 : i32
    %dma_start3A_17 = arith.constant 1 : i32
    %dma_start3A_18 = arith.constant 0 : i32
    %dma_start3A_19 = tpu.memref_slice %arg6[%dma_start3A_16, %dma_start3A_17, %dma_start3A_18] : memref<5x2x128xi32, #tpu.memory_space<vmem>> -> memref<1x1x128xi32, #tpu.memory_space<vmem>>
    %dma_start3A_20 = tpu.memref_squeeze %dma_start3A_19 : memref<1x1x128xi32, #tpu.memory_space<vmem>> -> memref<128xi32, #tpu.memory_space<vmem>>
    %dma_start3A_21 = tpu.memref_slice %arg3[%add3A_6] : memref<819200xi32, #tpu.memory_space<hbm>> -> memref<128xi32, #tpu.memory_space<hbm>>
    %dma_start3A_22 = arith.constant 0 : i32
    %dma_start3A_23 = tpu.memref_slice %arg6[%dma_start3A_16, %dma_start3A_17, %dma_start3A_22] : memref<5x2x128xi32, #tpu.memory_space<vmem>> -> memref<1x1x128xi32, #tpu.memory_space<vmem>>
    %dma_start3A_24 = tpu.memref_squeeze %dma_start3A_23 : memref<1x1x128xi32, #tpu.memory_space<vmem>> -> memref<128xi32, #tpu.memory_space<vmem>>
    %dma_start3A_25 = tpu.memref_slice %arg3[%add3A_6] : memref<819200xi32, #tpu.memory_space<hbm>> -> memref<128xi32, #tpu.memory_space<hbm>>
    tpu.enqueue_dma source(%dma_start3A_25 : memref<128xi32, #tpu.memory_space<hbm>>) target(%dma_start3A_24 : memref<128xi32, #tpu.memory_space<vmem>>) target_semaphore(%arg10 : memref<!tpu.dma_semaphore, #tpu.memory_space<semaphore_mem>>)
    %add3A_26 = arith.constant 128 : i32
    %add3A_27 = arith.addi %mul3A_2, %add3A_26 : i32
    %dma_start3A_28 = arith.constant 1 : i32
    %dma_start3A_29 = arith.constant 0 : i32
    %dma_start3A_30 = arith.constant 0 : i32
    %dma_start3A_31 = tpu.memref_slice %arg6[%dma_start3A_28, %dma_start3A_29, %dma_start3A_30] : memref<5x2x128xi32, #tpu.memory_space<vmem>> -> memref<1x1x128xi32, #tpu.memory_space<vmem>>
    %dma_start3A_32 = tpu.memref_squeeze %dma_start3A_31 : memref<1x1x128xi32, #tpu.memory_space<vmem>> -> memref<128xi32, #tpu.memory_space<vmem>>
    %dma_start3A_33 = tpu.memref_slice %arg2[%add3A_27] : memref<819200xi32, #tpu.memory_space<hbm>> -> memref<128xi32, #tpu.memory_space<hbm>>
    %dma_start3A_34 = arith.constant 0 : i32
    %dma_start3A_35 = tpu.memref_slice %arg6[%dma_start3A_28, %dma_start3A_29, %dma_start3A_34] : memref<5x2x128xi32, #tpu.memory_space<vmem>> -> memref<1x1x128xi32, #tpu.memory_space<vmem>>
    %dma_start3A_36 = tpu.memref_squeeze %dma_start3A_35 : memref<1x1x128xi32, #tpu.memory_space<vmem>> -> memref<128xi32, #tpu.memory_space<vmem>>
    %dma_start3A_37 = tpu.memref_slice %arg2[%add3A_27] : memref<819200xi32, #tpu.memory_space<hbm>> -> memref<128xi32, #tpu.memory_space<hbm>>
    tpu.enqueue_dma source(%dma_start3A_37 : memref<128xi32, #tpu.memory_space<hbm>>) target(%dma_start3A_36 : memref<128xi32, #tpu.memory_space<vmem>>) target_semaphore(%arg11 : memref<!tpu.dma_semaphore, #tpu.memory_space<semaphore_mem>>)
    %dma_start3A_38 = arith.constant 1 : i32
    %dma_start3A_39 = arith.constant 1 : i32
    %dma_start3A_40 = arith.constant 0 : i32
    %dma_start3A_41 = tpu.memref_slice %arg6[%dma_start3A_38, %dma_start3A_39, %dma_start3A_40] : memref<5x2x128xi32, #tpu.memory_space<vmem>> -> memref<1x1x128xi32, #tpu.memory_space<vmem>>
    %dma_start3A_42 = tpu.memref_squeeze %dma_start3A_41 : memref<1x1x128xi32, #tpu.memory_space<vmem>> -> memref<128xi32, #tpu.memory_space<vmem>>
    %dma_start3A_43 = tpu.memref_slice %arg3[%add3A_27] : memref<819200xi32, #tpu.memory_space<hbm>> -> memref<128xi32, #tpu.memory_space<hbm>>
    %dma_start3A_44 = arith.constant 0 : i32
    %dma_start3A_45 = tpu.memref_slice %arg6[%dma_start3A_38, %dma_start3A_39, %dma_start3A_44] : memref<5x2x128xi32, #tpu.memory_space<vmem>> -> memref<1x1x128xi32, #tpu.memory_space<vmem>>
    %dma_start3A_46 = tpu.memref_squeeze %dma_start3A_45 : memref<1x1x128xi32, #tpu.memory_space<vmem>> -> memref<128xi32, #tpu.memory_space<vmem>>
    %dma_start3A_47 = tpu.memref_slice %arg3[%add3A_27] : memref<819200xi32, #tpu.memory_space<hbm>> -> memref<128xi32, #tpu.memory_space<hbm>>
    tpu.enqueue_dma source(%dma_start3A_47 : memref<128xi32, #tpu.memory_space<hbm>>) target(%dma_start3A_46 : memref<128xi32, #tpu.memory_space<vmem>>) target_semaphore(%arg11 : memref<!tpu.dma_semaphore, #tpu.memory_space<semaphore_mem>>)
    %add3A_48 = arith.constant 256 : i32
    %add3A_49 = arith.addi %mul3A_2, %add3A_48 : i32
    %dma_start3A_50 = arith.constant 2 : i32
    %dma_start3A_51 = arith.constant 0 : i32
    %dma_start3A_52 = arith.constant 0 : i32
    %dma_start3A_53 = tpu.memref_slice %arg6[%dma_start3A_50, %dma_start3A_51, %dma_start3A_52] : memref<5x2x128xi32, #tpu.memory_space<vmem>> -> memref<1x1x128xi32, #tpu.memory_space<vmem>>
    %dma_start3A_54 = tpu.memref_squeeze %dma_start3A_53 : memref<1x1x128xi32, #tpu.memory_space<vmem>> -> memref<128xi32, #tpu.memory_space<vmem>>
    %dma_start3A_55 = tpu.memref_slice %arg2[%add3A_49] : memref<819200xi32, #tpu.memory_space<hbm>> -> memref<128xi32, #tpu.memory_space<hbm>>
    %dma_start3A_56 = arith.constant 0 : i32
    %dma_start3A_57 = tpu.memref_slice %arg6[%dma_start3A_50, %dma_start3A_51, %dma_start3A_56] : memref<5x2x128xi32, #tpu.memory_space<vmem>> -> memref<1x1x128xi32, #tpu.memory_space<vmem>>
    %dma_start3A_58 = tpu.memref_squeeze %dma_start3A_57 : memref<1x1x128xi32, #tpu.memory_space<vmem>> -> memref<128xi32, #tpu.memory_space<vmem>>
    %dma_start3A_59 = tpu.memref_slice %arg2[%add3A_49] : memref<819200xi32, #tpu.memory_space<hbm>> -> memref<128xi32, #tpu.memory_space<hbm>>
    tpu.enqueue_dma source(%dma_start3A_59 : memref<128xi32, #tpu.memory_space<hbm>>) target(%dma_start3A_58 : memref<128xi32, #tpu.memory_space<vmem>>) target_semaphore(%arg12 : memref<!tpu.dma_semaphore, #tpu.memory_space<semaphore_mem>>)
    %dma_start3A_60 = arith.constant 2 : i32
    %dma_start3A_61 = arith.constant 1 : i32
    %dma_start3A_62 = arith.constant 0 : i32
    %dma_start3A_63 = tpu.memref_slice %arg6[%dma_start3A_60, %dma_start3A_61, %dma_start3A_62] : memref<5x2x128xi32, #tpu.memory_space<vmem>> -> memref<1x1x128xi32, #tpu.memory_space<vmem>>
    %dma_start3A_64 = tpu.memref_squeeze %dma_start3A_63 : memref<1x1x128xi32, #tpu.memory_space<vmem>> -> memref<128xi32, #tpu.memory_space<vmem>>
    %dma_start3A_65 = tpu.memref_slice %arg3[%add3A_49] : memref<819200xi32, #tpu.memory_space<hbm>> -> memref<128xi32, #tpu.memory_space<hbm>>
    %dma_start3A_66 = arith.constant 0 : i32
    %dma_start3A_67 = tpu.memref_slice %arg6[%dma_start3A_60, %dma_start3A_61, %dma_start3A_66] : memref<5x2x128xi32, #tpu.memory_space<vmem>> -> memref<1x1x128xi32, #tpu.memory_space<vmem>>
    %dma_start3A_68 = tpu.memref_squeeze %dma_start3A_67 : memref<1x1x128xi32, #tpu.memory_space<vmem>> -> memref<128xi32, #tpu.memory_space<vmem>>
    %dma_start3A_69 = tpu.memref_slice %arg3[%add3A_49] : memref<819200xi32, #tpu.memory_space<hbm>> -> memref<128xi32, #tpu.memory_space<hbm>>
    tpu.enqueue_dma source(%dma_start3A_69 : memref<128xi32, #tpu.memory_space<hbm>>) target(%dma_start3A_68 : memref<128xi32, #tpu.memory_space<vmem>>) target_semaphore(%arg12 : memref<!tpu.dma_semaphore, #tpu.memory_space<semaphore_mem>>)
    %add3A_70 = arith.constant 384 : i32
    %add3A_71 = arith.addi %mul3A_2, %add3A_70 : i32
    %dma_start3A_72 = arith.constant 3 : i32
    %dma_start3A_73 = arith.constant 0 : i32
    %dma_start3A_74 = arith.constant 0 : i32
    %dma_start3A_75 = tpu.memref_slice %arg6[%dma_start3A_72, %dma_start3A_73, %dma_start3A_74] : memref<5x2x128xi32, #tpu.memory_space<vmem>> -> memref<1x1x128xi32, #tpu.memory_space<vmem>>
    %dma_start3A_76 = tpu.memref_squeeze %dma_start3A_75 : memref<1x1x128xi32, #tpu.memory_space<vmem>> -> memref<128xi32, #tpu.memory_space<vmem>>
    %dma_start3A_77 = tpu.memref_slice %arg2[%add3A_71] : memref<819200xi32, #tpu.memory_space<hbm>> -> memref<128xi32, #tpu.memory_space<hbm>>
    %dma_start3A_78 = arith.constant 0 : i32
    %dma_start3A_79 = tpu.memref_slice %arg6[%dma_start3A_72, %dma_start3A_73, %dma_start3A_78] : memref<5x2x128xi32, #tpu.memory_space<vmem>> -> memref<1x1x128xi32, #tpu.memory_space<vmem>>
    %dma_start3A_80 = tpu.memref_squeeze %dma_start3A_79 : memref<1x1x128xi32, #tpu.memory_space<vmem>> -> memref<128xi32, #tpu.memory_space<vmem>>
    %dma_start3A_81 = tpu.memref_slice %arg2[%add3A_71] : memref<819200xi32, #tpu.memory_space<hbm>> -> memref<128xi32, #tpu.memory_space<hbm>>
    tpu.enqueue_dma source(%dma_start3A_81 : memref<128xi32, #tpu.memory_space<hbm>>) target(%dma_start3A_80 : memref<128xi32, #tpu.memory_space<vmem>>) target_semaphore(%arg13 : memref<!tpu.dma_semaphore, #tpu.memory_space<semaphore_mem>>)
    %dma_start3A_82 = arith.constant 3 : i32
    %dma_start3A_83 = arith.constant 1 : i32
    %dma_start3A_84 = arith.constant 0 : i32
    %dma_start3A_85 = tpu.memref_slice %arg6[%dma_start3A_82, %dma_start3A_83, %dma_start3A_84] : memref<5x2x128xi32, #tpu.memory_space<vmem>> -> memref<1x1x128xi32, #tpu.memory_space<vmem>>
    %dma_start3A_86 = tpu.memref_squeeze %dma_start3A_85 : memref<1x1x128xi32, #tpu.memory_space<vmem>> -> memref<128xi32, #tpu.memory_space<vmem>>
    %dma_start3A_87 = tpu.memref_slice %arg3[%add3A_71] : memref<819200xi32, #tpu.memory_space<hbm>> -> memref<128xi32, #tpu.memory_space<hbm>>
    %dma_start3A_88 = arith.constant 0 : i32
    %dma_start3A_89 = tpu.memref_slice %arg6[%dma_start3A_82, %dma_start3A_83, %dma_start3A_88] : memref<5x2x128xi32, #tpu.memory_space<vmem>> -> memref<1x1x128xi32, #tpu.memory_space<vmem>>
    %dma_start3A_90 = tpu.memref_squeeze %dma_start3A_89 : memref<1x1x128xi32, #tpu.memory_space<vmem>> -> memref<128xi32, #tpu.memory_space<vmem>>
    %dma_start3A_91 = tpu.memref_slice %arg3[%add3A_71] : memref<819200xi32, #tpu.memory_space<hbm>> -> memref<128xi32, #tpu.memory_space<hbm>>
    tpu.enqueue_dma source(%dma_start3A_91 : memref<128xi32, #tpu.memory_space<hbm>>) target(%dma_start3A_90 : memref<128xi32, #tpu.memory_space<vmem>>) target_semaphore(%arg13 : memref<!tpu.dma_semaphore, #tpu.memory_space<semaphore_mem>>)
    %add3A_92 = arith.constant 512 : i32
    %add3A_93 = arith.addi %mul3A_2, %add3A_92 : i32
    %dma_start3A_94 = arith.constant 4 : i32
    %dma_start3A_95 = arith.constant 0 : i32
    %dma_start3A_96 = arith.constant 0 : i32
    %dma_start3A_97 = tpu.memref_slice %arg6[%dma_start3A_94, %dma_start3A_95, %dma_start3A_96] : memref<5x2x128xi32, #tpu.memory_space<vmem>> -> memref<1x1x128xi32, #tpu.memory_space<vmem>>
    %dma_start3A_98 = tpu.memref_squeeze %dma_start3A_97 : memref<1x1x128xi32, #tpu.memory_space<vmem>> -> memref<128xi32, #tpu.memory_space<vmem>>
    %dma_start3A_99 = tpu.memref_slice %arg2[%add3A_93] : memref<819200xi32, #tpu.memory_space<hbm>> -> memref<128xi32, #tpu.memory_space<hbm>>
    %dma_start3A_100 = arith.constant 0 : i32
    %dma_start3A_101 = tpu.memref_slice %arg6[%dma_start3A_94, %dma_start3A_95, %dma_start3A_100] : memref<5x2x128xi32, #tpu.memory_space<vmem>> -> memref<1x1x128xi32, #tpu.memory_space<vmem>>
    %dma_start3A_102 = tpu.memref_squeeze %dma_start3A_101 : memref<1x1x128xi32, #tpu.memory_space<vmem>> -> memref<128xi32, #tpu.memory_space<vmem>>
    %dma_start3A_103 = tpu.memref_slice %arg2[%add3A_93] : memref<819200xi32, #tpu.memory_space<hbm>> -> memref<128xi32, #tpu.memory_space<hbm>>
    tpu.enqueue_dma source(%dma_start3A_103 : memref<128xi32, #tpu.memory_space<hbm>>) target(%dma_start3A_102 : memref<128xi32, #tpu.memory_space<vmem>>) target_semaphore(%arg14 : memref<!tpu.dma_semaphore, #tpu.memory_space<semaphore_mem>>)
    %dma_start3A_104 = arith.constant 4 : i32
    %dma_start3A_105 = arith.constant 1 : i32
    %dma_start3A_106 = arith.constant 0 : i32
    %dma_start3A_107 = tpu.memref_slice %arg6[%dma_start3A_104, %dma_start3A_105, %dma_start3A_106] : memref<5x2x128xi32, #tpu.memory_space<vmem>> -> memref<1x1x128xi32, #tpu.memory_space<vmem>>
    %dma_start3A_108 = tpu.memref_squeeze %dma_start3A_107 : memref<1x1x128xi32, #tpu.memory_space<vmem>> -> memref<128xi32, #tpu.memory_space<vmem>>
    %dma_start3A_109 = tpu.memref_slice %arg3[%add3A_93] : memref<819200xi32, #tpu.memory_space<hbm>> -> memref<128xi32, #tpu.memory_space<hbm>>
    %dma_start3A_110 = arith.constant 0 : i32
    %dma_start3A_111 = tpu.memref_slice %arg6[%dma_start3A_104, %dma_start3A_105, %dma_start3A_110] : memref<5x2x128xi32, #tpu.memory_space<vmem>> -> memref<1x1x128xi32, #tpu.memory_space<vmem>>
    %dma_start3A_112 = tpu.memref_squeeze %dma_start3A_111 : memref<1x1x128xi32, #tpu.memory_space<vmem>> -> memref<128xi32, #tpu.memory_space<vmem>>
    %dma_start3A_113 = tpu.memref_slice %arg3[%add3A_93] : memref<819200xi32, #tpu.memory_space<hbm>> -> memref<128xi32, #tpu.memory_space<hbm>>
    tpu.enqueue_dma source(%dma_start3A_113 : memref<128xi32, #tpu.memory_space<hbm>>) target(%dma_start3A_112 : memref<128xi32, #tpu.memory_space<vmem>>) target_semaphore(%arg14 : memref<!tpu.dma_semaphore, #tpu.memory_space<semaphore_mem>>)
    %add3A_114 = arith.constant 0 : i32
    %add3A_115 = arith.addi %mul3A_2, %add3A_114 : i32
    %dma_wait3A = arith.constant 0 : i32
    %dma_wait3A_116 = arith.constant 0 : i32
    %dma_wait3A_117 = arith.constant 0 : i32
    %dma_wait3A_118 = tpu.memref_slice %arg6[%dma_wait3A, %dma_wait3A_116, %dma_wait3A_117] : memref<5x2x128xi32, #tpu.memory_space<vmem>> -> memref<1x1x128xi32, #tpu.memory_space<vmem>>
    %dma_wait3A_119 = tpu.memref_squeeze %dma_wait3A_118 : memref<1x1x128xi32, #tpu.memory_space<vmem>> -> memref<128xi32, #tpu.memory_space<vmem>>
    %dma_wait3A_120 = tpu.memref_slice %arg2[%add3A_115] : memref<819200xi32, #tpu.memory_space<hbm>> -> memref<128xi32, #tpu.memory_space<hbm>>
    %dma_wait3A_121 = arith.constant 0 : i32
    %dma_wait3A_122 = tpu.memref_slice %arg6[%dma_wait3A, %dma_wait3A_116, %dma_wait3A_121] : memref<5x2x128xi32, #tpu.memory_space<vmem>> -> memref<1x1x128xi32, #tpu.memory_space<vmem>>
    %dma_wait3A_123 = tpu.memref_squeeze %dma_wait3A_122 : memref<1x1x128xi32, #tpu.memory_space<vmem>> -> memref<128xi32, #tpu.memory_space<vmem>>
    %dma_wait3A_124 = tpu.memref_slice %arg2[%add3A_115] : memref<819200xi32, #tpu.memory_space<hbm>> -> memref<128xi32, #tpu.memory_space<hbm>>
    tpu.wait_dma2 semaphore(%arg10 : memref<!tpu.dma_semaphore, #tpu.memory_space<semaphore_mem>>) src(%dma_wait3A_124 : memref<128xi32, #tpu.memory_space<hbm>>) dst(%dma_wait3A_123 : memref<128xi32, #tpu.memory_space<vmem>>)
    %dma_wait3A_125 = arith.constant 0 : i32
    %dma_wait3A_126 = arith.constant 1 : i32
    %dma_wait3A_127 = arith.constant 0 : i32
    %dma_wait3A_128 = tpu.memref_slice %arg6[%dma_wait3A_125, %dma_wait3A_126, %dma_wait3A_127] : memref<5x2x128xi32, #tpu.memory_space<vmem>> -> memref<1x1x128xi32, #tpu.memory_space<vmem>>
    %dma_wait3A_129 = tpu.memref_squeeze %dma_wait3A_128 : memref<1x1x128xi32, #tpu.memory_space<vmem>> -> memref<128xi32, #tpu.memory_space<vmem>>
    %dma_wait3A_130 = tpu.memref_slice %arg3[%add3A_115] : memref<819200xi32, #tpu.memory_space<hbm>> -> memref<128xi32, #tpu.memory_space<hbm>>
    %dma_wait3A_131 = arith.constant 0 : i32
    %dma_wait3A_132 = tpu.memref_slice %arg6[%dma_wait3A_125, %dma_wait3A_126, %dma_wait3A_131] : memref<5x2x128xi32, #tpu.memory_space<vmem>> -> memref<1x1x128xi32, #tpu.memory_space<vmem>>
    %dma_wait3A_133 = tpu.memref_squeeze %dma_wait3A_132 : memref<1x1x128xi32, #tpu.memory_space<vmem>> -> memref<128xi32, #tpu.memory_space<vmem>>
    %dma_wait3A_134 = tpu.memref_slice %arg3[%add3A_115] : memref<819200xi32, #tpu.memory_space<hbm>> -> memref<128xi32, #tpu.memory_space<hbm>>
    tpu.wait_dma2 semaphore(%arg10 : memref<!tpu.dma_semaphore, #tpu.memory_space<semaphore_mem>>) src(%dma_wait3A_134 : memref<128xi32, #tpu.memory_space<hbm>>) dst(%dma_wait3A_133 : memref<128xi32, #tpu.memory_space<vmem>>)
    %get3A = arith.constant 0 : i32
    %get3A_135 = arith.constant 0 : i32
    %get3A_136 = arith.index_cast %get3A : i32 to index
    %get3A_137 = arith.index_cast %get3A_135 : i32 to index
    %get3A_138 = arith.constant 0 : index
    %get3A_139 = tpu.vector_load %arg6[%get3A_136, %get3A_137, %get3A_138] {strides = array<i32>} : memref<5x2x128xi32, #tpu.memory_space<vmem>>, vector<1x1x16xi32>,
    %get3A_140 = vector.shape_cast %get3A_139 : vector<1x1x16xi32> to vector<16xi32>
    %get3A_141 = arith.constant 0 : i32
    %get3A_142 = arith.constant 1 : i32
    %get3A_143 = arith.index_cast %get3A_141 : i32 to index
    %get3A_144 = arith.index_cast %get3A_142 : i32 to index
    %get3A_145 = arith.constant 0 : index
    %get3A_146 = tpu.vector_load %arg6[%get3A_143, %get3A_144, %get3A_145] {strides = array<i32>} : memref<5x2x128xi32, #tpu.memory_space<vmem>>, vector<1x1x16xi32>,
    %get3A_147 = vector.shape_cast %get3A_146 : vector<1x1x16xi32> to vector<16xi32>
    %mul3A_148 = arith.constant 7 : i32
    %mul3A_149 = vector.broadcast %mul3A_148 : i32 to vector<16xi32>
    %mul3A_150 = arith.muli %get3A_140, %mul3A_149 : vector<16xi32>
    %add3A_151 = arith.addi %mul3A_150, %get3A_147 : vector<16xi32>
    %swap3A = arith.constant 0 : i32
    %swap3A_152 = arith.constant 0 : i32
    %swap3A_153 = arith.index_cast %swap3A : i32 to index
    %swap3A_154 = arith.index_cast %swap3A_152 : i32 to index
    %swap3A_155 = arith.constant 0 : index
    %swap3A_156 = tpu.vector_load %arg7[%swap3A_153, %swap3A_154, %swap3A_155] {strides = array<i32>} : memref<5x1x128xi32, #tpu.memory_space<vmem>>, vector<1x1x16xi32>,
    %swap3A_157 = vector.shape_cast %swap3A_156 : vector<1x1x16xi32> to vector<16xi32>
    %swap3A_158 = vector.shape_cast %add3A_151 : vector<16xi32> to vector<1x1x16xi32>
    tpu.vector_store %arg7[%swap3A_153, %swap3A_154, %swap3A_155], %swap3A_158 {strides = array<i32>} : memref<5x1x128xi32, #tpu.memory_space<vmem>>, vector<1x1x16xi32>,
    %get3A_159 = arith.constant 0 : i32
    %get3A_160 = arith.constant 0 : i32
    %get3A_161 = arith.index_cast %get3A_159 : i32 to index
    %get3A_162 = arith.index_cast %get3A_160 : i32 to index
    %get3A_163 = arith.constant 16 : index
    %get3A_164 = tpu.vector_load %arg6[%get3A_161, %get3A_162, %get3A_163] {strides = array<i32>} : memref<5x2x128xi32, #tpu.memory_space<vmem>>, vector<1x1x16xi32>,
    %get3A_165 = vector.shape_cast %get3A_164 : vector<1x1x16xi32> to vector<16xi32>
    %get3A_166 = arith.constant 0 : i32
    %get3A_167 = arith.constant 1 : i32
    %get3A_168 = arith.index_cast %get3A_166 : i32 to index
    %get3A_169 = arith.index_cast %get3A_167 : i32 to index
    %get3A_170 = arith.constant 16 : index
    %get3A_171 = tpu.vector_load %arg6[%get3A_168, %get3A_169, %get3A_170] {strides = array<i32>} : memref<5x2x128xi32, #tpu.memory_space<vmem>>, vector<1x1x16xi32>,
    %get3A_172 = vector.shape_cast %get3A_171 : vector<1x1x16xi32> to vector<16xi32>
    %mul3A_173 = arith.constant 7 : i32
    %mul3A_174 = vector.broadcast %mul3A_173 : i32 to vector<16xi32>
    %mul3A_175 = arith.muli %get3A_165, %mul3A_174 : vector<16xi32>
    %add3A_176 = arith.addi %mul3A_175, %get3A_172 : vector<16xi32>
    %swap3A_177 = arith.constant 0 : i32
    %swap3A_178 = arith.constant 0 : i32
    %swap3A_179 = arith.index_cast %swap3A_177 : i32 to index
    %swap3A_180 = arith.index_cast %swap3A_178 : i32 to index
    %swap3A_181 = arith.constant 16 : index
    %swap3A_182 = tpu.vector_load %arg7[%swap3A_179, %swap3A_180, %swap3A_181] {strides = array<i32>} : memref<5x1x128xi32, #tpu.memory_space<vmem>>, vector<1x1x16xi32>,
    %swap3A_183 = vector.shape_cast %swap3A_182 : vector<1x1x16xi32> to vector<16xi32>
    %swap3A_184 = vector.shape_cast %add3A_176 : vector<16xi32> to vector<1x1x16xi32>
    tpu.vector_store %arg7[%swap3A_179, %swap3A_180, %swap3A_181], %swap3A_184 {strides = array<i32>} : memref<5x1x128xi32, #tpu.memory_space<vmem>>, vector<1x1x16xi32>,
    %get3A_185 = arith.constant 0 : i32
    %get3A_186 = arith.constant 0 : i32
    %get3A_187 = arith.index_cast %get3A_185 : i32 to index
    %get3A_188 = arith.index_cast %get3A_186 : i32 to index
    %get3A_189 = arith.constant 32 : index
    %get3A_190 = tpu.vector_load %arg6[%get3A_187, %get3A_188, %get3A_189] {strides = array<i32>} : memref<5x2x128xi32, #tpu.memory_space<vmem>>, vector<1x1x16xi32>,
    %get3A_191 = vector.shape_cast %get3A_190 : vector<1x1x16xi32> to vector<16xi32>
    %get3A_192 = arith.constant 0 : i32
    %get3A_193 = arith.constant 1 : i32
    %get3A_194 = arith.index_cast %get3A_192 : i32 to index
    %get3A_195 = arith.index_cast %get3A_193 : i32 to index
    %get3A_196 = arith.constant 32 : index
    %get3A_197 = tpu.vector_load %arg6[%get3A_194, %get3A_195, %get3A_196] {strides = array<i32>} : memref<5x2x128xi32, #tpu.memory_space<vmem>>, vector<1x1x16xi32>,
    %get3A_198 = vector.shape_cast %get3A_197 : vector<1x1x16xi32> to vector<16xi32>
    %mul3A_199 = arith.constant 7 : i32
    %mul3A_200 = vector.broadcast %mul3A_199 : i32 to vector<16xi32>
    %mul3A_201 = arith.muli %get3A_191, %mul3A_200 : vector<16xi32>
    %add3A_202 = arith.addi %mul3A_201, %get3A_198 : vector<16xi32>
    %swap3A_203 = arith.constant 0 : i32
    %swap3A_204 = arith.constant 0 : i32
    %swap3A_205 = arith.index_cast %swap3A_203 : i32 to index
    %swap3A_206 = arith.index_cast %swap3A_204 : i32 to index
    %swap3A_207 = arith.constant 32 : index
    %swap3A_208 = tpu.vector_load %arg7[%swap3A_205, %swap3A_206, %swap3A_207] {strides = array<i32>} : memref<5x1x128xi32, #tpu.memory_space<vmem>>, vector<1x1x16xi32>,
    %swap3A_209 = vector.shape_cast %swap3A_208 : vector<1x1x16xi32> to vector<16xi32>
    %swap3A_210 = vector.shape_cast %add3A_202 : vector<16xi32> to vector<1x1x16xi32>
    tpu.vector_store %arg7[%swap3A_205, %swap3A_206, %swap3A_207], %swap3A_210 {strides = array<i32>} : memref<5x1x128xi32, #tpu.memory_space<vmem>>, vector<1x1x16xi32>,
    %get3A_211 = arith.constant 0 : i32
    %get3A_212 = arith.constant 0 : i32
    %get3A_213 = arith.index_cast %get3A_211 : i32 to index
    %get3A_214 = arith.index_cast %get3A_212 : i32 to index
    %get3A_215 = arith.constant 48 : index
    %get3A_216 = tpu.vector_load %arg6[%get3A_213, %get3A_214, %get3A_215] {strides = array<i32>} : memref<5x2x128xi32, #tpu.memory_space<vmem>>, vector<1x1x16xi32>,
    %get3A_217 = vector.shape_cast %get3A_216 : vector<1x1x16xi32> to vector<16xi32>
    %get3A_218 = arith.constant 0 : i32
    %get3A_219 = arith.constant 1 : i32
    %get3A_220 = arith.index_cast %get3A_218 : i32 to index
    %get3A_221 = arith.index_cast %get3A_219 : i32 to index
    %get3A_222 = arith.constant 48 : index
    %get3A_223 = tpu.vector_load %arg6[%get3A_220, %get3A_221, %get3A_222] {strides = array<i32>} : memref<5x2x128xi32, #tpu.memory_space<vmem>>, vector<1x1x16xi32>,
    %get3A_224 = vector.shape_cast %get3A_223 : vector<1x1x16xi32> to vector<16xi32>
    %mul3A_225 = arith.constant 7 : i32
    %mul3A_226 = vector.broadcast %mul3A_225 : i32 to vector<16xi32>
    %mul3A_227 = arith.muli %get3A_217, %mul3A_226 : vector<16xi32>
    %add3A_228 = arith.addi %mul3A_227, %get3A_224 : vector<16xi32>
    %swap3A_229 = arith.constant 0 : i32
    %swap3A_230 = arith.constant 0 : i32
    %swap3A_231 = arith.index_cast %swap3A_229 : i32 to index
    %swap3A_232 = arith.index_cast %swap3A_230 : i32 to index
    %swap3A_233 = arith.constant 48 : index
    %swap3A_234 = tpu.vector_load %arg7[%swap3A_231, %swap3A_232, %swap3A_233] {strides = array<i32>} : memref<5x1x128xi32, #tpu.memory_space<vmem>>, vector<1x1x16xi32>,
    %swap3A_235 = vector.shape_cast %swap3A_234 : vector<1x1x16xi32> to vector<16xi32>
    %swap3A_236 = vector.shape_cast %add3A_228 : vector<16xi32> to vector<1x1x16xi32>
    tpu.vector_store %arg7[%swap3A_231, %swap3A_232, %swap3A_233], %swap3A_236 {strides = array<i32>} : memref<5x1x128xi32, #tpu.memory_space<vmem>>, vector<1x1x16xi32>,
    %get3A_237 = arith.constant 0 : i32
    %get3A_238 = arith.constant 0 : i32
    %get3A_239 = arith.index_cast %get3A_237 : i32 to index
    %get3A_240 = arith.index_cast %get3A_238 : i32 to index
    %get3A_241 = arith.constant 64 : index
    %get3A_242 = tpu.vector_load %arg6[%get3A_239, %get3A_240, %get3A_241] {strides = array<i32>} : memref<5x2x128xi32, #tpu.memory_space<vmem>>, vector<1x1x16xi32>,
    %get3A_243 = vector.shape_cast %get3A_242 : vector<1x1x16xi32> to vector<16xi32>
    %get3A_244 = arith.constant 0 : i32
    %get3A_245 = arith.constant 1 : i32
    %get3A_246 = arith.index_cast %get3A_244 : i32 to index
    %get3A_247 = arith.index_cast %get3A_245 : i32 to index
    %get3A_248 = arith.constant 64 : index
    %get3A_249 = tpu.vector_load %arg6[%get3A_246, %get3A_247, %get3A_248] {strides = array<i32>} : memref<5x2x128xi32, #tpu.memory_space<vmem>>, vector<1x1x16xi32>,
    %get3A_250 = vector.shape_cast %get3A_249 : vector<1x1x16xi32> to vector<16xi32>
    %mul3A_251 = arith.constant 7 : i32
    %mul3A_252 = vector.broadcast %mul3A_251 : i32 to vector<16xi32>
    %mul3A_253 = arith.muli %get3A_243, %mul3A_252 : vector<16xi32>
    %add3A_254 = arith.addi %mul3A_253, %get3A_250 : vector<16xi32>
    %swap3A_255 = arith.constant 0 : i32
    %swap3A_256 = arith.constant 0 : i32
    %swap3A_257 = arith.index_cast %swap3A_255 : i32 to index
    %swap3A_258 = arith.index_cast %swap3A_256 : i32 to index
    %swap3A_259 = arith.constant 64 : index
    %swap3A_260 = tpu.vector_load %arg7[%swap3A_257, %swap3A_258, %swap3A_259] {strides = array<i32>} : memref<5x1x128xi32, #tpu.memory_space<vmem>>, vector<1x1x16xi32>,
    %swap3A_261 = vector.shape_cast %swap3A_260 : vector<1x1x16xi32> to vector<16xi32>
    %swap3A_262 = vector.shape_cast %add3A_254 : vector<16xi32> to vector<1x1x16xi32>
    tpu.vector_store %arg7[%swap3A_257, %swap3A_258, %swap3A_259], %swap3A_262 {strides = array<i32>} : memref<5x1x128xi32, #tpu.memory_space<vmem>>, vector<1x1x16xi32>,
    %get3A_263 = arith.constant 0 : i32
    %get3A_264 = arith.constant 0 : i32
    %get3A_265 = arith.index_cast %get3A_263 : i32 to index
    %get3A_266 = arith.index_cast %get3A_264 : i32 to index
    %get3A_267 = arith.constant 80 : index
    %get3A_268 = tpu.vector_load %arg6[%get3A_265, %get3A_266, %get3A_267] {strides = array<i32>} : memref<5x2x128xi32, #tpu.memory_space<vmem>>, vector<1x1x16xi32>,
    %get3A_269 = vector.shape_cast %get3A_268 : vector<1x1x16xi32> to vector<16xi32>
    %get3A_270 = arith.constant 0 : i32
    %get3A_271 = arith.constant 1 : i32
    %get3A_272 = arith.index_cast %get3A_270 : i32 to index
    %get3A_273 = arith.index_cast %get3A_271 : i32 to index
    %get3A_274 = arith.constant 80 : index
    %get3A_275 = tpu.vector_load %arg6[%get3A_272, %get3A_273, %get3A_274] {strides = array<i32>} : memref<5x2x128xi32, #tpu.memory_space<vmem>>, vector<1x1x16xi32>,
    %get3A_276 = vector.shape_cast %get3A_275 : vector<1x1x16xi32> to vector<16xi32>
    %mul3A_277 = arith.constant 7 : i32
    %mul3A_278 = vector.broadcast %mul3A_277 : i32 to vector<16xi32>
    %mul3A_279 = arith.muli %get3A_269, %mul3A_278 : vector<16xi32>
    %add3A_280 = arith.addi %mul3A_279, %get3A_276 : vector<16xi32>
    %swap3A_281 = arith.constant 0 : i32
    %swap3A_282 = arith.constant 0 : i32
    %swap3A_283 = arith.index_cast %swap3A_281 : i32 to index
    %swap3A_284 = arith.index_cast %swap3A_282 : i32 to index
    %swap3A_285 = arith.constant 80 : index
    %swap3A_286 = tpu.vector_load %arg7[%swap3A_283, %swap3A_284, %swap3A_285] {strides = array<i32>} : memref<5x1x128xi32, #tpu.memory_space<vmem>>, vector<1x1x16xi32>,
    %swap3A_287 = vector.shape_cast %swap3A_286 : vector<1x1x16xi32> to vector<16xi32>
    %swap3A_288 = vector.shape_cast %add3A_280 : vector<16xi32> to vector<1x1x16xi32>
    tpu.vector_store %arg7[%swap3A_283, %swap3A_284, %swap3A_285], %swap3A_288 {strides = array<i32>} : memref<5x1x128xi32, #tpu.memory_space<vmem>>, vector<1x1x16xi32>,
    %get3A_289 = arith.constant 0 : i32
    %get3A_290 = arith.constant 0 : i32
    %get3A_291 = arith.index_cast %get3A_289 : i32 to index
    %get3A_292 = arith.index_cast %get3A_290 : i32 to index
    %get3A_293 = arith.constant 96 : index
    %get3A_294 = tpu.vector_load %arg6[%get3A_291, %get3A_292, %get3A_293] {strides = array<i32>} : memref<5x2x128xi32, #tpu.memory_space<vmem>>, vector<1x1x16xi32>,
    %get3A_295 = vector.shape_cast %get3A_294 : vector<1x1x16xi32> to vector<16xi32>
    %get3A_296 = arith.constant 0 : i32
    %get3A_297 = arith.constant 1 : i32
    %get3A_298 = arith.index_cast %get3A_296 : i32 to index
    %get3A_299 = arith.index_cast %get3A_297 : i32 to index
    %get3A_300 = arith.constant 96 : index
    %get3A_301 = tpu.vector_load %arg6[%get3A_298, %get3A_299, %get3A_300] {strides = array<i32>} : memref<5x2x128xi32, #tpu.memory_space<vmem>>, vector<1x1x16xi32>,
    %get3A_302 = vector.shape_cast %get3A_301 : vector<1x1x16xi32> to vector<16xi32>
    %mul3A_303 = arith.constant 7 : i32
    %mul3A_304 = vector.broadcast %mul3A_303 : i32 to vector<16xi32>
    %mul3A_305 = arith.muli %get3A_295, %mul3A_304 : vector<16xi32>
    %add3A_306 = arith.addi %mul3A_305, %get3A_302 : vector<16xi32>
    %swap3A_307 = arith.constant 0 : i32
    %swap3A_308 = arith.constant 0 : i32
    %swap3A_309 = arith.index_cast %swap3A_307 : i32 to index
    %swap3A_310 = arith.index_cast %swap3A_308 : i32 to index
    %swap3A_311 = arith.constant 96 : index
    %swap3A_312 = tpu.vector_load %arg7[%swap3A_309, %swap3A_310, %swap3A_311] {strides = array<i32>} : memref<5x1x128xi32, #tpu.memory_space<vmem>>, vector<1x1x16xi32>,
    %swap3A_313 = vector.shape_cast %swap3A_312 : vector<1x1x16xi32> to vector<16xi32>
    %swap3A_314 = vector.shape_cast %add3A_306 : vector<16xi32> to vector<1x1x16xi32>
    tpu.vector_store %arg7[%swap3A_309, %swap3A_310, %swap3A_311], %swap3A_314 {strides = array<i32>} : memref<5x1x128xi32, #tpu.memory_space<vmem>>, vector<1x1x16xi32>,
    %get3A_315 = arith.constant 0 : i32
    %get3A_316 = arith.constant 0 : i32
    %get3A_317 = arith.index_cast %get3A_315 : i32 to index
    %get3A_318 = arith.index_cast %get3A_316 : i32 to index
    %get3A_319 = arith.constant 112 : index
    %get3A_320 = tpu.vector_load %arg6[%get3A_317, %get3A_318, %get3A_319] {strides = array<i32>} : memref<5x2x128xi32, #tpu.memory_space<vmem>>, vector<1x1x16xi32>,
    %get3A_321 = vector.shape_cast %get3A_320 : vector<1x1x16xi32> to vector<16xi32>
    %get3A_322 = arith.constant 0 : i32
    %get3A_323 = arith.constant 1 : i32
    %get3A_324 = arith.index_cast %get3A_322 : i32 to index
    %get3A_325 = arith.index_cast %get3A_323 : i32 to index
    %get3A_326 = arith.constant 112 : index
    %get3A_327 = tpu.vector_load %arg6[%get3A_324, %get3A_325, %get3A_326] {strides = array<i32>} : memref<5x2x128xi32, #tpu.memory_space<vmem>>, vector<1x1x16xi32>,
    %get3A_328 = vector.shape_cast %get3A_327 : vector<1x1x16xi32> to vector<16xi32>
    %mul3A_329 = arith.constant 7 : i32
    %mul3A_330 = vector.broadcast %mul3A_329 : i32 to vector<16xi32>
    %mul3A_331 = arith.muli %get3A_321, %mul3A_330 : vector<16xi32>
    %add3A_332 = arith.addi %mul3A_331, %get3A_328 : vector<16xi32>
    %swap3A_333 = arith.constant 0 : i32
    %swap3A_334 = arith.constant 0 : i32
    %swap3A_335 = arith.index_cast %swap3A_333 : i32 to index
    %swap3A_336 = arith.index_cast %swap3A_334 : i32 to index
    %swap3A_337 = arith.constant 112 : index
    %swap3A_338 = tpu.vector_load %arg7[%swap3A_335, %swap3A_336, %swap3A_337] {strides = array<i32>} : memref<5x1x128xi32, #tpu.memory_space<vmem>>, vector<1x1x16xi32>,
    %swap3A_339 = vector.shape_cast %swap3A_338 : vector<1x1x16xi32> to vector<16xi32>
    %swap3A_340 = vector.shape_cast %add3A_332 : vector<16xi32> to vector<1x1x16xi32>
    tpu.vector_store %arg7[%swap3A_335, %swap3A_336, %swap3A_337], %swap3A_340 {strides = array<i32>} : memref<5x1x128xi32, #tpu.memory_space<vmem>>, vector<1x1x16xi32>,
    %min3A = arith.constant 5 : i32
    %min3A_341 = arith.constant 199 : i32
    %min3A_342 = arith.minsi %min3A, %min3A_341 : i32
    %mul3A_343 = arith.constant 128 : i32
    %mul3A_344 = arith.muli %min3A_342, %mul3A_343 : i32
    %add3A_345 = arith.addi %mul3A_2, %mul3A_344 : i32
    %dma_start3A_346 = arith.constant 0 : i32
    %dma_start3A_347 = arith.constant 0 : i32
    %dma_start3A_348 = arith.constant 0 : i32
    %dma_start3A_349 = tpu.memref_slice %arg6[%dma_start3A_346, %dma_start3A_347, %dma_start3A_348] : memref<5x2x128xi32, #tpu.memory_space<vmem>> -> memref<1x1x128xi32, #tpu.memory_space<vmem>>
    %dma_start3A_350 = tpu.memref_squeeze %dma_start3A_349 : memref<1x1x128xi32, #tpu.memory_space<vmem>> -> memref<128xi32, #tpu.memory_space<vmem>>
    %dma_start3A_351 = tpu.memref_slice %arg2[%add3A_345] : memref<819200xi32, #tpu.memory_space<hbm>> -> memref<128xi32, #tpu.memory_space<hbm>>
    %dma_start3A_352 = arith.constant 0 : i32
    %dma_start3A_353 = tpu.memref_slice %arg6[%dma_start3A_346, %dma_start3A_347, %dma_start3A_352] : memref<5x2x128xi32, #tpu.memory_space<vmem>> -> memref<1x1x128xi32, #tpu.memory_space<vmem>>
    %dma_start3A_354 = tpu.memref_squeeze %dma_start3A_353 : memref<1x1x128xi32, #tpu.memory_space<vmem>> -> memref<128xi32, #tpu.memory_space<vmem>>
    %dma_start3A_355 = tpu.memref_slice %arg2[%add3A_345] : memref<819200xi32, #tpu.memory_space<hbm>> -> memref<128xi32, #tpu.memory_space<hbm>>
    tpu.enqueue_dma source(%dma_start3A_355 : memref<128xi32, #tpu.memory_space<hbm>>) target(%dma_start3A_354 : memref<128xi32, #tpu.memory_space<vmem>>) target_semaphore(%arg10 : memref<!tpu.dma_semaphore, #tpu.memory_space<semaphore_mem>>)
    %dma_start3A_356 = arith.constant 0 : i32
    %dma_start3A_357 = arith.constant 1 : i32
    %dma_start3A_358 = arith.constant 0 : i32
    %dma_start3A_359 = tpu.memref_slice %arg6[%dma_start3A_356, %dma_start3A_357, %dma_start3A_358] : memref<5x2x128xi32, #tpu.memory_space<vmem>> -> memref<1x1x128xi32, #tpu.memory_space<vmem>>
    %dma_start3A_360 = tpu.memref_squeeze %dma_start3A_359 : memref<1x1x128xi32, #tpu.memory_space<vmem>> -> memref<128xi32, #tpu.memory_space<vmem>>
    %dma_start3A_361 = tpu.memref_slice %arg3[%add3A_345] : memref<819200xi32, #tpu.memory_space<hbm>> -> memref<128xi32, #tpu.memory_space<hbm>>
    %dma_start3A_362 = arith.constant 0 : i32
    %dma_start3A_363 = tpu.memref_slice %arg6[%dma_start3A_356, %dma_start3A_357, %dma_start3A_362] : memref<5x2x128xi32, #tpu.memory_space<vmem>> -> memref<1x1x128xi32, #tpu.memory_space<vmem>>
    %dma_start3A_364 = tpu.memref_squeeze %dma_start3A_363 : memref<1x1x128xi32, #tpu.memory_space<vmem>> -> memref<128xi32, #tpu.memory_space<vmem>>
    %dma_start3A_365 = tpu.memref_slice %arg3[%add3A_345] : memref<819200xi32, #tpu.memory_space<hbm>> -> memref<128xi32, #tpu.memory_space<hbm>>
    tpu.enqueue_dma source(%dma_start3A_365 : memref<128xi32, #tpu.memory_space<hbm>>) target(%dma_start3A_364 : memref<128xi32, #tpu.memory_space<vmem>>) target_semaphore(%arg10 : memref<!tpu.dma_semaphore, #tpu.memory_space<semaphore_mem>>)
    %dma_start3A_366 = arith.constant 0 : i32
    %dma_start3A_367 = arith.constant 0 : i32
    %dma_start3A_368 = arith.constant 0 : i32
    %dma_start3A_369 = arith.constant 0 : i32
    %dma_start3A_370 = arith.constant 0 : i32
    %dma_start3A_371 = tpu.memref_slice %arg8[%dma_start3A_368, %dma_start3A_369, %dma_start3A_370] : memref<5x128x128xf32, #tpu.memory_space<vmem>> -> memref<1x128x128xf32, #tpu.memory_space<vmem>>
    %dma_start3A_372 = tpu.memref_squeeze %dma_start3A_371 : memref<1x128x128xf32, #tpu.memory_space<vmem>> -> memref<128x128xf32, #tpu.memory_space<vmem>>
    %dma_start3A_373 = arith.constant 0 : i32
    %dma_start3A_374 = tpu.memref_slice %arg7[%dma_start3A_366, %dma_start3A_367, %dma_start3A_373] : memref<5x1x128xi32, #tpu.memory_space<vmem>> -> memref<1x1x128xi32, #tpu.memory_space<vmem>>
    %dma_start3A_375 = tpu.memref_squeeze %dma_start3A_374 : memref<1x1x128xi32, #tpu.memory_space<vmem>> -> memref<128xi32, #tpu.memory_space<vmem>>
    %dma_start3A_376 = arith.constant 0 : i32
    %dma_start3A_377 = arith.constant 0 : i32
    %dma_start3A_378 = tpu.memref_slice %arg9[%dma_start3A_376, %dma_start3A_377] : memref<168x128xf32, #tpu.memory_space<vmem_shared>> -> memref<168x128xf32, #tpu.memory_space<vmem_shared>>
    tpu.enqueue_indirect_dma source(%dma_start3A_378 : memref<168x128xf32, #tpu.memory_space<vmem_shared>>) target(%dma_start3A_372 : memref<128x128xf32, #tpu.memory_space<vmem>>) offsets(%dma_start3A_375 : memref<128xi32, #tpu.memory_space<vmem>>) semaphore(%arg15 : memref<!tpu.dma_semaphore, #tpu.memory_space<semaphore_mem>>)
    %add3A_379 = arith.constant 128 : i32
    %add3A_380 = arith.addi %mul3A_2, %add3A_379 : i32
    %dma_wait3A_381 = arith.constant 1 : i32
    %dma_wait3A_382 = arith.constant 0 : i32
    %dma_wait3A_383 = arith.constant 0 : i32
    %dma_wait3A_384 = tpu.memref_slice %arg6[%dma_wait3A_381, %dma_wait3A_382, %dma_wait3A_383] : memref<5x2x128xi32, #tpu.memory_space<vmem>> -> memref<1x1x128xi32, #tpu.memory_space<vmem>>
    %dma_wait3A_385 = tpu.memref_squeeze %dma_wait3A_384 : memref<1x1x128xi32, #tpu.memory_space<vmem>> -> memref<128xi32, #tpu.memory_space<vmem>>
    %dma_wait3A_386 = tpu.memref_slice %arg2[%add3A_380] : memref<819200xi32, #tpu.memory_space<hbm>> -> memref<128xi32, #tpu.memory_space<hbm>>
    %dma_wait3A_387 = arith.constant 0 : i32
    %dma_wait3A_388 = tpu.memref_slice %arg6[%dma_wait3A_381, %dma_wait3A_382, %dma_wait3A_387] : memref<5x2x128xi32, #tpu.memory_space<vmem>> -> memref<1x1x128xi32, #tpu.memory_space<vmem>>
    %dma_wait3A_389 = tpu.memref_squeeze %dma_wait3A_388 : memref<1x1x128xi32, #tpu.memory_space<vmem>> -> memref<128xi32, #tpu.memory_space<vmem>>
    %dma_wait3A_390 = tpu.memref_slice %arg2[%add3A_380] : memref<819200xi32, #tpu.memory_space<hbm>> -> memref<128xi32, #tpu.memory_space<hbm>>
    tpu.wait_dma2 semaphore(%arg11 : memref<!tpu.dma_semaphore, #tpu.memory_space<semaphore_mem>>) src(%dma_wait3A_390 : memref<128xi32, #tpu.memory_space<hbm>>) dst(%dma_wait3A_389 : memref<128xi32, #tpu.memory_space<vmem>>)
    %dma_wait3A_391 = arith.constant 1 : i32
    %dma_wait3A_392 = arith.constant 1 : i32
    %dma_wait3A_393 = arith.constant 0 : i32
    %dma_wait3A_394 = tpu.memref_slice %arg6[%dma_wait3A_391, %dma_wait3A_392, %dma_wait3A_393] : memref<5x2x128xi32, #tpu.memory_space<vmem>> -> memref<1x1x128xi32, #tpu.memory_space<vmem>>
    %dma_wait3A_395 = tpu.memref_squeeze %dma_wait3A_394 : memref<1x1x128xi32, #tpu.memory_space<vmem>> -> memref<128xi32, #tpu.memory_space<vmem>>
    %dma_wait3A_396 = tpu.memref_slice %arg3[%add3A_380] : memref<819200xi32, #tpu.memory_space<hbm>> -> memref<128xi32, #tpu.memory_space<hbm>>
    %dma_wait3A_397 = arith.constant 0 : i32
    %dma_wait3A_398 = tpu.memref_slice %arg6[%dma_wait3A_391, %dma_wait3A_392, %dma_wait3A_397] : memref<5x2x128xi32, #tpu.memory_space<vmem>> -> memref<1x1x128xi32, #tpu.memory_space<vmem>>
    %dma_wait3A_399 = tpu.memref_squeeze %dma_wait3A_398 : memref<1x1x128xi32, #tpu.memory_space<vmem>> -> memref<128xi32, #tpu.memory_space<vmem>>
    %dma_wait3A_400 = tpu.memref_slice %arg3[%add3A_380] : memref<819200xi32, #tpu.memory_space<hbm>> -> memref<128xi32, #tpu.memory_space<hbm>>
    tpu.wait_dma2 semaphore(%arg11 : memref<!tpu.dma_semaphore, #tpu.memory_space<semaphore_mem>>) src(%dma_wait3A_400 : memref<128xi32, #tpu.memory_space<hbm>>) dst(%dma_wait3A_399 : memref<128xi32, #tpu.memory_space<vmem>>)
    %get3A_401 = arith.constant 1 : i32
    %get3A_402 = arith.constant 0 : i32
    %get3A_403 = arith.index_cast %get3A_401 : i32 to index
    %get3A_404 = arith.index_cast %get3A_402 : i32 to index
    %get3A_405 = arith.constant 0 : index
    %get3A_406 = tpu.vector_load %arg6[%get3A_403, %get3A_404, %get3A_405] {strides = array<i32>} : memref<5x2x128xi32, #tpu.memory_space<vmem>>, vector<1x1x16xi32>,
    %get3A_407 = vector.shape_cast %get3A_406 : vector<1x1x16xi32> to vector<16xi32>
    %get3A_408 = arith.constant 1 : i32
    %get3A_409 = arith.constant 1 : i32
    %get3A_410 = arith.index_cast %get3A_408 : i32 to index
    %get3A_411 = arith.index_cast %get3A_409 : i32 to index
    %get3A_412 = arith.constant 0 : index
    %get3A_413 = tpu.vector_load %arg6[%get3A_410, %get3A_411, %get3A_412] {strides = array<i32>} : memref<5x2x128xi32, #tpu.memory_space<vmem>>, vector<1x1x16xi32>,
    %get3A_414 = vector.shape_cast %get3A_413 : vector<1x1x16xi32> to vector<16xi32>
    %mul3A_415 = arith.constant 7 : i32
    %mul3A_416 = vector.broadcast %mul3A_415 : i32 to vector<16xi32>
    %mul3A_417 = arith.muli %get3A_407, %mul3A_416 : vector<16xi32>
    %add3A_418 = arith.addi %mul3A_417, %get3A_414 : vector<16xi32>
    %swap3A_419 = arith.constant 1 : i32
    %swap3A_420 = arith.constant 0 : i32
    %swap3A_421 = arith.index_cast %swap3A_419 : i32 to index
    %swap3A_422 = arith.index_cast %swap3A_420 : i32 to index
    %swap3A_423 = arith.constant 0 : index
    %swap3A_424 = tpu.vector_load %arg7[%swap3A_421, %swap3A_422, %swap3A_423] {strides = array<i32>} : memref<5x1x128xi32, #tpu.memory_space<vmem>>, vector<1x1x16xi32>,
    %swap3A_425 = vector.shape_cast %swap3A_424 : vector<1x1x16xi32> to vector<16xi32>
    %swap3A_426 = vector.shape_cast %add3A_418 : vector<16xi32> to vector<1x1x16xi32>
    tpu.vector_store %arg7[%swap3A_421, %swap3A_422, %swap3A_423], %swap3A_426 {strides = array<i32>} : memref<5x1x128xi32, #tpu.memory_space<vmem>>, vector<1x1x16xi32>,
    %get3A_427 = arith.constant 1 : i32
    %get3A_428 = arith.constant 0 : i32
    %get3A_429 = arith.index_cast %get3A_427 : i32 to index
    %get3A_430 = arith.index_cast %get3A_428 : i32 to index
    %get3A_431 = arith.constant 16 : index
    %get3A_432 = tpu.vector_load %arg6[%get3A_429, %get3A_430, %get3A_431] {strides = array<i32>} : memref<5x2x128xi32, #tpu.memory_space<vmem>>, vector<1x1x16xi32>,
    %get3A_433 = vector.shape_cast %get3A_432 : vector<1x1x16xi32> to vector<16xi32>
    %get3A_434 = arith.constant 1 : i32
    %get3A_435 = arith.constant 1 : i32
    %get3A_436 = arith.index_cast %get3A_434 : i32 to index
    %get3A_437 = arith.index_cast %get3A_435 : i32 to index
    %get3A_438 = arith.constant 16 : index
    %get3A_439 = tpu.vector_load %arg6[%get3A_436, %get3A_437, %get3A_438] {strides = array<i32>} : memref<5x2x128xi32, #tpu.memory_space<vmem>>, vector<1x1x16xi32>,
    %get3A_440 = vector.shape_cast %get3A_439 : vector<1x1x16xi32> to vector<16xi32>
    %mul3A_441 = arith.constant 7 : i32
    %mul3A_442 = vector.broadcast %mul3A_441 : i32 to vector<16xi32>
    %mul3A_443 = arith.muli %get3A_433, %mul3A_442 : vector<16xi32>
    %add3A_444 = arith.addi %mul3A_443, %get3A_440 : vector<16xi32>
    %swap3A_445 = arith.constant 1 : i32
    %swap3A_446 = arith.constant 0 : i32
    %swap3A_447 = arith.index_cast %swap3A_445 : i32 to index
    %swap3A_448 = arith.index_cast %swap3A_446 : i32 to index
    %swap3A_449 = arith.constant 16 : index
    %swap3A_450 = tpu.vector_load %arg7[%swap3A_447, %swap3A_448, %swap3A_449] {strides = array<i32>} : memref<5x1x128xi32, #tpu.memory_space<vmem>>, vector<1x1x16xi32>,
    %swap3A_451 = vector.shape_cast %swap3A_450 : vector<1x1x16xi32> to vector<16xi32>
    %swap3A_452 = vector.shape_cast %add3A_444 : vector<16xi32> to vector<1x1x16xi32>
    tpu.vector_store %arg7[%swap3A_447, %swap3A_448, %swap3A_449], %swap3A_452 {strides = array<i32>} : memref<5x1x128xi32, #tpu.memory_space<vmem>>, vector<1x1x16xi32>,
    %get3A_453 = arith.constant 1 : i32
    %get3A_454 = arith.constant 0 : i32
    %get3A_455 = arith.index_cast %get3A_453 : i32 to index
    %get3A_456 = arith.index_cast %get3A_454 : i32 to index
    %get3A_457 = arith.constant 32 : index
    %get3A_458 = tpu.vector_load %arg6[%get3A_455, %get3A_456, %get3A_457] {strides = array<i32>} : memref<5x2x128xi32, #tpu.memory_space<vmem>>, vector<1x1x16xi32>,
    %get3A_459 = vector.shape_cast %get3A_458 : vector<1x1x16xi32> to vector<16xi32>
    %get3A_460 = arith.constant 1 : i32
    %get3A_461 = arith.constant 1 : i32
    %get3A_462 = arith.index_cast %get3A_460 : i32 to index
    %get3A_463 = arith.index_cast %get3A_461 : i32 to index
    %get3A_464 = arith.constant 32 : index
    %get3A_465 = tpu.vector_load %arg6[%get3A_462, %get3A_463, %get3A_464] {strides = array<i32>} : memref<5x2x128xi32, #tpu.memory_space<vmem>>, vector<1x1x16xi32>,
    %get3A_466 = vector.shape_cast %get3A_465 : vector<1x1x16xi32> to vector<16xi32>
    %mul3A_467 = arith.constant 7 : i32
    %mul3A_468 = vector.broadcast %mul3A_467 : i32 to vector<16xi32>
    %mul3A_469 = arith.muli %get3A_459, %mul3A_468 : vector<16xi32>
    %add3A_470 = arith.addi %mul3A_469, %get3A_466 : vector<16xi32>
    %swap3A_471 = arith.constant 1 : i32
    %swap3A_472 = arith.constant 0 : i32
    %swap3A_473 = arith.index_cast %swap3A_471 : i32 to index
    %swap3A_474 = arith.index_cast %swap3A_472 : i32 to index
    %swap3A_475 = arith.constant 32 : index
    %swap3A_476 = tpu.vector_load %arg7[%swap3A_473, %swap3A_474, %swap3A_475] {strides = array<i32>} : memref<5x1x128xi32, #tpu.memory_space<vmem>>, vector<1x1x16xi32>,
    %swap3A_477 = vector.shape_cast %swap3A_476 : vector<1x1x16xi32> to vector<16xi32>
    %swap3A_478 = vector.shape_cast %add3A_470 : vector<16xi32> to vector<1x1x16xi32>
    tpu.vector_store %arg7[%swap3A_473, %swap3A_474, %swap3A_475], %swap3A_478 {strides = array<i32>} : memref<5x1x128xi32, #tpu.memory_space<vmem>>, vector<1x1x16xi32>,
    %get3A_479 = arith.constant 1 : i32
    %get3A_480 = arith.constant 0 : i32
    %get3A_481 = arith.index_cast %get3A_479 : i32 to index
    %get3A_482 = arith.index_cast %get3A_480 : i32 to index
    %get3A_483 = arith.constant 48 : index
    %get3A_484 = tpu.vector_load %arg6[%get3A_481, %get3A_482, %get3A_483] {strides = array<i32>} : memref<5x2x128xi32, #tpu.memory_space<vmem>>, vector<1x1x16xi32>,
    %get3A_485 = vector.shape_cast %get3A_484 : vector<1x1x16xi32> to vector<16xi32>
    %get3A_486 = arith.constant 1 : i32
    %get3A_487 = arith.constant 1 : i32
    %get3A_488 = arith.index_cast %get3A_486 : i32 to index
    %get3A_489 = arith.index_cast %get3A_487 : i32 to index
    %get3A_490 = arith.constant 48 : index
    %get3A_491 = tpu.vector_load %arg6[%get3A_488, %get3A_489, %get3A_490] {strides = array<i32>} : memref<5x2x128xi32, #tpu.memory_space<vmem>>, vector<1x1x16xi32>,
    %get3A_492 = vector.shape_cast %get3A_491 : vector<1x1x16xi32> to vector<16xi32>
    %mul3A_493 = arith.constant 7 : i32
    %mul3A_494 = vector.broadcast %mul3A_493 : i32 to vector<16xi32>
    %mul3A_495 = arith.muli %get3A_485, %mul3A_494 : vector<16xi32>
    %add3A_496 = arith.addi %mul3A_495, %get3A_492 : vector<16xi32>
    %swap3A_497 = arith.constant 1 : i32
    %swap3A_498 = arith.constant 0 : i32
    %swap3A_499 = arith.index_cast %swap3A_497 : i32 to index
    %swap3A_500 = arith.index_cast %swap3A_498 : i32 to index
    %swap3A_501 = arith.constant 48 : index
    %swap3A_502 = tpu.vector_load %arg7[%swap3A_499, %swap3A_500, %swap3A_501] {strides = array<i32>} : memref<5x1x128xi32, #tpu.memory_space<vmem>>, vector<1x1x16xi32>,
    %swap3A_503 = vector.shape_cast %swap3A_502 : vector<1x1x16xi32> to vector<16xi32>
    %swap3A_504 = vector.shape_cast %add3A_496 : vector<16xi32> to vector<1x1x16xi32>
    tpu.vector_store %arg7[%swap3A_499, %swap3A_500, %swap3A_501], %swap3A_504 {strides = array<i32>} : memref<5x1x128xi32, #tpu.memory_space<vmem>>, vector<1x1x16xi32>,
    %get3A_505 = arith.constant 1 : i32
    %get3A_506 = arith.constant 0 : i32
    %get3A_507 = arith.index_cast %get3A_505 : i32 to index
    %get3A_508 = arith.index_cast %get3A_506 : i32 to index
    %get3A_509 = arith.constant 64 : index
    %get3A_510 = tpu.vector_load %arg6[%get3A_507, %get3A_508, %get3A_509] {strides = array<i32>} : memref<5x2x128xi32, #tpu.memory_space<vmem>>, vector<1x1x16xi32>,
    %get3A_511 = vector.shape_cast %get3A_510 : vector<1x1x16xi32> to vector<16xi32>
    %get3A_512 = arith.constant 1 : i32
    %get3A_513 = arith.constant 1 : i32
    %get3A_514 = arith.index_cast %get3A_512 : i32 to index
    %get3A_515 = arith.index_cast %get3A_513 : i32 to index
    %get3A_516 = arith.constant 64 : index
    %get3A_517 = tpu.vector_load %arg6[%get3A_514, %get3A_515, %get3A_516] {strides = array<i32>} : memref<5x2x128xi32, #tpu.memory_space<vmem>>, vector<1x1x16xi32>,
    %get3A_518 = vector.shape_cast %get3A_517 : vector<1x1x16xi32> to vector<16xi32>
    %mul3A_519 = arith.constant 7 : i32
    %mul3A_520 = vector.broadcast %mul3A_519 : i32 to vector<16xi32>
    %mul3A_521 = arith.muli %get3A_511, %mul3A_520 : vector<16xi32>
    %add3A_522 = arith.addi %mul3A_521, %get3A_518 : vector<16xi32>
    %swap3A_523 = arith.constant 1 : i32
    %swap3A_524 = arith.constant 0 : i32
    %swap3A_525 = arith.index_cast %swap3A_523 : i32 to index
    %swap3A_526 = arith.index_cast %swap3A_524 : i32 to index
    %swap3A_527 = arith.constant 64 : index
    %swap3A_528 = tpu.vector_load %arg7[%swap3A_525, %swap3A_526, %swap3A_527] {strides = array<i32>} : memref<5x1x128xi32, #tpu.memory_space<vmem>>, vector<1x1x16xi32>,
    %swap3A_529 = vector.shape_cast %swap3A_528 : vector<1x1x16xi32> to vector<16xi32>
    %swap3A_530 = vector.shape_cast %add3A_522 : vector<16xi32> to vector<1x1x16xi32>
    tpu.vector_store %arg7[%swap3A_525, %swap3A_526, %swap3A_527], %swap3A_530 {strides = array<i32>} : memref<5x1x128xi32, #tpu.memory_space<vmem>>, vector<1x1x16xi32>,
    %get3A_531 = arith.constant 1 : i32
    %get3A_532 = arith.constant 0 : i32
    %get3A_533 = arith.index_cast %get3A_531 : i32 to index
    %get3A_534 = arith.index_cast %get3A_532 : i32 to index
    %get3A_535 = arith.constant 80 : index
    %get3A_536 = tpu.vector_load %arg6[%get3A_533, %get3A_534, %get3A_535] {strides = array<i32>} : memref<5x2x128xi32, #tpu.memory_space<vmem>>, vector<1x1x16xi32>,
    %get3A_537 = vector.shape_cast %get3A_536 : vector<1x1x16xi32> to vector<16xi32>
    %get3A_538 = arith.constant 1 : i32
    %get3A_539 = arith.constant 1 : i32
    %get3A_540 = arith.index_cast %get3A_538 : i32 to index
    %get3A_541 = arith.index_cast %get3A_539 : i32 to index
    %get3A_542 = arith.constant 80 : index
    %get3A_543 = tpu.vector_load %arg6[%get3A_540, %get3A_541, %get3A_542] {strides = array<i32>} : memref<5x2x128xi32, #tpu.memory_space<vmem>>, vector<1x1x16xi32>,
    %get3A_544 = vector.shape_cast %get3A_543 : vector<1x1x16xi32> to vector<16xi32>
    %mul3A_545 = arith.constant 7 : i32
    %mul3A_546 = vector.broadcast %mul3A_545 : i32 to vector<16xi32>
    %mul3A_547 = arith.muli %get3A_537, %mul3A_546 : vector<16xi32>
    %add3A_548 = arith.addi %mul3A_547, %get3A_544 : vector<16xi32>
    %swap3A_549 = arith.constant 1 : i32
    %swap3A_550 = arith.constant 0 : i32
    %swap3A_551 = arith.index_cast %swap3A_549 : i32 to index
    %swap3A_552 = arith.index_cast %swap3A_550 : i32 to index
    %swap3A_553 = arith.constant 80 : index
    %swap3A_554 = tpu.vector_load %arg7[%swap3A_551, %swap3A_552, %swap3A_553] {strides = array<i32>} : memref<5x1x128xi32, #tpu.memory_space<vmem>>, vector<1x1x16xi32>,
    %swap3A_555 = vector.shape_cast %swap3A_554 : vector<1x1x16xi32> to vector<16xi32>
    %swap3A_556 = vector.shape_cast %add3A_548 : vector<16xi32> to vector<1x1x16xi32>
    tpu.vector_store %arg7[%swap3A_551, %swap3A_552, %swap3A_553], %swap3A_556 {strides = array<i32>} : memref<5x1x128xi32, #tpu.memory_space<vmem>>, vector<1x1x16xi32>,
    %get3A_557 = arith.constant 1 : i32
    %get3A_558 = arith.constant 0 : i32
    %get3A_559 = arith.index_cast %get3A_557 : i32 to index
    %get3A_560 = arith.index_cast %get3A_558 : i32 to index
    %get3A_561 = arith.constant 96 : index
    %get3A_562 = tpu.vector_load %arg6[%get3A_559, %get3A_560, %get3A_561] {strides = array<i32>} : memref<5x2x128xi32, #tpu.memory_space<vmem>>, vector<1x1x16xi32>,
    %get3A_563 = vector.shape_cast %get3A_562 : vector<1x1x16xi32> to vector<16xi32>
    %get3A_564 = arith.constant 1 : i32
    %get3A_565 = arith.constant 1 : i32
    %get3A_566 = arith.index_cast %get3A_564 : i32 to index
    %get3A_567 = arith.index_cast %get3A_565 : i32 to index
    %get3A_568 = arith.constant 96 : index
    %get3A_569 = tpu.vector_load %arg6[%get3A_566, %get3A_567, %get3A_568] {strides = array<i32>} : memref<5x2x128xi32, #tpu.memory_space<vmem>>, vector<1x1x16xi32>,
    %get3A_570 = vector.shape_cast %get3A_569 : vector<1x1x16xi32> to vector<16xi32>
    %mul3A_571 = arith.constant 7 : i32
    %mul3A_572 = vector.broadcast %mul3A_571 : i32 to vector<16xi32>
    %mul3A_573 = arith.muli %get3A_563, %mul3A_572 : vector<16xi32>
    %add3A_574 = arith.addi %mul3A_573, %get3A_570 : vector<16xi32>
    %swap3A_575 = arith.constant 1 : i32
    %swap3A_576 = arith.constant 0 : i32
    %swap3A_577 = arith.index_cast %swap3A_575 : i32 to index
    %swap3A_578 = arith.index_cast %swap3A_576 : i32 to index
    %swap3A_579 = arith.constant 96 : index
    %swap3A_580 = tpu.vector_load %arg7[%swap3A_577, %swap3A_578, %swap3A_579] {strides = array<i32>} : memref<5x1x128xi32, #tpu.memory_space<vmem>>, vector<1x1x16xi32>,
    %swap3A_581 = vector.shape_cast %swap3A_580 : vector<1x1x16xi32> to vector<16xi32>
    %swap3A_582 = vector.shape_cast %add3A_574 : vector<16xi32> to vector<1x1x16xi32>
    tpu.vector_store %arg7[%swap3A_577, %swap3A_578, %swap3A_579], %swap3A_582 {strides = array<i32>} : memref<5x1x128xi32, #tpu.memory_space<vmem>>, vector<1x1x16xi32>,
    %get3A_583 = arith.constant 1 : i32
    %get3A_584 = arith.constant 0 : i32
    %get3A_585 = arith.index_cast %get3A_583 : i32 to index
    %get3A_586 = arith.index_cast %get3A_584 : i32 to index
    %get3A_587 = arith.constant 112 : index
    %get3A_588 = tpu.vector_load %arg6[%get3A_585, %get3A_586, %get3A_587] {strides = array<i32>} : memref<5x2x128xi32, #tpu.memory_space<vmem>>, vector<1x1x16xi32>,
    %get3A_589 = vector.shape_cast %get3A_588 : vector<1x1x16xi32> to vector<16xi32>
    %get3A_590 = arith.constant 1 : i32
    %get3A_591 = arith.constant 1 : i32
    %get3A_592 = arith.index_cast %get3A_590 : i32 to index
    %get3A_593 = arith.index_cast %get3A_591 : i32 to index
    %get3A_594 = arith.constant 112 : index
    %get3A_595 = tpu.vector_load %arg6[%get3A_592, %get3A_593, %get3A_594] {strides = array<i32>} : memref<5x2x128xi32, #tpu.memory_space<vmem>>, vector<1x1x16xi32>,
    %get3A_596 = vector.shape_cast %get3A_595 : vector<1x1x16xi32> to vector<16xi32>
    %mul3A_597 = arith.constant 7 : i32
    %mul3A_598 = vector.broadcast %mul3A_597 : i32 to vector<16xi32>
    %mul3A_599 = arith.muli %get3A_589, %mul3A_598 : vector<16xi32>
    %add3A_600 = arith.addi %mul3A_599, %get3A_596 : vector<16xi32>
    %swap3A_601 = arith.constant 1 : i32
    %swap3A_602 = arith.constant 0 : i32
    %swap3A_603 = arith.index_cast %swap3A_601 : i32 to index
    %swap3A_604 = arith.index_cast %swap3A_602 : i32 to index
    %swap3A_605 = arith.constant 112 : index
    %swap3A_606 = tpu.vector_load %arg7[%swap3A_603, %swap3A_604, %swap3A_605] {strides = array<i32>} : memref<5x1x128xi32, #tpu.memory_space<vmem>>, vector<1x1x16xi32>,
    %swap3A_607 = vector.shape_cast %swap3A_606 : vector<1x1x16xi32> to vector<16xi32>
    %swap3A_608 = vector.shape_cast %add3A_600 : vector<16xi32> to vector<1x1x16xi32>
    tpu.vector_store %arg7[%swap3A_603, %swap3A_604, %swap3A_605], %swap3A_608 {strides = array<i32>} : memref<5x1x128xi32, #tpu.memory_space<vmem>>, vector<1x1x16xi32>,
    %min3A_609 = arith.constant 6 : i32
    %min3A_610 = arith.constant 199 : i32
    %min3A_611 = arith.minsi %min3A_609, %min3A_610 : i32
    %mul3A_612 = arith.constant 128 : i32
    %mul3A_613 = arith.muli %min3A_611, %mul3A_612 : i32
    %add3A_614 = arith.addi %mul3A_2, %mul3A_613 : i32
    %dma_start3A_615 = arith.constant 1 : i32
    %dma_start3A_616 = arith.constant 0 : i32
    %dma_start3A_617 = arith.constant 0 : i32
    %dma_start3A_618 = tpu.memref_slice %arg6[%dma_start3A_615, %dma_start3A_616, %dma_start3A_617] : memref<5x2x128xi32, #tpu.memory_space<vmem>> -> memref<1x1x128xi32, #tpu.memory_space<vmem>>
    %dma_start3A_619 = tpu.memref_squeeze %dma_start3A_618 : memref<1x1x128xi32, #tpu.memory_space<vmem>> -> memref<128xi32, #tpu.memory_space<vmem>>
    %dma_start3A_620 = tpu.memref_slice %arg2[%add3A_614] : memref<819200xi32, #tpu.memory_space<hbm>> -> memref<128xi32, #tpu.memory_space<hbm>>
    %dma_start3A_621 = arith.constant 0 : i32
    %dma_start3A_622 = tpu.memref_slice %arg6[%dma_start3A_615, %dma_start3A_616, %dma_start3A_621] : memref<5x2x128xi32, #tpu.memory_space<vmem>> -> memref<1x1x128xi32, #tpu.memory_space<vmem>>
    %dma_start3A_623 = tpu.memref_squeeze %dma_start3A_622 : memref<1x1x128xi32, #tpu.memory_space<vmem>> -> memref<128xi32, #tpu.memory_space<vmem>>
    %dma_start3A_624 = tpu.memref_slice %arg2[%add3A_614] : memref<819200xi32, #tpu.memory_space<hbm>> -> memref<128xi32, #tpu.memory_space<hbm>>
    tpu.enqueue_dma source(%dma_start3A_624 : memref<128xi32, #tpu.memory_space<hbm>>) target(%dma_start3A_623 : memref<128xi32, #tpu.memory_space<vmem>>) target_semaphore(%arg11 : memref<!tpu.dma_semaphore, #tpu.memory_space<semaphore_mem>>)
    %dma_start3A_625 = arith.constant 1 : i32
    %dma_start3A_626 = arith.constant 1 : i32
    %dma_start3A_627 = arith.constant 0 : i32
    %dma_start3A_628 = tpu.memref_slice %arg6[%dma_start3A_625, %dma_start3A_626, %dma_start3A_627] : memref<5x2x128xi32, #tpu.memory_space<vmem>> -> memref<1x1x128xi32, #tpu.memory_space<vmem>>
    %dma_start3A_629 = tpu.memref_squeeze %dma_start3A_628 : memref<1x1x128xi32, #tpu.memory_space<vmem>> -> memref<128xi32, #tpu.memory_space<vmem>>
    %dma_start3A_630 = tpu.memref_slice %arg3[%add3A_614] : memref<819200xi32, #tpu.memory_space<hbm>> -> memref<128xi32, #tpu.memory_space<hbm>>
    %dma_start3A_631 = arith.constant 0 : i32
    %dma_start3A_632 = tpu.memref_slice %arg6[%dma_start3A_625, %dma_start3A_626, %dma_start3A_631] : memref<5x2x128xi32, #tpu.memory_space<vmem>> -> memref<1x1x128xi32, #tpu.memory_space<vmem>>
    %dma_start3A_633 = tpu.memref_squeeze %dma_start3A_632 : memref<1x1x128xi32, #tpu.memory_space<vmem>> -> memref<128xi32, #tpu.memory_space<vmem>>
    %dma_start3A_634 = tpu.memref_slice %arg3[%add3A_614] : memref<819200xi32, #tpu.memory_space<hbm>> -> memref<128xi32, #tpu.memory_space<hbm>>
    tpu.enqueue_dma source(%dma_start3A_634 : memref<128xi32, #tpu.memory_space<hbm>>) target(%dma_start3A_633 : memref<128xi32, #tpu.memory_space<vmem>>) target_semaphore(%arg11 : memref<!tpu.dma_semaphore, #tpu.memory_space<semaphore_mem>>)
    %dma_start3A_635 = arith.constant 1 : i32
    %dma_start3A_636 = arith.constant 0 : i32
    %dma_start3A_637 = arith.constant 1 : i32
    %dma_start3A_638 = arith.constant 0 : i32
    %dma_start3A_639 = arith.constant 0 : i32
    %dma_start3A_640 = tpu.memref_slice %arg8[%dma_start3A_637, %dma_start3A_638, %dma_start3A_639] : memref<5x128x128xf32, #tpu.memory_space<vmem>> -> memref<1x128x128xf32, #tpu.memory_space<vmem>>
    %dma_start3A_641 = tpu.memref_squeeze %dma_start3A_640 : memref<1x128x128xf32, #tpu.memory_space<vmem>> -> memref<128x128xf32, #tpu.memory_space<vmem>>
    %dma_start3A_642 = arith.constant 0 : i32
    %dma_start3A_643 = tpu.memref_slice %arg7[%dma_start3A_635, %dma_start3A_636, %dma_start3A_642] : memref<5x1x128xi32, #tpu.memory_space<vmem>> -> memref<1x1x128xi32, #tpu.memory_space<vmem>>
    %dma_start3A_644 = tpu.memref_squeeze %dma_start3A_643 : memref<1x1x128xi32, #tpu.memory_space<vmem>> -> memref<128xi32, #tpu.memory_space<vmem>>
    %dma_start3A_645 = arith.constant 0 : i32
    %dma_start3A_646 = arith.constant 0 : i32
    %dma_start3A_647 = tpu.memref_slice %arg9[%dma_start3A_645, %dma_start3A_646] : memref<168x128xf32, #tpu.memory_space<vmem_shared>> -> memref<168x128xf32, #tpu.memory_space<vmem_shared>>
    tpu.enqueue_indirect_dma source(%dma_start3A_647 : memref<168x128xf32, #tpu.memory_space<vmem_shared>>) target(%dma_start3A_641 : memref<128x128xf32, #tpu.memory_space<vmem>>) offsets(%dma_start3A_644 : memref<128xi32, #tpu.memory_space<vmem>>) semaphore(%arg16 : memref<!tpu.dma_semaphore, #tpu.memory_space<semaphore_mem>>)
    %dma_wait3A_648 = arith.constant 0 : i32
    %dma_wait3A_649 = arith.constant 0 : i32
    %dma_wait3A_650 = arith.constant 0 : i32
    %dma_wait3A_651 = arith.constant 0 : i32
    %dma_wait3A_652 = arith.constant 0 : i32
    %dma_wait3A_653 = tpu.memref_slice %arg8[%dma_wait3A_650, %dma_wait3A_651, %dma_wait3A_652] : memref<5x128x128xf32, #tpu.memory_space<vmem>> -> memref<1x128x128xf32, #tpu.memory_space<vmem>>
    %dma_wait3A_654 = tpu.memref_squeeze %dma_wait3A_653 : memref<1x128x128xf32, #tpu.memory_space<vmem>> -> memref<128x128xf32, #tpu.memory_space<vmem>>
    %dma_wait3A_655 = arith.constant 0 : i32
    %dma_wait3A_656 = tpu.memref_slice %arg7[%dma_wait3A_648, %dma_wait3A_649, %dma_wait3A_655] : memref<5x1x128xi32, #tpu.memory_space<vmem>> -> memref<1x1x128xi32, #tpu.memory_space<vmem>>
    %dma_wait3A_657 = tpu.memref_squeeze %dma_wait3A_656 : memref<1x1x128xi32, #tpu.memory_space<vmem>> -> memref<128xi32, #tpu.memory_space<vmem>>
    %dma_wait3A_658 = arith.constant 0 : i32
    %dma_wait3A_659 = arith.constant 0 : i32
    %dma_wait3A_660 = tpu.memref_slice %arg9[%dma_wait3A_658, %dma_wait3A_659] : memref<168x128xf32, #tpu.memory_space<vmem_shared>> -> memref<168x128xf32, #tpu.memory_space<vmem_shared>>
    tpu.wait_indirect_dma semaphore(%arg15 : memref<!tpu.dma_semaphore, #tpu.memory_space<semaphore_mem>>) src(%dma_wait3A_660 : memref<168x128xf32, #tpu.memory_space<vmem_shared>>) dst(%dma_wait3A_654 : memref<128x128xf32, #tpu.memory_space<vmem>>)
    %add3A_661 = arith.constant 0 : i32
    %add3A_662 = arith.addi %mul3A_2, %add3A_661 : i32
    %dma_start3A_663 = arith.constant 0 : i32
    %dma_start3A_664 = arith.constant 0 : i32
    %dma_start3A_665 = arith.constant 0 : i32
    %dma_start3A_666 = tpu.memref_slice %arg8[%dma_start3A_663, %dma_start3A_664, %dma_start3A_665] : memref<5x128x128xf32, #tpu.memory_space<vmem>> -> memref<1x128x128xf32, #tpu.memory_space<vmem>>
    %dma_start3A_667 = tpu.memref_squeeze %dma_start3A_666 : memref<1x128x128xf32, #tpu.memory_space<vmem>> -> memref<128x128xf32, #tpu.memory_space<vmem>>
    %dma_start3A_668 = arith.constant 0 : i32
    %dma_start3A_669 = tpu.memref_slice %arg5[%add3A_662, %dma_start3A_668] : memref<819200x128xf32, #tpu.memory_space<hbm>> -> memref<128x128xf32, #tpu.memory_space<hbm>>
    %dma_start3A_670 = arith.constant 0 : i32
    %dma_start3A_671 = tpu.memref_slice %arg5[%add3A_662, %dma_start3A_670] : memref<819200x128xf32, #tpu.memory_space<hbm>> -> memref<128x128xf32, #tpu.memory_space<hbm>>
    %dma_start3A_672 = arith.constant 0 : i32
    %dma_start3A_673 = arith.constant 0 : i32
    %dma_start3A_674 = tpu.memref_slice %arg8[%dma_start3A_663, %dma_start3A_672, %dma_start3A_673] : memref<5x128x128xf32, #tpu.memory_space<vmem>> -> memref<1x128x128xf32, #tpu.memory_space<vmem>>
    %dma_start3A_675 = tpu.memref_squeeze %dma_start3A_674 : memref<1x128x128xf32, #tpu.memory_space<vmem>> -> memref<128x128xf32, #tpu.memory_space<vmem>>
    tpu.enqueue_dma source(%dma_start3A_675 : memref<128x128xf32, #tpu.memory_space<vmem>>) target(%dma_start3A_671 : memref<128x128xf32, #tpu.memory_space<hbm>>) target_semaphore(%arg20 : memref<!tpu.dma_semaphore, #tpu.memory_space<semaphore_mem>>)
    %add3A_676 = arith.constant 256 : i32
    %add3A_677 = arith.addi %mul3A_2, %add3A_676 : i32
    %dma_wait3A_678 = arith.constant 2 : i32
    %dma_wait3A_679 = arith.constant 0 : i32
    %dma_wait3A_680 = arith.constant 0 : i32
    %dma_wait3A_681 = tpu.memref_slice %arg6[%dma_wait3A_678, %dma_wait3A_679, %dma_wait3A_680] : memref<5x2x128xi32, #tpu.memory_space<vmem>> -> memref<1x1x128xi32, #tpu.memory_space<vmem>>
    %dma_wait3A_682 = tpu.memref_squeeze %dma_wait3A_681 : memref<1x1x128xi32, #tpu.memory_space<vmem>> -> memref<128xi32, #tpu.memory_space<vmem>>
    %dma_wait3A_683 = tpu.memref_slice %arg2[%add3A_677] : memref<819200xi32, #tpu.memory_space<hbm>> -> memref<128xi32, #tpu.memory_space<hbm>>
    %dma_wait3A_684 = arith.constant 0 : i32
    %dma_wait3A_685 = tpu.memref_slice %arg6[%dma_wait3A_678, %dma_wait3A_679, %dma_wait3A_684] : memref<5x2x128xi32, #tpu.memory_space<vmem>> -> memref<1x1x128xi32, #tpu.memory_space<vmem>>
    %dma_wait3A_686 = tpu.memref_squeeze %dma_wait3A_685 : memref<1x1x128xi32, #tpu.memory_space<vmem>> -> memref<128xi32, #tpu.memory_space<vmem>>
    %dma_wait3A_687 = tpu.memref_slice %arg2[%add3A_677] : memref<819200xi32, #tpu.memory_space<hbm>> -> memref<128xi32, #tpu.memory_space<hbm>>
    tpu.wait_dma2 semaphore(%arg12 : memref<!tpu.dma_semaphore, #tpu.memory_space<semaphore_mem>>) src(%dma_wait3A_687 : memref<128xi32, #tpu.memory_space<hbm>>) dst(%dma_wait3A_686 : memref<128xi32, #tpu.memory_space<vmem>>)
    %dma_wait3A_688 = arith.constant 2 : i32
    %dma_wait3A_689 = arith.constant 1 : i32
    %dma_wait3A_690 = arith.constant 0 : i32
    %dma_wait3A_691 = tpu.memref_slice %arg6[%dma_wait3A_688, %dma_wait3A_689, %dma_wait3A_690] : memref<5x2x128xi32, #tpu.memory_space<vmem>> -> memref<1x1x128xi32, #tpu.memory_space<vmem>>
    %dma_wait3A_692 = tpu.memref_squeeze %dma_wait3A_691 : memref<1x1x128xi32, #tpu.memory_space<vmem>> -> memref<128xi32, #tpu.memory_space<vmem>>
    %dma_wait3A_693 = tpu.memref_slice %arg3[%add3A_677] : memref<819200xi32, #tpu.memory_space<hbm>> -> memref<128xi32, #tpu.memory_space<hbm>>
    %dma_wait3A_694 = arith.constant 0 : i32
    %dma_wait3A_695 = tpu.memref_slice %arg6[%dma_wait3A_688, %dma_wait3A_689, %dma_wait3A_694] : memref<5x2x128xi32, #tpu.memory_space<vmem>> -> memref<1x1x128xi32, #tpu.memory_space<vmem>>
    %dma_wait3A_696 = tpu.memref_squeeze %dma_wait3A_695 : memref<1x1x128xi32, #tpu.memory_space<vmem>> -> memref<128xi32, #tpu.memory_space<vmem>>
    %dma_wait3A_697 = tpu.memref_slice %arg3[%add3A_677] : memref<819200xi32, #tpu.memory_space<hbm>> -> memref<128xi32, #tpu.memory_space<hbm>>
    tpu.wait_dma2 semaphore(%arg12 : memref<!tpu.dma_semaphore, #tpu.memory_space<semaphore_mem>>) src(%dma_wait3A_697 : memref<128xi32, #tpu.memory_space<hbm>>) dst(%dma_wait3A_696 : memref<128xi32, #tpu.memory_space<vmem>>)
    %get3A_698 = arith.constant 2 : i32
    %get3A_699 = arith.constant 0 : i32
    %get3A_700 = arith.index_cast %get3A_698 : i32 to index
    %get3A_701 = arith.index_cast %get3A_699 : i32 to index
    %get3A_702 = arith.constant 0 : index
    %get3A_703 = tpu.vector_load %arg6[%get3A_700, %get3A_701, %get3A_702] {strides = array<i32>} : memref<5x2x128xi32, #tpu.memory_space<vmem>>, vector<1x1x16xi32>,
    %get3A_704 = vector.shape_cast %get3A_703 : vector<1x1x16xi32> to vector<16xi32>
    %get3A_705 = arith.constant 2 : i32
    %get3A_706 = arith.constant 1 : i32
    %get3A_707 = arith.index_cast %get3A_705 : i32 to index
    %get3A_708 = arith.index_cast %get3A_706 : i32 to index
    %get3A_709 = arith.constant 0 : index
    %get3A_710 = tpu.vector_load %arg6[%get3A_707, %get3A_708, %get3A_709] {strides = array<i32>} : memref<5x2x128xi32, #tpu.memory_space<vmem>>, vector<1x1x16xi32>,
    %get3A_711 = vector.shape_cast %get3A_710 : vector<1x1x16xi32> to vector<16xi32>
    %mul3A_712 = arith.constant 7 : i32
    %mul3A_713 = vector.broadcast %mul3A_712 : i32 to vector<16xi32>
    %mul3A_714 = arith.muli %get3A_704, %mul3A_713 : vector<16xi32>
    %add3A_715 = arith.addi %mul3A_714, %get3A_711 : vector<16xi32>
    %swap3A_716 = arith.constant 2 : i32
    %swap3A_717 = arith.constant 0 : i32
    %swap3A_718 = arith.index_cast %swap3A_716 : i32 to index
    %swap3A_719 = arith.index_cast %swap3A_717 : i32 to index
    %swap3A_720 = arith.constant 0 : index
    %swap3A_721 = tpu.vector_load %arg7[%swap3A_718, %swap3A_719, %swap3A_720] {strides = array<i32>} : memref<5x1x128xi32, #tpu.memory_space<vmem>>, vector<1x1x16xi32>,
    %swap3A_722 = vector.shape_cast %swap3A_721 : vector<1x1x16xi32> to vector<16xi32>
    %swap3A_723 = vector.shape_cast %add3A_715 : vector<16xi32> to vector<1x1x16xi32>
    tpu.vector_store %arg7[%swap3A_718, %swap3A_719, %swap3A_720], %swap3A_723 {strides = array<i32>} : memref<5x1x128xi32, #tpu.memory_space<vmem>>, vector<1x1x16xi32>,
    %get3A_724 = arith.constant 2 : i32
    %get3A_725 = arith.constant 0 : i32
    %get3A_726 = arith.index_cast %get3A_724 : i32 to index
    %get3A_727 = arith.index_cast %get3A_725 : i32 to index
    %get3A_728 = arith.constant 16 : index
    %get3A_729 = tpu.vector_load %arg6[%get3A_726, %get3A_727, %get3A_728] {strides = array<i32>} : memref<5x2x128xi32, #tpu.memory_space<vmem>>, vector<1x1x16xi32>,
    %get3A_730 = vector.shape_cast %get3A_729 : vector<1x1x16xi32> to vector<16xi32>
    %get3A_731 = arith.constant 2 : i32
    %get3A_732 = arith.constant 1 : i32
    %get3A_733 = arith.index_cast %get3A_731 : i32 to index
    %get3A_734 = arith.index_cast %get3A_732 : i32 to index
    %get3A_735 = arith.constant 16 : index
    %get3A_736 = tpu.vector_load %arg6[%get3A_733, %get3A_734, %get3A_735] {strides = array<i32>} : memref<5x2x128xi32, #tpu.memory_space<vmem>>, vector<1x1x16xi32>,
    %get3A_737 = vector.shape_cast %get3A_736 : vector<1x1x16xi32> to vector<16xi32>
    %mul3A_738 = arith.constant 7 : i32
    %mul3A_739 = vector.broadcast %mul3A_738 : i32 to vector<16xi32>
    %mul3A_740 = arith.muli %get3A_730, %mul3A_739 : vector<16xi32>
    %add3A_741 = arith.addi %mul3A_740, %get3A_737 : vector<16xi32>
    %swap3A_742 = arith.constant 2 : i32
    %swap3A_743 = arith.constant 0 : i32
    %swap3A_744 = arith.index_cast %swap3A_742 : i32 to index
    %swap3A_745 = arith.index_cast %swap3A_743 : i32 to index
    %swap3A_746 = arith.constant 16 : index
    %swap3A_747 = tpu.vector_load %arg7[%swap3A_744, %swap3A_745, %swap3A_746] {strides = array<i32>} : memref<5x1x128xi32, #tpu.memory_space<vmem>>, vector<1x1x16xi32>,
    %swap3A_748 = vector.shape_cast %swap3A_747 : vector<1x1x16xi32> to vector<16xi32>
    %swap3A_749 = vector.shape_cast %add3A_741 : vector<16xi32> to vector<1x1x16xi32>
    tpu.vector_store %arg7[%swap3A_744, %swap3A_745, %swap3A_746], %swap3A_749 {strides = array<i32>} : memref<5x1x128xi32, #tpu.memory_space<vmem>>, vector<1x1x16xi32>,
    %get3A_750 = arith.constant 2 : i32
    %get3A_751 = arith.constant 0 : i32
    %get3A_752 = arith.index_cast %get3A_750 : i32 to index
    %get3A_753 = arith.index_cast %get3A_751 : i32 to index
    %get3A_754 = arith.constant 32 : index
    %get3A_755 = tpu.vector_load %arg6[%get3A_752, %get3A_753, %get3A_754] {strides = array<i32>} : memref<5x2x128xi32, #tpu.memory_space<vmem>>, vector<1x1x16xi32>,
    %get3A_756 = vector.shape_cast %get3A_755 : vector<1x1x16xi32> to vector<16xi32>
    %get3A_757 = arith.constant 2 : i32
    %get3A_758 = arith.constant 1 : i32
    %get3A_759 = arith.index_cast %get3A_757 : i32 to index
    %get3A_760 = arith.index_cast %get3A_758 : i32 to index
    %get3A_761 = arith.constant 32 : index
    %get3A_762 = tpu.vector_load %arg6[%get3A_759, %get3A_760, %get3A_761] {strides = array<i32>} : memref<5x2x128xi32, #tpu.memory_space<vmem>>, vector<1x1x16xi32>,
    %get3A_763 = vector.shape_cast %get3A_762 : vector<1x1x16xi32> to vector<16xi32>
    %mul3A_764 = arith.constant 7 : i32
    %mul3A_765 = vector.broadcast %mul3A_764 : i32 to vector<16xi32>
    %mul3A_766 = arith.muli %get3A_756, %mul3A_765 : vector<16xi32>
    %add3A_767 = arith.addi %mul3A_766, %get3A_763 : vector<16xi32>
    %swap3A_768 = arith.constant 2 : i32
    %swap3A_769 = arith.constant 0 : i32
    %swap3A_770 = arith.index_cast %swap3A_768 : i32 to index
    %swap3A_771 = arith.index_cast %swap3A_769 : i32 to index
    %swap3A_772 = arith.constant 32 : index
    %swap3A_773 = tpu.vector_load %arg7[%swap3A_770, %swap3A_771, %swap3A_772] {strides = array<i32>} : memref<5x1x128xi32, #tpu.memory_space<vmem>>, vector<1x1x16xi32>,
    %swap3A_774 = vector.shape_cast %swap3A_773 : vector<1x1x16xi32> to vector<16xi32>
    %swap3A_775 = vector.shape_cast %add3A_767 : vector<16xi32> to vector<1x1x16xi32>
    tpu.vector_store %arg7[%swap3A_770, %swap3A_771, %swap3A_772], %swap3A_775 {strides = array<i32>} : memref<5x1x128xi32, #tpu.memory_space<vmem>>, vector<1x1x16xi32>,
    %get3A_776 = arith.constant 2 : i32
    %get3A_777 = arith.constant 0 : i32
    %get3A_778 = arith.index_cast %get3A_776 : i32 to index
    %get3A_779 = arith.index_cast %get3A_777 : i32 to index
    %get3A_780 = arith.constant 48 : index
    %get3A_781 = tpu.vector_load %arg6[%get3A_778, %get3A_779, %get3A_780] {strides = array<i32>} : memref<5x2x128xi32, #tpu.memory_space<vmem>>, vector<1x1x16xi32>,
    %get3A_782 = vector.shape_cast %get3A_781 : vector<1x1x16xi32> to vector<16xi32>
    %get3A_783 = arith.constant 2 : i32
    %get3A_784 = arith.constant 1 : i32
    %get3A_785 = arith.index_cast %get3A_783 : i32 to index
    %get3A_786 = arith.index_cast %get3A_784 : i32 to index
    %get3A_787 = arith.constant 48 : index
    %get3A_788 = tpu.vector_load %arg6[%get3A_785, %get3A_786, %get3A_787] {strides = array<i32>} : memref<5x2x128xi32, #tpu.memory_space<vmem>>, vector<1x1x16xi32>,
    %get3A_789 = vector.shape_cast %get3A_788 : vector<1x1x16xi32> to vector<16xi32>
    %mul3A_790 = arith.constant 7 : i32
    %mul3A_791 = vector.broadcast %mul3A_790 : i32 to vector<16xi32>
    %mul3A_792 = arith.muli %get3A_782, %mul3A_791 : vector<16xi32>
    %add3A_793 = arith.addi %mul3A_792, %get3A_789 : vector<16xi32>
    %swap3A_794 = arith.constant 2 : i32
    %swap3A_795 = arith.constant 0 : i32
    %swap3A_796 = arith.index_cast %swap3A_794 : i32 to index
    %swap3A_797 = arith.index_cast %swap3A_795 : i32 to index
    %swap3A_798 = arith.constant 48 : index
    %swap3A_799 = tpu.vector_load %arg7[%swap3A_796, %swap3A_797, %swap3A_798] {strides = array<i32>} : memref<5x1x128xi32, #tpu.memory_space<vmem>>, vector<1x1x16xi32>,
    %swap3A_800 = vector.shape_cast %swap3A_799 : vector<1x1x16xi32> to vector<16xi32>
    %swap3A_801 = vector.shape_cast %add3A_793 : vector<16xi32> to vector<1x1x16xi32>
    tpu.vector_store %arg7[%swap3A_796, %swap3A_797, %swap3A_798], %swap3A_801 {strides = array<i32>} : memref<5x1x128xi32, #tpu.memory_space<vmem>>, vector<1x1x16xi32>,
    %get3A_802 = arith.constant 2 : i32
    %get3A_803 = arith.constant 0 : i32
    %get3A_804 = arith.index_cast %get3A_802 : i32 to index
    %get3A_805 = arith.index_cast %get3A_803 : i32 to index
    %get3A_806 = arith.constant 64 : index
    %get3A_807 = tpu.vector_load %arg6[%get3A_804, %get3A_805, %get3A_806] {strides = array<i32>} : memref<5x2x128xi32, #tpu.memory_space<vmem>>, vector<1x1x16xi32>,
    %get3A_808 = vector.shape_cast %get3A_807 : vector<1x1x16xi32> to vector<16xi32>
    %get3A_809 = arith.constant 2 : i32
    %get3A_810 = arith.constant 1 : i32
    %get3A_811 = arith.index_cast %get3A_809 : i32 to index
    %get3A_812 = arith.index_cast %get3A_810 : i32 to index
    %get3A_813 = arith.constant 64 : index
    %get3A_814 = tpu.vector_load %arg6[%get3A_811, %get3A_812, %get3A_813] {strides = array<i32>} : memref<5x2x128xi32, #tpu.memory_space<vmem>>, vector<1x1x16xi32>,
    %get3A_815 = vector.shape_cast %get3A_814 : vector<1x1x16xi32> to vector<16xi32>
    %mul3A_816 = arith.constant 7 : i32
    %mul3A_817 = vector.broadcast %mul3A_816 : i32 to vector<16xi32>
    %mul3A_818 = arith.muli %get3A_808, %mul3A_817 : vector<16xi32>
    %add3A_819 = arith.addi %mul3A_818, %get3A_815 : vector<16xi32>
    %swap3A_820 = arith.constant 2 : i32
    %swap3A_821 = arith.constant 0 : i32
    %swap3A_822 = arith.index_cast %swap3A_820 : i32 to index
    %swap3A_823 = arith.index_cast %swap3A_821 : i32 to index
    %swap3A_824 = arith.constant 64 : index
    %swap3A_825 = tpu.vector_load %arg7[%swap3A_822, %swap3A_823, %swap3A_824] {strides = array<i32>} : memref<5x1x128xi32, #tpu.memory_space<vmem>>, vector<1x1x16xi32>,
    %swap3A_826 = vector.shape_cast %swap3A_825 : vector<1x1x16xi32> to vector<16xi32>
    %swap3A_827 = vector.shape_cast %add3A_819 : vector<16xi32> to vector<1x1x16xi32>
    tpu.vector_store %arg7[%swap3A_822, %swap3A_823, %swap3A_824], %swap3A_827 {strides = array<i32>} : memref<5x1x128xi32, #tpu.memory_space<vmem>>, vector<1x1x16xi32>,
    %get3A_828 = arith.constant 2 : i32
    %get3A_829 = arith.constant 0 : i32
    %get3A_830 = arith.index_cast %get3A_828 : i32 to index
    %get3A_831 = arith.index_cast %get3A_829 : i32 to index
    %get3A_832 = arith.constant 80 : index
    %get3A_833 = tpu.vector_load %arg6[%get3A_830, %get3A_831, %get3A_832] {strides = array<i32>} : memref<5x2x128xi32, #tpu.memory_space<vmem>>, vector<1x1x16xi32>,
    %get3A_834 = vector.shape_cast %get3A_833 : vector<1x1x16xi32> to vector<16xi32>
    %get3A_835 = arith.constant 2 : i32
    %get3A_836 = arith.constant 1 : i32
    %get3A_837 = arith.index_cast %get3A_835 : i32 to index
    %get3A_838 = arith.index_cast %get3A_836 : i32 to index
    %get3A_839 = arith.constant 80 : index
    %get3A_840 = tpu.vector_load %arg6[%get3A_837, %get3A_838, %get3A_839] {strides = array<i32>} : memref<5x2x128xi32, #tpu.memory_space<vmem>>, vector<1x1x16xi32>,
    %get3A_841 = vector.shape_cast %get3A_840 : vector<1x1x16xi32> to vector<16xi32>
    %mul3A_842 = arith.constant 7 : i32
    %mul3A_843 = vector.broadcast %mul3A_842 : i32 to vector<16xi32>
    %mul3A_844 = arith.muli %get3A_834, %mul3A_843 : vector<16xi32>
    %add3A_845 = arith.addi %mul3A_844, %get3A_841 : vector<16xi32>
    %swap3A_846 = arith.constant 2 : i32
    %swap3A_847 = arith.constant 0 : i32
    %swap3A_848 = arith.index_cast %swap3A_846 : i32 to index
    %swap3A_849 = arith.index_cast %swap3A_847 : i32 to index
    %swap3A_850 = arith.constant 80 : index
    %swap3A_851 = tpu.vector_load %arg7[%swap3A_848, %swap3A_849, %swap3A_850] {strides = array<i32>} : memref<5x1x128xi32, #tpu.memory_space<vmem>>, vector<1x1x16xi32>,
    %swap3A_852 = vector.shape_cast %swap3A_851 : vector<1x1x16xi32> to vector<16xi32>
    %swap3A_853 = vector.shape_cast %add3A_845 : vector<16xi32> to vector<1x1x16xi32>
    tpu.vector_store %arg7[%swap3A_848, %swap3A_849, %swap3A_850], %swap3A_853 {strides = array<i32>} : memref<5x1x128xi32, #tpu.memory_space<vmem>>, vector<1x1x16xi32>,
    %get3A_854 = arith.constant 2 : i32
    %get3A_855 = arith.constant 0 : i32
    %get3A_856 = arith.index_cast %get3A_854 : i32 to index
    %get3A_857 = arith.index_cast %get3A_855 : i32 to index
    %get3A_858 = arith.constant 96 : index
    %get3A_859 = tpu.vector_load %arg6[%get3A_856, %get3A_857, %get3A_858] {strides = array<i32>} : memref<5x2x128xi32, #tpu.memory_space<vmem>>, vector<1x1x16xi32>,
    %get3A_860 = vector.shape_cast %get3A_859 : vector<1x1x16xi32> to vector<16xi32>
    %get3A_861 = arith.constant 2 : i32
    %get3A_862 = arith.constant 1 : i32
    %get3A_863 = arith.index_cast %get3A_861 : i32 to index
    %get3A_864 = arith.index_cast %get3A_862 : i32 to index
    %get3A_865 = arith.constant 96 : index
    %get3A_866 = tpu.vector_load %arg6[%get3A_863, %get3A_864, %get3A_865] {strides = array<i32>} : memref<5x2x128xi32, #tpu.memory_space<vmem>>, vector<1x1x16xi32>,
    %get3A_867 = vector.shape_cast %get3A_866 : vector<1x1x16xi32> to vector<16xi32>
    %mul3A_868 = arith.constant 7 : i32
    %mul3A_869 = vector.broadcast %mul3A_868 : i32 to vector<16xi32>
    %mul3A_870 = arith.muli %get3A_860, %mul3A_869 : vector<16xi32>
    %add3A_871 = arith.addi %mul3A_870, %get3A_867 : vector<16xi32>
    %swap3A_872 = arith.constant 2 : i32
    %swap3A_873 = arith.constant 0 : i32
    %swap3A_874 = arith.index_cast %swap3A_872 : i32 to index
    %swap3A_875 = arith.index_cast %swap3A_873 : i32 to index
    %swap3A_876 = arith.constant 96 : index
    %swap3A_877 = tpu.vector_load %arg7[%swap3A_874, %swap3A_875, %swap3A_876] {strides = array<i32>} : memref<5x1x128xi32, #tpu.memory_space<vmem>>, vector<1x1x16xi32>,
    %swap3A_878 = vector.shape_cast %swap3A_877 : vector<1x1x16xi32> to vector<16xi32>
    %swap3A_879 = vector.shape_cast %add3A_871 : vector<16xi32> to vector<1x1x16xi32>
    tpu.vector_store %arg7[%swap3A_874, %swap3A_875, %swap3A_876], %swap3A_879 {strides = array<i32>} : memref<5x1x128xi32, #tpu.memory_space<vmem>>, vector<1x1x16xi32>,
    %get3A_880 = arith.constant 2 : i32
    %get3A_881 = arith.constant 0 : i32
    %get3A_882 = arith.index_cast %get3A_880 : i32 to index
    %get3A_883 = arith.index_cast %get3A_881 : i32 to index
    %get3A_884 = arith.constant 112 : index
    %get3A_885 = tpu.vector_load %arg6[%get3A_882, %get3A_883, %get3A_884] {strides = array<i32>} : memref<5x2x128xi32, #tpu.memory_space<vmem>>, vector<1x1x16xi32>,
    %get3A_886 = vector.shape_cast %get3A_885 : vector<1x1x16xi32> to vector<16xi32>
    %get3A_887 = arith.constant 2 : i32
    %get3A_888 = arith.constant 1 : i32
    %get3A_889 = arith.index_cast %get3A_887 : i32 to index
    %get3A_890 = arith.index_cast %get3A_888 : i32 to index
    %get3A_891 = arith.constant 112 : index
    %get3A_892 = tpu.vector_load %arg6[%get3A_889, %get3A_890, %get3A_891] {strides = array<i32>} : memref<5x2x128xi32, #tpu.memory_space<vmem>>, vector<1x1x16xi32>,
    %get3A_893 = vector.shape_cast %get3A_892 : vector<1x1x16xi32> to vector<16xi32>
    %mul3A_894 = arith.constant 7 : i32
    %mul3A_895 = vector.broadcast %mul3A_894 : i32 to vector<16xi32>
    %mul3A_896 = arith.muli %get3A_886, %mul3A_895 : vector<16xi32>
    %add3A_897 = arith.addi %mul3A_896, %get3A_893 : vector<16xi32>
    %swap3A_898 = arith.constant 2 : i32
    %swap3A_899 = arith.constant 0 : i32
    %swap3A_900 = arith.index_cast %swap3A_898 : i32 to index
    %swap3A_901 = arith.index_cast %swap3A_899 : i32 to index
    %swap3A_902 = arith.constant 112 : index
    %swap3A_903 = tpu.vector_load %arg7[%swap3A_900, %swap3A_901, %swap3A_902] {strides = array<i32>} : memref<5x1x128xi32, #tpu.memory_space<vmem>>, vector<1x1x16xi32>,
    %swap3A_904 = vector.shape_cast %swap3A_903 : vector<1x1x16xi32> to vector<16xi32>
    %swap3A_905 = vector.shape_cast %add3A_897 : vector<16xi32> to vector<1x1x16xi32>
    tpu.vector_store %arg7[%swap3A_900, %swap3A_901, %swap3A_902], %swap3A_905 {strides = array<i32>} : memref<5x1x128xi32, #tpu.memory_space<vmem>>, vector<1x1x16xi32>,
    %min3A_906 = arith.constant 7 : i32
    %min3A_907 = arith.constant 199 : i32
    %min3A_908 = arith.minsi %min3A_906, %min3A_907 : i32
    %mul3A_909 = arith.constant 128 : i32
    %mul3A_910 = arith.muli %min3A_908, %mul3A_909 : i32
    %add3A_911 = arith.addi %mul3A_2, %mul3A_910 : i32
    %dma_start3A_912 = arith.constant 2 : i32
    %dma_start3A_913 = arith.constant 0 : i32
    %dma_start3A_914 = arith.constant 0 : i32
    %dma_start3A_915 = tpu.memref_slice %arg6[%dma_start3A_912, %dma_start3A_913, %dma_start3A_914] : memref<5x2x128xi32, #tpu.memory_space<vmem>> -> memref<1x1x128xi32, #tpu.memory_space<vmem>>
    %dma_start3A_916 = tpu.memref_squeeze %dma_start3A_915 : memref<1x1x128xi32, #tpu.memory_space<vmem>> -> memref<128xi32, #tpu.memory_space<vmem>>
    %dma_start3A_917 = tpu.memref_slice %arg2[%add3A_911] : memref<819200xi32, #tpu.memory_space<hbm>> -> memref<128xi32, #tpu.memory_space<hbm>>
    %dma_start3A_918 = arith.constant 0 : i32
    %dma_start3A_919 = tpu.memref_slice %arg6[%dma_start3A_912, %dma_start3A_913, %dma_start3A_918] : memref<5x2x128xi32, #tpu.memory_space<vmem>> -> memref<1x1x128xi32, #tpu.memory_space<vmem>>
    %dma_start3A_920 = tpu.memref_squeeze %dma_start3A_919 : memref<1x1x128xi32, #tpu.memory_space<vmem>> -> memref<128xi32, #tpu.memory_space<vmem>>
    %dma_start3A_921 = tpu.memref_slice %arg2[%add3A_911] : memref<819200xi32, #tpu.memory_space<hbm>> -> memref<128xi32, #tpu.memory_space<hbm>>
    tpu.enqueue_dma source(%dma_start3A_921 : memref<128xi32, #tpu.memory_space<hbm>>) target(%dma_start3A_920 : memref<128xi32, #tpu.memory_space<vmem>>) target_semaphore(%arg12 : memref<!tpu.dma_semaphore, #tpu.memory_space<semaphore_mem>>)
    %dma_start3A_922 = arith.constant 2 : i32
    %dma_start3A_923 = arith.constant 1 : i32
    %dma_start3A_924 = arith.constant 0 : i32
    %dma_start3A_925 = tpu.memref_slice %arg6[%dma_start3A_922, %dma_start3A_923, %dma_start3A_924] : memref<5x2x128xi32, #tpu.memory_space<vmem>> -> memref<1x1x128xi32, #tpu.memory_space<vmem>>
    %dma_start3A_926 = tpu.memref_squeeze %dma_start3A_925 : memref<1x1x128xi32, #tpu.memory_space<vmem>> -> memref<128xi32, #tpu.memory_space<vmem>>
    %dma_start3A_927 = tpu.memref_slice %arg3[%add3A_911] : memref<819200xi32, #tpu.memory_space<hbm>> -> memref<128xi32, #tpu.memory_space<hbm>>
    %dma_start3A_928 = arith.constant 0 : i32
    %dma_start3A_929 = tpu.memref_slice %arg6[%dma_start3A_922, %dma_start3A_923, %dma_start3A_928] : memref<5x2x128xi32, #tpu.memory_space<vmem>> -> memref<1x1x128xi32, #tpu.memory_space<vmem>>
    %dma_start3A_930 = tpu.memref_squeeze %dma_start3A_929 : memref<1x1x128xi32, #tpu.memory_space<vmem>> -> memref<128xi32, #tpu.memory_space<vmem>>
    %dma_start3A_931 = tpu.memref_slice %arg3[%add3A_911] : memref<819200xi32, #tpu.memory_space<hbm>> -> memref<128xi32, #tpu.memory_space<hbm>>
    tpu.enqueue_dma source(%dma_start3A_931 : memref<128xi32, #tpu.memory_space<hbm>>) target(%dma_start3A_930 : memref<128xi32, #tpu.memory_space<vmem>>) target_semaphore(%arg12 : memref<!tpu.dma_semaphore, #tpu.memory_space<semaphore_mem>>)
    %dma_start3A_932 = arith.constant 2 : i32
    %dma_start3A_933 = arith.constant 0 : i32
    %dma_start3A_934 = arith.constant 2 : i32
    %dma_start3A_935 = arith.constant 0 : i32
    %dma_start3A_936 = arith.constant 0 : i32
    %dma_start3A_937 = tpu.memref_slice %arg8[%dma_start3A_934, %dma_start3A_935, %dma_start3A_936] : memref<5x128x128xf32, #tpu.memory_space<vmem>> -> memref<1x128x128xf32, #tpu.memory_space<vmem>>
    %dma_start3A_938 = tpu.memref_squeeze %dma_start3A_937 : memref<1x128x128xf32, #tpu.memory_space<vmem>> -> memref<128x128xf32, #tpu.memory_space<vmem>>
    %dma_start3A_939 = arith.constant 0 : i32
    %dma_start3A_940 = tpu.memref_slice %arg7[%dma_start3A_932, %dma_start3A_933, %dma_start3A_939] : memref<5x1x128xi32, #tpu.memory_space<vmem>> -> memref<1x1x128xi32, #tpu.memory_space<vmem>>
    %dma_start3A_941 = tpu.memref_squeeze %dma_start3A_940 : memref<1x1x128xi32, #tpu.memory_space<vmem>> -> memref<128xi32, #tpu.memory_space<vmem>>
    %dma_start3A_942 = arith.constant 0 : i32
    %dma_start3A_943 = arith.constant 0 : i32
    %dma_start3A_944 = tpu.memref_slice %arg9[%dma_start3A_942, %dma_start3A_943] : memref<168x128xf32, #tpu.memory_space<vmem_shared>> -> memref<168x128xf32, #tpu.memory_space<vmem_shared>>
    tpu.enqueue_indirect_dma source(%dma_start3A_944 : memref<168x128xf32, #tpu.memory_space<vmem_shared>>) target(%dma_start3A_938 : memref<128x128xf32, #tpu.memory_space<vmem>>) offsets(%dma_start3A_941 : memref<128xi32, #tpu.memory_space<vmem>>) semaphore(%arg17 : memref<!tpu.dma_semaphore, #tpu.memory_space<semaphore_mem>>)
    %dma_wait3A_945 = arith.constant 1 : i32
    %dma_wait3A_946 = arith.constant 0 : i32
    %dma_wait3A_947 = arith.constant 1 : i32
    %dma_wait3A_948 = arith.constant 0 : i32
    %dma_wait3A_949 = arith.constant 0 : i32
    %dma_wait3A_950 = tpu.memref_slice %arg8[%dma_wait3A_947, %dma_wait3A_948, %dma_wait3A_949] : memref<5x128x128xf32, #tpu.memory_space<vmem>> -> memref<1x128x128xf32, #tpu.memory_space<vmem>>
    %dma_wait3A_951 = tpu.memref_squeeze %dma_wait3A_950 : memref<1x128x128xf32, #tpu.memory_space<vmem>> -> memref<128x128xf32, #tpu.memory_space<vmem>>
    %dma_wait3A_952 = arith.constant 0 : i32
    %dma_wait3A_953 = tpu.memref_slice %arg7[%dma_wait3A_945, %dma_wait3A_946, %dma_wait3A_952] : memref<5x1x128xi32, #tpu.memory_space<vmem>> -> memref<1x1x128xi32, #tpu.memory_space<vmem>>
    %dma_wait3A_954 = tpu.memref_squeeze %dma_wait3A_953 : memref<1x1x128xi32, #tpu.memory_space<vmem>> -> memref<128xi32, #tpu.memory_space<vmem>>
    %dma_wait3A_955 = arith.constant 0 : i32
    %dma_wait3A_956 = arith.constant 0 : i32
    %dma_wait3A_957 = tpu.memref_slice %arg9[%dma_wait3A_955, %dma_wait3A_956] : memref<168x128xf32, #tpu.memory_space<vmem_shared>> -> memref<168x128xf32, #tpu.memory_space<vmem_shared>>
    tpu.wait_indirect_dma semaphore(%arg16 : memref<!tpu.dma_semaphore, #tpu.memory_space<semaphore_mem>>) src(%dma_wait3A_957 : memref<168x128xf32, #tpu.memory_space<vmem_shared>>) dst(%dma_wait3A_951 : memref<128x128xf32, #tpu.memory_space<vmem>>)
    %add3A_958 = arith.constant 128 : i32
    %add3A_959 = arith.addi %mul3A_2, %add3A_958 : i32
    %dma_start3A_960 = arith.constant 1 : i32
    %dma_start3A_961 = arith.constant 0 : i32
    %dma_start3A_962 = arith.constant 0 : i32
    %dma_start3A_963 = tpu.memref_slice %arg8[%dma_start3A_960, %dma_start3A_961, %dma_start3A_962] : memref<5x128x128xf32, #tpu.memory_space<vmem>> -> memref<1x128x128xf32, #tpu.memory_space<vmem>>
    %dma_start3A_964 = tpu.memref_squeeze %dma_start3A_963 : memref<1x128x128xf32, #tpu.memory_space<vmem>> -> memref<128x128xf32, #tpu.memory_space<vmem>>
    %dma_start3A_965 = arith.constant 0 : i32
    %dma_start3A_966 = tpu.memref_slice %arg5[%add3A_959, %dma_start3A_965] : memref<819200x128xf32, #tpu.memory_space<hbm>> -> memref<128x128xf32, #tpu.memory_space<hbm>>
    %dma_start3A_967 = arith.constant 0 : i32
    %dma_start3A_968 = tpu.memref_slice %arg5[%add3A_959, %dma_start3A_967] : memref<819200x128xf32, #tpu.memory_space<hbm>> -> memref<128x128xf32, #tpu.memory_space<hbm>>
    %dma_start3A_969 = arith.constant 0 : i32
    %dma_start3A_970 = arith.constant 0 : i32
    %dma_start3A_971 = tpu.memref_slice %arg8[%dma_start3A_960, %dma_start3A_969, %dma_start3A_970] : memref<5x128x128xf32, #tpu.memory_space<vmem>> -> memref<1x128x128xf32, #tpu.memory_space<vmem>>
    %dma_start3A_972 = tpu.memref_squeeze %dma_start3A_971 : memref<1x128x128xf32, #tpu.memory_space<vmem>> -> memref<128x128xf32, #tpu.memory_space<vmem>>
    tpu.enqueue_dma source(%dma_start3A_972 : memref<128x128xf32, #tpu.memory_space<vmem>>) target(%dma_start3A_968 : memref<128x128xf32, #tpu.memory_space<hbm>>) target_semaphore(%arg21 : memref<!tpu.dma_semaphore, #tpu.memory_space<semaphore_mem>>)
    %add3A_973 = arith.constant 384 : i32
    %add3A_974 = arith.addi %mul3A_2, %add3A_973 : i32
    %dma_wait3A_975 = arith.constant 3 : i32
    %dma_wait3A_976 = arith.constant 0 : i32
    %dma_wait3A_977 = arith.constant 0 : i32
    %dma_wait3A_978 = tpu.memref_slice %arg6[%dma_wait3A_975, %dma_wait3A_976, %dma_wait3A_977] : memref<5x2x128xi32, #tpu.memory_space<vmem>> -> memref<1x1x128xi32, #tpu.memory_space<vmem>>
    %dma_wait3A_979 = tpu.memref_squeeze %dma_wait3A_978 : memref<1x1x128xi32, #tpu.memory_space<vmem>> -> memref<128xi32, #tpu.memory_space<vmem>>
    %dma_wait3A_980 = tpu.memref_slice %arg2[%add3A_974] : memref<819200xi32, #tpu.memory_space<hbm>> -> memref<128xi32, #tpu.memory_space<hbm>>
    %dma_wait3A_981 = arith.constant 0 : i32
    %dma_wait3A_982 = tpu.memref_slice %arg6[%dma_wait3A_975, %dma_wait3A_976, %dma_wait3A_981] : memref<5x2x128xi32, #tpu.memory_space<vmem>> -> memref<1x1x128xi32, #tpu.memory_space<vmem>>
    %dma_wait3A_983 = tpu.memref_squeeze %dma_wait3A_982 : memref<1x1x128xi32, #tpu.memory_space<vmem>> -> memref<128xi32, #tpu.memory_space<vmem>>
    %dma_wait3A_984 = tpu.memref_slice %arg2[%add3A_974] : memref<819200xi32, #tpu.memory_space<hbm>> -> memref<128xi32, #tpu.memory_space<hbm>>
    tpu.wait_dma2 semaphore(%arg13 : memref<!tpu.dma_semaphore, #tpu.memory_space<semaphore_mem>>) src(%dma_wait3A_984 : memref<128xi32, #tpu.memory_space<hbm>>) dst(%dma_wait3A_983 : memref<128xi32, #tpu.memory_space<vmem>>)
    %dma_wait3A_985 = arith.constant 3 : i32
    %dma_wait3A_986 = arith.constant 1 : i32
    %dma_wait3A_987 = arith.constant 0 : i32
    %dma_wait3A_988 = tpu.memref_slice %arg6[%dma_wait3A_985, %dma_wait3A_986, %dma_wait3A_987] : memref<5x2x128xi32, #tpu.memory_space<vmem>> -> memref<1x1x128xi32, #tpu.memory_space<vmem>>
    %dma_wait3A_989 = tpu.memref_squeeze %dma_wait3A_988 : memref<1x1x128xi32, #tpu.memory_space<vmem>> -> memref<128xi32, #tpu.memory_space<vmem>>
    %dma_wait3A_990 = tpu.memref_slice %arg3[%add3A_974] : memref<819200xi32, #tpu.memory_space<hbm>> -> memref<128xi32, #tpu.memory_space<hbm>>
    %dma_wait3A_991 = arith.constant 0 : i32
    %dma_wait3A_992 = tpu.memref_slice %arg6[%dma_wait3A_985, %dma_wait3A_986, %dma_wait3A_991] : memref<5x2x128xi32, #tpu.memory_space<vmem>> -> memref<1x1x128xi32, #tpu.memory_space<vmem>>
    %dma_wait3A_993 = tpu.memref_squeeze %dma_wait3A_992 : memref<1x1x128xi32, #tpu.memory_space<vmem>> -> memref<128xi32, #tpu.memory_space<vmem>>
    %dma_wait3A_994 = tpu.memref_slice %arg3[%add3A_974] : memref<819200xi32, #tpu.memory_space<hbm>> -> memref<128xi32, #tpu.memory_space<hbm>>
    tpu.wait_dma2 semaphore(%arg13 : memref<!tpu.dma_semaphore, #tpu.memory_space<semaphore_mem>>) src(%dma_wait3A_994 : memref<128xi32, #tpu.memory_space<hbm>>) dst(%dma_wait3A_993 : memref<128xi32, #tpu.memory_space<vmem>>)
    %get3A_995 = arith.constant 3 : i32
    %get3A_996 = arith.constant 0 : i32
    %get3A_997 = arith.index_cast %get3A_995 : i32 to index
    %get3A_998 = arith.index_cast %get3A_996 : i32 to index
    %get3A_999 = arith.constant 0 : index
    %get3A_1000 = tpu.vector_load %arg6[%get3A_997, %get3A_998, %get3A_999] {strides = array<i32>} : memref<5x2x128xi32, #tpu.memory_space<vmem>>, vector<1x1x16xi32>,
    %get3A_1001 = vector.shape_cast %get3A_1000 : vector<1x1x16xi32> to vector<16xi32>
    %get3A_1002 = arith.constant 3 : i32
    %get3A_1003 = arith.constant 1 : i32
    %get3A_1004 = arith.index_cast %get3A_1002 : i32 to index
    %get3A_1005 = arith.index_cast %get3A_1003 : i32 to index
    %get3A_1006 = arith.constant 0 : index
    %get3A_1007 = tpu.vector_load %arg6[%get3A_1004, %get3A_1005, %get3A_1006] {strides = array<i32>} : memref<5x2x128xi32, #tpu.memory_space<vmem>>, vector<1x1x16xi32>,
    %get3A_1008 = vector.shape_cast %get3A_1007 : vector<1x1x16xi32> to vector<16xi32>
    %mul3A_1009 = arith.constant 7 : i32
    %mul3A_1010 = vector.broadcast %mul3A_1009 : i32 to vector<16xi32>
    %mul3A_1011 = arith.muli %get3A_1001, %mul3A_1010 : vector<16xi32>
    %add3A_1012 = arith.addi %mul3A_1011, %get3A_1008 : vector<16xi32>
    %swap3A_1013 = arith.constant 3 : i32
    %swap3A_1014 = arith.constant 0 : i32
    %swap3A_1015 = arith.index_cast %swap3A_1013 : i32 to index
    %swap3A_1016 = arith.index_cast %swap3A_1014 : i32 to index
    %swap3A_1017 = arith.constant 0 : index
    %swap3A_1018 = tpu.vector_load %arg7[%swap3A_1015, %swap3A_1016, %swap3A_1017] {strides = array<i32>} : memref<5x1x128xi32, #tpu.memory_space<vmem>>, vector<1x1x16xi32>,
    %swap3A_1019 = vector.shape_cast %swap3A_1018 : vector<1x1x16xi32> to vector<16xi32>
    %swap3A_1020 = vector.shape_cast %add3A_1012 : vector<16xi32> to vector<1x1x16xi32>
    tpu.vector_store %arg7[%swap3A_1015, %swap3A_1016, %swap3A_1017], %swap3A_1020 {strides = array<i32>} : memref<5x1x128xi32, #tpu.memory_space<vmem>>, vector<1x1x16xi32>,
    %get3A_1021 = arith.constant 3 : i32
    %get3A_1022 = arith.constant 0 : i32
    %get3A_1023 = arith.index_cast %get3A_1021 : i32 to index
    %get3A_1024 = arith.index_cast %get3A_1022 : i32 to index
    %get3A_1025 = arith.constant 16 : index
    %get3A_1026 = tpu.vector_load %arg6[%get3A_1023, %get3A_1024, %get3A_1025] {strides = array<i32>} : memref<5x2x128xi32, #tpu.memory_space<vmem>>, vector<1x1x16xi32>,
    %get3A_1027 = vector.shape_cast %get3A_1026 : vector<1x1x16xi32> to vector<16xi32>
    %get3A_1028 = arith.constant 3 : i32
    %get3A_1029 = arith.constant 1 : i32
    %get3A_1030 = arith.index_cast %get3A_1028 : i32 to index
    %get3A_1031 = arith.index_cast %get3A_1029 : i32 to index
    %get3A_1032 = arith.constant 16 : index
    %get3A_1033 = tpu.vector_load %arg6[%get3A_1030, %get3A_1031, %get3A_1032] {strides = array<i32>} : memref<5x2x128xi32, #tpu.memory_space<vmem>>, vector<1x1x16xi32>,
    %get3A_1034 = vector.shape_cast %get3A_1033 : vector<1x1x16xi32> to vector<16xi32>
    %mul3A_1035 = arith.constant 7 : i32
    %mul3A_1036 = vector.broadcast %mul3A_1035 : i32 to vector<16xi32>
    %mul3A_1037 = arith.muli %get3A_1027, %mul3A_1036 : vector<16xi32>
    %add3A_1038 = arith.addi %mul3A_1037, %get3A_1034 : vector<16xi32>
    %swap3A_1039 = arith.constant 3 : i32
    %swap3A_1040 = arith.constant 0 : i32
    %swap3A_1041 = arith.index_cast %swap3A_1039 : i32 to index
    %swap3A_1042 = arith.index_cast %swap3A_1040 : i32 to index
    %swap3A_1043 = arith.constant 16 : index
    %swap3A_1044 = tpu.vector_load %arg7[%swap3A_1041, %swap3A_1042, %swap3A_1043] {strides = array<i32>} : memref<5x1x128xi32, #tpu.memory_space<vmem>>, vector<1x1x16xi32>,
    %swap3A_1045 = vector.shape_cast %swap3A_1044 : vector<1x1x16xi32> to vector<16xi32>
    %swap3A_1046 = vector.shape_cast %add3A_1038 : vector<16xi32> to vector<1x1x16xi32>
    tpu.vector_store %arg7[%swap3A_1041, %swap3A_1042, %swap3A_1043], %swap3A_1046 {strides = array<i32>} : memref<5x1x128xi32, #tpu.memory_space<vmem>>, vector<1x1x16xi32>,
    %get3A_1047 = arith.constant 3 : i32
    %get3A_1048 = arith.constant 0 : i32
    %get3A_1049 = arith.index_cast %get3A_1047 : i32 to index
    %get3A_1050 = arith.index_cast %get3A_1048 : i32 to index
    %get3A_1051 = arith.constant 32 : index
    %get3A_1052 = tpu.vector_load %arg6[%get3A_1049, %get3A_1050, %get3A_1051] {strides = array<i32>} : memref<5x2x128xi32, #tpu.memory_space<vmem>>, vector<1x1x16xi32>,
    %get3A_1053 = vector.shape_cast %get3A_1052 : vector<1x1x16xi32> to vector<16xi32>
    %get3A_1054 = arith.constant 3 : i32
    %get3A_1055 = arith.constant 1 : i32
    %get3A_1056 = arith.index_cast %get3A_1054 : i32 to index
    %get3A_1057 = arith.index_cast %get3A_1055 : i32 to index
    %get3A_1058 = arith.constant 32 : index
    %get3A_1059 = tpu.vector_load %arg6[%get3A_1056, %get3A_1057, %get3A_1058] {strides = array<i32>} : memref<5x2x128xi32, #tpu.memory_space<vmem>>, vector<1x1x16xi32>,
    %get3A_1060 = vector.shape_cast %get3A_1059 : vector<1x1x16xi32> to vector<16xi32>
    %mul3A_1061 = arith.constant 7 : i32
    %mul3A_1062 = vector.broadcast %mul3A_1061 : i32 to vector<16xi32>
    %mul3A_1063 = arith.muli %get3A_1053, %mul3A_1062 : vector<16xi32>
    %add3A_1064 = arith.addi %mul3A_1063, %get3A_1060 : vector<16xi32>
    %swap3A_1065 = arith.constant 3 : i32
    %swap3A_1066 = arith.constant 0 : i32
    %swap3A_1067 = arith.index_cast %swap3A_1065 : i32 to index
    %swap3A_1068 = arith.index_cast %swap3A_1066 : i32 to index
    %swap3A_1069 = arith.constant 32 : index
    %swap3A_1070 = tpu.vector_load %arg7[%swap3A_1067, %swap3A_1068, %swap3A_1069] {strides = array<i32>} : memref<5x1x128xi32, #tpu.memory_space<vmem>>, vector<1x1x16xi32>,
    %swap3A_1071 = vector.shape_cast %swap3A_1070 : vector<1x1x16xi32> to vector<16xi32>
    %swap3A_1072 = vector.shape_cast %add3A_1064 : vector<16xi32> to vector<1x1x16xi32>
    tpu.vector_store %arg7[%swap3A_1067, %swap3A_1068, %swap3A_1069], %swap3A_1072 {strides = array<i32>} : memref<5x1x128xi32, #tpu.memory_space<vmem>>, vector<1x1x16xi32>,
    %get3A_1073 = arith.constant 3 : i32
    %get3A_1074 = arith.constant 0 : i32
    %get3A_1075 = arith.index_cast %get3A_1073 : i32 to index
    %get3A_1076 = arith.index_cast %get3A_1074 : i32 to index
    %get3A_1077 = arith.constant 48 : index
    %get3A_1078 = tpu.vector_load %arg6[%get3A_1075, %get3A_1076, %get3A_1077] {strides = array<i32>} : memref<5x2x128xi32, #tpu.memory_space<vmem>>, vector<1x1x16xi32>,
    %get3A_1079 = vector.shape_cast %get3A_1078 : vector<1x1x16xi32> to vector<16xi32>
    %get3A_1080 = arith.constant 3 : i32
    %get3A_1081 = arith.constant 1 : i32
    %get3A_1082 = arith.index_cast %get3A_1080 : i32 to index
    %get3A_1083 = arith.index_cast %get3A_1081 : i32 to index
    %get3A_1084 = arith.constant 48 : index
    %get3A_1085 = tpu.vector_load %arg6[%get3A_1082, %get3A_1083, %get3A_1084] {strides = array<i32>} : memref<5x2x128xi32, #tpu.memory_space<vmem>>, vector<1x1x16xi32>,
    %get3A_1086 = vector.shape_cast %get3A_1085 : vector<1x1x16xi32> to vector<16xi32>
    %mul3A_1087 = arith.constant 7 : i32
    %mul3A_1088 = vector.broadcast %mul3A_1087 : i32 to vector<16xi32>
    %mul3A_1089 = arith.muli %get3A_1079, %mul3A_1088 : vector<16xi32>
    %add3A_1090 = arith.addi %mul3A_1089, %get3A_1086 : vector<16xi32>
    %swap3A_1091 = arith.constant 3 : i32
    %swap3A_1092 = arith.constant 0 : i32
    %swap3A_1093 = arith.index_cast %swap3A_1091 : i32 to index
    %swap3A_1094 = arith.index_cast %swap3A_1092 : i32 to index
    %swap3A_1095 = arith.constant 48 : index
    %swap3A_1096 = tpu.vector_load %arg7[%swap3A_1093, %swap3A_1094, %swap3A_1095] {strides = array<i32>} : memref<5x1x128xi32, #tpu.memory_space<vmem>>, vector<1x1x16xi32>,
    %swap3A_1097 = vector.shape_cast %swap3A_1096 : vector<1x1x16xi32> to vector<16xi32>
    %swap3A_1098 = vector.shape_cast %add3A_1090 : vector<16xi32> to vector<1x1x16xi32>
    tpu.vector_store %arg7[%swap3A_1093, %swap3A_1094, %swap3A_1095], %swap3A_1098 {strides = array<i32>} : memref<5x1x128xi32, #tpu.memory_space<vmem>>, vector<1x1x16xi32>,
    %get3A_1099 = arith.constant 3 : i32
    %get3A_1100 = arith.constant 0 : i32
    %get3A_1101 = arith.index_cast %get3A_1099 : i32 to index
    %get3A_1102 = arith.index_cast %get3A_1100 : i32 to index
    %get3A_1103 = arith.constant 64 : index
    %get3A_1104 = tpu.vector_load %arg6[%get3A_1101, %get3A_1102, %get3A_1103] {strides = array<i32>} : memref<5x2x128xi32, #tpu.memory_space<vmem>>, vector<1x1x16xi32>,
    %get3A_1105 = vector.shape_cast %get3A_1104 : vector<1x1x16xi32> to vector<16xi32>
    %get3A_1106 = arith.constant 3 : i32
    %get3A_1107 = arith.constant 1 : i32
    %get3A_1108 = arith.index_cast %get3A_1106 : i32 to index
    %get3A_1109 = arith.index_cast %get3A_1107 : i32 to index
    %get3A_1110 = arith.constant 64 : index
    %get3A_1111 = tpu.vector_load %arg6[%get3A_1108, %get3A_1109, %get3A_1110] {strides = array<i32>} : memref<5x2x128xi32, #tpu.memory_space<vmem>>, vector<1x1x16xi32>,
    %get3A_1112 = vector.shape_cast %get3A_1111 : vector<1x1x16xi32> to vector<16xi32>
    %mul3A_1113 = arith.constant 7 : i32
    %mul3A_1114 = vector.broadcast %mul3A_1113 : i32 to vector<16xi32>
    %mul3A_1115 = arith.muli %get3A_1105, %mul3A_1114 : vector<16xi32>
    %add3A_1116 = arith.addi %mul3A_1115, %get3A_1112 : vector<16xi32>
    %swap3A_1117 = arith.constant 3 : i32
    %swap3A_1118 = arith.constant 0 : i32
    %swap3A_1119 = arith.index_cast %swap3A_1117 : i32 to index
    %swap3A_1120 = arith.index_cast %swap3A_1118 : i32 to index
    %swap3A_1121 = arith.constant 64 : index
    %swap3A_1122 = tpu.vector_load %arg7[%swap3A_1119, %swap3A_1120, %swap3A_1121] {strides = array<i32>} : memref<5x1x128xi32, #tpu.memory_space<vmem>>, vector<1x1x16xi32>,
    %swap3A_1123 = vector.shape_cast %swap3A_1122 : vector<1x1x16xi32> to vector<16xi32>
    %swap3A_1124 = vector.shape_cast %add3A_1116 : vector<16xi32> to vector<1x1x16xi32>
    tpu.vector_store %arg7[%swap3A_1119, %swap3A_1120, %swap3A_1121], %swap3A_1124 {strides = array<i32>} : memref<5x1x128xi32, #tpu.memory_space<vmem>>, vector<1x1x16xi32>,
    %get3A_1125 = arith.constant 3 : i32
    %get3A_1126 = arith.constant 0 : i32
    %get3A_1127 = arith.index_cast %get3A_1125 : i32 to index
    %get3A_1128 = arith.index_cast %get3A_1126 : i32 to index
    %get3A_1129 = arith.constant 80 : index
    %get3A_1130 = tpu.vector_load %arg6[%get3A_1127, %get3A_1128, %get3A_1129] {strides = array<i32>} : memref<5x2x128xi32, #tpu.memory_space<vmem>>, vector<1x1x16xi32>,
    %get3A_1131 = vector.shape_cast %get3A_1130 : vector<1x1x16xi32> to vector<16xi32>
    %get3A_1132 = arith.constant 3 : i32
    %get3A_1133 = arith.constant 1 : i32
    %get3A_1134 = arith.index_cast %get3A_1132 : i32 to index
    %get3A_1135 = arith.index_cast %get3A_1133 : i32 to index
    %get3A_1136 = arith.constant 80 : index
    %get3A_1137 = tpu.vector_load %arg6[%get3A_1134, %get3A_1135, %get3A_1136] {strides = array<i32>} : memref<5x2x128xi32, #tpu.memory_space<vmem>>, vector<1x1x16xi32>,
    %get3A_1138 = vector.shape_cast %get3A_1137 : vector<1x1x16xi32> to vector<16xi32>
    %mul3A_1139 = arith.constant 7 : i32
    %mul3A_1140 = vector.broadcast %mul3A_1139 : i32 to vector<16xi32>
    %mul3A_1141 = arith.muli %get3A_1131, %mul3A_1140 : vector<16xi32>
    %add3A_1142 = arith.addi %mul3A_1141, %get3A_1138 : vector<16xi32>
    %swap3A_1143 = arith.constant 3 : i32
    %swap3A_1144 = arith.constant 0 : i32
    %swap3A_1145 = arith.index_cast %swap3A_1143 : i32 to index
    %swap3A_1146 = arith.index_cast %swap3A_1144 : i32 to index
    %swap3A_1147 = arith.constant 80 : index
    %swap3A_1148 = tpu.vector_load %arg7[%swap3A_1145, %swap3A_1146, %swap3A_1147] {strides = array<i32>} : memref<5x1x128xi32, #tpu.memory_space<vmem>>, vector<1x1x16xi32>,
    %swap3A_1149 = vector.shape_cast %swap3A_1148 : vector<1x1x16xi32> to vector<16xi32>
    %swap3A_1150 = vector.shape_cast %add3A_1142 : vector<16xi32> to vector<1x1x16xi32>
    tpu.vector_store %arg7[%swap3A_1145, %swap3A_1146, %swap3A_1147], %swap3A_1150 {strides = array<i32>} : memref<5x1x128xi32, #tpu.memory_space<vmem>>, vector<1x1x16xi32>,
    %get3A_1151 = arith.constant 3 : i32
    %get3A_1152 = arith.constant 0 : i32
    %get3A_1153 = arith.index_cast %get3A_1151 : i32 to index
    %get3A_1154 = arith.index_cast %get3A_1152 : i32 to index
    %get3A_1155 = arith.constant 96 : index
    %get3A_1156 = tpu.vector_load %arg6[%get3A_1153, %get3A_1154, %get3A_1155] {strides = array<i32>} : memref<5x2x128xi32, #tpu.memory_space<vmem>>, vector<1x1x16xi32>,
    %get3A_1157 = vector.shape_cast %get3A_1156 : vector<1x1x16xi32> to vector<16xi32>
    %get3A_1158 = arith.constant 3 : i32
    %get3A_1159 = arith.constant 1 : i32
    %get3A_1160 = arith.index_cast %get3A_1158 : i32 to index
    %get3A_1161 = arith.index_cast %get3A_1159 : i32 to index
    %get3A_1162 = arith.constant 96 : index
    %get3A_1163 = tpu.vector_load %arg6[%get3A_1160, %get3A_1161, %get3A_1162] {strides = array<i32>} : memref<5x2x128xi32, #tpu.memory_space<vmem>>, vector<1x1x16xi32>,
    %get3A_1164 = vector.shape_cast %get3A_1163 : vector<1x1x16xi32> to vector<16xi32>
    %mul3A_1165 = arith.constant 7 : i32
    %mul3A_1166 = vector.broadcast %mul3A_1165 : i32 to vector<16xi32>
    %mul3A_1167 = arith.muli %get3A_1157, %mul3A_1166 : vector<16xi32>
    %add3A_1168 = arith.addi %mul3A_1167, %get3A_1164 : vector<16xi32>
    %swap3A_1169 = arith.constant 3 : i32
    %swap3A_1170 = arith.constant 0 : i32
    %swap3A_1171 = arith.index_cast %swap3A_1169 : i32 to index
    %swap3A_1172 = arith.index_cast %swap3A_1170 : i32 to index
    %swap3A_1173 = arith.constant 96 : index
    %swap3A_1174 = tpu.vector_load %arg7[%swap3A_1171, %swap3A_1172, %swap3A_1173] {strides = array<i32>} : memref<5x1x128xi32, #tpu.memory_space<vmem>>, vector<1x1x16xi32>,
    %swap3A_1175 = vector.shape_cast %swap3A_1174 : vector<1x1x16xi32> to vector<16xi32>
    %swap3A_1176 = vector.shape_cast %add3A_1168 : vector<16xi32> to vector<1x1x16xi32>
    tpu.vector_store %arg7[%swap3A_1171, %swap3A_1172, %swap3A_1173], %swap3A_1176 {strides = array<i32>} : memref<5x1x128xi32, #tpu.memory_space<vmem>>, vector<1x1x16xi32>,
    %get3A_1177 = arith.constant 3 : i32
    %get3A_1178 = arith.constant 0 : i32
    %get3A_1179 = arith.index_cast %get3A_1177 : i32 to index
    %get3A_1180 = arith.index_cast %get3A_1178 : i32 to index
    %get3A_1181 = arith.constant 112 : index
    %get3A_1182 = tpu.vector_load %arg6[%get3A_1179, %get3A_1180, %get3A_1181] {strides = array<i32>} : memref<5x2x128xi32, #tpu.memory_space<vmem>>, vector<1x1x16xi32>,
    %get3A_1183 = vector.shape_cast %get3A_1182 : vector<1x1x16xi32> to vector<16xi32>
    %get3A_1184 = arith.constant 3 : i32
    %get3A_1185 = arith.constant 1 : i32
    %get3A_1186 = arith.index_cast %get3A_1184 : i32 to index
    %get3A_1187 = arith.index_cast %get3A_1185 : i32 to index
    %get3A_1188 = arith.constant 112 : index
    %get3A_1189 = tpu.vector_load %arg6[%get3A_1186, %get3A_1187, %get3A_1188] {strides = array<i32>} : memref<5x2x128xi32, #tpu.memory_space<vmem>>, vector<1x1x16xi32>,
    %get3A_1190 = vector.shape_cast %get3A_1189 : vector<1x1x16xi32> to vector<16xi32>
    %mul3A_1191 = arith.constant 7 : i32
    %mul3A_1192 = vector.broadcast %mul3A_1191 : i32 to vector<16xi32>
    %mul3A_1193 = arith.muli %get3A_1183, %mul3A_1192 : vector<16xi32>
    %add3A_1194 = arith.addi %mul3A_1193, %get3A_1190 : vector<16xi32>
    %swap3A_1195 = arith.constant 3 : i32
    %swap3A_1196 = arith.constant 0 : i32
    %swap3A_1197 = arith.index_cast %swap3A_1195 : i32 to index
    %swap3A_1198 = arith.index_cast %swap3A_1196 : i32 to index
    %swap3A_1199 = arith.constant 112 : index
    %swap3A_1200 = tpu.vector_load %arg7[%swap3A_1197, %swap3A_1198, %swap3A_1199] {strides = array<i32>} : memref<5x1x128xi32, #tpu.memory_space<vmem>>, vector<1x1x16xi32>,
    %swap3A_1201 = vector.shape_cast %swap3A_1200 : vector<1x1x16xi32> to vector<16xi32>
    %swap3A_1202 = vector.shape_cast %add3A_1194 : vector<16xi32> to vector<1x1x16xi32>
    tpu.vector_store %arg7[%swap3A_1197, %swap3A_1198, %swap3A_1199], %swap3A_1202 {strides = array<i32>} : memref<5x1x128xi32, #tpu.memory_space<vmem>>, vector<1x1x16xi32>,
    %min3A_1203 = arith.constant 8 : i32
    %min3A_1204 = arith.constant 199 : i32
    %min3A_1205 = arith.minsi %min3A_1203, %min3A_1204 : i32
    %mul3A_1206 = arith.constant 128 : i32
    %mul3A_1207 = arith.muli %min3A_1205, %mul3A_1206 : i32
    %add3A_1208 = arith.addi %mul3A_2, %mul3A_1207 : i32
    %dma_start3A_1209 = arith.constant 3 : i32
    %dma_start3A_1210 = arith.constant 0 : i32
    %dma_start3A_1211 = arith.constant 0 : i32
    %dma_start3A_1212 = tpu.memref_slice %arg6[%dma_start3A_1209, %dma_start3A_1210, %dma_start3A_1211] : memref<5x2x128xi32, #tpu.memory_space<vmem>> -> memref<1x1x128xi32, #tpu.memory_space<vmem>>
    %dma_start3A_1213 = tpu.memref_squeeze %dma_start3A_1212 : memref<1x1x128xi32, #tpu.memory_space<vmem>> -> memref<128xi32, #tpu.memory_space<vmem>>
    %dma_start3A_1214 = tpu.memref_slice %arg2[%add3A_1208] : memref<819200xi32, #tpu.memory_space<hbm>> -> memref<128xi32, #tpu.memory_space<hbm>>
    %dma_start3A_1215 = arith.constant 0 : i32
    %dma_start3A_1216 = tpu.memref_slice %arg6[%dma_start3A_1209, %dma_start3A_1210, %dma_start3A_1215] : memref<5x2x128xi32, #tpu.memory_space<vmem>> -> memref<1x1x128xi32, #tpu.memory_space<vmem>>
    %dma_start3A_1217 = tpu.memref_squeeze %dma_start3A_1216 : memref<1x1x128xi32, #tpu.memory_space<vmem>> -> memref<128xi32, #tpu.memory_space<vmem>>
    %dma_start3A_1218 = tpu.memref_slice %arg2[%add3A_1208] : memref<819200xi32, #tpu.memory_space<hbm>> -> memref<128xi32, #tpu.memory_space<hbm>>
    tpu.enqueue_dma source(%dma_start3A_1218 : memref<128xi32, #tpu.memory_space<hbm>>) target(%dma_start3A_1217 : memref<128xi32, #tpu.memory_space<vmem>>) target_semaphore(%arg13 : memref<!tpu.dma_semaphore, #tpu.memory_space<semaphore_mem>>)
    %dma_start3A_1219 = arith.constant 3 : i32
    %dma_start3A_1220 = arith.constant 1 : i32
    %dma_start3A_1221 = arith.constant 0 : i32
    %dma_start3A_1222 = tpu.memref_slice %arg6[%dma_start3A_1219, %dma_start3A_1220, %dma_start3A_1221] : memref<5x2x128xi32, #tpu.memory_space<vmem>> -> memref<1x1x128xi32, #tpu.memory_space<vmem>>
    %dma_start3A_1223 = tpu.memref_squeeze %dma_start3A_1222 : memref<1x1x128xi32, #tpu.memory_space<vmem>> -> memref<128xi32, #tpu.memory_space<vmem>>
    %dma_start3A_1224 = tpu.memref_slice %arg3[%add3A_1208] : memref<819200xi32, #tpu.memory_space<hbm>> -> memref<128xi32, #tpu.memory_space<hbm>>
    %dma_start3A_1225 = arith.constant 0 : i32
    %dma_start3A_1226 = tpu.memref_slice %arg6[%dma_start3A_1219, %dma_start3A_1220, %dma_start3A_1225] : memref<5x2x128xi32, #tpu.memory_space<vmem>> -> memref<1x1x128xi32, #tpu.memory_space<vmem>>
    %dma_start3A_1227 = tpu.memref_squeeze %dma_start3A_1226 : memref<1x1x128xi32, #tpu.memory_space<vmem>> -> memref<128xi32, #tpu.memory_space<vmem>>
    %dma_start3A_1228 = tpu.memref_slice %arg3[%add3A_1208] : memref<819200xi32, #tpu.memory_space<hbm>> -> memref<128xi32, #tpu.memory_space<hbm>>
    tpu.enqueue_dma source(%dma_start3A_1228 : memref<128xi32, #tpu.memory_space<hbm>>) target(%dma_start3A_1227 : memref<128xi32, #tpu.memory_space<vmem>>) target_semaphore(%arg13 : memref<!tpu.dma_semaphore, #tpu.memory_space<semaphore_mem>>)
    %dma_start3A_1229 = arith.constant 3 : i32
    %dma_start3A_1230 = arith.constant 0 : i32
    %dma_start3A_1231 = arith.constant 3 : i32
    %dma_start3A_1232 = arith.constant 0 : i32
    %dma_start3A_1233 = arith.constant 0 : i32
    %dma_start3A_1234 = tpu.memref_slice %arg8[%dma_start3A_1231, %dma_start3A_1232, %dma_start3A_1233] : memref<5x128x128xf32, #tpu.memory_space<vmem>> -> memref<1x128x128xf32, #tpu.memory_space<vmem>>
    %dma_start3A_1235 = tpu.memref_squeeze %dma_start3A_1234 : memref<1x128x128xf32, #tpu.memory_space<vmem>> -> memref<128x128xf32, #tpu.memory_space<vmem>>
    %dma_start3A_1236 = arith.constant 0 : i32
    %dma_start3A_1237 = tpu.memref_slice %arg7[%dma_start3A_1229, %dma_start3A_1230, %dma_start3A_1236] : memref<5x1x128xi32, #tpu.memory_space<vmem>> -> memref<1x1x128xi32, #tpu.memory_space<vmem>>
    %dma_start3A_1238 = tpu.memref_squeeze %dma_start3A_1237 : memref<1x1x128xi32, #tpu.memory_space<vmem>> -> memref<128xi32, #tpu.memory_space<vmem>>
    %dma_start3A_1239 = arith.constant 0 : i32
    %dma_start3A_1240 = arith.constant 0 : i32
    %dma_start3A_1241 = tpu.memref_slice %arg9[%dma_start3A_1239, %dma_start3A_1240] : memref<168x128xf32, #tpu.memory_space<vmem_shared>> -> memref<168x128xf32, #tpu.memory_space<vmem_shared>>
    tpu.enqueue_indirect_dma source(%dma_start3A_1241 : memref<168x128xf32, #tpu.memory_space<vmem_shared>>) target(%dma_start3A_1235 : memref<128x128xf32, #tpu.memory_space<vmem>>) offsets(%dma_start3A_1238 : memref<128xi32, #tpu.memory_space<vmem>>) semaphore(%arg18 : memref<!tpu.dma_semaphore, #tpu.memory_space<semaphore_mem>>)
    %dma_wait3A_1242 = arith.constant 2 : i32
    %dma_wait3A_1243 = arith.constant 0 : i32
    %dma_wait3A_1244 = arith.constant 2 : i32
    %dma_wait3A_1245 = arith.constant 0 : i32
    %dma_wait3A_1246 = arith.constant 0 : i32
    %dma_wait3A_1247 = tpu.memref_slice %arg8[%dma_wait3A_1244, %dma_wait3A_1245, %dma_wait3A_1246] : memref<5x128x128xf32, #tpu.memory_space<vmem>> -> memref<1x128x128xf32, #tpu.memory_space<vmem>>
    %dma_wait3A_1248 = tpu.memref_squeeze %dma_wait3A_1247 : memref<1x128x128xf32, #tpu.memory_space<vmem>> -> memref<128x128xf32, #tpu.memory_space<vmem>>
    %dma_wait3A_1249 = arith.constant 0 : i32
    %dma_wait3A_1250 = tpu.memref_slice %arg7[%dma_wait3A_1242, %dma_wait3A_1243, %dma_wait3A_1249] : memref<5x1x128xi32, #tpu.memory_space<vmem>> -> memref<1x1x128xi32, #tpu.memory_space<vmem>>
    %dma_wait3A_1251 = tpu.memref_squeeze %dma_wait3A_1250 : memref<1x1x128xi32, #tpu.memory_space<vmem>> -> memref<128xi32, #tpu.memory_space<vmem>>
    %dma_wait3A_1252 = arith.constant 0 : i32
    %dma_wait3A_1253 = arith.constant 0 : i32
    %dma_wait3A_1254 = tpu.memref_slice %arg9[%dma_wait3A_1252, %dma_wait3A_1253] : memref<168x128xf32, #tpu.memory_space<vmem_shared>> -> memref<168x128xf32, #tpu.memory_space<vmem_shared>>
    tpu.wait_indirect_dma semaphore(%arg17 : memref<!tpu.dma_semaphore, #tpu.memory_space<semaphore_mem>>) src(%dma_wait3A_1254 : memref<168x128xf32, #tpu.memory_space<vmem_shared>>) dst(%dma_wait3A_1248 : memref<128x128xf32, #tpu.memory_space<vmem>>)
    %add3A_1255 = arith.constant 256 : i32
    %add3A_1256 = arith.addi %mul3A_2, %add3A_1255 : i32
    %dma_start3A_1257 = arith.constant 2 : i32
    %dma_start3A_1258 = arith.constant 0 : i32
    %dma_start3A_1259 = arith.constant 0 : i32
    %dma_start3A_1260 = tpu.memref_slice %arg8[%dma_start3A_1257, %dma_start3A_1258, %dma_start3A_1259] : memref<5x128x128xf32, #tpu.memory_space<vmem>> -> memref<1x128x128xf32, #tpu.memory_space<vmem>>
    %dma_start3A_1261 = tpu.memref_squeeze %dma_start3A_1260 : memref<1x128x128xf32, #tpu.memory_space<vmem>> -> memref<128x128xf32, #tpu.memory_space<vmem>>
    %dma_start3A_1262 = arith.constant 0 : i32
    %dma_start3A_1263 = tpu.memref_slice %arg5[%add3A_1256, %dma_start3A_1262] : memref<819200x128xf32, #tpu.memory_space<hbm>> -> memref<128x128xf32, #tpu.memory_space<hbm>>
    %dma_start3A_1264 = arith.constant 0 : i32
    %dma_start3A_1265 = tpu.memref_slice %arg5[%add3A_1256, %dma_start3A_1264] : memref<819200x128xf32, #tpu.memory_space<hbm>> -> memref<128x128xf32, #tpu.memory_space<hbm>>
    %dma_start3A_1266 = arith.constant 0 : i32
    %dma_start3A_1267 = arith.constant 0 : i32
    %dma_start3A_1268 = tpu.memref_slice %arg8[%dma_start3A_1257, %dma_start3A_1266, %dma_start3A_1267] : memref<5x128x128xf32, #tpu.memory_space<vmem>> -> memref<1x128x128xf32, #tpu.memory_space<vmem>>
    %dma_start3A_1269 = tpu.memref_squeeze %dma_start3A_1268 : memref<1x128x128xf32, #tpu.memory_space<vmem>> -> memref<128x128xf32, #tpu.memory_space<vmem>>
    tpu.enqueue_dma source(%dma_start3A_1269 : memref<128x128xf32, #tpu.memory_space<vmem>>) target(%dma_start3A_1265 : memref<128x128xf32, #tpu.memory_space<hbm>>) target_semaphore(%arg22 : memref<!tpu.dma_semaphore, #tpu.memory_space<semaphore_mem>>)
    %add3A_1270 = arith.constant 512 : i32
    %add3A_1271 = arith.addi %mul3A_2, %add3A_1270 : i32
    %dma_wait3A_1272 = arith.constant 4 : i32
    %dma_wait3A_1273 = arith.constant 0 : i32
    %dma_wait3A_1274 = arith.constant 0 : i32
    %dma_wait3A_1275 = tpu.memref_slice %arg6[%dma_wait3A_1272, %dma_wait3A_1273, %dma_wait3A_1274] : memref<5x2x128xi32, #tpu.memory_space<vmem>> -> memref<1x1x128xi32, #tpu.memory_space<vmem>>
    %dma_wait3A_1276 = tpu.memref_squeeze %dma_wait3A_1275 : memref<1x1x128xi32, #tpu.memory_space<vmem>> -> memref<128xi32, #tpu.memory_space<vmem>>
    %dma_wait3A_1277 = tpu.memref_slice %arg2[%add3A_1271] : memref<819200xi32, #tpu.memory_space<hbm>> -> memref<128xi32, #tpu.memory_space<hbm>>
    %dma_wait3A_1278 = arith.constant 0 : i32
    %dma_wait3A_1279 = tpu.memref_slice %arg6[%dma_wait3A_1272, %dma_wait3A_1273, %dma_wait3A_1278] : memref<5x2x128xi32, #tpu.memory_space<vmem>> -> memref<1x1x128xi32, #tpu.memory_space<vmem>>
    %dma_wait3A_1280 = tpu.memref_squeeze %dma_wait3A_1279 : memref<1x1x128xi32, #tpu.memory_space<vmem>> -> memref<128xi32, #tpu.memory_space<vmem>>
    %dma_wait3A_1281 = tpu.memref_slice %arg2[%add3A_1271] : memref<819200xi32, #tpu.memory_space<hbm>> -> memref<128xi32, #tpu.memory_space<hbm>>
    tpu.wait_dma2 semaphore(%arg14 : memref<!tpu.dma_semaphore, #tpu.memory_space<semaphore_mem>>) src(%dma_wait3A_1281 : memref<128xi32, #tpu.memory_space<hbm>>) dst(%dma_wait3A_1280 : memref<128xi32, #tpu.memory_space<vmem>>)
    %dma_wait3A_1282 = arith.constant 4 : i32
    %dma_wait3A_1283 = arith.constant 1 : i32
    %dma_wait3A_1284 = arith.constant 0 : i32
    %dma_wait3A_1285 = tpu.memref_slice %arg6[%dma_wait3A_1282, %dma_wait3A_1283, %dma_wait3A_1284] : memref<5x2x128xi32, #tpu.memory_space<vmem>> -> memref<1x1x128xi32, #tpu.memory_space<vmem>>
    %dma_wait3A_1286 = tpu.memref_squeeze %dma_wait3A_1285 : memref<1x1x128xi32, #tpu.memory_space<vmem>> -> memref<128xi32, #tpu.memory_space<vmem>>
    %dma_wait3A_1287 = tpu.memref_slice %arg3[%add3A_1271] : memref<819200xi32, #tpu.memory_space<hbm>> -> memref<128xi32, #tpu.memory_space<hbm>>
    %dma_wait3A_1288 = arith.constant 0 : i32
    %dma_wait3A_1289 = tpu.memref_slice %arg6[%dma_wait3A_1282, %dma_wait3A_1283, %dma_wait3A_1288] : memref<5x2x128xi32, #tpu.memory_space<vmem>> -> memref<1x1x128xi32, #tpu.memory_space<vmem>>
    %dma_wait3A_1290 = tpu.memref_squeeze %dma_wait3A_1289 : memref<1x1x128xi32, #tpu.memory_space<vmem>> -> memref<128xi32, #tpu.memory_space<vmem>>
    %dma_wait3A_1291 = tpu.memref_slice %arg3[%add3A_1271] : memref<819200xi32, #tpu.memory_space<hbm>> -> memref<128xi32, #tpu.memory_space<hbm>>
    tpu.wait_dma2 semaphore(%arg14 : memref<!tpu.dma_semaphore, #tpu.memory_space<semaphore_mem>>) src(%dma_wait3A_1291 : memref<128xi32, #tpu.memory_space<hbm>>) dst(%dma_wait3A_1290 : memref<128xi32, #tpu.memory_space<vmem>>)
    %get3A_1292 = arith.constant 4 : i32
    %get3A_1293 = arith.constant 0 : i32
    %get3A_1294 = arith.index_cast %get3A_1292 : i32 to index
    %get3A_1295 = arith.index_cast %get3A_1293 : i32 to index
    %get3A_1296 = arith.constant 0 : index
    %get3A_1297 = tpu.vector_load %arg6[%get3A_1294, %get3A_1295, %get3A_1296] {strides = array<i32>} : memref<5x2x128xi32, #tpu.memory_space<vmem>>, vector<1x1x16xi32>,
    %get3A_1298 = vector.shape_cast %get3A_1297 : vector<1x1x16xi32> to vector<16xi32>
    %get3A_1299 = arith.constant 4 : i32
    %get3A_1300 = arith.constant 1 : i32
    %get3A_1301 = arith.index_cast %get3A_1299 : i32 to index
    %get3A_1302 = arith.index_cast %get3A_1300 : i32 to index
    %get3A_1303 = arith.constant 0 : index
    %get3A_1304 = tpu.vector_load %arg6[%get3A_1301, %get3A_1302, %get3A_1303] {strides = array<i32>} : memref<5x2x128xi32, #tpu.memory_space<vmem>>, vector<1x1x16xi32>,
    %get3A_1305 = vector.shape_cast %get3A_1304 : vector<1x1x16xi32> to vector<16xi32>
    %mul3A_1306 = arith.constant 7 : i32
    %mul3A_1307 = vector.broadcast %mul3A_1306 : i32 to vector<16xi32>
    %mul3A_1308 = arith.muli %get3A_1298, %mul3A_1307 : vector<16xi32>
    %add3A_1309 = arith.addi %mul3A_1308, %get3A_1305 : vector<16xi32>
    %swap3A_1310 = arith.constant 4 : i32
    %swap3A_1311 = arith.constant 0 : i32
    %swap3A_1312 = arith.index_cast %swap3A_1310 : i32 to index
    %swap3A_1313 = arith.index_cast %swap3A_1311 : i32 to index
    %swap3A_1314 = arith.constant 0 : index
    %swap3A_1315 = tpu.vector_load %arg7[%swap3A_1312, %swap3A_1313, %swap3A_1314] {strides = array<i32>} : memref<5x1x128xi32, #tpu.memory_space<vmem>>, vector<1x1x16xi32>,
    %swap3A_1316 = vector.shape_cast %swap3A_1315 : vector<1x1x16xi32> to vector<16xi32>
    %swap3A_1317 = vector.shape_cast %add3A_1309 : vector<16xi32> to vector<1x1x16xi32>
    tpu.vector_store %arg7[%swap3A_1312, %swap3A_1313, %swap3A_1314], %swap3A_1317 {strides = array<i32>} : memref<5x1x128xi32, #tpu.memory_space<vmem>>, vector<1x1x16xi32>,
    %get3A_1318 = arith.constant 4 : i32
    %get3A_1319 = arith.constant 0 : i32
    %get3A_1320 = arith.index_cast %get3A_1318 : i32 to index
    %get3A_1321 = arith.index_cast %get3A_1319 : i32 to index
    %get3A_1322 = arith.constant 16 : index
    %get3A_1323 = tpu.vector_load %arg6[%get3A_1320, %get3A_1321, %get3A_1322] {strides = array<i32>} : memref<5x2x128xi32, #tpu.memory_space<vmem>>, vector<1x1x16xi32>,
    %get3A_1324 = vector.shape_cast %get3A_1323 : vector<1x1x16xi32> to vector<16xi32>
    %get3A_1325 = arith.constant 4 : i32
    %get3A_1326 = arith.constant 1 : i32
    %get3A_1327 = arith.index_cast %get3A_1325 : i32 to index
    %get3A_1328 = arith.index_cast %get3A_1326 : i32 to index
    %get3A_1329 = arith.constant 16 : index
    %get3A_1330 = tpu.vector_load %arg6[%get3A_1327, %get3A_1328, %get3A_1329] {strides = array<i32>} : memref<5x2x128xi32, #tpu.memory_space<vmem>>, vector<1x1x16xi32>,
    %get3A_1331 = vector.shape_cast %get3A_1330 : vector<1x1x16xi32> to vector<16xi32>
    %mul3A_1332 = arith.constant 7 : i32
    %mul3A_1333 = vector.broadcast %mul3A_1332 : i32 to vector<16xi32>
    %mul3A_1334 = arith.muli %get3A_1324, %mul3A_1333 : vector<16xi32>
    %add3A_1335 = arith.addi %mul3A_1334, %get3A_1331 : vector<16xi32>
    %swap3A_1336 = arith.constant 4 : i32
    %swap3A_1337 = arith.constant 0 : i32
    %swap3A_1338 = arith.index_cast %swap3A_1336 : i32 to index
    %swap3A_1339 = arith.index_cast %swap3A_1337 : i32 to index
    %swap3A_1340 = arith.constant 16 : index
    %swap3A_1341 = tpu.vector_load %arg7[%swap3A_1338, %swap3A_1339, %swap3A_1340] {strides = array<i32>} : memref<5x1x128xi32, #tpu.memory_space<vmem>>, vector<1x1x16xi32>,
    %swap3A_1342 = vector.shape_cast %swap3A_1341 : vector<1x1x16xi32> to vector<16xi32>
    %swap3A_1343 = vector.shape_cast %add3A_1335 : vector<16xi32> to vector<1x1x16xi32>
    tpu.vector_store %arg7[%swap3A_1338, %swap3A_1339, %swap3A_1340], %swap3A_1343 {strides = array<i32>} : memref<5x1x128xi32, #tpu.memory_space<vmem>>, vector<1x1x16xi32>,
    %get3A_1344 = arith.constant 4 : i32
    %get3A_1345 = arith.constant 0 : i32
    %get3A_1346 = arith.index_cast %get3A_1344 : i32 to index
    %get3A_1347 = arith.index_cast %get3A_1345 : i32 to index
    %get3A_1348 = arith.constant 32 : index
    %get3A_1349 = tpu.vector_load %arg6[%get3A_1346, %get3A_1347, %get3A_1348] {strides = array<i32>} : memref<5x2x128xi32, #tpu.memory_space<vmem>>, vector<1x1x16xi32>,
    %get3A_1350 = vector.shape_cast %get3A_1349 : vector<1x1x16xi32> to vector<16xi32>
    %get3A_1351 = arith.constant 4 : i32
    %get3A_1352 = arith.constant 1 : i32
    %get3A_1353 = arith.index_cast %get3A_1351 : i32 to index
    %get3A_1354 = arith.index_cast %get3A_1352 : i32 to index
    %get3A_1355 = arith.constant 32 : index
    %get3A_1356 = tpu.vector_load %arg6[%get3A_1353, %get3A_1354, %get3A_1355] {strides = array<i32>} : memref<5x2x128xi32, #tpu.memory_space<vmem>>, vector<1x1x16xi32>,
    %get3A_1357 = vector.shape_cast %get3A_1356 : vector<1x1x16xi32> to vector<16xi32>
    %mul3A_1358 = arith.constant 7 : i32
    %mul3A_1359 = vector.broadcast %mul3A_1358 : i32 to vector<16xi32>
    %mul3A_1360 = arith.muli %get3A_1350, %mul3A_1359 : vector<16xi32>
    %add3A_1361 = arith.addi %mul3A_1360, %get3A_1357 : vector<16xi32>
    %swap3A_1362 = arith.constant 4 : i32
    %swap3A_1363 = arith.constant 0 : i32
    %swap3A_1364 = arith.index_cast %swap3A_1362 : i32 to index
    %swap3A_1365 = arith.index_cast %swap3A_1363 : i32 to index
    %swap3A_1366 = arith.constant 32 : index
    %swap3A_1367 = tpu.vector_load %arg7[%swap3A_1364, %swap3A_1365, %swap3A_1366] {strides = array<i32>} : memref<5x1x128xi32, #tpu.memory_space<vmem>>, vector<1x1x16xi32>,
    %swap3A_1368 = vector.shape_cast %swap3A_1367 : vector<1x1x16xi32> to vector<16xi32>
    %swap3A_1369 = vector.shape_cast %add3A_1361 : vector<16xi32> to vector<1x1x16xi32>
    tpu.vector_store %arg7[%swap3A_1364, %swap3A_1365, %swap3A_1366], %swap3A_1369 {strides = array<i32>} : memref<5x1x128xi32, #tpu.memory_space<vmem>>, vector<1x1x16xi32>,
    %get3A_1370 = arith.constant 4 : i32
    %get3A_1371 = arith.constant 0 : i32
    %get3A_1372 = arith.index_cast %get3A_1370 : i32 to index
    %get3A_1373 = arith.index_cast %get3A_1371 : i32 to index
    %get3A_1374 = arith.constant 48 : index
    %get3A_1375 = tpu.vector_load %arg6[%get3A_1372, %get3A_1373, %get3A_1374] {strides = array<i32>} : memref<5x2x128xi32, #tpu.memory_space<vmem>>, vector<1x1x16xi32>,
    %get3A_1376 = vector.shape_cast %get3A_1375 : vector<1x1x16xi32> to vector<16xi32>
    %get3A_1377 = arith.constant 4 : i32
    %get3A_1378 = arith.constant 1 : i32
    %get3A_1379 = arith.index_cast %get3A_1377 : i32 to index
    %get3A_1380 = arith.index_cast %get3A_1378 : i32 to index
    %get3A_1381 = arith.constant 48 : index
    %get3A_1382 = tpu.vector_load %arg6[%get3A_1379, %get3A_1380, %get3A_1381] {strides = array<i32>} : memref<5x2x128xi32, #tpu.memory_space<vmem>>, vector<1x1x16xi32>,
    %get3A_1383 = vector.shape_cast %get3A_1382 : vector<1x1x16xi32> to vector<16xi32>
    %mul3A_1384 = arith.constant 7 : i32
    %mul3A_1385 = vector.broadcast %mul3A_1384 : i32 to vector<16xi32>
    %mul3A_1386 = arith.muli %get3A_1376, %mul3A_1385 : vector<16xi32>
    %add3A_1387 = arith.addi %mul3A_1386, %get3A_1383 : vector<16xi32>
    %swap3A_1388 = arith.constant 4 : i32
    %swap3A_1389 = arith.constant 0 : i32
    %swap3A_1390 = arith.index_cast %swap3A_1388 : i32 to index
    %swap3A_1391 = arith.index_cast %swap3A_1389 : i32 to index
    %swap3A_1392 = arith.constant 48 : index
    %swap3A_1393 = tpu.vector_load %arg7[%swap3A_1390, %swap3A_1391, %swap3A_1392] {strides = array<i32>} : memref<5x1x128xi32, #tpu.memory_space<vmem>>, vector<1x1x16xi32>,
    %swap3A_1394 = vector.shape_cast %swap3A_1393 : vector<1x1x16xi32> to vector<16xi32>
    %swap3A_1395 = vector.shape_cast %add3A_1387 : vector<16xi32> to vector<1x1x16xi32>
    tpu.vector_store %arg7[%swap3A_1390, %swap3A_1391, %swap3A_1392], %swap3A_1395 {strides = array<i32>} : memref<5x1x128xi32, #tpu.memory_space<vmem>>, vector<1x1x16xi32>,
    %get3A_1396 = arith.constant 4 : i32
    %get3A_1397 = arith.constant 0 : i32
    %get3A_1398 = arith.index_cast %get3A_1396 : i32 to index
    %get3A_1399 = arith.index_cast %get3A_1397 : i32 to index
    %get3A_1400 = arith.constant 64 : index
    %get3A_1401 = tpu.vector_load %arg6[%get3A_1398, %get3A_1399, %get3A_1400] {strides = array<i32>} : memref<5x2x128xi32, #tpu.memory_space<vmem>>, vector<1x1x16xi32>,
    %get3A_1402 = vector.shape_cast %get3A_1401 : vector<1x1x16xi32> to vector<16xi32>
    %get3A_1403 = arith.constant 4 : i32
    %get3A_1404 = arith.constant 1 : i32
    %get3A_1405 = arith.index_cast %get3A_1403 : i32 to index
    %get3A_1406 = arith.index_cast %get3A_1404 : i32 to index
    %get3A_1407 = arith.constant 64 : index
    %get3A_1408 = tpu.vector_load %arg6[%get3A_1405, %get3A_1406, %get3A_1407] {strides = array<i32>} : memref<5x2x128xi32, #tpu.memory_space<vmem>>, vector<1x1x16xi32>,
    %get3A_1409 = vector.shape_cast %get3A_1408 : vector<1x1x16xi32> to vector<16xi32>
    %mul3A_1410 = arith.constant 7 : i32
    %mul3A_1411 = vector.broadcast %mul3A_1410 : i32 to vector<16xi32>
    %mul3A_1412 = arith.muli %get3A_1402, %mul3A_1411 : vector<16xi32>
    %add3A_1413 = arith.addi %mul3A_1412, %get3A_1409 : vector<16xi32>
    %swap3A_1414 = arith.constant 4 : i32
    %swap3A_1415 = arith.constant 0 : i32
    %swap3A_1416 = arith.index_cast %swap3A_1414 : i32 to index
    %swap3A_1417 = arith.index_cast %swap3A_1415 : i32 to index
    %swap3A_1418 = arith.constant 64 : index
    %swap3A_1419 = tpu.vector_load %arg7[%swap3A_1416, %swap3A_1417, %swap3A_1418] {strides = array<i32>} : memref<5x1x128xi32, #tpu.memory_space<vmem>>, vector<1x1x16xi32>,
    %swap3A_1420 = vector.shape_cast %swap3A_1419 : vector<1x1x16xi32> to vector<16xi32>
    %swap3A_1421 = vector.shape_cast %add3A_1413 : vector<16xi32> to vector<1x1x16xi32>
    tpu.vector_store %arg7[%swap3A_1416, %swap3A_1417, %swap3A_1418], %swap3A_1421 {strides = array<i32>} : memref<5x1x128xi32, #tpu.memory_space<vmem>>, vector<1x1x16xi32>,
    %get3A_1422 = arith.constant 4 : i32
    %get3A_1423 = arith.constant 0 : i32
    %get3A_1424 = arith.index_cast %get3A_1422 : i32 to index
    %get3A_1425 = arith.index_cast %get3A_1423 : i32 to index
    %get3A_1426 = arith.constant 80 : index
    %get3A_1427 = tpu.vector_load %arg6[%get3A_1424, %get3A_1425, %get3A_1426] {strides = array<i32>} : memref<5x2x128xi32, #tpu.memory_space<vmem>>, vector<1x1x16xi32>,
    %get3A_1428 = vector.shape_cast %get3A_1427 : vector<1x1x16xi32> to vector<16xi32>
    %get3A_1429 = arith.constant 4 : i32
    %get3A_1430 = arith.constant 1 : i32
    %get3A_1431 = arith.index_cast %get3A_1429 : i32 to index
    %get3A_1432 = arith.index_cast %get3A_1430 : i32 to index
    %get3A_1433 = arith.constant 80 : index
    %get3A_1434 = tpu.vector_load %arg6[%get3A_1431, %get3A_1432, %get3A_1433] {strides = array<i32>} : memref<5x2x128xi32, #tpu.memory_space<vmem>>, vector<1x1x16xi32>,
    %get3A_1435 = vector.shape_cast %get3A_1434 : vector<1x1x16xi32> to vector<16xi32>
    %mul3A_1436 = arith.constant 7 : i32
    %mul3A_1437 = vector.broadcast %mul3A_1436 : i32 to vector<16xi32>
    %mul3A_1438 = arith.muli %get3A_1428, %mul3A_1437 : vector<16xi32>
    %add3A_1439 = arith.addi %mul3A_1438, %get3A_1435 : vector<16xi32>
    %swap3A_1440 = arith.constant 4 : i32
    %swap3A_1441 = arith.constant 0 : i32
    %swap3A_1442 = arith.index_cast %swap3A_1440 : i32 to index
    %swap3A_1443 = arith.index_cast %swap3A_1441 : i32 to index
    %swap3A_1444 = arith.constant 80 : index
    %swap3A_1445 = tpu.vector_load %arg7[%swap3A_1442, %swap3A_1443, %swap3A_1444] {strides = array<i32>} : memref<5x1x128xi32, #tpu.memory_space<vmem>>, vector<1x1x16xi32>,
    %swap3A_1446 = vector.shape_cast %swap3A_1445 : vector<1x1x16xi32> to vector<16xi32>
    %swap3A_1447 = vector.shape_cast %add3A_1439 : vector<16xi32> to vector<1x1x16xi32>
    tpu.vector_store %arg7[%swap3A_1442, %swap3A_1443, %swap3A_1444], %swap3A_1447 {strides = array<i32>} : memref<5x1x128xi32, #tpu.memory_space<vmem>>, vector<1x1x16xi32>,
    %get3A_1448 = arith.constant 4 : i32
    %get3A_1449 = arith.constant 0 : i32
    %get3A_1450 = arith.index_cast %get3A_1448 : i32 to index
    %get3A_1451 = arith.index_cast %get3A_1449 : i32 to index
    %get3A_1452 = arith.constant 96 : index
    %get3A_1453 = tpu.vector_load %arg6[%get3A_1450, %get3A_1451, %get3A_1452] {strides = array<i32>} : memref<5x2x128xi32, #tpu.memory_space<vmem>>, vector<1x1x16xi32>,
    %get3A_1454 = vector.shape_cast %get3A_1453 : vector<1x1x16xi32> to vector<16xi32>
    %get3A_1455 = arith.constant 4 : i32
    %get3A_1456 = arith.constant 1 : i32
    %get3A_1457 = arith.index_cast %get3A_1455 : i32 to index
    %get3A_1458 = arith.index_cast %get3A_1456 : i32 to index
    %get3A_1459 = arith.constant 96 : index
    %get3A_1460 = tpu.vector_load %arg6[%get3A_1457, %get3A_1458, %get3A_1459] {strides = array<i32>} : memref<5x2x128xi32, #tpu.memory_space<vmem>>, vector<1x1x16xi32>,
    %get3A_1461 = vector.shape_cast %get3A_1460 : vector<1x1x16xi32> to vector<16xi32>
    %mul3A_1462 = arith.constant 7 : i32
    %mul3A_1463 = vector.broadcast %mul3A_1462 : i32 to vector<16xi32>
    %mul3A_1464 = arith.muli %get3A_1454, %mul3A_1463 : vector<16xi32>
    %add3A_1465 = arith.addi %mul3A_1464, %get3A_1461 : vector<16xi32>
    %swap3A_1466 = arith.constant 4 : i32
    %swap3A_1467 = arith.constant 0 : i32
    %swap3A_1468 = arith.index_cast %swap3A_1466 : i32 to index
    %swap3A_1469 = arith.index_cast %swap3A_1467 : i32 to index
    %swap3A_1470 = arith.constant 96 : index
    %swap3A_1471 = tpu.vector_load %arg7[%swap3A_1468, %swap3A_1469, %swap3A_1470] {strides = array<i32>} : memref<5x1x128xi32, #tpu.memory_space<vmem>>, vector<1x1x16xi32>,
    %swap3A_1472 = vector.shape_cast %swap3A_1471 : vector<1x1x16xi32> to vector<16xi32>
    %swap3A_1473 = vector.shape_cast %add3A_1465 : vector<16xi32> to vector<1x1x16xi32>
    tpu.vector_store %arg7[%swap3A_1468, %swap3A_1469, %swap3A_1470], %swap3A_1473 {strides = array<i32>} : memref<5x1x128xi32, #tpu.memory_space<vmem>>, vector<1x1x16xi32>,
    %get3A_1474 = arith.constant 4 : i32
    %get3A_1475 = arith.constant 0 : i32
    %get3A_1476 = arith.index_cast %get3A_1474 : i32 to index
    %get3A_1477 = arith.index_cast %get3A_1475 : i32 to index
    %get3A_1478 = arith.constant 112 : index
    %get3A_1479 = tpu.vector_load %arg6[%get3A_1476, %get3A_1477, %get3A_1478] {strides = array<i32>} : memref<5x2x128xi32, #tpu.memory_space<vmem>>, vector<1x1x16xi32>,
    %get3A_1480 = vector.shape_cast %get3A_1479 : vector<1x1x16xi32> to vector<16xi32>
    %get3A_1481 = arith.constant 4 : i32
    %get3A_1482 = arith.constant 1 : i32
    %get3A_1483 = arith.index_cast %get3A_1481 : i32 to index
    %get3A_1484 = arith.index_cast %get3A_1482 : i32 to index
    %get3A_1485 = arith.constant 112 : index
    %get3A_1486 = tpu.vector_load %arg6[%get3A_1483, %get3A_1484, %get3A_1485] {strides = array<i32>} : memref<5x2x128xi32, #tpu.memory_space<vmem>>, vector<1x1x16xi32>,
    %get3A_1487 = vector.shape_cast %get3A_1486 : vector<1x1x16xi32> to vector<16xi32>
    %mul3A_1488 = arith.constant 7 : i32
    %mul3A_1489 = vector.broadcast %mul3A_1488 : i32 to vector<16xi32>
    %mul3A_1490 = arith.muli %get3A_1480, %mul3A_1489 : vector<16xi32>
    %add3A_1491 = arith.addi %mul3A_1490, %get3A_1487 : vector<16xi32>
    %swap3A_1492 = arith.constant 4 : i32
    %swap3A_1493 = arith.constant 0 : i32
    %swap3A_1494 = arith.index_cast %swap3A_1492 : i32 to index
    %swap3A_1495 = arith.index_cast %swap3A_1493 : i32 to index
    %swap3A_1496 = arith.constant 112 : index
    %swap3A_1497 = tpu.vector_load %arg7[%swap3A_1494, %swap3A_1495, %swap3A_1496] {strides = array<i32>} : memref<5x1x128xi32, #tpu.memory_space<vmem>>, vector<1x1x16xi32>,
    %swap3A_1498 = vector.shape_cast %swap3A_1497 : vector<1x1x16xi32> to vector<16xi32>
    %swap3A_1499 = vector.shape_cast %add3A_1491 : vector<16xi32> to vector<1x1x16xi32>
    tpu.vector_store %arg7[%swap3A_1494, %swap3A_1495, %swap3A_1496], %swap3A_1499 {strides = array<i32>} : memref<5x1x128xi32, #tpu.memory_space<vmem>>, vector<1x1x16xi32>,
    %min3A_1500 = arith.constant 9 : i32
    %min3A_1501 = arith.constant 199 : i32
    %min3A_1502 = arith.minsi %min3A_1500, %min3A_1501 : i32
    %mul3A_1503 = arith.constant 128 : i32
    %mul3A_1504 = arith.muli %min3A_1502, %mul3A_1503 : i32
    %add3A_1505 = arith.addi %mul3A_2, %mul3A_1504 : i32
    %dma_start3A_1506 = arith.constant 4 : i32
    %dma_start3A_1507 = arith.constant 0 : i32
    %dma_start3A_1508 = arith.constant 0 : i32
    %dma_start3A_1509 = tpu.memref_slice %arg6[%dma_start3A_1506, %dma_start3A_1507, %dma_start3A_1508] : memref<5x2x128xi32, #tpu.memory_space<vmem>> -> memref<1x1x128xi32, #tpu.memory_space<vmem>>
    %dma_start3A_1510 = tpu.memref_squeeze %dma_start3A_1509 : memref<1x1x128xi32, #tpu.memory_space<vmem>> -> memref<128xi32, #tpu.memory_space<vmem>>
    %dma_start3A_1511 = tpu.memref_slice %arg2[%add3A_1505] : memref<819200xi32, #tpu.memory_space<hbm>> -> memref<128xi32, #tpu.memory_space<hbm>>
    %dma_start3A_1512 = arith.constant 0 : i32
    %dma_start3A_1513 = tpu.memref_slice %arg6[%dma_start3A_1506, %dma_start3A_1507, %dma_start3A_1512] : memref<5x2x128xi32, #tpu.memory_space<vmem>> -> memref<1x1x128xi32, #tpu.memory_space<vmem>>
    %dma_start3A_1514 = tpu.memref_squeeze %dma_start3A_1513 : memref<1x1x128xi32, #tpu.memory_space<vmem>> -> memref<128xi32, #tpu.memory_space<vmem>>
    %dma_start3A_1515 = tpu.memref_slice %arg2[%add3A_1505] : memref<819200xi32, #tpu.memory_space<hbm>> -> memref<128xi32, #tpu.memory_space<hbm>>
    tpu.enqueue_dma source(%dma_start3A_1515 : memref<128xi32, #tpu.memory_space<hbm>>) target(%dma_start3A_1514 : memref<128xi32, #tpu.memory_space<vmem>>) target_semaphore(%arg14 : memref<!tpu.dma_semaphore, #tpu.memory_space<semaphore_mem>>)
    %dma_start3A_1516 = arith.constant 4 : i32
    %dma_start3A_1517 = arith.constant 1 : i32
    %dma_start3A_1518 = arith.constant 0 : i32
    %dma_start3A_1519 = tpu.memref_slice %arg6[%dma_start3A_1516, %dma_start3A_1517, %dma_start3A_1518] : memref<5x2x128xi32, #tpu.memory_space<vmem>> -> memref<1x1x128xi32, #tpu.memory_space<vmem>>
    %dma_start3A_1520 = tpu.memref_squeeze %dma_start3A_1519 : memref<1x1x128xi32, #tpu.memory_space<vmem>> -> memref<128xi32, #tpu.memory_space<vmem>>
    %dma_start3A_1521 = tpu.memref_slice %arg3[%add3A_1505] : memref<819200xi32, #tpu.memory_space<hbm>> -> memref<128xi32, #tpu.memory_space<hbm>>
    %dma_start3A_1522 = arith.constant 0 : i32
    %dma_start3A_1523 = tpu.memref_slice %arg6[%dma_start3A_1516, %dma_start3A_1517, %dma_start3A_1522] : memref<5x2x128xi32, #tpu.memory_space<vmem>> -> memref<1x1x128xi32, #tpu.memory_space<vmem>>
    %dma_start3A_1524 = tpu.memref_squeeze %dma_start3A_1523 : memref<1x1x128xi32, #tpu.memory_space<vmem>> -> memref<128xi32, #tpu.memory_space<vmem>>
    %dma_start3A_1525 = tpu.memref_slice %arg3[%add3A_1505] : memref<819200xi32, #tpu.memory_space<hbm>> -> memref<128xi32, #tpu.memory_space<hbm>>
    tpu.enqueue_dma source(%dma_start3A_1525 : memref<128xi32, #tpu.memory_space<hbm>>) target(%dma_start3A_1524 : memref<128xi32, #tpu.memory_space<vmem>>) target_semaphore(%arg14 : memref<!tpu.dma_semaphore, #tpu.memory_space<semaphore_mem>>)
    %dma_start3A_1526 = arith.constant 4 : i32
    %dma_start3A_1527 = arith.constant 0 : i32
    %dma_start3A_1528 = arith.constant 4 : i32
    %dma_start3A_1529 = arith.constant 0 : i32
    %dma_start3A_1530 = arith.constant 0 : i32
    %dma_start3A_1531 = tpu.memref_slice %arg8[%dma_start3A_1528, %dma_start3A_1529, %dma_start3A_1530] : memref<5x128x128xf32, #tpu.memory_space<vmem>> -> memref<1x128x128xf32, #tpu.memory_space<vmem>>
    %dma_start3A_1532 = tpu.memref_squeeze %dma_start3A_1531 : memref<1x128x128xf32, #tpu.memory_space<vmem>> -> memref<128x128xf32, #tpu.memory_space<vmem>>
    %dma_start3A_1533 = arith.constant 0 : i32
    %dma_start3A_1534 = tpu.memref_slice %arg7[%dma_start3A_1526, %dma_start3A_1527, %dma_start3A_1533] : memref<5x1x128xi32, #tpu.memory_space<vmem>> -> memref<1x1x128xi32, #tpu.memory_space<vmem>>
    %dma_start3A_1535 = tpu.memref_squeeze %dma_start3A_1534 : memref<1x1x128xi32, #tpu.memory_space<vmem>> -> memref<128xi32, #tpu.memory_space<vmem>>
    %dma_start3A_1536 = arith.constant 0 : i32
    %dma_start3A_1537 = arith.constant 0 : i32
    %dma_start3A_1538 = tpu.memref_slice %arg9[%dma_start3A_1536, %dma_start3A_1537] : memref<168x128xf32, #tpu.memory_space<vmem_shared>> -> memref<168x128xf32, #tpu.memory_space<vmem_shared>>
    tpu.enqueue_indirect_dma source(%dma_start3A_1538 : memref<168x128xf32, #tpu.memory_space<vmem_shared>>) target(%dma_start3A_1532 : memref<128x128xf32, #tpu.memory_space<vmem>>) offsets(%dma_start3A_1535 : memref<128xi32, #tpu.memory_space<vmem>>) semaphore(%arg19 : memref<!tpu.dma_semaphore, #tpu.memory_space<semaphore_mem>>)
    %dma_wait3A_1539 = arith.constant 3 : i32
    %dma_wait3A_1540 = arith.constant 0 : i32
    %dma_wait3A_1541 = arith.constant 3 : i32
    %dma_wait3A_1542 = arith.constant 0 : i32
    %dma_wait3A_1543 = arith.constant 0 : i32
    %dma_wait3A_1544 = tpu.memref_slice %arg8[%dma_wait3A_1541, %dma_wait3A_1542, %dma_wait3A_1543] : memref<5x128x128xf32, #tpu.memory_space<vmem>> -> memref<1x128x128xf32, #tpu.memory_space<vmem>>
    %dma_wait3A_1545 = tpu.memref_squeeze %dma_wait3A_1544 : memref<1x128x128xf32, #tpu.memory_space<vmem>> -> memref<128x128xf32, #tpu.memory_space<vmem>>
    %dma_wait3A_1546 = arith.constant 0 : i32
    %dma_wait3A_1547 = tpu.memref_slice %arg7[%dma_wait3A_1539, %dma_wait3A_1540, %dma_wait3A_1546] : memref<5x1x128xi32, #tpu.memory_space<vmem>> -> memref<1x1x128xi32, #tpu.memory_space<vmem>>
    %dma_wait3A_1548 = tpu.memref_squeeze %dma_wait3A_1547 : memref<1x1x128xi32, #tpu.memory_space<vmem>> -> memref<128xi32, #tpu.memory_space<vmem>>
    %dma_wait3A_1549 = arith.constant 0 : i32
    %dma_wait3A_1550 = arith.constant 0 : i32
    %dma_wait3A_1551 = tpu.memref_slice %arg9[%dma_wait3A_1549, %dma_wait3A_1550] : memref<168x128xf32, #tpu.memory_space<vmem_shared>> -> memref<168x128xf32, #tpu.memory_space<vmem_shared>>
    tpu.wait_indirect_dma semaphore(%arg18 : memref<!tpu.dma_semaphore, #tpu.memory_space<semaphore_mem>>) src(%dma_wait3A_1551 : memref<168x128xf32, #tpu.memory_space<vmem_shared>>) dst(%dma_wait3A_1545 : memref<128x128xf32, #tpu.memory_space<vmem>>)
    %add3A_1552 = arith.constant 384 : i32
    %add3A_1553 = arith.addi %mul3A_2, %add3A_1552 : i32
    %dma_start3A_1554 = arith.constant 3 : i32
    %dma_start3A_1555 = arith.constant 0 : i32
    %dma_start3A_1556 = arith.constant 0 : i32
    %dma_start3A_1557 = tpu.memref_slice %arg8[%dma_start3A_1554, %dma_start3A_1555, %dma_start3A_1556] : memref<5x128x128xf32, #tpu.memory_space<vmem>> -> memref<1x128x128xf32, #tpu.memory_space<vmem>>
    %dma_start3A_1558 = tpu.memref_squeeze %dma_start3A_1557 : memref<1x128x128xf32, #tpu.memory_space<vmem>> -> memref<128x128xf32, #tpu.memory_space<vmem>>
    %dma_start3A_1559 = arith.constant 0 : i32
    %dma_start3A_1560 = tpu.memref_slice %arg5[%add3A_1553, %dma_start3A_1559] : memref<819200x128xf32, #tpu.memory_space<hbm>> -> memref<128x128xf32, #tpu.memory_space<hbm>>
    %dma_start3A_1561 = arith.constant 0 : i32
    %dma_start3A_1562 = tpu.memref_slice %arg5[%add3A_1553, %dma_start3A_1561] : memref<819200x128xf32, #tpu.memory_space<hbm>> -> memref<128x128xf32, #tpu.memory_space<hbm>>
    %dma_start3A_1563 = arith.constant 0 : i32
    %dma_start3A_1564 = arith.constant 0 : i32
    %dma_start3A_1565 = tpu.memref_slice %arg8[%dma_start3A_1554, %dma_start3A_1563, %dma_start3A_1564] : memref<5x128x128xf32, #tpu.memory_space<vmem>> -> memref<1x128x128xf32, #tpu.memory_space<vmem>>
    %dma_start3A_1566 = tpu.memref_squeeze %dma_start3A_1565 : memref<1x128x128xf32, #tpu.memory_space<vmem>> -> memref<128x128xf32, #tpu.memory_space<vmem>>
    tpu.enqueue_dma source(%dma_start3A_1566 : memref<128x128xf32, #tpu.memory_space<vmem>>) target(%dma_start3A_1562 : memref<128x128xf32, #tpu.memory_space<hbm>>) target_semaphore(%arg23 : memref<!tpu.dma_semaphore, #tpu.memory_space<semaphore_mem>>)
    %scan3A = arith.constant 0 : i32
    %scan3A_1567 = arith.constant 1 : i32
    %scan3A_1568 = arith.constant 39 : i32
    %scan3A_1569 = arith.addi %scan3A_1567, %scan3A_1568 : i32
    %scan3A_1570 = arith.constant 1 : i32
    scf.for %scan3A_1785 = %scan3A_1567 to %scan3A_1569 step %scan3A_1570  : i32 {
      %mul3A_1786 = arith.constant 5 : i32
      %mul3A_1787 = arith.muli %scan3A_1785, %mul3A_1786 : i32
      %add3A_1788 = arith.constant 0 : i32
      %add3A_1789 = arith.addi %mul3A_1787, %add3A_1788 : i32
      %mul3A_1790 = arith.constant 128 : i32
      %mul3A_1791 = arith.muli %add3A_1789, %mul3A_1790 : i32
      %add3A_1792 = arith.addi %mul3A_2, %mul3A_1791 : i32
      %dma_wait3A_1793 = arith.constant 0 : i32
      %dma_wait3A_1794 = arith.constant 0 : i32
      %dma_wait3A_1795 = arith.constant 0 : i32
      %dma_wait3A_1796 = tpu.memref_slice %arg6[%dma_wait3A_1793, %dma_wait3A_1794, %dma_wait3A_1795] : memref<5x2x128xi32, #tpu.memory_space<vmem>> -> memref<1x1x128xi32, #tpu.memory_space<vmem>>
      %dma_wait3A_1797 = tpu.memref_squeeze %dma_wait3A_1796 : memref<1x1x128xi32, #tpu.memory_space<vmem>> -> memref<128xi32, #tpu.memory_space<vmem>>
      %dma_wait3A_1798 = tpu.memref_slice %arg2[%add3A_1792] : memref<819200xi32, #tpu.memory_space<hbm>> -> memref<128xi32, #tpu.memory_space<hbm>>
      %dma_wait3A_1799 = arith.constant 0 : i32
      %dma_wait3A_1800 = tpu.memref_slice %arg6[%dma_wait3A_1793, %dma_wait3A_1794, %dma_wait3A_1799] : memref<5x2x128xi32, #tpu.memory_space<vmem>> -> memref<1x1x128xi32, #tpu.memory_space<vmem>>
      %dma_wait3A_1801 = tpu.memref_squeeze %dma_wait3A_1800 : memref<1x1x128xi32, #tpu.memory_space<vmem>> -> memref<128xi32, #tpu.memory_space<vmem>>
      %dma_wait3A_1802 = tpu.memref_slice %arg2[%add3A_1792] : memref<819200xi32, #tpu.memory_space<hbm>> -> memref<128xi32, #tpu.memory_space<hbm>>
      tpu.wait_dma2 semaphore(%arg10 : memref<!tpu.dma_semaphore, #tpu.memory_space<semaphore_mem>>) src(%dma_wait3A_1802 : memref<128xi32, #tpu.memory_space<hbm>>) dst(%dma_wait3A_1801 : memref<128xi32, #tpu.memory_space<vmem>>)
      %dma_wait3A_1803 = arith.constant 0 : i32
      %dma_wait3A_1804 = arith.constant 1 : i32
      %dma_wait3A_1805 = arith.constant 0 : i32
      %dma_wait3A_1806 = tpu.memref_slice %arg6[%dma_wait3A_1803, %dma_wait3A_1804, %dma_wait3A_1805] : memref<5x2x128xi32, #tpu.memory_space<vmem>> -> memref<1x1x128xi32, #tpu.memory_space<vmem>>
      %dma_wait3A_1807 = tpu.memref_squeeze %dma_wait3A_1806 : memref<1x1x128xi32, #tpu.memory_space<vmem>> -> memref<128xi32, #tpu.memory_space<vmem>>
      %dma_wait3A_1808 = tpu.memref_slice %arg3[%add3A_1792] : memref<819200xi32, #tpu.memory_space<hbm>> -> memref<128xi32, #tpu.memory_space<hbm>>
      %dma_wait3A_1809 = arith.constant 0 : i32
      %dma_wait3A_1810 = tpu.memref_slice %arg6[%dma_wait3A_1803, %dma_wait3A_1804, %dma_wait3A_1809] : memref<5x2x128xi32, #tpu.memory_space<vmem>> -> memref<1x1x128xi32, #tpu.memory_space<vmem>>
      %dma_wait3A_1811 = tpu.memref_squeeze %dma_wait3A_1810 : memref<1x1x128xi32, #tpu.memory_space<vmem>> -> memref<128xi32, #tpu.memory_space<vmem>>
      %dma_wait3A_1812 = tpu.memref_slice %arg3[%add3A_1792] : memref<819200xi32, #tpu.memory_space<hbm>> -> memref<128xi32, #tpu.memory_space<hbm>>
      tpu.wait_dma2 semaphore(%arg10 : memref<!tpu.dma_semaphore, #tpu.memory_space<semaphore_mem>>) src(%dma_wait3A_1812 : memref<128xi32, #tpu.memory_space<hbm>>) dst(%dma_wait3A_1811 : memref<128xi32, #tpu.memory_space<vmem>>)
      %get3A_1813 = arith.constant 0 : i32
      %get3A_1814 = arith.constant 0 : i32
      %get3A_1815 = arith.index_cast %get3A_1813 : i32 to index
      %get3A_1816 = arith.index_cast %get3A_1814 : i32 to index
      %get3A_1817 = arith.constant 0 : index
      %get3A_1818 = tpu.vector_load %arg6[%get3A_1815, %get3A_1816, %get3A_1817] {strides = array<i32>} : memref<5x2x128xi32, #tpu.memory_space<vmem>>, vector<1x1x16xi32>,
      %get3A_1819 = vector.shape_cast %get3A_1818 : vector<1x1x16xi32> to vector<16xi32>
      %get3A_1820 = arith.constant 0 : i32
      %get3A_1821 = arith.constant 1 : i32
      %get3A_1822 = arith.index_cast %get3A_1820 : i32 to index
      %get3A_1823 = arith.index_cast %get3A_1821 : i32 to index
      %get3A_1824 = arith.constant 0 : index
      %get3A_1825 = tpu.vector_load %arg6[%get3A_1822, %get3A_1823, %get3A_1824] {strides = array<i32>} : memref<5x2x128xi32, #tpu.memory_space<vmem>>, vector<1x1x16xi32>,
      %get3A_1826 = vector.shape_cast %get3A_1825 : vector<1x1x16xi32> to vector<16xi32>
      %mul3A_1827 = arith.constant 7 : i32
      %mul3A_1828 = vector.broadcast %mul3A_1827 : i32 to vector<16xi32>
      %mul3A_1829 = arith.muli %get3A_1819, %mul3A_1828 : vector<16xi32>
      %add3A_1830 = arith.addi %mul3A_1829, %get3A_1826 : vector<16xi32>
      %swap3A_1831 = arith.constant 0 : i32
      %swap3A_1832 = arith.constant 0 : i32
      %swap3A_1833 = arith.index_cast %swap3A_1831 : i32 to index
      %swap3A_1834 = arith.index_cast %swap3A_1832 : i32 to index
      %swap3A_1835 = arith.constant 0 : index
      %swap3A_1836 = tpu.vector_load %arg7[%swap3A_1833, %swap3A_1834, %swap3A_1835] {strides = array<i32>} : memref<5x1x128xi32, #tpu.memory_space<vmem>>, vector<1x1x16xi32>,
      %swap3A_1837 = vector.shape_cast %swap3A_1836 : vector<1x1x16xi32> to vector<16xi32>
      %swap3A_1838 = vector.shape_cast %add3A_1830 : vector<16xi32> to vector<1x1x16xi32>
      tpu.vector_store %arg7[%swap3A_1833, %swap3A_1834, %swap3A_1835], %swap3A_1838 {strides = array<i32>} : memref<5x1x128xi32, #tpu.memory_space<vmem>>, vector<1x1x16xi32>,
      %get3A_1839 = arith.constant 0 : i32
      %get3A_1840 = arith.constant 0 : i32
      %get3A_1841 = arith.index_cast %get3A_1839 : i32 to index
      %get3A_1842 = arith.index_cast %get3A_1840 : i32 to index
      %get3A_1843 = arith.constant 16 : index
      %get3A_1844 = tpu.vector_load %arg6[%get3A_1841, %get3A_1842, %get3A_1843] {strides = array<i32>} : memref<5x2x128xi32, #tpu.memory_space<vmem>>, vector<1x1x16xi32>,
      %get3A_1845 = vector.shape_cast %get3A_1844 : vector<1x1x16xi32> to vector<16xi32>
      %get3A_1846 = arith.constant 0 : i32
      %get3A_1847 = arith.constant 1 : i32
      %get3A_1848 = arith.index_cast %get3A_1846 : i32 to index
      %get3A_1849 = arith.index_cast %get3A_1847 : i32 to index
      %get3A_1850 = arith.constant 16 : index
      %get3A_1851 = tpu.vector_load %arg6[%get3A_1848, %get3A_1849, %get3A_1850] {strides = array<i32>} : memref<5x2x128xi32, #tpu.memory_space<vmem>>, vector<1x1x16xi32>,
      %get3A_1852 = vector.shape_cast %get3A_1851 : vector<1x1x16xi32> to vector<16xi32>
      %mul3A_1853 = arith.constant 7 : i32
      %mul3A_1854 = vector.broadcast %mul3A_1853 : i32 to vector<16xi32>
      %mul3A_1855 = arith.muli %get3A_1845, %mul3A_1854 : vector<16xi32>
      %add3A_1856 = arith.addi %mul3A_1855, %get3A_1852 : vector<16xi32>
      %swap3A_1857 = arith.constant 0 : i32
      %swap3A_1858 = arith.constant 0 : i32
      %swap3A_1859 = arith.index_cast %swap3A_1857 : i32 to index
      %swap3A_1860 = arith.index_cast %swap3A_1858 : i32 to index
      %swap3A_1861 = arith.constant 16 : index
      %swap3A_1862 = tpu.vector_load %arg7[%swap3A_1859, %swap3A_1860, %swap3A_1861] {strides = array<i32>} : memref<5x1x128xi32, #tpu.memory_space<vmem>>, vector<1x1x16xi32>,
      %swap3A_1863 = vector.shape_cast %swap3A_1862 : vector<1x1x16xi32> to vector<16xi32>
      %swap3A_1864 = vector.shape_cast %add3A_1856 : vector<16xi32> to vector<1x1x16xi32>
      tpu.vector_store %arg7[%swap3A_1859, %swap3A_1860, %swap3A_1861], %swap3A_1864 {strides = array<i32>} : memref<5x1x128xi32, #tpu.memory_space<vmem>>, vector<1x1x16xi32>,
      %get3A_1865 = arith.constant 0 : i32
      %get3A_1866 = arith.constant 0 : i32
      %get3A_1867 = arith.index_cast %get3A_1865 : i32 to index
      %get3A_1868 = arith.index_cast %get3A_1866 : i32 to index
      %get3A_1869 = arith.constant 32 : index
      %get3A_1870 = tpu.vector_load %arg6[%get3A_1867, %get3A_1868, %get3A_1869] {strides = array<i32>} : memref<5x2x128xi32, #tpu.memory_space<vmem>>, vector<1x1x16xi32>,
      %get3A_1871 = vector.shape_cast %get3A_1870 : vector<1x1x16xi32> to vector<16xi32>
      %get3A_1872 = arith.constant 0 : i32
      %get3A_1873 = arith.constant 1 : i32
      %get3A_1874 = arith.index_cast %get3A_1872 : i32 to index
      %get3A_1875 = arith.index_cast %get3A_1873 : i32 to index
      %get3A_1876 = arith.constant 32 : index
      %get3A_1877 = tpu.vector_load %arg6[%get3A_1874, %get3A_1875, %get3A_1876] {strides = array<i32>} : memref<5x2x128xi32, #tpu.memory_space<vmem>>, vector<1x1x16xi32>,
      %get3A_1878 = vector.shape_cast %get3A_1877 : vector<1x1x16xi32> to vector<16xi32>
      %mul3A_1879 = arith.constant 7 : i32
      %mul3A_1880 = vector.broadcast %mul3A_1879 : i32 to vector<16xi32>
      %mul3A_1881 = arith.muli %get3A_1871, %mul3A_1880 : vector<16xi32>
      %add3A_1882 = arith.addi %mul3A_1881, %get3A_1878 : vector<16xi32>
      %swap3A_1883 = arith.constant 0 : i32
      %swap3A_1884 = arith.constant 0 : i32
      %swap3A_1885 = arith.index_cast %swap3A_1883 : i32 to index
      %swap3A_1886 = arith.index_cast %swap3A_1884 : i32 to index
      %swap3A_1887 = arith.constant 32 : index
      %swap3A_1888 = tpu.vector_load %arg7[%swap3A_1885, %swap3A_1886, %swap3A_1887] {strides = array<i32>} : memref<5x1x128xi32, #tpu.memory_space<vmem>>, vector<1x1x16xi32>,
      %swap3A_1889 = vector.shape_cast %swap3A_1888 : vector<1x1x16xi32> to vector<16xi32>
      %swap3A_1890 = vector.shape_cast %add3A_1882 : vector<16xi32> to vector<1x1x16xi32>
      tpu.vector_store %arg7[%swap3A_1885, %swap3A_1886, %swap3A_1887], %swap3A_1890 {strides = array<i32>} : memref<5x1x128xi32, #tpu.memory_space<vmem>>, vector<1x1x16xi32>,
      %get3A_1891 = arith.constant 0 : i32
      %get3A_1892 = arith.constant 0 : i32
      %get3A_1893 = arith.index_cast %get3A_1891 : i32 to index
      %get3A_1894 = arith.index_cast %get3A_1892 : i32 to index
      %get3A_1895 = arith.constant 48 : index
      %get3A_1896 = tpu.vector_load %arg6[%get3A_1893, %get3A_1894, %get3A_1895] {strides = array<i32>} : memref<5x2x128xi32, #tpu.memory_space<vmem>>, vector<1x1x16xi32>,
      %get3A_1897 = vector.shape_cast %get3A_1896 : vector<1x1x16xi32> to vector<16xi32>
      %get3A_1898 = arith.constant 0 : i32
      %get3A_1899 = arith.constant 1 : i32
      %get3A_1900 = arith.index_cast %get3A_1898 : i32 to index
      %get3A_1901 = arith.index_cast %get3A_1899 : i32 to index
      %get3A_1902 = arith.constant 48 : index
      %get3A_1903 = tpu.vector_load %arg6[%get3A_1900, %get3A_1901, %get3A_1902] {strides = array<i32>} : memref<5x2x128xi32, #tpu.memory_space<vmem>>, vector<1x1x16xi32>,
      %get3A_1904 = vector.shape_cast %get3A_1903 : vector<1x1x16xi32> to vector<16xi32>
      %mul3A_1905 = arith.constant 7 : i32
      %mul3A_1906 = vector.broadcast %mul3A_1905 : i32 to vector<16xi32>
      %mul3A_1907 = arith.muli %get3A_1897, %mul3A_1906 : vector<16xi32>
      %add3A_1908 = arith.addi %mul3A_1907, %get3A_1904 : vector<16xi32>
      %swap3A_1909 = arith.constant 0 : i32
      %swap3A_1910 = arith.constant 0 : i32
      %swap3A_1911 = arith.index_cast %swap3A_1909 : i32 to index
      %swap3A_1912 = arith.index_cast %swap3A_1910 : i32 to index
      %swap3A_1913 = arith.constant 48 : index
      %swap3A_1914 = tpu.vector_load %arg7[%swap3A_1911, %swap3A_1912, %swap3A_1913] {strides = array<i32>} : memref<5x1x128xi32, #tpu.memory_space<vmem>>, vector<1x1x16xi32>,
      %swap3A_1915 = vector.shape_cast %swap3A_1914 : vector<1x1x16xi32> to vector<16xi32>
      %swap3A_1916 = vector.shape_cast %add3A_1908 : vector<16xi32> to vector<1x1x16xi32>
      tpu.vector_store %arg7[%swap3A_1911, %swap3A_1912, %swap3A_1913], %swap3A_1916 {strides = array<i32>} : memref<5x1x128xi32, #tpu.memory_space<vmem>>, vector<1x1x16xi32>,
      %get3A_1917 = arith.constant 0 : i32
      %get3A_1918 = arith.constant 0 : i32
      %get3A_1919 = arith.index_cast %get3A_1917 : i32 to index
      %get3A_1920 = arith.index_cast %get3A_1918 : i32 to index
      %get3A_1921 = arith.constant 64 : index
      %get3A_1922 = tpu.vector_load %arg6[%get3A_1919, %get3A_1920, %get3A_1921] {strides = array<i32>} : memref<5x2x128xi32, #tpu.memory_space<vmem>>, vector<1x1x16xi32>,
      %get3A_1923 = vector.shape_cast %get3A_1922 : vector<1x1x16xi32> to vector<16xi32>
      %get3A_1924 = arith.constant 0 : i32
      %get3A_1925 = arith.constant 1 : i32
      %get3A_1926 = arith.index_cast %get3A_1924 : i32 to index
      %get3A_1927 = arith.index_cast %get3A_1925 : i32 to index
      %get3A_1928 = arith.constant 64 : index
      %get3A_1929 = tpu.vector_load %arg6[%get3A_1926, %get3A_1927, %get3A_1928] {strides = array<i32>} : memref<5x2x128xi32, #tpu.memory_space<vmem>>, vector<1x1x16xi32>,
      %get3A_1930 = vector.shape_cast %get3A_1929 : vector<1x1x16xi32> to vector<16xi32>
      %mul3A_1931 = arith.constant 7 : i32
      %mul3A_1932 = vector.broadcast %mul3A_1931 : i32 to vector<16xi32>
      %mul3A_1933 = arith.muli %get3A_1923, %mul3A_1932 : vector<16xi32>
      %add3A_1934 = arith.addi %mul3A_1933, %get3A_1930 : vector<16xi32>
      %swap3A_1935 = arith.constant 0 : i32
      %swap3A_1936 = arith.constant 0 : i32
      %swap3A_1937 = arith.index_cast %swap3A_1935 : i32 to index
      %swap3A_1938 = arith.index_cast %swap3A_1936 : i32 to index
      %swap3A_1939 = arith.constant 64 : index
      %swap3A_1940 = tpu.vector_load %arg7[%swap3A_1937, %swap3A_1938, %swap3A_1939] {strides = array<i32>} : memref<5x1x128xi32, #tpu.memory_space<vmem>>, vector<1x1x16xi32>,
      %swap3A_1941 = vector.shape_cast %swap3A_1940 : vector<1x1x16xi32> to vector<16xi32>
      %swap3A_1942 = vector.shape_cast %add3A_1934 : vector<16xi32> to vector<1x1x16xi32>
      tpu.vector_store %arg7[%swap3A_1937, %swap3A_1938, %swap3A_1939], %swap3A_1942 {strides = array<i32>} : memref<5x1x128xi32, #tpu.memory_space<vmem>>, vector<1x1x16xi32>,
      %get3A_1943 = arith.constant 0 : i32
      %get3A_1944 = arith.constant 0 : i32
      %get3A_1945 = arith.index_cast %get3A_1943 : i32 to index
      %get3A_1946 = arith.index_cast %get3A_1944 : i32 to index
      %get3A_1947 = arith.constant 80 : index
      %get3A_1948 = tpu.vector_load %arg6[%get3A_1945, %get3A_1946, %get3A_1947] {strides = array<i32>} : memref<5x2x128xi32, #tpu.memory_space<vmem>>, vector<1x1x16xi32>,
      %get3A_1949 = vector.shape_cast %get3A_1948 : vector<1x1x16xi32> to vector<16xi32>
      %get3A_1950 = arith.constant 0 : i32
      %get3A_1951 = arith.constant 1 : i32
      %get3A_1952 = arith.index_cast %get3A_1950 : i32 to index
      %get3A_1953 = arith.index_cast %get3A_1951 : i32 to index
      %get3A_1954 = arith.constant 80 : index
      %get3A_1955 = tpu.vector_load %arg6[%get3A_1952, %get3A_1953, %get3A_1954] {strides = array<i32>} : memref<5x2x128xi32, #tpu.memory_space<vmem>>, vector<1x1x16xi32>,
      %get3A_1956 = vector.shape_cast %get3A_1955 : vector<1x1x16xi32> to vector<16xi32>
      %mul3A_1957 = arith.constant 7 : i32
      %mul3A_1958 = vector.broadcast %mul3A_1957 : i32 to vector<16xi32>
      %mul3A_1959 = arith.muli %get3A_1949, %mul3A_1958 : vector<16xi32>
      %add3A_1960 = arith.addi %mul3A_1959, %get3A_1956 : vector<16xi32>
      %swap3A_1961 = arith.constant 0 : i32
      %swap3A_1962 = arith.constant 0 : i32
      %swap3A_1963 = arith.index_cast %swap3A_1961 : i32 to index
      %swap3A_1964 = arith.index_cast %swap3A_1962 : i32 to index
      %swap3A_1965 = arith.constant 80 : index
      %swap3A_1966 = tpu.vector_load %arg7[%swap3A_1963, %swap3A_1964, %swap3A_1965] {strides = array<i32>} : memref<5x1x128xi32, #tpu.memory_space<vmem>>, vector<1x1x16xi32>,
      %swap3A_1967 = vector.shape_cast %swap3A_1966 : vector<1x1x16xi32> to vector<16xi32>
      %swap3A_1968 = vector.shape_cast %add3A_1960 : vector<16xi32> to vector<1x1x16xi32>
      tpu.vector_store %arg7[%swap3A_1963, %swap3A_1964, %swap3A_1965], %swap3A_1968 {strides = array<i32>} : memref<5x1x128xi32, #tpu.memory_space<vmem>>, vector<1x1x16xi32>,
      %get3A_1969 = arith.constant 0 : i32
      %get3A_1970 = arith.constant 0 : i32
      %get3A_1971 = arith.index_cast %get3A_1969 : i32 to index
      %get3A_1972 = arith.index_cast %get3A_1970 : i32 to index
      %get3A_1973 = arith.constant 96 : index
      %get3A_1974 = tpu.vector_load %arg6[%get3A_1971, %get3A_1972, %get3A_1973] {strides = array<i32>} : memref<5x2x128xi32, #tpu.memory_space<vmem>>, vector<1x1x16xi32>,
      %get3A_1975 = vector.shape_cast %get3A_1974 : vector<1x1x16xi32> to vector<16xi32>
      %get3A_1976 = arith.constant 0 : i32
      %get3A_1977 = arith.constant 1 : i32
      %get3A_1978 = arith.index_cast %get3A_1976 : i32 to index
      %get3A_1979 = arith.index_cast %get3A_1977 : i32 to index
      %get3A_1980 = arith.constant 96 : index
      %get3A_1981 = tpu.vector_load %arg6[%get3A_1978, %get3A_1979, %get3A_1980] {strides = array<i32>} : memref<5x2x128xi32, #tpu.memory_space<vmem>>, vector<1x1x16xi32>,
      %get3A_1982 = vector.shape_cast %get3A_1981 : vector<1x1x16xi32> to vector<16xi32>
      %mul3A_1983 = arith.constant 7 : i32
      %mul3A_1984 = vector.broadcast %mul3A_1983 : i32 to vector<16xi32>
      %mul3A_1985 = arith.muli %get3A_1975, %mul3A_1984 : vector<16xi32>
      %add3A_1986 = arith.addi %mul3A_1985, %get3A_1982 : vector<16xi32>
      %swap3A_1987 = arith.constant 0 : i32
      %swap3A_1988 = arith.constant 0 : i32
      %swap3A_1989 = arith.index_cast %swap3A_1987 : i32 to index
      %swap3A_1990 = arith.index_cast %swap3A_1988 : i32 to index
      %swap3A_1991 = arith.constant 96 : index
      %swap3A_1992 = tpu.vector_load %arg7[%swap3A_1989, %swap3A_1990, %swap3A_1991] {strides = array<i32>} : memref<5x1x128xi32, #tpu.memory_space<vmem>>, vector<1x1x16xi32>,
      %swap3A_1993 = vector.shape_cast %swap3A_1992 : vector<1x1x16xi32> to vector<16xi32>
      %swap3A_1994 = vector.shape_cast %add3A_1986 : vector<16xi32> to vector<1x1x16xi32>
      tpu.vector_store %arg7[%swap3A_1989, %swap3A_1990, %swap3A_1991], %swap3A_1994 {strides = array<i32>} : memref<5x1x128xi32, #tpu.memory_space<vmem>>, vector<1x1x16xi32>,
      %get3A_1995 = arith.constant 0 : i32
      %get3A_1996 = arith.constant 0 : i32
      %get3A_1997 = arith.index_cast %get3A_1995 : i32 to index
      %get3A_1998 = arith.index_cast %get3A_1996 : i32 to index
      %get3A_1999 = arith.constant 112 : index
      %get3A_2000 = tpu.vector_load %arg6[%get3A_1997, %get3A_1998, %get3A_1999] {strides = array<i32>} : memref<5x2x128xi32, #tpu.memory_space<vmem>>, vector<1x1x16xi32>,
      %get3A_2001 = vector.shape_cast %get3A_2000 : vector<1x1x16xi32> to vector<16xi32>
      %get3A_2002 = arith.constant 0 : i32
      %get3A_2003 = arith.constant 1 : i32
      %get3A_2004 = arith.index_cast %get3A_2002 : i32 to index
      %get3A_2005 = arith.index_cast %get3A_2003 : i32 to index
      %get3A_2006 = arith.constant 112 : index
      %get3A_2007 = tpu.vector_load %arg6[%get3A_2004, %get3A_2005, %get3A_2006] {strides = array<i32>} : memref<5x2x128xi32, #tpu.memory_space<vmem>>, vector<1x1x16xi32>,
      %get3A_2008 = vector.shape_cast %get3A_2007 : vector<1x1x16xi32> to vector<16xi32>
      %mul3A_2009 = arith.constant 7 : i32
      %mul3A_2010 = vector.broadcast %mul3A_2009 : i32 to vector<16xi32>
      %mul3A_2011 = arith.muli %get3A_2001, %mul3A_2010 : vector<16xi32>
      %add3A_2012 = arith.addi %mul3A_2011, %get3A_2008 : vector<16xi32>
      %swap3A_2013 = arith.constant 0 : i32
      %swap3A_2014 = arith.constant 0 : i32
      %swap3A_2015 = arith.index_cast %swap3A_2013 : i32 to index
      %swap3A_2016 = arith.index_cast %swap3A_2014 : i32 to index
      %swap3A_2017 = arith.constant 112 : index
      %swap3A_2018 = tpu.vector_load %arg7[%swap3A_2015, %swap3A_2016, %swap3A_2017] {strides = array<i32>} : memref<5x1x128xi32, #tpu.memory_space<vmem>>, vector<1x1x16xi32>,
      %swap3A_2019 = vector.shape_cast %swap3A_2018 : vector<1x1x16xi32> to vector<16xi32>
      %swap3A_2020 = vector.shape_cast %add3A_2012 : vector<16xi32> to vector<1x1x16xi32>
      tpu.vector_store %arg7[%swap3A_2015, %swap3A_2016, %swap3A_2017], %swap3A_2020 {strides = array<i32>} : memref<5x1x128xi32, #tpu.memory_space<vmem>>, vector<1x1x16xi32>,
      %add3A_2021 = arith.constant 5 : i32
      %add3A_2022 = arith.addi %add3A_1789, %add3A_2021 : i32
      %min3A_2023 = arith.constant 199 : i32
      %min3A_2024 = arith.minsi %add3A_2022, %min3A_2023 : i32
      %mul3A_2025 = arith.constant 128 : i32
      %mul3A_2026 = arith.muli %min3A_2024, %mul3A_2025 : i32
      %add3A_2027 = arith.addi %mul3A_2, %mul3A_2026 : i32
      %dma_start3A_2028 = arith.constant 0 : i32
      %dma_start3A_2029 = arith.constant 0 : i32
      %dma_start3A_2030 = arith.constant 0 : i32
      %dma_start3A_2031 = tpu.memref_slice %arg6[%dma_start3A_2028, %dma_start3A_2029, %dma_start3A_2030] : memref<5x2x128xi32, #tpu.memory_space<vmem>> -> memref<1x1x128xi32, #tpu.memory_space<vmem>>
      %dma_start3A_2032 = tpu.memref_squeeze %dma_start3A_2031 : memref<1x1x128xi32, #tpu.memory_space<vmem>> -> memref<128xi32, #tpu.memory_space<vmem>>
      %dma_start3A_2033 = tpu.memref_slice %arg2[%add3A_2027] : memref<819200xi32, #tpu.memory_space<hbm>> -> memref<128xi32, #tpu.memory_space<hbm>>
      %dma_start3A_2034 = arith.constant 0 : i32
      %dma_start3A_2035 = tpu.memref_slice %arg6[%dma_start3A_2028, %dma_start3A_2029, %dma_start3A_2034] : memref<5x2x128xi32, #tpu.memory_space<vmem>> -> memref<1x1x128xi32, #tpu.memory_space<vmem>>
      %dma_start3A_2036 = tpu.memref_squeeze %dma_start3A_2035 : memref<1x1x128xi32, #tpu.memory_space<vmem>> -> memref<128xi32, #tpu.memory_space<vmem>>
      %dma_start3A_2037 = tpu.memref_slice %arg2[%add3A_2027] : memref<819200xi32, #tpu.memory_space<hbm>> -> memref<128xi32, #tpu.memory_space<hbm>>
      tpu.enqueue_dma source(%dma_start3A_2037 : memref<128xi32, #tpu.memory_space<hbm>>) target(%dma_start3A_2036 : memref<128xi32, #tpu.memory_space<vmem>>) target_semaphore(%arg10 : memref<!tpu.dma_semaphore, #tpu.memory_space<semaphore_mem>>)
      %dma_start3A_2038 = arith.constant 0 : i32
      %dma_start3A_2039 = arith.constant 1 : i32
      %dma_start3A_2040 = arith.constant 0 : i32
      %dma_start3A_2041 = tpu.memref_slice %arg6[%dma_start3A_2038, %dma_start3A_2039, %dma_start3A_2040] : memref<5x2x128xi32, #tpu.memory_space<vmem>> -> memref<1x1x128xi32, #tpu.memory_space<vmem>>
      %dma_start3A_2042 = tpu.memref_squeeze %dma_start3A_2041 : memref<1x1x128xi32, #tpu.memory_space<vmem>> -> memref<128xi32, #tpu.memory_space<vmem>>
      %dma_start3A_2043 = tpu.memref_slice %arg3[%add3A_2027] : memref<819200xi32, #tpu.memory_space<hbm>> -> memref<128xi32, #tpu.memory_space<hbm>>
      %dma_start3A_2044 = arith.constant 0 : i32
      %dma_start3A_2045 = tpu.memref_slice %arg6[%dma_start3A_2038, %dma_start3A_2039, %dma_start3A_2044] : memref<5x2x128xi32, #tpu.memory_space<vmem>> -> memref<1x1x128xi32, #tpu.memory_space<vmem>>
      %dma_start3A_2046 = tpu.memref_squeeze %dma_start3A_2045 : memref<1x1x128xi32, #tpu.memory_space<vmem>> -> memref<128xi32, #tpu.memory_space<vmem>>
      %dma_start3A_2047 = tpu.memref_slice %arg3[%add3A_2027] : memref<819200xi32, #tpu.memory_space<hbm>> -> memref<128xi32, #tpu.memory_space<hbm>>
      tpu.enqueue_dma source(%dma_start3A_2047 : memref<128xi32, #tpu.memory_space<hbm>>) target(%dma_start3A_2046 : memref<128xi32, #tpu.memory_space<vmem>>) target_semaphore(%arg10 : memref<!tpu.dma_semaphore, #tpu.memory_space<semaphore_mem>>)
      %mul3A_2048 = arith.constant 128 : i32
      %mul3A_2049 = arith.muli %add3A_1789, %mul3A_2048 : i32
      %add3A_2050 = arith.addi %mul3A_2, %mul3A_2049 : i32
      %dma_wait3A_2051 = arith.constant 0 : i32
      %dma_wait3A_2052 = arith.constant 0 : i32
      %dma_wait3A_2053 = arith.constant 0 : i32
      %dma_wait3A_2054 = tpu.memref_slice %arg8[%dma_wait3A_2051, %dma_wait3A_2052, %dma_wait3A_2053] : memref<5x128x128xf32, #tpu.memory_space<vmem>> -> memref<1x128x128xf32, #tpu.memory_space<vmem>>
      %dma_wait3A_2055 = tpu.memref_squeeze %dma_wait3A_2054 : memref<1x128x128xf32, #tpu.memory_space<vmem>> -> memref<128x128xf32, #tpu.memory_space<vmem>>
      %dma_wait3A_2056 = arith.constant 0 : i32
      %dma_wait3A_2057 = tpu.memref_slice %arg5[%add3A_2050, %dma_wait3A_2056] : memref<819200x128xf32, #tpu.memory_space<hbm>> -> memref<128x128xf32, #tpu.memory_space<hbm>>
      %dma_wait3A_2058 = arith.constant 0 : i32
      %dma_wait3A_2059 = tpu.memref_slice %arg5[%add3A_2050, %dma_wait3A_2058] : memref<819200x128xf32, #tpu.memory_space<hbm>> -> memref<128x128xf32, #tpu.memory_space<hbm>>
      %dma_wait3A_2060 = arith.constant 0 : i32
      %dma_wait3A_2061 = arith.constant 0 : i32
      %dma_wait3A_2062 = tpu.memref_slice %arg8[%dma_wait3A_2051, %dma_wait3A_2060, %dma_wait3A_2061] : memref<5x128x128xf32, #tpu.memory_space<vmem>> -> memref<1x128x128xf32, #tpu.memory_space<vmem>>
      %dma_wait3A_2063 = tpu.memref_squeeze %dma_wait3A_2062 : memref<1x128x128xf32, #tpu.memory_space<vmem>> -> memref<128x128xf32, #tpu.memory_space<vmem>>
      tpu.wait_dma2 semaphore(%arg20 : memref<!tpu.dma_semaphore, #tpu.memory_space<semaphore_mem>>) src(%dma_wait3A_2063 : memref<128x128xf32, #tpu.memory_space<vmem>>) dst(%dma_wait3A_2059 : memref<128x128xf32, #tpu.memory_space<hbm>>)
      %dma_start3A_2064 = arith.constant 0 : i32
      %dma_start3A_2065 = arith.constant 0 : i32
      %dma_start3A_2066 = arith.constant 0 : i32
      %dma_start3A_2067 = arith.constant 0 : i32
      %dma_start3A_2068 = arith.constant 0 : i32
      %dma_start3A_2069 = tpu.memref_slice %arg8[%dma_start3A_2066, %dma_start3A_2067, %dma_start3A_2068] : memref<5x128x128xf32, #tpu.memory_space<vmem>> -> memref<1x128x128xf32, #tpu.memory_space<vmem>>
      %dma_start3A_2070 = tpu.memref_squeeze %dma_start3A_2069 : memref<1x128x128xf32, #tpu.memory_space<vmem>> -> memref<128x128xf32, #tpu.memory_space<vmem>>
      %dma_start3A_2071 = arith.constant 0 : i32
      %dma_start3A_2072 = tpu.memref_slice %arg7[%dma_start3A_2064, %dma_start3A_2065, %dma_start3A_2071] : memref<5x1x128xi32, #tpu.memory_space<vmem>> -> memref<1x1x128xi32, #tpu.memory_space<vmem>>
      %dma_start3A_2073 = tpu.memref_squeeze %dma_start3A_2072 : memref<1x1x128xi32, #tpu.memory_space<vmem>> -> memref<128xi32, #tpu.memory_space<vmem>>
      %dma_start3A_2074 = arith.constant 0 : i32
      %dma_start3A_2075 = arith.constant 0 : i32
      %dma_start3A_2076 = tpu.memref_slice %arg9[%dma_start3A_2074, %dma_start3A_2075] : memref<168x128xf32, #tpu.memory_space<vmem_shared>> -> memref<168x128xf32, #tpu.memory_space<vmem_shared>>
      tpu.enqueue_indirect_dma source(%dma_start3A_2076 : memref<168x128xf32, #tpu.memory_space<vmem_shared>>) target(%dma_start3A_2070 : memref<128x128xf32, #tpu.memory_space<vmem>>) offsets(%dma_start3A_2073 : memref<128xi32, #tpu.memory_space<vmem>>) semaphore(%arg15 : memref<!tpu.dma_semaphore, #tpu.memory_space<semaphore_mem>>)
      %dma_wait3A_2077 = arith.constant 4 : i32
      %dma_wait3A_2078 = arith.constant 0 : i32
      %dma_wait3A_2079 = arith.constant 4 : i32
      %dma_wait3A_2080 = arith.constant 0 : i32
      %dma_wait3A_2081 = arith.constant 0 : i32
      %dma_wait3A_2082 = tpu.memref_slice %arg8[%dma_wait3A_2079, %dma_wait3A_2080, %dma_wait3A_2081] : memref<5x128x128xf32, #tpu.memory_space<vmem>> -> memref<1x128x128xf32, #tpu.memory_space<vmem>>
      %dma_wait3A_2083 = tpu.memref_squeeze %dma_wait3A_2082 : memref<1x128x128xf32, #tpu.memory_space<vmem>> -> memref<128x128xf32, #tpu.memory_space<vmem>>
      %dma_wait3A_2084 = arith.constant 0 : i32
      %dma_wait3A_2085 = tpu.memref_slice %arg7[%dma_wait3A_2077, %dma_wait3A_2078, %dma_wait3A_2084] : memref<5x1x128xi32, #tpu.memory_space<vmem>> -> memref<1x1x128xi32, #tpu.memory_space<vmem>>
      %dma_wait3A_2086 = tpu.memref_squeeze %dma_wait3A_2085 : memref<1x1x128xi32, #tpu.memory_space<vmem>> -> memref<128xi32, #tpu.memory_space<vmem>>
      %dma_wait3A_2087 = arith.constant 0 : i32
      %dma_wait3A_2088 = arith.constant 0 : i32
      %dma_wait3A_2089 = tpu.memref_slice %arg9[%dma_wait3A_2087, %dma_wait3A_2088] : memref<168x128xf32, #tpu.memory_space<vmem_shared>> -> memref<168x128xf32, #tpu.memory_space<vmem_shared>>
      tpu.wait_indirect_dma semaphore(%arg19 : memref<!tpu.dma_semaphore, #tpu.memory_space<semaphore_mem>>) src(%dma_wait3A_2089 : memref<168x128xf32, #tpu.memory_space<vmem_shared>>) dst(%dma_wait3A_2083 : memref<128x128xf32, #tpu.memory_space<vmem>>)
      %sub3A = arith.constant 1 : i32
      %sub3A_2090 = arith.subi %add3A_1789, %sub3A : i32
      %mul3A_2091 = arith.constant 128 : i32
      %mul3A_2092 = arith.muli %sub3A_2090, %mul3A_2091 : i32
      %add3A_2093 = arith.addi %mul3A_2, %mul3A_2092 : i32
      %dma_start3A_2094 = arith.constant 4 : i32
      %dma_start3A_2095 = arith.constant 0 : i32
      %dma_start3A_2096 = arith.constant 0 : i32
      %dma_start3A_2097 = tpu.memref_slice %arg8[%dma_start3A_2094, %dma_start3A_2095, %dma_start3A_2096] : memref<5x128x128xf32, #tpu.memory_space<vmem>> -> memref<1x128x128xf32, #tpu.memory_space<vmem>>
      %dma_start3A_2098 = tpu.memref_squeeze %dma_start3A_2097 : memref<1x128x128xf32, #tpu.memory_space<vmem>> -> memref<128x128xf32, #tpu.memory_space<vmem>>
      %dma_start3A_2099 = arith.constant 0 : i32
      %dma_start3A_2100 = tpu.memref_slice %arg5[%add3A_2093, %dma_start3A_2099] : memref<819200x128xf32, #tpu.memory_space<hbm>> -> memref<128x128xf32, #tpu.memory_space<hbm>>
      %dma_start3A_2101 = arith.constant 0 : i32
      %dma_start3A_2102 = tpu.memref_slice %arg5[%add3A_2093, %dma_start3A_2101] : memref<819200x128xf32, #tpu.memory_space<hbm>> -> memref<128x128xf32, #tpu.memory_space<hbm>>
      %dma_start3A_2103 = arith.constant 0 : i32
      %dma_start3A_2104 = arith.constant 0 : i32
      %dma_start3A_2105 = tpu.memref_slice %arg8[%dma_start3A_2094, %dma_start3A_2103, %dma_start3A_2104] : memref<5x128x128xf32, #tpu.memory_space<vmem>> -> memref<1x128x128xf32, #tpu.memory_space<vmem>>
      %dma_start3A_2106 = tpu.memref_squeeze %dma_start3A_2105 : memref<1x128x128xf32, #tpu.memory_space<vmem>> -> memref<128x128xf32, #tpu.memory_space<vmem>>
      tpu.enqueue_dma source(%dma_start3A_2106 : memref<128x128xf32, #tpu.memory_space<vmem>>) target(%dma_start3A_2102 : memref<128x128xf32, #tpu.memory_space<hbm>>) target_semaphore(%arg24 : memref<!tpu.dma_semaphore, #tpu.memory_space<semaphore_mem>>)
      %mul3A_2107 = arith.constant 5 : i32
      %mul3A_2108 = arith.muli %scan3A_1785, %mul3A_2107 : i32
      %add3A_2109 = arith.constant 1 : i32
      %add3A_2110 = arith.addi %mul3A_2108, %add3A_2109 : i32
      %mul3A_2111 = arith.constant 128 : i32
      %mul3A_2112 = arith.muli %add3A_2110, %mul3A_2111 : i32
      %add3A_2113 = arith.addi %mul3A_2, %mul3A_2112 : i32
      %dma_wait3A_2114 = arith.constant 1 : i32
      %dma_wait3A_2115 = arith.constant 0 : i32
      %dma_wait3A_2116 = arith.constant 0 : i32
      %dma_wait3A_2117 = tpu.memref_slice %arg6[%dma_wait3A_2114, %dma_wait3A_2115, %dma_wait3A_2116] : memref<5x2x128xi32, #tpu.memory_space<vmem>> -> memref<1x1x128xi32, #tpu.memory_space<vmem>>
      %dma_wait3A_2118 = tpu.memref_squeeze %dma_wait3A_2117 : memref<1x1x128xi32, #tpu.memory_space<vmem>> -> memref<128xi32, #tpu.memory_space<vmem>>
      %dma_wait3A_2119 = tpu.memref_slice %arg2[%add3A_2113] : memref<819200xi32, #tpu.memory_space<hbm>> -> memref<128xi32, #tpu.memory_space<hbm>>
      %dma_wait3A_2120 = arith.constant 0 : i32
      %dma_wait3A_2121 = tpu.memref_slice %arg6[%dma_wait3A_2114, %dma_wait3A_2115, %dma_wait3A_2120] : memref<5x2x128xi32, #tpu.memory_space<vmem>> -> memref<1x1x128xi32, #tpu.memory_space<vmem>>
      %dma_wait3A_2122 = tpu.memref_squeeze %dma_wait3A_2121 : memref<1x1x128xi32, #tpu.memory_space<vmem>> -> memref<128xi32, #tpu.memory_space<vmem>>
      %dma_wait3A_2123 = tpu.memref_slice %arg2[%add3A_2113] : memref<819200xi32, #tpu.memory_space<hbm>> -> memref<128xi32, #tpu.memory_space<hbm>>
      tpu.wait_dma2 semaphore(%arg11 : memref<!tpu.dma_semaphore, #tpu.memory_space<semaphore_mem>>) src(%dma_wait3A_2123 : memref<128xi32, #tpu.memory_space<hbm>>) dst(%dma_wait3A_2122 : memref<128xi32, #tpu.memory_space<vmem>>)
      %dma_wait3A_2124 = arith.constant 1 : i32
      %dma_wait3A_2125 = arith.constant 1 : i32
      %dma_wait3A_2126 = arith.constant 0 : i32
      %dma_wait3A_2127 = tpu.memref_slice %arg6[%dma_wait3A_2124, %dma_wait3A_2125, %dma_wait3A_2126] : memref<5x2x128xi32, #tpu.memory_space<vmem>> -> memref<1x1x128xi32, #tpu.memory_space<vmem>>
      %dma_wait3A_2128 = tpu.memref_squeeze %dma_wait3A_2127 : memref<1x1x128xi32, #tpu.memory_space<vmem>> -> memref<128xi32, #tpu.memory_space<vmem>>
      %dma_wait3A_2129 = tpu.memref_slice %arg3[%add3A_2113] : memref<819200xi32, #tpu.memory_space<hbm>> -> memref<128xi32, #tpu.memory_space<hbm>>
      %dma_wait3A_2130 = arith.constant 0 : i32
      %dma_wait3A_2131 = tpu.memref_slice %arg6[%dma_wait3A_2124, %dma_wait3A_2125, %dma_wait3A_2130] : memref<5x2x128xi32, #tpu.memory_space<vmem>> -> memref<1x1x128xi32, #tpu.memory_space<vmem>>
      %dma_wait3A_2132 = tpu.memref_squeeze %dma_wait3A_2131 : memref<1x1x128xi32, #tpu.memory_space<vmem>> -> memref<128xi32, #tpu.memory_space<vmem>>
      %dma_wait3A_2133 = tpu.memref_slice %arg3[%add3A_2113] : memref<819200xi32, #tpu.memory_space<hbm>> -> memref<128xi32, #tpu.memory_space<hbm>>
      tpu.wait_dma2 semaphore(%arg11 : memref<!tpu.dma_semaphore, #tpu.memory_space<semaphore_mem>>) src(%dma_wait3A_2133 : memref<128xi32, #tpu.memory_space<hbm>>) dst(%dma_wait3A_2132 : memref<128xi32, #tpu.memory_space<vmem>>)
      %get3A_2134 = arith.constant 1 : i32
      %get3A_2135 = arith.constant 0 : i32
      %get3A_2136 = arith.index_cast %get3A_2134 : i32 to index
      %get3A_2137 = arith.index_cast %get3A_2135 : i32 to index
      %get3A_2138 = arith.constant 0 : index
      %get3A_2139 = tpu.vector_load %arg6[%get3A_2136, %get3A_2137, %get3A_2138] {strides = array<i32>} : memref<5x2x128xi32, #tpu.memory_space<vmem>>, vector<1x1x16xi32>,
      %get3A_2140 = vector.shape_cast %get3A_2139 : vector<1x1x16xi32> to vector<16xi32>
      %get3A_2141 = arith.constant 1 : i32
      %get3A_2142 = arith.constant 1 : i32
      %get3A_2143 = arith.index_cast %get3A_2141 : i32 to index
      %get3A_2144 = arith.index_cast %get3A_2142 : i32 to index
      %get3A_2145 = arith.constant 0 : index
      %get3A_2146 = tpu.vector_load %arg6[%get3A_2143, %get3A_2144, %get3A_2145] {strides = array<i32>} : memref<5x2x128xi32, #tpu.memory_space<vmem>>, vector<1x1x16xi32>,
      %get3A_2147 = vector.shape_cast %get3A_2146 : vector<1x1x16xi32> to vector<16xi32>
      %mul3A_2148 = arith.constant 7 : i32
      %mul3A_2149 = vector.broadcast %mul3A_2148 : i32 to vector<16xi32>
      %mul3A_2150 = arith.muli %get3A_2140, %mul3A_2149 : vector<16xi32>
      %add3A_2151 = arith.addi %mul3A_2150, %get3A_2147 : vector<16xi32>
      %swap3A_2152 = arith.constant 1 : i32
      %swap3A_2153 = arith.constant 0 : i32
      %swap3A_2154 = arith.index_cast %swap3A_2152 : i32 to index
      %swap3A_2155 = arith.index_cast %swap3A_2153 : i32 to index
      %swap3A_2156 = arith.constant 0 : index
      %swap3A_2157 = tpu.vector_load %arg7[%swap3A_2154, %swap3A_2155, %swap3A_2156] {strides = array<i32>} : memref<5x1x128xi32, #tpu.memory_space<vmem>>, vector<1x1x16xi32>,
      %swap3A_2158 = vector.shape_cast %swap3A_2157 : vector<1x1x16xi32> to vector<16xi32>
      %swap3A_2159 = vector.shape_cast %add3A_2151 : vector<16xi32> to vector<1x1x16xi32>
      tpu.vector_store %arg7[%swap3A_2154, %swap3A_2155, %swap3A_2156], %swap3A_2159 {strides = array<i32>} : memref<5x1x128xi32, #tpu.memory_space<vmem>>, vector<1x1x16xi32>,
      %get3A_2160 = arith.constant 1 : i32
      %get3A_2161 = arith.constant 0 : i32
      %get3A_2162 = arith.index_cast %get3A_2160 : i32 to index
      %get3A_2163 = arith.index_cast %get3A_2161 : i32 to index
      %get3A_2164 = arith.constant 16 : index
      %get3A_2165 = tpu.vector_load %arg6[%get3A_2162, %get3A_2163, %get3A_2164] {strides = array<i32>} : memref<5x2x128xi32, #tpu.memory_space<vmem>>, vector<1x1x16xi32>,
      %get3A_2166 = vector.shape_cast %get3A_2165 : vector<1x1x16xi32> to vector<16xi32>
      %get3A_2167 = arith.constant 1 : i32
      %get3A_2168 = arith.constant 1 : i32
      %get3A_2169 = arith.index_cast %get3A_2167 : i32 to index
      %get3A_2170 = arith.index_cast %get3A_2168 : i32 to index
      %get3A_2171 = arith.constant 16 : index
      %get3A_2172 = tpu.vector_load %arg6[%get3A_2169, %get3A_2170, %get3A_2171] {strides = array<i32>} : memref<5x2x128xi32, #tpu.memory_space<vmem>>, vector<1x1x16xi32>,
      %get3A_2173 = vector.shape_cast %get3A_2172 : vector<1x1x16xi32> to vector<16xi32>
      %mul3A_2174 = arith.constant 7 : i32
      %mul3A_2175 = vector.broadcast %mul3A_2174 : i32 to vector<16xi32>
      %mul3A_2176 = arith.muli %get3A_2166, %mul3A_2175 : vector<16xi32>
      %add3A_2177 = arith.addi %mul3A_2176, %get3A_2173 : vector<16xi32>
      %swap3A_2178 = arith.constant 1 : i32
      %swap3A_2179 = arith.constant 0 : i32
      %swap3A_2180 = arith.index_cast %swap3A_2178 : i32 to index
      %swap3A_2181 = arith.index_cast %swap3A_2179 : i32 to index
      %swap3A_2182 = arith.constant 16 : index
      %swap3A_2183 = tpu.vector_load %arg7[%swap3A_2180, %swap3A_2181, %swap3A_2182] {strides = array<i32>} : memref<5x1x128xi32, #tpu.memory_space<vmem>>, vector<1x1x16xi32>,
      %swap3A_2184 = vector.shape_cast %swap3A_2183 : vector<1x1x16xi32> to vector<16xi32>
      %swap3A_2185 = vector.shape_cast %add3A_2177 : vector<16xi32> to vector<1x1x16xi32>
      tpu.vector_store %arg7[%swap3A_2180, %swap3A_2181, %swap3A_2182], %swap3A_2185 {strides = array<i32>} : memref<5x1x128xi32, #tpu.memory_space<vmem>>, vector<1x1x16xi32>,
      %get3A_2186 = arith.constant 1 : i32
      %get3A_2187 = arith.constant 0 : i32
      %get3A_2188 = arith.index_cast %get3A_2186 : i32 to index
      %get3A_2189 = arith.index_cast %get3A_2187 : i32 to index
      %get3A_2190 = arith.constant 32 : index
      %get3A_2191 = tpu.vector_load %arg6[%get3A_2188, %get3A_2189, %get3A_2190] {strides = array<i32>} : memref<5x2x128xi32, #tpu.memory_space<vmem>>, vector<1x1x16xi32>,
      %get3A_2192 = vector.shape_cast %get3A_2191 : vector<1x1x16xi32> to vector<16xi32>
      %get3A_2193 = arith.constant 1 : i32
      %get3A_2194 = arith.constant 1 : i32
      %get3A_2195 = arith.index_cast %get3A_2193 : i32 to index
      %get3A_2196 = arith.index_cast %get3A_2194 : i32 to index
      %get3A_2197 = arith.constant 32 : index
      %get3A_2198 = tpu.vector_load %arg6[%get3A_2195, %get3A_2196, %get3A_2197] {strides = array<i32>} : memref<5x2x128xi32, #tpu.memory_space<vmem>>, vector<1x1x16xi32>,
      %get3A_2199 = vector.shape_cast %get3A_2198 : vector<1x1x16xi32> to vector<16xi32>
      %mul3A_2200 = arith.constant 7 : i32
      %mul3A_2201 = vector.broadcast %mul3A_2200 : i32 to vector<16xi32>
      %mul3A_2202 = arith.muli %get3A_2192, %mul3A_2201 : vector<16xi32>
      %add3A_2203 = arith.addi %mul3A_2202, %get3A_2199 : vector<16xi32>
      %swap3A_2204 = arith.constant 1 : i32
      %swap3A_2205 = arith.constant 0 : i32
      %swap3A_2206 = arith.index_cast %swap3A_2204 : i32 to index
      %swap3A_2207 = arith.index_cast %swap3A_2205 : i32 to index
      %swap3A_2208 = arith.constant 32 : index
      %swap3A_2209 = tpu.vector_load %arg7[%swap3A_2206, %swap3A_2207, %swap3A_2208] {strides = array<i32>} : memref<5x1x128xi32, #tpu.memory_space<vmem>>, vector<1x1x16xi32>,
      %swap3A_2210 = vector.shape_cast %swap3A_2209 : vector<1x1x16xi32> to vector<16xi32>
      %swap3A_2211 = vector.shape_cast %add3A_2203 : vector<16xi32> to vector<1x1x16xi32>
      tpu.vector_store %arg7[%swap3A_2206, %swap3A_2207, %swap3A_2208], %swap3A_2211 {strides = array<i32>} : memref<5x1x128xi32, #tpu.memory_space<vmem>>, vector<1x1x16xi32>,
      %get3A_2212 = arith.constant 1 : i32
      %get3A_2213 = arith.constant 0 : i32
      %get3A_2214 = arith.index_cast %get3A_2212 : i32 to index
      %get3A_2215 = arith.index_cast %get3A_2213 : i32 to index
      %get3A_2216 = arith.constant 48 : index
      %get3A_2217 = tpu.vector_load %arg6[%get3A_2214, %get3A_2215, %get3A_2216] {strides = array<i32>} : memref<5x2x128xi32, #tpu.memory_space<vmem>>, vector<1x1x16xi32>,
      %get3A_2218 = vector.shape_cast %get3A_2217 : vector<1x1x16xi32> to vector<16xi32>
      %get3A_2219 = arith.constant 1 : i32
      %get3A_2220 = arith.constant 1 : i32
      %get3A_2221 = arith.index_cast %get3A_2219 : i32 to index
      %get3A_2222 = arith.index_cast %get3A_2220 : i32 to index
      %get3A_2223 = arith.constant 48 : index
      %get3A_2224 = tpu.vector_load %arg6[%get3A_2221, %get3A_2222, %get3A_2223] {strides = array<i32>} : memref<5x2x128xi32, #tpu.memory_space<vmem>>, vector<1x1x16xi32>,
      %get3A_2225 = vector.shape_cast %get3A_2224 : vector<1x1x16xi32> to vector<16xi32>
      %mul3A_2226 = arith.constant 7 : i32
      %mul3A_2227 = vector.broadcast %mul3A_2226 : i32 to vector<16xi32>
      %mul3A_2228 = arith.muli %get3A_2218, %mul3A_2227 : vector<16xi32>
      %add3A_2229 = arith.addi %mul3A_2228, %get3A_2225 : vector<16xi32>
      %swap3A_2230 = arith.constant 1 : i32
      %swap3A_2231 = arith.constant 0 : i32
      %swap3A_2232 = arith.index_cast %swap3A_2230 : i32 to index
      %swap3A_2233 = arith.index_cast %swap3A_2231 : i32 to index
      %swap3A_2234 = arith.constant 48 : index
      %swap3A_2235 = tpu.vector_load %arg7[%swap3A_2232, %swap3A_2233, %swap3A_2234] {strides = array<i32>} : memref<5x1x128xi32, #tpu.memory_space<vmem>>, vector<1x1x16xi32>,
      %swap3A_2236 = vector.shape_cast %swap3A_2235 : vector<1x1x16xi32> to vector<16xi32>
      %swap3A_2237 = vector.shape_cast %add3A_2229 : vector<16xi32> to vector<1x1x16xi32>
      tpu.vector_store %arg7[%swap3A_2232, %swap3A_2233, %swap3A_2234], %swap3A_2237 {strides = array<i32>} : memref<5x1x128xi32, #tpu.memory_space<vmem>>, vector<1x1x16xi32>,
      %get3A_2238 = arith.constant 1 : i32
      %get3A_2239 = arith.constant 0 : i32
      %get3A_2240 = arith.index_cast %get3A_2238 : i32 to index
      %get3A_2241 = arith.index_cast %get3A_2239 : i32 to index
      %get3A_2242 = arith.constant 64 : index
      %get3A_2243 = tpu.vector_load %arg6[%get3A_2240, %get3A_2241, %get3A_2242] {strides = array<i32>} : memref<5x2x128xi32, #tpu.memory_space<vmem>>, vector<1x1x16xi32>,
      %get3A_2244 = vector.shape_cast %get3A_2243 : vector<1x1x16xi32> to vector<16xi32>
      %get3A_2245 = arith.constant 1 : i32
      %get3A_2246 = arith.constant 1 : i32
      %get3A_2247 = arith.index_cast %get3A_2245 : i32 to index
      %get3A_2248 = arith.index_cast %get3A_2246 : i32 to index
      %get3A_2249 = arith.constant 64 : index
      %get3A_2250 = tpu.vector_load %arg6[%get3A_2247, %get3A_2248, %get3A_2249] {strides = array<i32>} : memref<5x2x128xi32, #tpu.memory_space<vmem>>, vector<1x1x16xi32>,
      %get3A_2251 = vector.shape_cast %get3A_2250 : vector<1x1x16xi32> to vector<16xi32>
      %mul3A_2252 = arith.constant 7 : i32
      %mul3A_2253 = vector.broadcast %mul3A_2252 : i32 to vector<16xi32>
      %mul3A_2254 = arith.muli %get3A_2244, %mul3A_2253 : vector<16xi32>
      %add3A_2255 = arith.addi %mul3A_2254, %get3A_2251 : vector<16xi32>
      %swap3A_2256 = arith.constant 1 : i32
      %swap3A_2257 = arith.constant 0 : i32
      %swap3A_2258 = arith.index_cast %swap3A_2256 : i32 to index
      %swap3A_2259 = arith.index_cast %swap3A_2257 : i32 to index
      %swap3A_2260 = arith.constant 64 : index
      %swap3A_2261 = tpu.vector_load %arg7[%swap3A_2258, %swap3A_2259, %swap3A_2260] {strides = array<i32>} : memref<5x1x128xi32, #tpu.memory_space<vmem>>, vector<1x1x16xi32>,
      %swap3A_2262 = vector.shape_cast %swap3A_2261 : vector<1x1x16xi32> to vector<16xi32>
      %swap3A_2263 = vector.shape_cast %add3A_2255 : vector<16xi32> to vector<1x1x16xi32>
      tpu.vector_store %arg7[%swap3A_2258, %swap3A_2259, %swap3A_2260], %swap3A_2263 {strides = array<i32>} : memref<5x1x128xi32, #tpu.memory_space<vmem>>, vector<1x1x16xi32>,
      %get3A_2264 = arith.constant 1 : i32
      %get3A_2265 = arith.constant 0 : i32
      %get3A_2266 = arith.index_cast %get3A_2264 : i32 to index
      %get3A_2267 = arith.index_cast %get3A_2265 : i32 to index
      %get3A_2268 = arith.constant 80 : index
      %get3A_2269 = tpu.vector_load %arg6[%get3A_2266, %get3A_2267, %get3A_2268] {strides = array<i32>} : memref<5x2x128xi32, #tpu.memory_space<vmem>>, vector<1x1x16xi32>,
      %get3A_2270 = vector.shape_cast %get3A_2269 : vector<1x1x16xi32> to vector<16xi32>
      %get3A_2271 = arith.constant 1 : i32
      %get3A_2272 = arith.constant 1 : i32
      %get3A_2273 = arith.index_cast %get3A_2271 : i32 to index
      %get3A_2274 = arith.index_cast %get3A_2272 : i32 to index
      %get3A_2275 = arith.constant 80 : index
      %get3A_2276 = tpu.vector_load %arg6[%get3A_2273, %get3A_2274, %get3A_2275] {strides = array<i32>} : memref<5x2x128xi32, #tpu.memory_space<vmem>>, vector<1x1x16xi32>,
      %get3A_2277 = vector.shape_cast %get3A_2276 : vector<1x1x16xi32> to vector<16xi32>
      %mul3A_2278 = arith.constant 7 : i32
      %mul3A_2279 = vector.broadcast %mul3A_2278 : i32 to vector<16xi32>
      %mul3A_2280 = arith.muli %get3A_2270, %mul3A_2279 : vector<16xi32>
      %add3A_2281 = arith.addi %mul3A_2280, %get3A_2277 : vector<16xi32>
      %swap3A_2282 = arith.constant 1 : i32
      %swap3A_2283 = arith.constant 0 : i32
      %swap3A_2284 = arith.index_cast %swap3A_2282 : i32 to index
      %swap3A_2285 = arith.index_cast %swap3A_2283 : i32 to index
      %swap3A_2286 = arith.constant 80 : index
      %swap3A_2287 = tpu.vector_load %arg7[%swap3A_2284, %swap3A_2285, %swap3A_2286] {strides = array<i32>} : memref<5x1x128xi32, #tpu.memory_space<vmem>>, vector<1x1x16xi32>,
      %swap3A_2288 = vector.shape_cast %swap3A_2287 : vector<1x1x16xi32> to vector<16xi32>
      %swap3A_2289 = vector.shape_cast %add3A_2281 : vector<16xi32> to vector<1x1x16xi32>
      tpu.vector_store %arg7[%swap3A_2284, %swap3A_2285, %swap3A_2286], %swap3A_2289 {strides = array<i32>} : memref<5x1x128xi32, #tpu.memory_space<vmem>>, vector<1x1x16xi32>,
      %get3A_2290 = arith.constant 1 : i32
      %get3A_2291 = arith.constant 0 : i32
      %get3A_2292 = arith.index_cast %get3A_2290 : i32 to index
      %get3A_2293 = arith.index_cast %get3A_2291 : i32 to index
      %get3A_2294 = arith.constant 96 : index
      %get3A_2295 = tpu.vector_load %arg6[%get3A_2292, %get3A_2293, %get3A_2294] {strides = array<i32>} : memref<5x2x128xi32, #tpu.memory_space<vmem>>, vector<1x1x16xi32>,
      %get3A_2296 = vector.shape_cast %get3A_2295 : vector<1x1x16xi32> to vector<16xi32>
      %get3A_2297 = arith.constant 1 : i32
      %get3A_2298 = arith.constant 1 : i32
      %get3A_2299 = arith.index_cast %get3A_2297 : i32 to index
      %get3A_2300 = arith.index_cast %get3A_2298 : i32 to index
      %get3A_2301 = arith.constant 96 : index
      %get3A_2302 = tpu.vector_load %arg6[%get3A_2299, %get3A_2300, %get3A_2301] {strides = array<i32>} : memref<5x2x128xi32, #tpu.memory_space<vmem>>, vector<1x1x16xi32>,
      %get3A_2303 = vector.shape_cast %get3A_2302 : vector<1x1x16xi32> to vector<16xi32>
      %mul3A_2304 = arith.constant 7 : i32
      %mul3A_2305 = vector.broadcast %mul3A_2304 : i32 to vector<16xi32>
      %mul3A_2306 = arith.muli %get3A_2296, %mul3A_2305 : vector<16xi32>
      %add3A_2307 = arith.addi %mul3A_2306, %get3A_2303 : vector<16xi32>
      %swap3A_2308 = arith.constant 1 : i32
      %swap3A_2309 = arith.constant 0 : i32
      %swap3A_2310 = arith.index_cast %swap3A_2308 : i32 to index
      %swap3A_2311 = arith.index_cast %swap3A_2309 : i32 to index
      %swap3A_2312 = arith.constant 96 : index
      %swap3A_2313 = tpu.vector_load %arg7[%swap3A_2310, %swap3A_2311, %swap3A_2312] {strides = array<i32>} : memref<5x1x128xi32, #tpu.memory_space<vmem>>, vector<1x1x16xi32>,
      %swap3A_2314 = vector.shape_cast %swap3A_2313 : vector<1x1x16xi32> to vector<16xi32>
      %swap3A_2315 = vector.shape_cast %add3A_2307 : vector<16xi32> to vector<1x1x16xi32>
      tpu.vector_store %arg7[%swap3A_2310, %swap3A_2311, %swap3A_2312], %swap3A_2315 {strides = array<i32>} : memref<5x1x128xi32, #tpu.memory_space<vmem>>, vector<1x1x16xi32>,
      %get3A_2316 = arith.constant 1 : i32
      %get3A_2317 = arith.constant 0 : i32
      %get3A_2318 = arith.index_cast %get3A_2316 : i32 to index
      %get3A_2319 = arith.index_cast %get3A_2317 : i32 to index
      %get3A_2320 = arith.constant 112 : index
      %get3A_2321 = tpu.vector_load %arg6[%get3A_2318, %get3A_2319, %get3A_2320] {strides = array<i32>} : memref<5x2x128xi32, #tpu.memory_space<vmem>>, vector<1x1x16xi32>,
      %get3A_2322 = vector.shape_cast %get3A_2321 : vector<1x1x16xi32> to vector<16xi32>
      %get3A_2323 = arith.constant 1 : i32
      %get3A_2324 = arith.constant 1 : i32
      %get3A_2325 = arith.index_cast %get3A_2323 : i32 to index
      %get3A_2326 = arith.index_cast %get3A_2324 : i32 to index
      %get3A_2327 = arith.constant 112 : index
      %get3A_2328 = tpu.vector_load %arg6[%get3A_2325, %get3A_2326, %get3A_2327] {strides = array<i32>} : memref<5x2x128xi32, #tpu.memory_space<vmem>>, vector<1x1x16xi32>,
      %get3A_2329 = vector.shape_cast %get3A_2328 : vector<1x1x16xi32> to vector<16xi32>
      %mul3A_2330 = arith.constant 7 : i32
      %mul3A_2331 = vector.broadcast %mul3A_2330 : i32 to vector<16xi32>
      %mul3A_2332 = arith.muli %get3A_2322, %mul3A_2331 : vector<16xi32>
      %add3A_2333 = arith.addi %mul3A_2332, %get3A_2329 : vector<16xi32>
      %swap3A_2334 = arith.constant 1 : i32
      %swap3A_2335 = arith.constant 0 : i32
      %swap3A_2336 = arith.index_cast %swap3A_2334 : i32 to index
      %swap3A_2337 = arith.index_cast %swap3A_2335 : i32 to index
      %swap3A_2338 = arith.constant 112 : index
      %swap3A_2339 = tpu.vector_load %arg7[%swap3A_2336, %swap3A_2337, %swap3A_2338] {strides = array<i32>} : memref<5x1x128xi32, #tpu.memory_space<vmem>>, vector<1x1x16xi32>,
      %swap3A_2340 = vector.shape_cast %swap3A_2339 : vector<1x1x16xi32> to vector<16xi32>
      %swap3A_2341 = vector.shape_cast %add3A_2333 : vector<16xi32> to vector<1x1x16xi32>
      tpu.vector_store %arg7[%swap3A_2336, %swap3A_2337, %swap3A_2338], %swap3A_2341 {strides = array<i32>} : memref<5x1x128xi32, #tpu.memory_space<vmem>>, vector<1x1x16xi32>,
      %add3A_2342 = arith.constant 5 : i32
      %add3A_2343 = arith.addi %add3A_2110, %add3A_2342 : i32
      %min3A_2344 = arith.constant 199 : i32
      %min3A_2345 = arith.minsi %add3A_2343, %min3A_2344 : i32
      %mul3A_2346 = arith.constant 128 : i32
      %mul3A_2347 = arith.muli %min3A_2345, %mul3A_2346 : i32
      %add3A_2348 = arith.addi %mul3A_2, %mul3A_2347 : i32
      %dma_start3A_2349 = arith.constant 1 : i32
      %dma_start3A_2350 = arith.constant 0 : i32
      %dma_start3A_2351 = arith.constant 0 : i32
      %dma_start3A_2352 = tpu.memref_slice %arg6[%dma_start3A_2349, %dma_start3A_2350, %dma_start3A_2351] : memref<5x2x128xi32, #tpu.memory_space<vmem>> -> memref<1x1x128xi32, #tpu.memory_space<vmem>>
      %dma_start3A_2353 = tpu.memref_squeeze %dma_start3A_2352 : memref<1x1x128xi32, #tpu.memory_space<vmem>> -> memref<128xi32, #tpu.memory_space<vmem>>
      %dma_start3A_2354 = tpu.memref_slice %arg2[%add3A_2348] : memref<819200xi32, #tpu.memory_space<hbm>> -> memref<128xi32, #tpu.memory_space<hbm>>
      %dma_start3A_2355 = arith.constant 0 : i32
      %dma_start3A_2356 = tpu.memref_slice %arg6[%dma_start3A_2349, %dma_start3A_2350, %dma_start3A_2355] : memref<5x2x128xi32, #tpu.memory_space<vmem>> -> memref<1x1x128xi32, #tpu.memory_space<vmem>>
      %dma_start3A_2357 = tpu.memref_squeeze %dma_start3A_2356 : memref<1x1x128xi32, #tpu.memory_space<vmem>> -> memref<128xi32, #tpu.memory_space<vmem>>
      %dma_start3A_2358 = tpu.memref_slice %arg2[%add3A_2348] : memref<819200xi32, #tpu.memory_space<hbm>> -> memref<128xi32, #tpu.memory_space<hbm>>
      tpu.enqueue_dma source(%dma_start3A_2358 : memref<128xi32, #tpu.memory_space<hbm>>) target(%dma_start3A_2357 : memref<128xi32, #tpu.memory_space<vmem>>) target_semaphore(%arg11 : memref<!tpu.dma_semaphore, #tpu.memory_space<semaphore_mem>>)
      %dma_start3A_2359 = arith.constant 1 : i32
      %dma_start3A_2360 = arith.constant 1 : i32
      %dma_start3A_2361 = arith.constant 0 : i32
      %dma_start3A_2362 = tpu.memref_slice %arg6[%dma_start3A_2359, %dma_start3A_2360, %dma_start3A_2361] : memref<5x2x128xi32, #tpu.memory_space<vmem>> -> memref<1x1x128xi32, #tpu.memory_space<vmem>>
      %dma_start3A_2363 = tpu.memref_squeeze %dma_start3A_2362 : memref<1x1x128xi32, #tpu.memory_space<vmem>> -> memref<128xi32, #tpu.memory_space<vmem>>
      %dma_start3A_2364 = tpu.memref_slice %arg3[%add3A_2348] : memref<819200xi32, #tpu.memory_space<hbm>> -> memref<128xi32, #tpu.memory_space<hbm>>
      %dma_start3A_2365 = arith.constant 0 : i32
      %dma_start3A_2366 = tpu.memref_slice %arg6[%dma_start3A_2359, %dma_start3A_2360, %dma_start3A_2365] : memref<5x2x128xi32, #tpu.memory_space<vmem>> -> memref<1x1x128xi32, #tpu.memory_space<vmem>>
      %dma_start3A_2367 = tpu.memref_squeeze %dma_start3A_2366 : memref<1x1x128xi32, #tpu.memory_space<vmem>> -> memref<128xi32, #tpu.memory_space<vmem>>
      %dma_start3A_2368 = tpu.memref_slice %arg3[%add3A_2348] : memref<819200xi32, #tpu.memory_space<hbm>> -> memref<128xi32, #tpu.memory_space<hbm>>
      tpu.enqueue_dma source(%dma_start3A_2368 : memref<128xi32, #tpu.memory_space<hbm>>) target(%dma_start3A_2367 : memref<128xi32, #tpu.memory_space<vmem>>) target_semaphore(%arg11 : memref<!tpu.dma_semaphore, #tpu.memory_space<semaphore_mem>>)
      %mul3A_2369 = arith.constant 128 : i32
      %mul3A_2370 = arith.muli %add3A_2110, %mul3A_2369 : i32
      %add3A_2371 = arith.addi %mul3A_2, %mul3A_2370 : i32
      %dma_wait3A_2372 = arith.constant 1 : i32
      %dma_wait3A_2373 = arith.constant 0 : i32
      %dma_wait3A_2374 = arith.constant 0 : i32
      %dma_wait3A_2375 = tpu.memref_slice %arg8[%dma_wait3A_2372, %dma_wait3A_2373, %dma_wait3A_2374] : memref<5x128x128xf32, #tpu.memory_space<vmem>> -> memref<1x128x128xf32, #tpu.memory_space<vmem>>
      %dma_wait3A_2376 = tpu.memref_squeeze %dma_wait3A_2375 : memref<1x128x128xf32, #tpu.memory_space<vmem>> -> memref<128x128xf32, #tpu.memory_space<vmem>>
      %dma_wait3A_2377 = arith.constant 0 : i32
      %dma_wait3A_2378 = tpu.memref_slice %arg5[%add3A_2371, %dma_wait3A_2377] : memref<819200x128xf32, #tpu.memory_space<hbm>> -> memref<128x128xf32, #tpu.memory_space<hbm>>
      %dma_wait3A_2379 = arith.constant 0 : i32
      %dma_wait3A_2380 = tpu.memref_slice %arg5[%add3A_2371, %dma_wait3A_2379] : memref<819200x128xf32, #tpu.memory_space<hbm>> -> memref<128x128xf32, #tpu.memory_space<hbm>>
      %dma_wait3A_2381 = arith.constant 0 : i32
      %dma_wait3A_2382 = arith.constant 0 : i32
      %dma_wait3A_2383 = tpu.memref_slice %arg8[%dma_wait3A_2372, %dma_wait3A_2381, %dma_wait3A_2382] : memref<5x128x128xf32, #tpu.memory_space<vmem>> -> memref<1x128x128xf32, #tpu.memory_space<vmem>>
      %dma_wait3A_2384 = tpu.memref_squeeze %dma_wait3A_2383 : memref<1x128x128xf32, #tpu.memory_space<vmem>> -> memref<128x128xf32, #tpu.memory_space<vmem>>
      tpu.wait_dma2 semaphore(%arg21 : memref<!tpu.dma_semaphore, #tpu.memory_space<semaphore_mem>>) src(%dma_wait3A_2384 : memref<128x128xf32, #tpu.memory_space<vmem>>) dst(%dma_wait3A_2380 : memref<128x128xf32, #tpu.memory_space<hbm>>)
      %dma_start3A_2385 = arith.constant 1 : i32
      %dma_start3A_2386 = arith.constant 0 : i32
      %dma_start3A_2387 = arith.constant 1 : i32
      %dma_start3A_2388 = arith.constant 0 : i32
      %dma_start3A_2389 = arith.constant 0 : i32
      %dma_start3A_2390 = tpu.memref_slice %arg8[%dma_start3A_2387, %dma_start3A_2388, %dma_start3A_2389] : memref<5x128x128xf32, #tpu.memory_space<vmem>> -> memref<1x128x128xf32, #tpu.memory_space<vmem>>
      %dma_start3A_2391 = tpu.memref_squeeze %dma_start3A_2390 : memref<1x128x128xf32, #tpu.memory_space<vmem>> -> memref<128x128xf32, #tpu.memory_space<vmem>>
      %dma_start3A_2392 = arith.constant 0 : i32
      %dma_start3A_2393 = tpu.memref_slice %arg7[%dma_start3A_2385, %dma_start3A_2386, %dma_start3A_2392] : memref<5x1x128xi32, #tpu.memory_space<vmem>> -> memref<1x1x128xi32, #tpu.memory_space<vmem>>
      %dma_start3A_2394 = tpu.memref_squeeze %dma_start3A_2393 : memref<1x1x128xi32, #tpu.memory_space<vmem>> -> memref<128xi32, #tpu.memory_space<vmem>>
      %dma_start3A_2395 = arith.constant 0 : i32
      %dma_start3A_2396 = arith.constant 0 : i32
      %dma_start3A_2397 = tpu.memref_slice %arg9[%dma_start3A_2395, %dma_start3A_2396] : memref<168x128xf32, #tpu.memory_space<vmem_shared>> -> memref<168x128xf32, #tpu.memory_space<vmem_shared>>
      tpu.enqueue_indirect_dma source(%dma_start3A_2397 : memref<168x128xf32, #tpu.memory_space<vmem_shared>>) target(%dma_start3A_2391 : memref<128x128xf32, #tpu.memory_space<vmem>>) offsets(%dma_start3A_2394 : memref<128xi32, #tpu.memory_space<vmem>>) semaphore(%arg16 : memref<!tpu.dma_semaphore, #tpu.memory_space<semaphore_mem>>)
      %dma_wait3A_2398 = arith.constant 0 : i32
      %dma_wait3A_2399 = arith.constant 0 : i32
      %dma_wait3A_2400 = arith.constant 0 : i32
      %dma_wait3A_2401 = arith.constant 0 : i32
      %dma_wait3A_2402 = arith.constant 0 : i32
      %dma_wait3A_2403 = tpu.memref_slice %arg8[%dma_wait3A_2400, %dma_wait3A_2401, %dma_wait3A_2402] : memref<5x128x128xf32, #tpu.memory_space<vmem>> -> memref<1x128x128xf32, #tpu.memory_space<vmem>>
      %dma_wait3A_2404 = tpu.memref_squeeze %dma_wait3A_2403 : memref<1x128x128xf32, #tpu.memory_space<vmem>> -> memref<128x128xf32, #tpu.memory_space<vmem>>
      %dma_wait3A_2405 = arith.constant 0 : i32
      %dma_wait3A_2406 = tpu.memref_slice %arg7[%dma_wait3A_2398, %dma_wait3A_2399, %dma_wait3A_2405] : memref<5x1x128xi32, #tpu.memory_space<vmem>> -> memref<1x1x128xi32, #tpu.memory_space<vmem>>
      %dma_wait3A_2407 = tpu.memref_squeeze %dma_wait3A_2406 : memref<1x1x128xi32, #tpu.memory_space<vmem>> -> memref<128xi32, #tpu.memory_space<vmem>>
      %dma_wait3A_2408 = arith.constant 0 : i32
      %dma_wait3A_2409 = arith.constant 0 : i32
      %dma_wait3A_2410 = tpu.memref_slice %arg9[%dma_wait3A_2408, %dma_wait3A_2409] : memref<168x128xf32, #tpu.memory_space<vmem_shared>> -> memref<168x128xf32, #tpu.memory_space<vmem_shared>>
      tpu.wait_indirect_dma semaphore(%arg15 : memref<!tpu.dma_semaphore, #tpu.memory_space<semaphore_mem>>) src(%dma_wait3A_2410 : memref<168x128xf32, #tpu.memory_space<vmem_shared>>) dst(%dma_wait3A_2404 : memref<128x128xf32, #tpu.memory_space<vmem>>)
      %sub3A_2411 = arith.constant 1 : i32
      %sub3A_2412 = arith.subi %add3A_2110, %sub3A_2411 : i32
      %mul3A_2413 = arith.constant 128 : i32
      %mul3A_2414 = arith.muli %sub3A_2412, %mul3A_2413 : i32
      %add3A_2415 = arith.addi %mul3A_2, %mul3A_2414 : i32
      %dma_start3A_2416 = arith.constant 0 : i32
      %dma_start3A_2417 = arith.constant 0 : i32
      %dma_start3A_2418 = arith.constant 0 : i32
      %dma_start3A_2419 = tpu.memref_slice %arg8[%dma_start3A_2416, %dma_start3A_2417, %dma_start3A_2418] : memref<5x128x128xf32, #tpu.memory_space<vmem>> -> memref<1x128x128xf32, #tpu.memory_space<vmem>>
      %dma_start3A_2420 = tpu.memref_squeeze %dma_start3A_2419 : memref<1x128x128xf32, #tpu.memory_space<vmem>> -> memref<128x128xf32, #tpu.memory_space<vmem>>
      %dma_start3A_2421 = arith.constant 0 : i32
      %dma_start3A_2422 = tpu.memref_slice %arg5[%add3A_2415, %dma_start3A_2421] : memref<819200x128xf32, #tpu.memory_space<hbm>> -> memref<128x128xf32, #tpu.memory_space<hbm>>
      %dma_start3A_2423 = arith.constant 0 : i32
      %dma_start3A_2424 = tpu.memref_slice %arg5[%add3A_2415, %dma_start3A_2423] : memref<819200x128xf32, #tpu.memory_space<hbm>> -> memref<128x128xf32, #tpu.memory_space<hbm>>
      %dma_start3A_2425 = arith.constant 0 : i32
      %dma_start3A_2426 = arith.constant 0 : i32
      %dma_start3A_2427 = tpu.memref_slice %arg8[%dma_start3A_2416, %dma_start3A_2425, %dma_start3A_2426] : memref<5x128x128xf32, #tpu.memory_space<vmem>> -> memref<1x128x128xf32, #tpu.memory_space<vmem>>
      %dma_start3A_2428 = tpu.memref_squeeze %dma_start3A_2427 : memref<1x128x128xf32, #tpu.memory_space<vmem>> -> memref<128x128xf32, #tpu.memory_space<vmem>>
      tpu.enqueue_dma source(%dma_start3A_2428 : memref<128x128xf32, #tpu.memory_space<vmem>>) target(%dma_start3A_2424 : memref<128x128xf32, #tpu.memory_space<hbm>>) target_semaphore(%arg20 : memref<!tpu.dma_semaphore, #tpu.memory_space<semaphore_mem>>)
      %mul3A_2429 = arith.constant 5 : i32
      %mul3A_2430 = arith.muli %scan3A_1785, %mul3A_2429 : i32
      %add3A_2431 = arith.constant 2 : i32
      %add3A_2432 = arith.addi %mul3A_2430, %add3A_2431 : i32
      %mul3A_2433 = arith.constant 128 : i32
      %mul3A_2434 = arith.muli %add3A_2432, %mul3A_2433 : i32
      %add3A_2435 = arith.addi %mul3A_2, %mul3A_2434 : i32
      %dma_wait3A_2436 = arith.constant 2 : i32
      %dma_wait3A_2437 = arith.constant 0 : i32
      %dma_wait3A_2438 = arith.constant 0 : i32
      %dma_wait3A_2439 = tpu.memref_slice %arg6[%dma_wait3A_2436, %dma_wait3A_2437, %dma_wait3A_2438] : memref<5x2x128xi32, #tpu.memory_space<vmem>> -> memref<1x1x128xi32, #tpu.memory_space<vmem>>
      %dma_wait3A_2440 = tpu.memref_squeeze %dma_wait3A_2439 : memref<1x1x128xi32, #tpu.memory_space<vmem>> -> memref<128xi32, #tpu.memory_space<vmem>>
      %dma_wait3A_2441 = tpu.memref_slice %arg2[%add3A_2435] : memref<819200xi32, #tpu.memory_space<hbm>> -> memref<128xi32, #tpu.memory_space<hbm>>
      %dma_wait3A_2442 = arith.constant 0 : i32
      %dma_wait3A_2443 = tpu.memref_slice %arg6[%dma_wait3A_2436, %dma_wait3A_2437, %dma_wait3A_2442] : memref<5x2x128xi32, #tpu.memory_space<vmem>> -> memref<1x1x128xi32, #tpu.memory_space<vmem>>
      %dma_wait3A_2444 = tpu.memref_squeeze %dma_wait3A_2443 : memref<1x1x128xi32, #tpu.memory_space<vmem>> -> memref<128xi32, #tpu.memory_space<vmem>>
      %dma_wait3A_2445 = tpu.memref_slice %arg2[%add3A_2435] : memref<819200xi32, #tpu.memory_space<hbm>> -> memref<128xi32, #tpu.memory_space<hbm>>
      tpu.wait_dma2 semaphore(%arg12 : memref<!tpu.dma_semaphore, #tpu.memory_space<semaphore_mem>>) src(%dma_wait3A_2445 : memref<128xi32, #tpu.memory_space<hbm>>) dst(%dma_wait3A_2444 : memref<128xi32, #tpu.memory_space<vmem>>)
      %dma_wait3A_2446 = arith.constant 2 : i32
      %dma_wait3A_2447 = arith.constant 1 : i32
      %dma_wait3A_2448 = arith.constant 0 : i32
      %dma_wait3A_2449 = tpu.memref_slice %arg6[%dma_wait3A_2446, %dma_wait3A_2447, %dma_wait3A_2448] : memref<5x2x128xi32, #tpu.memory_space<vmem>> -> memref<1x1x128xi32, #tpu.memory_space<vmem>>
      %dma_wait3A_2450 = tpu.memref_squeeze %dma_wait3A_2449 : memref<1x1x128xi32, #tpu.memory_space<vmem>> -> memref<128xi32, #tpu.memory_space<vmem>>
      %dma_wait3A_2451 = tpu.memref_slice %arg3[%add3A_2435] : memref<819200xi32, #tpu.memory_space<hbm>> -> memref<128xi32, #tpu.memory_space<hbm>>
      %dma_wait3A_2452 = arith.constant 0 : i32
      %dma_wait3A_2453 = tpu.memref_slice %arg6[%dma_wait3A_2446, %dma_wait3A_2447, %dma_wait3A_2452] : memref<5x2x128xi32, #tpu.memory_space<vmem>> -> memref<1x1x128xi32, #tpu.memory_space<vmem>>
      %dma_wait3A_2454 = tpu.memref_squeeze %dma_wait3A_2453 : memref<1x1x128xi32, #tpu.memory_space<vmem>> -> memref<128xi32, #tpu.memory_space<vmem>>
      %dma_wait3A_2455 = tpu.memref_slice %arg3[%add3A_2435] : memref<819200xi32, #tpu.memory_space<hbm>> -> memref<128xi32, #tpu.memory_space<hbm>>
      tpu.wait_dma2 semaphore(%arg12 : memref<!tpu.dma_semaphore, #tpu.memory_space<semaphore_mem>>) src(%dma_wait3A_2455 : memref<128xi32, #tpu.memory_space<hbm>>) dst(%dma_wait3A_2454 : memref<128xi32, #tpu.memory_space<vmem>>)
      %get3A_2456 = arith.constant 2 : i32
      %get3A_2457 = arith.constant 0 : i32
      %get3A_2458 = arith.index_cast %get3A_2456 : i32 to index
      %get3A_2459 = arith.index_cast %get3A_2457 : i32 to index
      %get3A_2460 = arith.constant 0 : index
      %get3A_2461 = tpu.vector_load %arg6[%get3A_2458, %get3A_2459, %get3A_2460] {strides = array<i32>} : memref<5x2x128xi32, #tpu.memory_space<vmem>>, vector<1x1x16xi32>,
      %get3A_2462 = vector.shape_cast %get3A_2461 : vector<1x1x16xi32> to vector<16xi32>
      %get3A_2463 = arith.constant 2 : i32
      %get3A_2464 = arith.constant 1 : i32
      %get3A_2465 = arith.index_cast %get3A_2463 : i32 to index
      %get3A_2466 = arith.index_cast %get3A_2464 : i32 to index
      %get3A_2467 = arith.constant 0 : index
      %get3A_2468 = tpu.vector_load %arg6[%get3A_2465, %get3A_2466, %get3A_2467] {strides = array<i32>} : memref<5x2x128xi32, #tpu.memory_space<vmem>>, vector<1x1x16xi32>,
      %get3A_2469 = vector.shape_cast %get3A_2468 : vector<1x1x16xi32> to vector<16xi32>
      %mul3A_2470 = arith.constant 7 : i32
      %mul3A_2471 = vector.broadcast %mul3A_2470 : i32 to vector<16xi32>
      %mul3A_2472 = arith.muli %get3A_2462, %mul3A_2471 : vector<16xi32>
      %add3A_2473 = arith.addi %mul3A_2472, %get3A_2469 : vector<16xi32>
      %swap3A_2474 = arith.constant 2 : i32
      %swap3A_2475 = arith.constant 0 : i32
      %swap3A_2476 = arith.index_cast %swap3A_2474 : i32 to index
      %swap3A_2477 = arith.index_cast %swap3A_2475 : i32 to index
      %swap3A_2478 = arith.constant 0 : index
      %swap3A_2479 = tpu.vector_load %arg7[%swap3A_2476, %swap3A_2477, %swap3A_2478] {strides = array<i32>} : memref<5x1x128xi32, #tpu.memory_space<vmem>>, vector<1x1x16xi32>,
      %swap3A_2480 = vector.shape_cast %swap3A_2479 : vector<1x1x16xi32> to vector<16xi32>
      %swap3A_2481 = vector.shape_cast %add3A_2473 : vector<16xi32> to vector<1x1x16xi32>
      tpu.vector_store %arg7[%swap3A_2476, %swap3A_2477, %swap3A_2478], %swap3A_2481 {strides = array<i32>} : memref<5x1x128xi32, #tpu.memory_space<vmem>>, vector<1x1x16xi32>,
      %get3A_2482 = arith.constant 2 : i32
      %get3A_2483 = arith.constant 0 : i32
      %get3A_2484 = arith.index_cast %get3A_2482 : i32 to index
      %get3A_2485 = arith.index_cast %get3A_2483 : i32 to index
      %get3A_2486 = arith.constant 16 : index
      %get3A_2487 = tpu.vector_load %arg6[%get3A_2484, %get3A_2485, %get3A_2486] {strides = array<i32>} : memref<5x2x128xi32, #tpu.memory_space<vmem>>, vector<1x1x16xi32>,
      %get3A_2488 = vector.shape_cast %get3A_2487 : vector<1x1x16xi32> to vector<16xi32>
      %get3A_2489 = arith.constant 2 : i32
      %get3A_2490 = arith.constant 1 : i32
      %get3A_2491 = arith.index_cast %get3A_2489 : i32 to index
      %get3A_2492 = arith.index_cast %get3A_2490 : i32 to index
      %get3A_2493 = arith.constant 16 : index
      %get3A_2494 = tpu.vector_load %arg6[%get3A_2491, %get3A_2492, %get3A_2493] {strides = array<i32>} : memref<5x2x128xi32, #tpu.memory_space<vmem>>, vector<1x1x16xi32>,
      %get3A_2495 = vector.shape_cast %get3A_2494 : vector<1x1x16xi32> to vector<16xi32>
      %mul3A_2496 = arith.constant 7 : i32
      %mul3A_2497 = vector.broadcast %mul3A_2496 : i32 to vector<16xi32>
      %mul3A_2498 = arith.muli %get3A_2488, %mul3A_2497 : vector<16xi32>
      %add3A_2499 = arith.addi %mul3A_2498, %get3A_2495 : vector<16xi32>
      %swap3A_2500 = arith.constant 2 : i32
      %swap3A_2501 = arith.constant 0 : i32
      %swap3A_2502 = arith.index_cast %swap3A_2500 : i32 to index
      %swap3A_2503 = arith.index_cast %swap3A_2501 : i32 to index
      %swap3A_2504 = arith.constant 16 : index
      %swap3A_2505 = tpu.vector_load %arg7[%swap3A_2502, %swap3A_2503, %swap3A_2504] {strides = array<i32>} : memref<5x1x128xi32, #tpu.memory_space<vmem>>, vector<1x1x16xi32>,
      %swap3A_2506 = vector.shape_cast %swap3A_2505 : vector<1x1x16xi32> to vector<16xi32>
      %swap3A_2507 = vector.shape_cast %add3A_2499 : vector<16xi32> to vector<1x1x16xi32>
      tpu.vector_store %arg7[%swap3A_2502, %swap3A_2503, %swap3A_2504], %swap3A_2507 {strides = array<i32>} : memref<5x1x128xi32, #tpu.memory_space<vmem>>, vector<1x1x16xi32>,
      %get3A_2508 = arith.constant 2 : i32
      %get3A_2509 = arith.constant 0 : i32
      %get3A_2510 = arith.index_cast %get3A_2508 : i32 to index
      %get3A_2511 = arith.index_cast %get3A_2509 : i32 to index
      %get3A_2512 = arith.constant 32 : index
      %get3A_2513 = tpu.vector_load %arg6[%get3A_2510, %get3A_2511, %get3A_2512] {strides = array<i32>} : memref<5x2x128xi32, #tpu.memory_space<vmem>>, vector<1x1x16xi32>,
      %get3A_2514 = vector.shape_cast %get3A_2513 : vector<1x1x16xi32> to vector<16xi32>
      %get3A_2515 = arith.constant 2 : i32
      %get3A_2516 = arith.constant 1 : i32
      %get3A_2517 = arith.index_cast %get3A_2515 : i32 to index
      %get3A_2518 = arith.index_cast %get3A_2516 : i32 to index
      %get3A_2519 = arith.constant 32 : index
      %get3A_2520 = tpu.vector_load %arg6[%get3A_2517, %get3A_2518, %get3A_2519] {strides = array<i32>} : memref<5x2x128xi32, #tpu.memory_space<vmem>>, vector<1x1x16xi32>,
      %get3A_2521 = vector.shape_cast %get3A_2520 : vector<1x1x16xi32> to vector<16xi32>
      %mul3A_2522 = arith.constant 7 : i32
      %mul3A_2523 = vector.broadcast %mul3A_2522 : i32 to vector<16xi32>
      %mul3A_2524 = arith.muli %get3A_2514, %mul3A_2523 : vector<16xi32>
      %add3A_2525 = arith.addi %mul3A_2524, %get3A_2521 : vector<16xi32>
      %swap3A_2526 = arith.constant 2 : i32
      %swap3A_2527 = arith.constant 0 : i32
      %swap3A_2528 = arith.index_cast %swap3A_2526 : i32 to index
      %swap3A_2529 = arith.index_cast %swap3A_2527 : i32 to index
      %swap3A_2530 = arith.constant 32 : index
      %swap3A_2531 = tpu.vector_load %arg7[%swap3A_2528, %swap3A_2529, %swap3A_2530] {strides = array<i32>} : memref<5x1x128xi32, #tpu.memory_space<vmem>>, vector<1x1x16xi32>,
      %swap3A_2532 = vector.shape_cast %swap3A_2531 : vector<1x1x16xi32> to vector<16xi32>
      %swap3A_2533 = vector.shape_cast %add3A_2525 : vector<16xi32> to vector<1x1x16xi32>
      tpu.vector_store %arg7[%swap3A_2528, %swap3A_2529, %swap3A_2530], %swap3A_2533 {strides = array<i32>} : memref<5x1x128xi32, #tpu.memory_space<vmem>>, vector<1x1x16xi32>,
      %get3A_2534 = arith.constant 2 : i32
      %get3A_2535 = arith.constant 0 : i32
      %get3A_2536 = arith.index_cast %get3A_2534 : i32 to index
      %get3A_2537 = arith.index_cast %get3A_2535 : i32 to index
      %get3A_2538 = arith.constant 48 : index
      %get3A_2539 = tpu.vector_load %arg6[%get3A_2536, %get3A_2537, %get3A_2538] {strides = array<i32>} : memref<5x2x128xi32, #tpu.memory_space<vmem>>, vector<1x1x16xi32>,
      %get3A_2540 = vector.shape_cast %get3A_2539 : vector<1x1x16xi32> to vector<16xi32>
      %get3A_2541 = arith.constant 2 : i32
      %get3A_2542 = arith.constant 1 : i32
      %get3A_2543 = arith.index_cast %get3A_2541 : i32 to index
      %get3A_2544 = arith.index_cast %get3A_2542 : i32 to index
      %get3A_2545 = arith.constant 48 : index
      %get3A_2546 = tpu.vector_load %arg6[%get3A_2543, %get3A_2544, %get3A_2545] {strides = array<i32>} : memref<5x2x128xi32, #tpu.memory_space<vmem>>, vector<1x1x16xi32>,
      %get3A_2547 = vector.shape_cast %get3A_2546 : vector<1x1x16xi32> to vector<16xi32>
      %mul3A_2548 = arith.constant 7 : i32
      %mul3A_2549 = vector.broadcast %mul3A_2548 : i32 to vector<16xi32>
      %mul3A_2550 = arith.muli %get3A_2540, %mul3A_2549 : vector<16xi32>
      %add3A_2551 = arith.addi %mul3A_2550, %get3A_2547 : vector<16xi32>
      %swap3A_2552 = arith.constant 2 : i32
      %swap3A_2553 = arith.constant 0 : i32
      %swap3A_2554 = arith.index_cast %swap3A_2552 : i32 to index
      %swap3A_2555 = arith.index_cast %swap3A_2553 : i32 to index
      %swap3A_2556 = arith.constant 48 : index
      %swap3A_2557 = tpu.vector_load %arg7[%swap3A_2554, %swap3A_2555, %swap3A_2556] {strides = array<i32>} : memref<5x1x128xi32, #tpu.memory_space<vmem>>, vector<1x1x16xi32>,
      %swap3A_2558 = vector.shape_cast %swap3A_2557 : vector<1x1x16xi32> to vector<16xi32>
      %swap3A_2559 = vector.shape_cast %add3A_2551 : vector<16xi32> to vector<1x1x16xi32>
      tpu.vector_store %arg7[%swap3A_2554, %swap3A_2555, %swap3A_2556], %swap3A_2559 {strides = array<i32>} : memref<5x1x128xi32, #tpu.memory_space<vmem>>, vector<1x1x16xi32>,
      %get3A_2560 = arith.constant 2 : i32
      %get3A_2561 = arith.constant 0 : i32
      %get3A_2562 = arith.index_cast %get3A_2560 : i32 to index
      %get3A_2563 = arith.index_cast %get3A_2561 : i32 to index
      %get3A_2564 = arith.constant 64 : index
      %get3A_2565 = tpu.vector_load %arg6[%get3A_2562, %get3A_2563, %get3A_2564] {strides = array<i32>} : memref<5x2x128xi32, #tpu.memory_space<vmem>>, vector<1x1x16xi32>,
      %get3A_2566 = vector.shape_cast %get3A_2565 : vector<1x1x16xi32> to vector<16xi32>
      %get3A_2567 = arith.constant 2 : i32
      %get3A_2568 = arith.constant 1 : i32
      %get3A_2569 = arith.index_cast %get3A_2567 : i32 to index
      %get3A_2570 = arith.index_cast %get3A_2568 : i32 to index
      %get3A_2571 = arith.constant 64 : index
      %get3A_2572 = tpu.vector_load %arg6[%get3A_2569, %get3A_2570, %get3A_2571] {strides = array<i32>} : memref<5x2x128xi32, #tpu.memory_space<vmem>>, vector<1x1x16xi32>,
      %get3A_2573 = vector.shape_cast %get3A_2572 : vector<1x1x16xi32> to vector<16xi32>
      %mul3A_2574 = arith.constant 7 : i32
      %mul3A_2575 = vector.broadcast %mul3A_2574 : i32 to vector<16xi32>
      %mul3A_2576 = arith.muli %get3A_2566, %mul3A_2575 : vector<16xi32>
      %add3A_2577 = arith.addi %mul3A_2576, %get3A_2573 : vector<16xi32>
      %swap3A_2578 = arith.constant 2 : i32
      %swap3A_2579 = arith.constant 0 : i32
      %swap3A_2580 = arith.index_cast %swap3A_2578 : i32 to index
      %swap3A_2581 = arith.index_cast %swap3A_2579 : i32 to index
      %swap3A_2582 = arith.constant 64 : index
      %swap3A_2583 = tpu.vector_load %arg7[%swap3A_2580, %swap3A_2581, %swap3A_2582] {strides = array<i32>} : memref<5x1x128xi32, #tpu.memory_space<vmem>>, vector<1x1x16xi32>,
      %swap3A_2584 = vector.shape_cast %swap3A_2583 : vector<1x1x16xi32> to vector<16xi32>
      %swap3A_2585 = vector.shape_cast %add3A_2577 : vector<16xi32> to vector<1x1x16xi32>
      tpu.vector_store %arg7[%swap3A_2580, %swap3A_2581, %swap3A_2582], %swap3A_2585 {strides = array<i32>} : memref<5x1x128xi32, #tpu.memory_space<vmem>>, vector<1x1x16xi32>,
      %get3A_2586 = arith.constant 2 : i32
      %get3A_2587 = arith.constant 0 : i32
      %get3A_2588 = arith.index_cast %get3A_2586 : i32 to index
      %get3A_2589 = arith.index_cast %get3A_2587 : i32 to index
      %get3A_2590 = arith.constant 80 : index
      %get3A_2591 = tpu.vector_load %arg6[%get3A_2588, %get3A_2589, %get3A_2590] {strides = array<i32>} : memref<5x2x128xi32, #tpu.memory_space<vmem>>, vector<1x1x16xi32>,
      %get3A_2592 = vector.shape_cast %get3A_2591 : vector<1x1x16xi32> to vector<16xi32>
      %get3A_2593 = arith.constant 2 : i32
      %get3A_2594 = arith.constant 1 : i32
      %get3A_2595 = arith.index_cast %get3A_2593 : i32 to index
      %get3A_2596 = arith.index_cast %get3A_2594 : i32 to index
      %get3A_2597 = arith.constant 80 : index
      %get3A_2598 = tpu.vector_load %arg6[%get3A_2595, %get3A_2596, %get3A_2597] {strides = array<i32>} : memref<5x2x128xi32, #tpu.memory_space<vmem>>, vector<1x1x16xi32>,
      %get3A_2599 = vector.shape_cast %get3A_2598 : vector<1x1x16xi32> to vector<16xi32>
      %mul3A_2600 = arith.constant 7 : i32
      %mul3A_2601 = vector.broadcast %mul3A_2600 : i32 to vector<16xi32>
      %mul3A_2602 = arith.muli %get3A_2592, %mul3A_2601 : vector<16xi32>
      %add3A_2603 = arith.addi %mul3A_2602, %get3A_2599 : vector<16xi32>
      %swap3A_2604 = arith.constant 2 : i32
      %swap3A_2605 = arith.constant 0 : i32
      %swap3A_2606 = arith.index_cast %swap3A_2604 : i32 to index
      %swap3A_2607 = arith.index_cast %swap3A_2605 : i32 to index
      %swap3A_2608 = arith.constant 80 : index
      %swap3A_2609 = tpu.vector_load %arg7[%swap3A_2606, %swap3A_2607, %swap3A_2608] {strides = array<i32>} : memref<5x1x128xi32, #tpu.memory_space<vmem>>, vector<1x1x16xi32>,
      %swap3A_2610 = vector.shape_cast %swap3A_2609 : vector<1x1x16xi32> to vector<16xi32>
      %swap3A_2611 = vector.shape_cast %add3A_2603 : vector<16xi32> to vector<1x1x16xi32>
      tpu.vector_store %arg7[%swap3A_2606, %swap3A_2607, %swap3A_2608], %swap3A_2611 {strides = array<i32>} : memref<5x1x128xi32, #tpu.memory_space<vmem>>, vector<1x1x16xi32>,
      %get3A_2612 = arith.constant 2 : i32
      %get3A_2613 = arith.constant 0 : i32
      %get3A_2614 = arith.index_cast %get3A_2612 : i32 to index
      %get3A_2615 = arith.index_cast %get3A_2613 : i32 to index
      %get3A_2616 = arith.constant 96 : index
      %get3A_2617 = tpu.vector_load %arg6[%get3A_2614, %get3A_2615, %get3A_2616] {strides = array<i32>} : memref<5x2x128xi32, #tpu.memory_space<vmem>>, vector<1x1x16xi32>,
      %get3A_2618 = vector.shape_cast %get3A_2617 : vector<1x1x16xi32> to vector<16xi32>
      %get3A_2619 = arith.constant 2 : i32
      %get3A_2620 = arith.constant 1 : i32
      %get3A_2621 = arith.index_cast %get3A_2619 : i32 to index
      %get3A_2622 = arith.index_cast %get3A_2620 : i32 to index
      %get3A_2623 = arith.constant 96 : index
      %get3A_2624 = tpu.vector_load %arg6[%get3A_2621, %get3A_2622, %get3A_2623] {strides = array<i32>} : memref<5x2x128xi32, #tpu.memory_space<vmem>>, vector<1x1x16xi32>,
      %get3A_2625 = vector.shape_cast %get3A_2624 : vector<1x1x16xi32> to vector<16xi32>
      %mul3A_2626 = arith.constant 7 : i32
      %mul3A_2627 = vector.broadcast %mul3A_2626 : i32 to vector<16xi32>
      %mul3A_2628 = arith.muli %get3A_2618, %mul3A_2627 : vector<16xi32>
      %add3A_2629 = arith.addi %mul3A_2628, %get3A_2625 : vector<16xi32>
      %swap3A_2630 = arith.constant 2 : i32
      %swap3A_2631 = arith.constant 0 : i32
      %swap3A_2632 = arith.index_cast %swap3A_2630 : i32 to index
      %swap3A_2633 = arith.index_cast %swap3A_2631 : i32 to index
      %swap3A_2634 = arith.constant 96 : index
      %swap3A_2635 = tpu.vector_load %arg7[%swap3A_2632, %swap3A_2633, %swap3A_2634] {strides = array<i32>} : memref<5x1x128xi32, #tpu.memory_space<vmem>>, vector<1x1x16xi32>,
      %swap3A_2636 = vector.shape_cast %swap3A_2635 : vector<1x1x16xi32> to vector<16xi32>
      %swap3A_2637 = vector.shape_cast %add3A_2629 : vector<16xi32> to vector<1x1x16xi32>
      tpu.vector_store %arg7[%swap3A_2632, %swap3A_2633, %swap3A_2634], %swap3A_2637 {strides = array<i32>} : memref<5x1x128xi32, #tpu.memory_space<vmem>>, vector<1x1x16xi32>,
      %get3A_2638 = arith.constant 2 : i32
      %get3A_2639 = arith.constant 0 : i32
      %get3A_2640 = arith.index_cast %get3A_2638 : i32 to index
      %get3A_2641 = arith.index_cast %get3A_2639 : i32 to index
      %get3A_2642 = arith.constant 112 : index
      %get3A_2643 = tpu.vector_load %arg6[%get3A_2640, %get3A_2641, %get3A_2642] {strides = array<i32>} : memref<5x2x128xi32, #tpu.memory_space<vmem>>, vector<1x1x16xi32>,
      %get3A_2644 = vector.shape_cast %get3A_2643 : vector<1x1x16xi32> to vector<16xi32>
      %get3A_2645 = arith.constant 2 : i32
      %get3A_2646 = arith.constant 1 : i32
      %get3A_2647 = arith.index_cast %get3A_2645 : i32 to index
      %get3A_2648 = arith.index_cast %get3A_2646 : i32 to index
      %get3A_2649 = arith.constant 112 : index
      %get3A_2650 = tpu.vector_load %arg6[%get3A_2647, %get3A_2648, %get3A_2649] {strides = array<i32>} : memref<5x2x128xi32, #tpu.memory_space<vmem>>, vector<1x1x16xi32>,
      %get3A_2651 = vector.shape_cast %get3A_2650 : vector<1x1x16xi32> to vector<16xi32>
      %mul3A_2652 = arith.constant 7 : i32
      %mul3A_2653 = vector.broadcast %mul3A_2652 : i32 to vector<16xi32>
      %mul3A_2654 = arith.muli %get3A_2644, %mul3A_2653 : vector<16xi32>
      %add3A_2655 = arith.addi %mul3A_2654, %get3A_2651 : vector<16xi32>
      %swap3A_2656 = arith.constant 2 : i32
      %swap3A_2657 = arith.constant 0 : i32
      %swap3A_2658 = arith.index_cast %swap3A_2656 : i32 to index
      %swap3A_2659 = arith.index_cast %swap3A_2657 : i32 to index
      %swap3A_2660 = arith.constant 112 : index
      %swap3A_2661 = tpu.vector_load %arg7[%swap3A_2658, %swap3A_2659, %swap3A_2660] {strides = array<i32>} : memref<5x1x128xi32, #tpu.memory_space<vmem>>, vector<1x1x16xi32>,
      %swap3A_2662 = vector.shape_cast %swap3A_2661 : vector<1x1x16xi32> to vector<16xi32>
      %swap3A_2663 = vector.shape_cast %add3A_2655 : vector<16xi32> to vector<1x1x16xi32>
      tpu.vector_store %arg7[%swap3A_2658, %swap3A_2659, %swap3A_2660], %swap3A_2663 {strides = array<i32>} : memref<5x1x128xi32, #tpu.memory_space<vmem>>, vector<1x1x16xi32>,
      %add3A_2664 = arith.constant 5 : i32
      %add3A_2665 = arith.addi %add3A_2432, %add3A_2664 : i32
      %min3A_2666 = arith.constant 199 : i32
      %min3A_2667 = arith.minsi %add3A_2665, %min3A_2666 : i32
      %mul3A_2668 = arith.constant 128 : i32
      %mul3A_2669 = arith.muli %min3A_2667, %mul3A_2668 : i32
      %add3A_2670 = arith.addi %mul3A_2, %mul3A_2669 : i32
      %dma_start3A_2671 = arith.constant 2 : i32
      %dma_start3A_2672 = arith.constant 0 : i32
      %dma_start3A_2673 = arith.constant 0 : i32
      %dma_start3A_2674 = tpu.memref_slice %arg6[%dma_start3A_2671, %dma_start3A_2672, %dma_start3A_2673] : memref<5x2x128xi32, #tpu.memory_space<vmem>> -> memref<1x1x128xi32, #tpu.memory_space<vmem>>
      %dma_start3A_2675 = tpu.memref_squeeze %dma_start3A_2674 : memref<1x1x128xi32, #tpu.memory_space<vmem>> -> memref<128xi32, #tpu.memory_space<vmem>>
      %dma_start3A_2676 = tpu.memref_slice %arg2[%add3A_2670] : memref<819200xi32, #tpu.memory_space<hbm>> -> memref<128xi32, #tpu.memory_space<hbm>>
      %dma_start3A_2677 = arith.constant 0 : i32
      %dma_start3A_2678 = tpu.memref_slice %arg6[%dma_start3A_2671, %dma_start3A_2672, %dma_start3A_2677] : memref<5x2x128xi32, #tpu.memory_space<vmem>> -> memref<1x1x128xi32, #tpu.memory_space<vmem>>
      %dma_start3A_2679 = tpu.memref_squeeze %dma_start3A_2678 : memref<1x1x128xi32, #tpu.memory_space<vmem>> -> memref<128xi32, #tpu.memory_space<vmem>>
      %dma_start3A_2680 = tpu.memref_slice %arg2[%add3A_2670] : memref<819200xi32, #tpu.memory_space<hbm>> -> memref<128xi32, #tpu.memory_space<hbm>>
      tpu.enqueue_dma source(%dma_start3A_2680 : memref<128xi32, #tpu.memory_space<hbm>>) target(%dma_start3A_2679 : memref<128xi32, #tpu.memory_space<vmem>>) target_semaphore(%arg12 : memref<!tpu.dma_semaphore, #tpu.memory_space<semaphore_mem>>)
      %dma_start3A_2681 = arith.constant 2 : i32
      %dma_start3A_2682 = arith.constant 1 : i32
      %dma_start3A_2683 = arith.constant 0 : i32
      %dma_start3A_2684 = tpu.memref_slice %arg6[%dma_start3A_2681, %dma_start3A_2682, %dma_start3A_2683] : memref<5x2x128xi32, #tpu.memory_space<vmem>> -> memref<1x1x128xi32, #tpu.memory_space<vmem>>
      %dma_start3A_2685 = tpu.memref_squeeze %dma_start3A_2684 : memref<1x1x128xi32, #tpu.memory_space<vmem>> -> memref<128xi32, #tpu.memory_space<vmem>>
      %dma_start3A_2686 = tpu.memref_slice %arg3[%add3A_2670] : memref<819200xi32, #tpu.memory_space<hbm>> -> memref<128xi32, #tpu.memory_space<hbm>>
      %dma_start3A_2687 = arith.constant 0 : i32
      %dma_start3A_2688 = tpu.memref_slice %arg6[%dma_start3A_2681, %dma_start3A_2682, %dma_start3A_2687] : memref<5x2x128xi32, #tpu.memory_space<vmem>> -> memref<1x1x128xi32, #tpu.memory_space<vmem>>
      %dma_start3A_2689 = tpu.memref_squeeze %dma_start3A_2688 : memref<1x1x128xi32, #tpu.memory_space<vmem>> -> memref<128xi32, #tpu.memory_space<vmem>>
      %dma_start3A_2690 = tpu.memref_slice %arg3[%add3A_2670] : memref<819200xi32, #tpu.memory_space<hbm>> -> memref<128xi32, #tpu.memory_space<hbm>>
      tpu.enqueue_dma source(%dma_start3A_2690 : memref<128xi32, #tpu.memory_space<hbm>>) target(%dma_start3A_2689 : memref<128xi32, #tpu.memory_space<vmem>>) target_semaphore(%arg12 : memref<!tpu.dma_semaphore, #tpu.memory_space<semaphore_mem>>)
      %mul3A_2691 = arith.constant 128 : i32
      %mul3A_2692 = arith.muli %add3A_2432, %mul3A_2691 : i32
      %add3A_2693 = arith.addi %mul3A_2, %mul3A_2692 : i32
      %dma_wait3A_2694 = arith.constant 2 : i32
      %dma_wait3A_2695 = arith.constant 0 : i32
      %dma_wait3A_2696 = arith.constant 0 : i32
      %dma_wait3A_2697 = tpu.memref_slice %arg8[%dma_wait3A_2694, %dma_wait3A_2695, %dma_wait3A_2696] : memref<5x128x128xf32, #tpu.memory_space<vmem>> -> memref<1x128x128xf32, #tpu.memory_space<vmem>>
      %dma_wait3A_2698 = tpu.memref_squeeze %dma_wait3A_2697 : memref<1x128x128xf32, #tpu.memory_space<vmem>> -> memref<128x128xf32, #tpu.memory_space<vmem>>
      %dma_wait3A_2699 = arith.constant 0 : i32
      %dma_wait3A_2700 = tpu.memref_slice %arg5[%add3A_2693, %dma_wait3A_2699] : memref<819200x128xf32, #tpu.memory_space<hbm>> -> memref<128x128xf32, #tpu.memory_space<hbm>>
      %dma_wait3A_2701 = arith.constant 0 : i32
      %dma_wait3A_2702 = tpu.memref_slice %arg5[%add3A_2693, %dma_wait3A_2701] : memref<819200x128xf32, #tpu.memory_space<hbm>> -> memref<128x128xf32, #tpu.memory_space<hbm>>
      %dma_wait3A_2703 = arith.constant 0 : i32
      %dma_wait3A_2704 = arith.constant 0 : i32
      %dma_wait3A_2705 = tpu.memref_slice %arg8[%dma_wait3A_2694, %dma_wait3A_2703, %dma_wait3A_2704] : memref<5x128x128xf32, #tpu.memory_space<vmem>> -> memref<1x128x128xf32, #tpu.memory_space<vmem>>
      %dma_wait3A_2706 = tpu.memref_squeeze %dma_wait3A_2705 : memref<1x128x128xf32, #tpu.memory_space<vmem>> -> memref<128x128xf32, #tpu.memory_space<vmem>>
      tpu.wait_dma2 semaphore(%arg22 : memref<!tpu.dma_semaphore, #tpu.memory_space<semaphore_mem>>) src(%dma_wait3A_2706 : memref<128x128xf32, #tpu.memory_space<vmem>>) dst(%dma_wait3A_2702 : memref<128x128xf32, #tpu.memory_space<hbm>>)
      %dma_start3A_2707 = arith.constant 2 : i32
      %dma_start3A_2708 = arith.constant 0 : i32
      %dma_start3A_2709 = arith.constant 2 : i32
      %dma_start3A_2710 = arith.constant 0 : i32
      %dma_start3A_2711 = arith.constant 0 : i32
      %dma_start3A_2712 = tpu.memref_slice %arg8[%dma_start3A_2709, %dma_start3A_2710, %dma_start3A_2711] : memref<5x128x128xf32, #tpu.memory_space<vmem>> -> memref<1x128x128xf32, #tpu.memory_space<vmem>>
      %dma_start3A_2713 = tpu.memref_squeeze %dma_start3A_2712 : memref<1x128x128xf32, #tpu.memory_space<vmem>> -> memref<128x128xf32, #tpu.memory_space<vmem>>
      %dma_start3A_2714 = arith.constant 0 : i32
      %dma_start3A_2715 = tpu.memref_slice %arg7[%dma_start3A_2707, %dma_start3A_2708, %dma_start3A_2714] : memref<5x1x128xi32, #tpu.memory_space<vmem>> -> memref<1x1x128xi32, #tpu.memory_space<vmem>>
      %dma_start3A_2716 = tpu.memref_squeeze %dma_start3A_2715 : memref<1x1x128xi32, #tpu.memory_space<vmem>> -> memref<128xi32, #tpu.memory_space<vmem>>
      %dma_start3A_2717 = arith.constant 0 : i32
      %dma_start3A_2718 = arith.constant 0 : i32
      %dma_start3A_2719 = tpu.memref_slice %arg9[%dma_start3A_2717, %dma_start3A_2718] : memref<168x128xf32, #tpu.memory_space<vmem_shared>> -> memref<168x128xf32, #tpu.memory_space<vmem_shared>>
      tpu.enqueue_indirect_dma source(%dma_start3A_2719 : memref<168x128xf32, #tpu.memory_space<vmem_shared>>) target(%dma_start3A_2713 : memref<128x128xf32, #tpu.memory_space<vmem>>) offsets(%dma_start3A_2716 : memref<128xi32, #tpu.memory_space<vmem>>) semaphore(%arg17 : memref<!tpu.dma_semaphore, #tpu.memory_space<semaphore_mem>>)
      %dma_wait3A_2720 = arith.constant 1 : i32
      %dma_wait3A_2721 = arith.constant 0 : i32
      %dma_wait3A_2722 = arith.constant 1 : i32
      %dma_wait3A_2723 = arith.constant 0 : i32
      %dma_wait3A_2724 = arith.constant 0 : i32
      %dma_wait3A_2725 = tpu.memref_slice %arg8[%dma_wait3A_2722, %dma_wait3A_2723, %dma_wait3A_2724] : memref<5x128x128xf32, #tpu.memory_space<vmem>> -> memref<1x128x128xf32, #tpu.memory_space<vmem>>
      %dma_wait3A_2726 = tpu.memref_squeeze %dma_wait3A_2725 : memref<1x128x128xf32, #tpu.memory_space<vmem>> -> memref<128x128xf32, #tpu.memory_space<vmem>>
      %dma_wait3A_2727 = arith.constant 0 : i32
      %dma_wait3A_2728 = tpu.memref_slice %arg7[%dma_wait3A_2720, %dma_wait3A_2721, %dma_wait3A_2727] : memref<5x1x128xi32, #tpu.memory_space<vmem>> -> memref<1x1x128xi32, #tpu.memory_space<vmem>>
      %dma_wait3A_2729 = tpu.memref_squeeze %dma_wait3A_2728 : memref<1x1x128xi32, #tpu.memory_space<vmem>> -> memref<128xi32, #tpu.memory_space<vmem>>
      %dma_wait3A_2730 = arith.constant 0 : i32
      %dma_wait3A_2731 = arith.constant 0 : i32
      %dma_wait3A_2732 = tpu.memref_slice %arg9[%dma_wait3A_2730, %dma_wait3A_2731] : memref<168x128xf32, #tpu.memory_space<vmem_shared>> -> memref<168x128xf32, #tpu.memory_space<vmem_shared>>
      tpu.wait_indirect_dma semaphore(%arg16 : memref<!tpu.dma_semaphore, #tpu.memory_space<semaphore_mem>>) src(%dma_wait3A_2732 : memref<168x128xf32, #tpu.memory_space<vmem_shared>>) dst(%dma_wait3A_2726 : memref<128x128xf32, #tpu.memory_space<vmem>>)
      %sub3A_2733 = arith.constant 1 : i32
      %sub3A_2734 = arith.subi %add3A_2432, %sub3A_2733 : i32
      %mul3A_2735 = arith.constant 128 : i32
      %mul3A_2736 = arith.muli %sub3A_2734, %mul3A_2735 : i32
      %add3A_2737 = arith.addi %mul3A_2, %mul3A_2736 : i32
      %dma_start3A_2738 = arith.constant 1 : i32
      %dma_start3A_2739 = arith.constant 0 : i32
      %dma_start3A_2740 = arith.constant 0 : i32
      %dma_start3A_2741 = tpu.memref_slice %arg8[%dma_start3A_2738, %dma_start3A_2739, %dma_start3A_2740] : memref<5x128x128xf32, #tpu.memory_space<vmem>> -> memref<1x128x128xf32, #tpu.memory_space<vmem>>
      %dma_start3A_2742 = tpu.memref_squeeze %dma_start3A_2741 : memref<1x128x128xf32, #tpu.memory_space<vmem>> -> memref<128x128xf32, #tpu.memory_space<vmem>>
      %dma_start3A_2743 = arith.constant 0 : i32
      %dma_start3A_2744 = tpu.memref_slice %arg5[%add3A_2737, %dma_start3A_2743] : memref<819200x128xf32, #tpu.memory_space<hbm>> -> memref<128x128xf32, #tpu.memory_space<hbm>>
      %dma_start3A_2745 = arith.constant 0 : i32
      %dma_start3A_2746 = tpu.memref_slice %arg5[%add3A_2737, %dma_start3A_2745] : memref<819200x128xf32, #tpu.memory_space<hbm>> -> memref<128x128xf32, #tpu.memory_space<hbm>>
      %dma_start3A_2747 = arith.constant 0 : i32
      %dma_start3A_2748 = arith.constant 0 : i32
      %dma_start3A_2749 = tpu.memref_slice %arg8[%dma_start3A_2738, %dma_start3A_2747, %dma_start3A_2748] : memref<5x128x128xf32, #tpu.memory_space<vmem>> -> memref<1x128x128xf32, #tpu.memory_space<vmem>>
      %dma_start3A_2750 = tpu.memref_squeeze %dma_start3A_2749 : memref<1x128x128xf32, #tpu.memory_space<vmem>> -> memref<128x128xf32, #tpu.memory_space<vmem>>
      tpu.enqueue_dma source(%dma_start3A_2750 : memref<128x128xf32, #tpu.memory_space<vmem>>) target(%dma_start3A_2746 : memref<128x128xf32, #tpu.memory_space<hbm>>) target_semaphore(%arg21 : memref<!tpu.dma_semaphore, #tpu.memory_space<semaphore_mem>>)
      %mul3A_2751 = arith.constant 5 : i32
      %mul3A_2752 = arith.muli %scan3A_1785, %mul3A_2751 : i32
      %add3A_2753 = arith.constant 3 : i32
      %add3A_2754 = arith.addi %mul3A_2752, %add3A_2753 : i32
      %mul3A_2755 = arith.constant 128 : i32
      %mul3A_2756 = arith.muli %add3A_2754, %mul3A_2755 : i32
      %add3A_2757 = arith.addi %mul3A_2, %mul3A_2756 : i32
      %dma_wait3A_2758 = arith.constant 3 : i32
      %dma_wait3A_2759 = arith.constant 0 : i32
      %dma_wait3A_2760 = arith.constant 0 : i32
      %dma_wait3A_2761 = tpu.memref_slice %arg6[%dma_wait3A_2758, %dma_wait3A_2759, %dma_wait3A_2760] : memref<5x2x128xi32, #tpu.memory_space<vmem>> -> memref<1x1x128xi32, #tpu.memory_space<vmem>>
      %dma_wait3A_2762 = tpu.memref_squeeze %dma_wait3A_2761 : memref<1x1x128xi32, #tpu.memory_space<vmem>> -> memref<128xi32, #tpu.memory_space<vmem>>
      %dma_wait3A_2763 = tpu.memref_slice %arg2[%add3A_2757] : memref<819200xi32, #tpu.memory_space<hbm>> -> memref<128xi32, #tpu.memory_space<hbm>>
      %dma_wait3A_2764 = arith.constant 0 : i32
      %dma_wait3A_2765 = tpu.memref_slice %arg6[%dma_wait3A_2758, %dma_wait3A_2759, %dma_wait3A_2764] : memref<5x2x128xi32, #tpu.memory_space<vmem>> -> memref<1x1x128xi32, #tpu.memory_space<vmem>>
      %dma_wait3A_2766 = tpu.memref_squeeze %dma_wait3A_2765 : memref<1x1x128xi32, #tpu.memory_space<vmem>> -> memref<128xi32, #tpu.memory_space<vmem>>
      %dma_wait3A_2767 = tpu.memref_slice %arg2[%add3A_2757] : memref<819200xi32, #tpu.memory_space<hbm>> -> memref<128xi32, #tpu.memory_space<hbm>>
      tpu.wait_dma2 semaphore(%arg13 : memref<!tpu.dma_semaphore, #tpu.memory_space<semaphore_mem>>) src(%dma_wait3A_2767 : memref<128xi32, #tpu.memory_space<hbm>>) dst(%dma_wait3A_2766 : memref<128xi32, #tpu.memory_space<vmem>>)
      %dma_wait3A_2768 = arith.constant 3 : i32
      %dma_wait3A_2769 = arith.constant 1 : i32
      %dma_wait3A_2770 = arith.constant 0 : i32
      %dma_wait3A_2771 = tpu.memref_slice %arg6[%dma_wait3A_2768, %dma_wait3A_2769, %dma_wait3A_2770] : memref<5x2x128xi32, #tpu.memory_space<vmem>> -> memref<1x1x128xi32, #tpu.memory_space<vmem>>
      %dma_wait3A_2772 = tpu.memref_squeeze %dma_wait3A_2771 : memref<1x1x128xi32, #tpu.memory_space<vmem>> -> memref<128xi32, #tpu.memory_space<vmem>>
      %dma_wait3A_2773 = tpu.memref_slice %arg3[%add3A_2757] : memref<819200xi32, #tpu.memory_space<hbm>> -> memref<128xi32, #tpu.memory_space<hbm>>
      %dma_wait3A_2774 = arith.constant 0 : i32
      %dma_wait3A_2775 = tpu.memref_slice %arg6[%dma_wait3A_2768, %dma_wait3A_2769, %dma_wait3A_2774] : memref<5x2x128xi32, #tpu.memory_space<vmem>> -> memref<1x1x128xi32, #tpu.memory_space<vmem>>
      %dma_wait3A_2776 = tpu.memref_squeeze %dma_wait3A_2775 : memref<1x1x128xi32, #tpu.memory_space<vmem>> -> memref<128xi32, #tpu.memory_space<vmem>>
      %dma_wait3A_2777 = tpu.memref_slice %arg3[%add3A_2757] : memref<819200xi32, #tpu.memory_space<hbm>> -> memref<128xi32, #tpu.memory_space<hbm>>
      tpu.wait_dma2 semaphore(%arg13 : memref<!tpu.dma_semaphore, #tpu.memory_space<semaphore_mem>>) src(%dma_wait3A_2777 : memref<128xi32, #tpu.memory_space<hbm>>) dst(%dma_wait3A_2776 : memref<128xi32, #tpu.memory_space<vmem>>)
      %get3A_2778 = arith.constant 3 : i32
      %get3A_2779 = arith.constant 0 : i32
      %get3A_2780 = arith.index_cast %get3A_2778 : i32 to index
      %get3A_2781 = arith.index_cast %get3A_2779 : i32 to index
      %get3A_2782 = arith.constant 0 : index
      %get3A_2783 = tpu.vector_load %arg6[%get3A_2780, %get3A_2781, %get3A_2782] {strides = array<i32>} : memref<5x2x128xi32, #tpu.memory_space<vmem>>, vector<1x1x16xi32>,
      %get3A_2784 = vector.shape_cast %get3A_2783 : vector<1x1x16xi32> to vector<16xi32>
      %get3A_2785 = arith.constant 3 : i32
      %get3A_2786 = arith.constant 1 : i32
      %get3A_2787 = arith.index_cast %get3A_2785 : i32 to index
      %get3A_2788 = arith.index_cast %get3A_2786 : i32 to index
      %get3A_2789 = arith.constant 0 : index
      %get3A_2790 = tpu.vector_load %arg6[%get3A_2787, %get3A_2788, %get3A_2789] {strides = array<i32>} : memref<5x2x128xi32, #tpu.memory_space<vmem>>, vector<1x1x16xi32>,
      %get3A_2791 = vector.shape_cast %get3A_2790 : vector<1x1x16xi32> to vector<16xi32>
      %mul3A_2792 = arith.constant 7 : i32
      %mul3A_2793 = vector.broadcast %mul3A_2792 : i32 to vector<16xi32>
      %mul3A_2794 = arith.muli %get3A_2784, %mul3A_2793 : vector<16xi32>
      %add3A_2795 = arith.addi %mul3A_2794, %get3A_2791 : vector<16xi32>
      %swap3A_2796 = arith.constant 3 : i32
      %swap3A_2797 = arith.constant 0 : i32
      %swap3A_2798 = arith.index_cast %swap3A_2796 : i32 to index
      %swap3A_2799 = arith.index_cast %swap3A_2797 : i32 to index
      %swap3A_2800 = arith.constant 0 : index
      %swap3A_2801 = tpu.vector_load %arg7[%swap3A_2798, %swap3A_2799, %swap3A_2800] {strides = array<i32>} : memref<5x1x128xi32, #tpu.memory_space<vmem>>, vector<1x1x16xi32>,
      %swap3A_2802 = vector.shape_cast %swap3A_2801 : vector<1x1x16xi32> to vector<16xi32>
      %swap3A_2803 = vector.shape_cast %add3A_2795 : vector<16xi32> to vector<1x1x16xi32>
      tpu.vector_store %arg7[%swap3A_2798, %swap3A_2799, %swap3A_2800], %swap3A_2803 {strides = array<i32>} : memref<5x1x128xi32, #tpu.memory_space<vmem>>, vector<1x1x16xi32>,
      %get3A_2804 = arith.constant 3 : i32
      %get3A_2805 = arith.constant 0 : i32
      %get3A_2806 = arith.index_cast %get3A_2804 : i32 to index
      %get3A_2807 = arith.index_cast %get3A_2805 : i32 to index
      %get3A_2808 = arith.constant 16 : index
      %get3A_2809 = tpu.vector_load %arg6[%get3A_2806, %get3A_2807, %get3A_2808] {strides = array<i32>} : memref<5x2x128xi32, #tpu.memory_space<vmem>>, vector<1x1x16xi32>,
      %get3A_2810 = vector.shape_cast %get3A_2809 : vector<1x1x16xi32> to vector<16xi32>
      %get3A_2811 = arith.constant 3 : i32
      %get3A_2812 = arith.constant 1 : i32
      %get3A_2813 = arith.index_cast %get3A_2811 : i32 to index
      %get3A_2814 = arith.index_cast %get3A_2812 : i32 to index
      %get3A_2815 = arith.constant 16 : index
      %get3A_2816 = tpu.vector_load %arg6[%get3A_2813, %get3A_2814, %get3A_2815] {strides = array<i32>} : memref<5x2x128xi32, #tpu.memory_space<vmem>>, vector<1x1x16xi32>,
      %get3A_2817 = vector.shape_cast %get3A_2816 : vector<1x1x16xi32> to vector<16xi32>
      %mul3A_2818 = arith.constant 7 : i32
      %mul3A_2819 = vector.broadcast %mul3A_2818 : i32 to vector<16xi32>
      %mul3A_2820 = arith.muli %get3A_2810, %mul3A_2819 : vector<16xi32>
      %add3A_2821 = arith.addi %mul3A_2820, %get3A_2817 : vector<16xi32>
      %swap3A_2822 = arith.constant 3 : i32
      %swap3A_2823 = arith.constant 0 : i32
      %swap3A_2824 = arith.index_cast %swap3A_2822 : i32 to index
      %swap3A_2825 = arith.index_cast %swap3A_2823 : i32 to index
      %swap3A_2826 = arith.constant 16 : index
      %swap3A_2827 = tpu.vector_load %arg7[%swap3A_2824, %swap3A_2825, %swap3A_2826] {strides = array<i32>} : memref<5x1x128xi32, #tpu.memory_space<vmem>>, vector<1x1x16xi32>,
      %swap3A_2828 = vector.shape_cast %swap3A_2827 : vector<1x1x16xi32> to vector<16xi32>
      %swap3A_2829 = vector.shape_cast %add3A_2821 : vector<16xi32> to vector<1x1x16xi32>
      tpu.vector_store %arg7[%swap3A_2824, %swap3A_2825, %swap3A_2826], %swap3A_2829 {strides = array<i32>} : memref<5x1x128xi32, #tpu.memory_space<vmem>>, vector<1x1x16xi32>,
      %get3A_2830 = arith.constant 3 : i32
      %get3A_2831 = arith.constant 0 : i32
      %get3A_2832 = arith.index_cast %get3A_2830 : i32 to index
      %get3A_2833 = arith.index_cast %get3A_2831 : i32 to index
      %get3A_2834 = arith.constant 32 : index
      %get3A_2835 = tpu.vector_load %arg6[%get3A_2832, %get3A_2833, %get3A_2834] {strides = array<i32>} : memref<5x2x128xi32, #tpu.memory_space<vmem>>, vector<1x1x16xi32>,
      %get3A_2836 = vector.shape_cast %get3A_2835 : vector<1x1x16xi32> to vector<16xi32>
      %get3A_2837 = arith.constant 3 : i32
      %get3A_2838 = arith.constant 1 : i32
      %get3A_2839 = arith.index_cast %get3A_2837 : i32 to index
      %get3A_2840 = arith.index_cast %get3A_2838 : i32 to index
      %get3A_2841 = arith.constant 32 : index
      %get3A_2842 = tpu.vector_load %arg6[%get3A_2839, %get3A_2840, %get3A_2841] {strides = array<i32>} : memref<5x2x128xi32, #tpu.memory_space<vmem>>, vector<1x1x16xi32>,
      %get3A_2843 = vector.shape_cast %get3A_2842 : vector<1x1x16xi32> to vector<16xi32>
      %mul3A_2844 = arith.constant 7 : i32
      %mul3A_2845 = vector.broadcast %mul3A_2844 : i32 to vector<16xi32>
      %mul3A_2846 = arith.muli %get3A_2836, %mul3A_2845 : vector<16xi32>
      %add3A_2847 = arith.addi %mul3A_2846, %get3A_2843 : vector<16xi32>
      %swap3A_2848 = arith.constant 3 : i32
      %swap3A_2849 = arith.constant 0 : i32
      %swap3A_2850 = arith.index_cast %swap3A_2848 : i32 to index
      %swap3A_2851 = arith.index_cast %swap3A_2849 : i32 to index
      %swap3A_2852 = arith.constant 32 : index
      %swap3A_2853 = tpu.vector_load %arg7[%swap3A_2850, %swap3A_2851, %swap3A_2852] {strides = array<i32>} : memref<5x1x128xi32, #tpu.memory_space<vmem>>, vector<1x1x16xi32>,
      %swap3A_2854 = vector.shape_cast %swap3A_2853 : vector<1x1x16xi32> to vector<16xi32>
      %swap3A_2855 = vector.shape_cast %add3A_2847 : vector<16xi32> to vector<1x1x16xi32>
      tpu.vector_store %arg7[%swap3A_2850, %swap3A_2851, %swap3A_2852], %swap3A_2855 {strides = array<i32>} : memref<5x1x128xi32, #tpu.memory_space<vmem>>, vector<1x1x16xi32>,
      %get3A_2856 = arith.constant 3 : i32
      %get3A_2857 = arith.constant 0 : i32
      %get3A_2858 = arith.index_cast %get3A_2856 : i32 to index
      %get3A_2859 = arith.index_cast %get3A_2857 : i32 to index
      %get3A_2860 = arith.constant 48 : index
      %get3A_2861 = tpu.vector_load %arg6[%get3A_2858, %get3A_2859, %get3A_2860] {strides = array<i32>} : memref<5x2x128xi32, #tpu.memory_space<vmem>>, vector<1x1x16xi32>,
      %get3A_2862 = vector.shape_cast %get3A_2861 : vector<1x1x16xi32> to vector<16xi32>
      %get3A_2863 = arith.constant 3 : i32
      %get3A_2864 = arith.constant 1 : i32
      %get3A_2865 = arith.index_cast %get3A_2863 : i32 to index
      %get3A_2866 = arith.index_cast %get3A_2864 : i32 to index
      %get3A_2867 = arith.constant 48 : index
      %get3A_2868 = tpu.vector_load %arg6[%get3A_2865, %get3A_2866, %get3A_2867] {strides = array<i32>} : memref<5x2x128xi32, #tpu.memory_space<vmem>>, vector<1x1x16xi32>,
      %get3A_2869 = vector.shape_cast %get3A_2868 : vector<1x1x16xi32> to vector<16xi32>
      %mul3A_2870 = arith.constant 7 : i32
      %mul3A_2871 = vector.broadcast %mul3A_2870 : i32 to vector<16xi32>
      %mul3A_2872 = arith.muli %get3A_2862, %mul3A_2871 : vector<16xi32>
      %add3A_2873 = arith.addi %mul3A_2872, %get3A_2869 : vector<16xi32>
      %swap3A_2874 = arith.constant 3 : i32
      %swap3A_2875 = arith.constant 0 : i32
      %swap3A_2876 = arith.index_cast %swap3A_2874 : i32 to index
      %swap3A_2877 = arith.index_cast %swap3A_2875 : i32 to index
      %swap3A_2878 = arith.constant 48 : index
      %swap3A_2879 = tpu.vector_load %arg7[%swap3A_2876, %swap3A_2877, %swap3A_2878] {strides = array<i32>} : memref<5x1x128xi32, #tpu.memory_space<vmem>>, vector<1x1x16xi32>,
      %swap3A_2880 = vector.shape_cast %swap3A_2879 : vector<1x1x16xi32> to vector<16xi32>
      %swap3A_2881 = vector.shape_cast %add3A_2873 : vector<16xi32> to vector<1x1x16xi32>
      tpu.vector_store %arg7[%swap3A_2876, %swap3A_2877, %swap3A_2878], %swap3A_2881 {strides = array<i32>} : memref<5x1x128xi32, #tpu.memory_space<vmem>>, vector<1x1x16xi32>,
      %get3A_2882 = arith.constant 3 : i32
      %get3A_2883 = arith.constant 0 : i32
      %get3A_2884 = arith.index_cast %get3A_2882 : i32 to index
      %get3A_2885 = arith.index_cast %get3A_2883 : i32 to index
      %get3A_2886 = arith.constant 64 : index
      %get3A_2887 = tpu.vector_load %arg6[%get3A_2884, %get3A_2885, %get3A_2886] {strides = array<i32>} : memref<5x2x128xi32, #tpu.memory_space<vmem>>, vector<1x1x16xi32>,
      %get3A_2888 = vector.shape_cast %get3A_2887 : vector<1x1x16xi32> to vector<16xi32>
      %get3A_2889 = arith.constant 3 : i32
      %get3A_2890 = arith.constant 1 : i32
      %get3A_2891 = arith.index_cast %get3A_2889 : i32 to index
      %get3A_2892 = arith.index_cast %get3A_2890 : i32 to index
      %get3A_2893 = arith.constant 64 : index
      %get3A_2894 = tpu.vector_load %arg6[%get3A_2891, %get3A_2892, %get3A_2893] {strides = array<i32>} : memref<5x2x128xi32, #tpu.memory_space<vmem>>, vector<1x1x16xi32>,
      %get3A_2895 = vector.shape_cast %get3A_2894 : vector<1x1x16xi32> to vector<16xi32>
      %mul3A_2896 = arith.constant 7 : i32
      %mul3A_2897 = vector.broadcast %mul3A_2896 : i32 to vector<16xi32>
      %mul3A_2898 = arith.muli %get3A_2888, %mul3A_2897 : vector<16xi32>
      %add3A_2899 = arith.addi %mul3A_2898, %get3A_2895 : vector<16xi32>
      %swap3A_2900 = arith.constant 3 : i32
      %swap3A_2901 = arith.constant 0 : i32
      %swap3A_2902 = arith.index_cast %swap3A_2900 : i32 to index
      %swap3A_2903 = arith.index_cast %swap3A_2901 : i32 to index
      %swap3A_2904 = arith.constant 64 : index
      %swap3A_2905 = tpu.vector_load %arg7[%swap3A_2902, %swap3A_2903, %swap3A_2904] {strides = array<i32>} : memref<5x1x128xi32, #tpu.memory_space<vmem>>, vector<1x1x16xi32>,
      %swap3A_2906 = vector.shape_cast %swap3A_2905 : vector<1x1x16xi32> to vector<16xi32>
      %swap3A_2907 = vector.shape_cast %add3A_2899 : vector<16xi32> to vector<1x1x16xi32>
      tpu.vector_store %arg7[%swap3A_2902, %swap3A_2903, %swap3A_2904], %swap3A_2907 {strides = array<i32>} : memref<5x1x128xi32, #tpu.memory_space<vmem>>, vector<1x1x16xi32>,
      %get3A_2908 = arith.constant 3 : i32
      %get3A_2909 = arith.constant 0 : i32
      %get3A_2910 = arith.index_cast %get3A_2908 : i32 to index
      %get3A_2911 = arith.index_cast %get3A_2909 : i32 to index
      %get3A_2912 = arith.constant 80 : index
      %get3A_2913 = tpu.vector_load %arg6[%get3A_2910, %get3A_2911, %get3A_2912] {strides = array<i32>} : memref<5x2x128xi32, #tpu.memory_space<vmem>>, vector<1x1x16xi32>,
      %get3A_2914 = vector.shape_cast %get3A_2913 : vector<1x1x16xi32> to vector<16xi32>
      %get3A_2915 = arith.constant 3 : i32
      %get3A_2916 = arith.constant 1 : i32
      %get3A_2917 = arith.index_cast %get3A_2915 : i32 to index
      %get3A_2918 = arith.index_cast %get3A_2916 : i32 to index
      %get3A_2919 = arith.constant 80 : index
      %get3A_2920 = tpu.vector_load %arg6[%get3A_2917, %get3A_2918, %get3A_2919] {strides = array<i32>} : memref<5x2x128xi32, #tpu.memory_space<vmem>>, vector<1x1x16xi32>,
      %get3A_2921 = vector.shape_cast %get3A_2920 : vector<1x1x16xi32> to vector<16xi32>
      %mul3A_2922 = arith.constant 7 : i32
      %mul3A_2923 = vector.broadcast %mul3A_2922 : i32 to vector<16xi32>
      %mul3A_2924 = arith.muli %get3A_2914, %mul3A_2923 : vector<16xi32>
      %add3A_2925 = arith.addi %mul3A_2924, %get3A_2921 : vector<16xi32>
      %swap3A_2926 = arith.constant 3 : i32
      %swap3A_2927 = arith.constant 0 : i32
      %swap3A_2928 = arith.index_cast %swap3A_2926 : i32 to index
      %swap3A_2929 = arith.index_cast %swap3A_2927 : i32 to index
      %swap3A_2930 = arith.constant 80 : index
      %swap3A_2931 = tpu.vector_load %arg7[%swap3A_2928, %swap3A_2929, %swap3A_2930] {strides = array<i32>} : memref<5x1x128xi32, #tpu.memory_space<vmem>>, vector<1x1x16xi32>,
      %swap3A_2932 = vector.shape_cast %swap3A_2931 : vector<1x1x16xi32> to vector<16xi32>
      %swap3A_2933 = vector.shape_cast %add3A_2925 : vector<16xi32> to vector<1x1x16xi32>
      tpu.vector_store %arg7[%swap3A_2928, %swap3A_2929, %swap3A_2930], %swap3A_2933 {strides = array<i32>} : memref<5x1x128xi32, #tpu.memory_space<vmem>>, vector<1x1x16xi32>,
      %get3A_2934 = arith.constant 3 : i32
      %get3A_2935 = arith.constant 0 : i32
      %get3A_2936 = arith.index_cast %get3A_2934 : i32 to index
      %get3A_2937 = arith.index_cast %get3A_2935 : i32 to index
      %get3A_2938 = arith.constant 96 : index
      %get3A_2939 = tpu.vector_load %arg6[%get3A_2936, %get3A_2937, %get3A_2938] {strides = array<i32>} : memref<5x2x128xi32, #tpu.memory_space<vmem>>, vector<1x1x16xi32>,
      %get3A_2940 = vector.shape_cast %get3A_2939 : vector<1x1x16xi32> to vector<16xi32>
      %get3A_2941 = arith.constant 3 : i32
      %get3A_2942 = arith.constant 1 : i32
      %get3A_2943 = arith.index_cast %get3A_2941 : i32 to index
      %get3A_2944 = arith.index_cast %get3A_2942 : i32 to index
      %get3A_2945 = arith.constant 96 : index
      %get3A_2946 = tpu.vector_load %arg6[%get3A_2943, %get3A_2944, %get3A_2945] {strides = array<i32>} : memref<5x2x128xi32, #tpu.memory_space<vmem>>, vector<1x1x16xi32>,
      %get3A_2947 = vector.shape_cast %get3A_2946 : vector<1x1x16xi32> to vector<16xi32>
      %mul3A_2948 = arith.constant 7 : i32
      %mul3A_2949 = vector.broadcast %mul3A_2948 : i32 to vector<16xi32>
      %mul3A_2950 = arith.muli %get3A_2940, %mul3A_2949 : vector<16xi32>
      %add3A_2951 = arith.addi %mul3A_2950, %get3A_2947 : vector<16xi32>
      %swap3A_2952 = arith.constant 3 : i32
      %swap3A_2953 = arith.constant 0 : i32
      %swap3A_2954 = arith.index_cast %swap3A_2952 : i32 to index
      %swap3A_2955 = arith.index_cast %swap3A_2953 : i32 to index
      %swap3A_2956 = arith.constant 96 : index
      %swap3A_2957 = tpu.vector_load %arg7[%swap3A_2954, %swap3A_2955, %swap3A_2956] {strides = array<i32>} : memref<5x1x128xi32, #tpu.memory_space<vmem>>, vector<1x1x16xi32>,
      %swap3A_2958 = vector.shape_cast %swap3A_2957 : vector<1x1x16xi32> to vector<16xi32>
      %swap3A_2959 = vector.shape_cast %add3A_2951 : vector<16xi32> to vector<1x1x16xi32>
      tpu.vector_store %arg7[%swap3A_2954, %swap3A_2955, %swap3A_2956], %swap3A_2959 {strides = array<i32>} : memref<5x1x128xi32, #tpu.memory_space<vmem>>, vector<1x1x16xi32>,
      %get3A_2960 = arith.constant 3 : i32
      %get3A_2961 = arith.constant 0 : i32
      %get3A_2962 = arith.index_cast %get3A_2960 : i32 to index
      %get3A_2963 = arith.index_cast %get3A_2961 : i32 to index
      %get3A_2964 = arith.constant 112 : index
      %get3A_2965 = tpu.vector_load %arg6[%get3A_2962, %get3A_2963, %get3A_2964] {strides = array<i32>} : memref<5x2x128xi32, #tpu.memory_space<vmem>>, vector<1x1x16xi32>,
      %get3A_2966 = vector.shape_cast %get3A_2965 : vector<1x1x16xi32> to vector<16xi32>
      %get3A_2967 = arith.constant 3 : i32
      %get3A_2968 = arith.constant 1 : i32
      %get3A_2969 = arith.index_cast %get3A_2967 : i32 to index
      %get3A_2970 = arith.index_cast %get3A_2968 : i32 to index
      %get3A_2971 = arith.constant 112 : index
      %get3A_2972 = tpu.vector_load %arg6[%get3A_2969, %get3A_2970, %get3A_2971] {strides = array<i32>} : memref<5x2x128xi32, #tpu.memory_space<vmem>>, vector<1x1x16xi32>,
      %get3A_2973 = vector.shape_cast %get3A_2972 : vector<1x1x16xi32> to vector<16xi32>
      %mul3A_2974 = arith.constant 7 : i32
      %mul3A_2975 = vector.broadcast %mul3A_2974 : i32 to vector<16xi32>
      %mul3A_2976 = arith.muli %get3A_2966, %mul3A_2975 : vector<16xi32>
      %add3A_2977 = arith.addi %mul3A_2976, %get3A_2973 : vector<16xi32>
      %swap3A_2978 = arith.constant 3 : i32
      %swap3A_2979 = arith.constant 0 : i32
      %swap3A_2980 = arith.index_cast %swap3A_2978 : i32 to index
      %swap3A_2981 = arith.index_cast %swap3A_2979 : i32 to index
      %swap3A_2982 = arith.constant 112 : index
      %swap3A_2983 = tpu.vector_load %arg7[%swap3A_2980, %swap3A_2981, %swap3A_2982] {strides = array<i32>} : memref<5x1x128xi32, #tpu.memory_space<vmem>>, vector<1x1x16xi32>,
      %swap3A_2984 = vector.shape_cast %swap3A_2983 : vector<1x1x16xi32> to vector<16xi32>
      %swap3A_2985 = vector.shape_cast %add3A_2977 : vector<16xi32> to vector<1x1x16xi32>
      tpu.vector_store %arg7[%swap3A_2980, %swap3A_2981, %swap3A_2982], %swap3A_2985 {strides = array<i32>} : memref<5x1x128xi32, #tpu.memory_space<vmem>>, vector<1x1x16xi32>,
      %add3A_2986 = arith.constant 5 : i32
      %add3A_2987 = arith.addi %add3A_2754, %add3A_2986 : i32
      %min3A_2988 = arith.constant 199 : i32
      %min3A_2989 = arith.minsi %add3A_2987, %min3A_2988 : i32
      %mul3A_2990 = arith.constant 128 : i32
      %mul3A_2991 = arith.muli %min3A_2989, %mul3A_2990 : i32
      %add3A_2992 = arith.addi %mul3A_2, %mul3A_2991 : i32
      %dma_start3A_2993 = arith.constant 3 : i32
      %dma_start3A_2994 = arith.constant 0 : i32
      %dma_start3A_2995 = arith.constant 0 : i32
      %dma_start3A_2996 = tpu.memref_slice %arg6[%dma_start3A_2993, %dma_start3A_2994, %dma_start3A_2995] : memref<5x2x128xi32, #tpu.memory_space<vmem>> -> memref<1x1x128xi32, #tpu.memory_space<vmem>>
      %dma_start3A_2997 = tpu.memref_squeeze %dma_start3A_2996 : memref<1x1x128xi32, #tpu.memory_space<vmem>> -> memref<128xi32, #tpu.memory_space<vmem>>
      %dma_start3A_2998 = tpu.memref_slice %arg2[%add3A_2992] : memref<819200xi32, #tpu.memory_space<hbm>> -> memref<128xi32, #tpu.memory_space<hbm>>
      %dma_start3A_2999 = arith.constant 0 : i32
      %dma_start3A_3000 = tpu.memref_slice %arg6[%dma_start3A_2993, %dma_start3A_2994, %dma_start3A_2999] : memref<5x2x128xi32, #tpu.memory_space<vmem>> -> memref<1x1x128xi32, #tpu.memory_space<vmem>>
      %dma_start3A_3001 = tpu.memref_squeeze %dma_start3A_3000 : memref<1x1x128xi32, #tpu.memory_space<vmem>> -> memref<128xi32, #tpu.memory_space<vmem>>
      %dma_start3A_3002 = tpu.memref_slice %arg2[%add3A_2992] : memref<819200xi32, #tpu.memory_space<hbm>> -> memref<128xi32, #tpu.memory_space<hbm>>
      tpu.enqueue_dma source(%dma_start3A_3002 : memref<128xi32, #tpu.memory_space<hbm>>) target(%dma_start3A_3001 : memref<128xi32, #tpu.memory_space<vmem>>) target_semaphore(%arg13 : memref<!tpu.dma_semaphore, #tpu.memory_space<semaphore_mem>>)
      %dma_start3A_3003 = arith.constant 3 : i32
      %dma_start3A_3004 = arith.constant 1 : i32
      %dma_start3A_3005 = arith.constant 0 : i32
      %dma_start3A_3006 = tpu.memref_slice %arg6[%dma_start3A_3003, %dma_start3A_3004, %dma_start3A_3005] : memref<5x2x128xi32, #tpu.memory_space<vmem>> -> memref<1x1x128xi32, #tpu.memory_space<vmem>>
      %dma_start3A_3007 = tpu.memref_squeeze %dma_start3A_3006 : memref<1x1x128xi32, #tpu.memory_space<vmem>> -> memref<128xi32, #tpu.memory_space<vmem>>
      %dma_start3A_3008 = tpu.memref_slice %arg3[%add3A_2992] : memref<819200xi32, #tpu.memory_space<hbm>> -> memref<128xi32, #tpu.memory_space<hbm>>
      %dma_start3A_3009 = arith.constant 0 : i32
      %dma_start3A_3010 = tpu.memref_slice %arg6[%dma_start3A_3003, %dma_start3A_3004, %dma_start3A_3009] : memref<5x2x128xi32, #tpu.memory_space<vmem>> -> memref<1x1x128xi32, #tpu.memory_space<vmem>>
      %dma_start3A_3011 = tpu.memref_squeeze %dma_start3A_3010 : memref<1x1x128xi32, #tpu.memory_space<vmem>> -> memref<128xi32, #tpu.memory_space<vmem>>
      %dma_start3A_3012 = tpu.memref_slice %arg3[%add3A_2992] : memref<819200xi32, #tpu.memory_space<hbm>> -> memref<128xi32, #tpu.memory_space<hbm>>
      tpu.enqueue_dma source(%dma_start3A_3012 : memref<128xi32, #tpu.memory_space<hbm>>) target(%dma_start3A_3011 : memref<128xi32, #tpu.memory_space<vmem>>) target_semaphore(%arg13 : memref<!tpu.dma_semaphore, #tpu.memory_space<semaphore_mem>>)
      %mul3A_3013 = arith.constant 128 : i32
      %mul3A_3014 = arith.muli %add3A_2754, %mul3A_3013 : i32
      %add3A_3015 = arith.addi %mul3A_2, %mul3A_3014 : i32
      %dma_wait3A_3016 = arith.constant 3 : i32
      %dma_wait3A_3017 = arith.constant 0 : i32
      %dma_wait3A_3018 = arith.constant 0 : i32
      %dma_wait3A_3019 = tpu.memref_slice %arg8[%dma_wait3A_3016, %dma_wait3A_3017, %dma_wait3A_3018] : memref<5x128x128xf32, #tpu.memory_space<vmem>> -> memref<1x128x128xf32, #tpu.memory_space<vmem>>
      %dma_wait3A_3020 = tpu.memref_squeeze %dma_wait3A_3019 : memref<1x128x128xf32, #tpu.memory_space<vmem>> -> memref<128x128xf32, #tpu.memory_space<vmem>>
      %dma_wait3A_3021 = arith.constant 0 : i32
      %dma_wait3A_3022 = tpu.memref_slice %arg5[%add3A_3015, %dma_wait3A_3021] : memref<819200x128xf32, #tpu.memory_space<hbm>> -> memref<128x128xf32, #tpu.memory_space<hbm>>
      %dma_wait3A_3023 = arith.constant 0 : i32
      %dma_wait3A_3024 = tpu.memref_slice %arg5[%add3A_3015, %dma_wait3A_3023] : memref<819200x128xf32, #tpu.memory_space<hbm>> -> memref<128x128xf32, #tpu.memory_space<hbm>>
      %dma_wait3A_3025 = arith.constant 0 : i32
      %dma_wait3A_3026 = arith.constant 0 : i32
      %dma_wait3A_3027 = tpu.memref_slice %arg8[%dma_wait3A_3016, %dma_wait3A_3025, %dma_wait3A_3026] : memref<5x128x128xf32, #tpu.memory_space<vmem>> -> memref<1x128x128xf32, #tpu.memory_space<vmem>>
      %dma_wait3A_3028 = tpu.memref_squeeze %dma_wait3A_3027 : memref<1x128x128xf32, #tpu.memory_space<vmem>> -> memref<128x128xf32, #tpu.memory_space<vmem>>
      tpu.wait_dma2 semaphore(%arg23 : memref<!tpu.dma_semaphore, #tpu.memory_space<semaphore_mem>>) src(%dma_wait3A_3028 : memref<128x128xf32, #tpu.memory_space<vmem>>) dst(%dma_wait3A_3024 : memref<128x128xf32, #tpu.memory_space<hbm>>)
      %dma_start3A_3029 = arith.constant 3 : i32
      %dma_start3A_3030 = arith.constant 0 : i32
      %dma_start3A_3031 = arith.constant 3 : i32
      %dma_start3A_3032 = arith.constant 0 : i32
      %dma_start3A_3033 = arith.constant 0 : i32
      %dma_start3A_3034 = tpu.memref_slice %arg8[%dma_start3A_3031, %dma_start3A_3032, %dma_start3A_3033] : memref<5x128x128xf32, #tpu.memory_space<vmem>> -> memref<1x128x128xf32, #tpu.memory_space<vmem>>
      %dma_start3A_3035 = tpu.memref_squeeze %dma_start3A_3034 : memref<1x128x128xf32, #tpu.memory_space<vmem>> -> memref<128x128xf32, #tpu.memory_space<vmem>>
      %dma_start3A_3036 = arith.constant 0 : i32
      %dma_start3A_3037 = tpu.memref_slice %arg7[%dma_start3A_3029, %dma_start3A_3030, %dma_start3A_3036] : memref<5x1x128xi32, #tpu.memory_space<vmem>> -> memref<1x1x128xi32, #tpu.memory_space<vmem>>
      %dma_start3A_3038 = tpu.memref_squeeze %dma_start3A_3037 : memref<1x1x128xi32, #tpu.memory_space<vmem>> -> memref<128xi32, #tpu.memory_space<vmem>>
      %dma_start3A_3039 = arith.constant 0 : i32
      %dma_start3A_3040 = arith.constant 0 : i32
      %dma_start3A_3041 = tpu.memref_slice %arg9[%dma_start3A_3039, %dma_start3A_3040] : memref<168x128xf32, #tpu.memory_space<vmem_shared>> -> memref<168x128xf32, #tpu.memory_space<vmem_shared>>
      tpu.enqueue_indirect_dma source(%dma_start3A_3041 : memref<168x128xf32, #tpu.memory_space<vmem_shared>>) target(%dma_start3A_3035 : memref<128x128xf32, #tpu.memory_space<vmem>>) offsets(%dma_start3A_3038 : memref<128xi32, #tpu.memory_space<vmem>>) semaphore(%arg18 : memref<!tpu.dma_semaphore, #tpu.memory_space<semaphore_mem>>)
      %dma_wait3A_3042 = arith.constant 2 : i32
      %dma_wait3A_3043 = arith.constant 0 : i32
      %dma_wait3A_3044 = arith.constant 2 : i32
      %dma_wait3A_3045 = arith.constant 0 : i32
      %dma_wait3A_3046 = arith.constant 0 : i32
      %dma_wait3A_3047 = tpu.memref_slice %arg8[%dma_wait3A_3044, %dma_wait3A_3045, %dma_wait3A_3046] : memref<5x128x128xf32, #tpu.memory_space<vmem>> -> memref<1x128x128xf32, #tpu.memory_space<vmem>>
      %dma_wait3A_3048 = tpu.memref_squeeze %dma_wait3A_3047 : memref<1x128x128xf32, #tpu.memory_space<vmem>> -> memref<128x128xf32, #tpu.memory_space<vmem>>
      %dma_wait3A_3049 = arith.constant 0 : i32
      %dma_wait3A_3050 = tpu.memref_slice %arg7[%dma_wait3A_3042, %dma_wait3A_3043, %dma_wait3A_3049] : memref<5x1x128xi32, #tpu.memory_space<vmem>> -> memref<1x1x128xi32, #tpu.memory_space<vmem>>
      %dma_wait3A_3051 = tpu.memref_squeeze %dma_wait3A_3050 : memref<1x1x128xi32, #tpu.memory_space<vmem>> -> memref<128xi32, #tpu.memory_space<vmem>>
      %dma_wait3A_3052 = arith.constant 0 : i32
      %dma_wait3A_3053 = arith.constant 0 : i32
      %dma_wait3A_3054 = tpu.memref_slice %arg9[%dma_wait3A_3052, %dma_wait3A_3053] : memref<168x128xf32, #tpu.memory_space<vmem_shared>> -> memref<168x128xf32, #tpu.memory_space<vmem_shared>>
      tpu.wait_indirect_dma semaphore(%arg17 : memref<!tpu.dma_semaphore, #tpu.memory_space<semaphore_mem>>) src(%dma_wait3A_3054 : memref<168x128xf32, #tpu.memory_space<vmem_shared>>) dst(%dma_wait3A_3048 : memref<128x128xf32, #tpu.memory_space<vmem>>)
      %sub3A_3055 = arith.constant 1 : i32
      %sub3A_3056 = arith.subi %add3A_2754, %sub3A_3055 : i32
      %mul3A_3057 = arith.constant 128 : i32
      %mul3A_3058 = arith.muli %sub3A_3056, %mul3A_3057 : i32
      %add3A_3059 = arith.addi %mul3A_2, %mul3A_3058 : i32
      %dma_start3A_3060 = arith.constant 2 : i32
      %dma_start3A_3061 = arith.constant 0 : i32
      %dma_start3A_3062 = arith.constant 0 : i32
      %dma_start3A_3063 = tpu.memref_slice %arg8[%dma_start3A_3060, %dma_start3A_3061, %dma_start3A_3062] : memref<5x128x128xf32, #tpu.memory_space<vmem>> -> memref<1x128x128xf32, #tpu.memory_space<vmem>>
      %dma_start3A_3064 = tpu.memref_squeeze %dma_start3A_3063 : memref<1x128x128xf32, #tpu.memory_space<vmem>> -> memref<128x128xf32, #tpu.memory_space<vmem>>
      %dma_start3A_3065 = arith.constant 0 : i32
      %dma_start3A_3066 = tpu.memref_slice %arg5[%add3A_3059, %dma_start3A_3065] : memref<819200x128xf32, #tpu.memory_space<hbm>> -> memref<128x128xf32, #tpu.memory_space<hbm>>
      %dma_start3A_3067 = arith.constant 0 : i32
      %dma_start3A_3068 = tpu.memref_slice %arg5[%add3A_3059, %dma_start3A_3067] : memref<819200x128xf32, #tpu.memory_space<hbm>> -> memref<128x128xf32, #tpu.memory_space<hbm>>
      %dma_start3A_3069 = arith.constant 0 : i32
      %dma_start3A_3070 = arith.constant 0 : i32
      %dma_start3A_3071 = tpu.memref_slice %arg8[%dma_start3A_3060, %dma_start3A_3069, %dma_start3A_3070] : memref<5x128x128xf32, #tpu.memory_space<vmem>> -> memref<1x128x128xf32, #tpu.memory_space<vmem>>
      %dma_start3A_3072 = tpu.memref_squeeze %dma_start3A_3071 : memref<1x128x128xf32, #tpu.memory_space<vmem>> -> memref<128x128xf32, #tpu.memory_space<vmem>>
      tpu.enqueue_dma source(%dma_start3A_3072 : memref<128x128xf32, #tpu.memory_space<vmem>>) target(%dma_start3A_3068 : memref<128x128xf32, #tpu.memory_space<hbm>>) target_semaphore(%arg22 : memref<!tpu.dma_semaphore, #tpu.memory_space<semaphore_mem>>)
      %mul3A_3073 = arith.constant 5 : i32
      %mul3A_3074 = arith.muli %scan3A_1785, %mul3A_3073 : i32
      %add3A_3075 = arith.constant 4 : i32
      %add3A_3076 = arith.addi %mul3A_3074, %add3A_3075 : i32
      %mul3A_3077 = arith.constant 128 : i32
      %mul3A_3078 = arith.muli %add3A_3076, %mul3A_3077 : i32
      %add3A_3079 = arith.addi %mul3A_2, %mul3A_3078 : i32
      %dma_wait3A_3080 = arith.constant 4 : i32
      %dma_wait3A_3081 = arith.constant 0 : i32
      %dma_wait3A_3082 = arith.constant 0 : i32
      %dma_wait3A_3083 = tpu.memref_slice %arg6[%dma_wait3A_3080, %dma_wait3A_3081, %dma_wait3A_3082] : memref<5x2x128xi32, #tpu.memory_space<vmem>> -> memref<1x1x128xi32, #tpu.memory_space<vmem>>
      %dma_wait3A_3084 = tpu.memref_squeeze %dma_wait3A_3083 : memref<1x1x128xi32, #tpu.memory_space<vmem>> -> memref<128xi32, #tpu.memory_space<vmem>>
      %dma_wait3A_3085 = tpu.memref_slice %arg2[%add3A_3079] : memref<819200xi32, #tpu.memory_space<hbm>> -> memref<128xi32, #tpu.memory_space<hbm>>
      %dma_wait3A_3086 = arith.constant 0 : i32
      %dma_wait3A_3087 = tpu.memref_slice %arg6[%dma_wait3A_3080, %dma_wait3A_3081, %dma_wait3A_3086] : memref<5x2x128xi32, #tpu.memory_space<vmem>> -> memref<1x1x128xi32, #tpu.memory_space<vmem>>
      %dma_wait3A_3088 = tpu.memref_squeeze %dma_wait3A_3087 : memref<1x1x128xi32, #tpu.memory_space<vmem>> -> memref<128xi32, #tpu.memory_space<vmem>>
      %dma_wait3A_3089 = tpu.memref_slice %arg2[%add3A_3079] : memref<819200xi32, #tpu.memory_space<hbm>> -> memref<128xi32, #tpu.memory_space<hbm>>
      tpu.wait_dma2 semaphore(%arg14 : memref<!tpu.dma_semaphore, #tpu.memory_space<semaphore_mem>>) src(%dma_wait3A_3089 : memref<128xi32, #tpu.memory_space<hbm>>) dst(%dma_wait3A_3088 : memref<128xi32, #tpu.memory_space<vmem>>)
      %dma_wait3A_3090 = arith.constant 4 : i32
      %dma_wait3A_3091 = arith.constant 1 : i32
      %dma_wait3A_3092 = arith.constant 0 : i32
      %dma_wait3A_3093 = tpu.memref_slice %arg6[%dma_wait3A_3090, %dma_wait3A_3091, %dma_wait3A_3092] : memref<5x2x128xi32, #tpu.memory_space<vmem>> -> memref<1x1x128xi32, #tpu.memory_space<vmem>>
      %dma_wait3A_3094 = tpu.memref_squeeze %dma_wait3A_3093 : memref<1x1x128xi32, #tpu.memory_space<vmem>> -> memref<128xi32, #tpu.memory_space<vmem>>
      %dma_wait3A_3095 = tpu.memref_slice %arg3[%add3A_3079] : memref<819200xi32, #tpu.memory_space<hbm>> -> memref<128xi32, #tpu.memory_space<hbm>>
      %dma_wait3A_3096 = arith.constant 0 : i32
      %dma_wait3A_3097 = tpu.memref_slice %arg6[%dma_wait3A_3090, %dma_wait3A_3091, %dma_wait3A_3096] : memref<5x2x128xi32, #tpu.memory_space<vmem>> -> memref<1x1x128xi32, #tpu.memory_space<vmem>>
      %dma_wait3A_3098 = tpu.memref_squeeze %dma_wait3A_3097 : memref<1x1x128xi32, #tpu.memory_space<vmem>> -> memref<128xi32, #tpu.memory_space<vmem>>
      %dma_wait3A_3099 = tpu.memref_slice %arg3[%add3A_3079] : memref<819200xi32, #tpu.memory_space<hbm>> -> memref<128xi32, #tpu.memory_space<hbm>>
      tpu.wait_dma2 semaphore(%arg14 : memref<!tpu.dma_semaphore, #tpu.memory_space<semaphore_mem>>) src(%dma_wait3A_3099 : memref<128xi32, #tpu.memory_space<hbm>>) dst(%dma_wait3A_3098 : memref<128xi32, #tpu.memory_space<vmem>>)
      %get3A_3100 = arith.constant 4 : i32
      %get3A_3101 = arith.constant 0 : i32
      %get3A_3102 = arith.index_cast %get3A_3100 : i32 to index
      %get3A_3103 = arith.index_cast %get3A_3101 : i32 to index
      %get3A_3104 = arith.constant 0 : index
      %get3A_3105 = tpu.vector_load %arg6[%get3A_3102, %get3A_3103, %get3A_3104] {strides = array<i32>} : memref<5x2x128xi32, #tpu.memory_space<vmem>>, vector<1x1x16xi32>,
      %get3A_3106 = vector.shape_cast %get3A_3105 : vector<1x1x16xi32> to vector<16xi32>
      %get3A_3107 = arith.constant 4 : i32
      %get3A_3108 = arith.constant 1 : i32
      %get3A_3109 = arith.index_cast %get3A_3107 : i32 to index
      %get3A_3110 = arith.index_cast %get3A_3108 : i32 to index
      %get3A_3111 = arith.constant 0 : index
      %get3A_3112 = tpu.vector_load %arg6[%get3A_3109, %get3A_3110, %get3A_3111] {strides = array<i32>} : memref<5x2x128xi32, #tpu.memory_space<vmem>>, vector<1x1x16xi32>,
      %get3A_3113 = vector.shape_cast %get3A_3112 : vector<1x1x16xi32> to vector<16xi32>
      %mul3A_3114 = arith.constant 7 : i32
      %mul3A_3115 = vector.broadcast %mul3A_3114 : i32 to vector<16xi32>
      %mul3A_3116 = arith.muli %get3A_3106, %mul3A_3115 : vector<16xi32>
      %add3A_3117 = arith.addi %mul3A_3116, %get3A_3113 : vector<16xi32>
      %swap3A_3118 = arith.constant 4 : i32
      %swap3A_3119 = arith.constant 0 : i32
      %swap3A_3120 = arith.index_cast %swap3A_3118 : i32 to index
      %swap3A_3121 = arith.index_cast %swap3A_3119 : i32 to index
      %swap3A_3122 = arith.constant 0 : index
      %swap3A_3123 = tpu.vector_load %arg7[%swap3A_3120, %swap3A_3121, %swap3A_3122] {strides = array<i32>} : memref<5x1x128xi32, #tpu.memory_space<vmem>>, vector<1x1x16xi32>,
      %swap3A_3124 = vector.shape_cast %swap3A_3123 : vector<1x1x16xi32> to vector<16xi32>
      %swap3A_3125 = vector.shape_cast %add3A_3117 : vector<16xi32> to vector<1x1x16xi32>
      tpu.vector_store %arg7[%swap3A_3120, %swap3A_3121, %swap3A_3122], %swap3A_3125 {strides = array<i32>} : memref<5x1x128xi32, #tpu.memory_space<vmem>>, vector<1x1x16xi32>,
      %get3A_3126 = arith.constant 4 : i32
      %get3A_3127 = arith.constant 0 : i32
      %get3A_3128 = arith.index_cast %get3A_3126 : i32 to index
      %get3A_3129 = arith.index_cast %get3A_3127 : i32 to index
      %get3A_3130 = arith.constant 16 : index
      %get3A_3131 = tpu.vector_load %arg6[%get3A_3128, %get3A_3129, %get3A_3130] {strides = array<i32>} : memref<5x2x128xi32, #tpu.memory_space<vmem>>, vector<1x1x16xi32>,
      %get3A_3132 = vector.shape_cast %get3A_3131 : vector<1x1x16xi32> to vector<16xi32>
      %get3A_3133 = arith.constant 4 : i32
      %get3A_3134 = arith.constant 1 : i32
      %get3A_3135 = arith.index_cast %get3A_3133 : i32 to index
      %get3A_3136 = arith.index_cast %get3A_3134 : i32 to index
      %get3A_3137 = arith.constant 16 : index
      %get3A_3138 = tpu.vector_load %arg6[%get3A_3135, %get3A_3136, %get3A_3137] {strides = array<i32>} : memref<5x2x128xi32, #tpu.memory_space<vmem>>, vector<1x1x16xi32>,
      %get3A_3139 = vector.shape_cast %get3A_3138 : vector<1x1x16xi32> to vector<16xi32>
      %mul3A_3140 = arith.constant 7 : i32
      %mul3A_3141 = vector.broadcast %mul3A_3140 : i32 to vector<16xi32>
      %mul3A_3142 = arith.muli %get3A_3132, %mul3A_3141 : vector<16xi32>
      %add3A_3143 = arith.addi %mul3A_3142, %get3A_3139 : vector<16xi32>
      %swap3A_3144 = arith.constant 4 : i32
      %swap3A_3145 = arith.constant 0 : i32
      %swap3A_3146 = arith.index_cast %swap3A_3144 : i32 to index
      %swap3A_3147 = arith.index_cast %swap3A_3145 : i32 to index
      %swap3A_3148 = arith.constant 16 : index
      %swap3A_3149 = tpu.vector_load %arg7[%swap3A_3146, %swap3A_3147, %swap3A_3148] {strides = array<i32>} : memref<5x1x128xi32, #tpu.memory_space<vmem>>, vector<1x1x16xi32>,
      %swap3A_3150 = vector.shape_cast %swap3A_3149 : vector<1x1x16xi32> to vector<16xi32>
      %swap3A_3151 = vector.shape_cast %add3A_3143 : vector<16xi32> to vector<1x1x16xi32>
      tpu.vector_store %arg7[%swap3A_3146, %swap3A_3147, %swap3A_3148], %swap3A_3151 {strides = array<i32>} : memref<5x1x128xi32, #tpu.memory_space<vmem>>, vector<1x1x16xi32>,
      %get3A_3152 = arith.constant 4 : i32
      %get3A_3153 = arith.constant 0 : i32
      %get3A_3154 = arith.index_cast %get3A_3152 : i32 to index
      %get3A_3155 = arith.index_cast %get3A_3153 : i32 to index
      %get3A_3156 = arith.constant 32 : index
      %get3A_3157 = tpu.vector_load %arg6[%get3A_3154, %get3A_3155, %get3A_3156] {strides = array<i32>} : memref<5x2x128xi32, #tpu.memory_space<vmem>>, vector<1x1x16xi32>,
      %get3A_3158 = vector.shape_cast %get3A_3157 : vector<1x1x16xi32> to vector<16xi32>
      %get3A_3159 = arith.constant 4 : i32
      %get3A_3160 = arith.constant 1 : i32
      %get3A_3161 = arith.index_cast %get3A_3159 : i32 to index
      %get3A_3162 = arith.index_cast %get3A_3160 : i32 to index
      %get3A_3163 = arith.constant 32 : index
      %get3A_3164 = tpu.vector_load %arg6[%get3A_3161, %get3A_3162, %get3A_3163] {strides = array<i32>} : memref<5x2x128xi32, #tpu.memory_space<vmem>>, vector<1x1x16xi32>,
      %get3A_3165 = vector.shape_cast %get3A_3164 : vector<1x1x16xi32> to vector<16xi32>
      %mul3A_3166 = arith.constant 7 : i32
      %mul3A_3167 = vector.broadcast %mul3A_3166 : i32 to vector<16xi32>
      %mul3A_3168 = arith.muli %get3A_3158, %mul3A_3167 : vector<16xi32>
      %add3A_3169 = arith.addi %mul3A_3168, %get3A_3165 : vector<16xi32>
      %swap3A_3170 = arith.constant 4 : i32
      %swap3A_3171 = arith.constant 0 : i32
      %swap3A_3172 = arith.index_cast %swap3A_3170 : i32 to index
      %swap3A_3173 = arith.index_cast %swap3A_3171 : i32 to index
      %swap3A_3174 = arith.constant 32 : index
      %swap3A_3175 = tpu.vector_load %arg7[%swap3A_3172, %swap3A_3173, %swap3A_3174] {strides = array<i32>} : memref<5x1x128xi32, #tpu.memory_space<vmem>>, vector<1x1x16xi32>,
      %swap3A_3176 = vector.shape_cast %swap3A_3175 : vector<1x1x16xi32> to vector<16xi32>
      %swap3A_3177 = vector.shape_cast %add3A_3169 : vector<16xi32> to vector<1x1x16xi32>
      tpu.vector_store %arg7[%swap3A_3172, %swap3A_3173, %swap3A_3174], %swap3A_3177 {strides = array<i32>} : memref<5x1x128xi32, #tpu.memory_space<vmem>>, vector<1x1x16xi32>,
      %get3A_3178 = arith.constant 4 : i32
      %get3A_3179 = arith.constant 0 : i32
      %get3A_3180 = arith.index_cast %get3A_3178 : i32 to index
      %get3A_3181 = arith.index_cast %get3A_3179 : i32 to index
      %get3A_3182 = arith.constant 48 : index
      %get3A_3183 = tpu.vector_load %arg6[%get3A_3180, %get3A_3181, %get3A_3182] {strides = array<i32>} : memref<5x2x128xi32, #tpu.memory_space<vmem>>, vector<1x1x16xi32>,
      %get3A_3184 = vector.shape_cast %get3A_3183 : vector<1x1x16xi32> to vector<16xi32>
      %get3A_3185 = arith.constant 4 : i32
      %get3A_3186 = arith.constant 1 : i32
      %get3A_3187 = arith.index_cast %get3A_3185 : i32 to index
      %get3A_3188 = arith.index_cast %get3A_3186 : i32 to index
      %get3A_3189 = arith.constant 48 : index
      %get3A_3190 = tpu.vector_load %arg6[%get3A_3187, %get3A_3188, %get3A_3189] {strides = array<i32>} : memref<5x2x128xi32, #tpu.memory_space<vmem>>, vector<1x1x16xi32>,
      %get3A_3191 = vector.shape_cast %get3A_3190 : vector<1x1x16xi32> to vector<16xi32>
      %mul3A_3192 = arith.constant 7 : i32
      %mul3A_3193 = vector.broadcast %mul3A_3192 : i32 to vector<16xi32>
      %mul3A_3194 = arith.muli %get3A_3184, %mul3A_3193 : vector<16xi32>
      %add3A_3195 = arith.addi %mul3A_3194, %get3A_3191 : vector<16xi32>
      %swap3A_3196 = arith.constant 4 : i32
      %swap3A_3197 = arith.constant 0 : i32
      %swap3A_3198 = arith.index_cast %swap3A_3196 : i32 to index
      %swap3A_3199 = arith.index_cast %swap3A_3197 : i32 to index
      %swap3A_3200 = arith.constant 48 : index
      %swap3A_3201 = tpu.vector_load %arg7[%swap3A_3198, %swap3A_3199, %swap3A_3200] {strides = array<i32>} : memref<5x1x128xi32, #tpu.memory_space<vmem>>, vector<1x1x16xi32>,
      %swap3A_3202 = vector.shape_cast %swap3A_3201 : vector<1x1x16xi32> to vector<16xi32>
      %swap3A_3203 = vector.shape_cast %add3A_3195 : vector<16xi32> to vector<1x1x16xi32>
      tpu.vector_store %arg7[%swap3A_3198, %swap3A_3199, %swap3A_3200], %swap3A_3203 {strides = array<i32>} : memref<5x1x128xi32, #tpu.memory_space<vmem>>, vector<1x1x16xi32>,
      %get3A_3204 = arith.constant 4 : i32
      %get3A_3205 = arith.constant 0 : i32
      %get3A_3206 = arith.index_cast %get3A_3204 : i32 to index
      %get3A_3207 = arith.index_cast %get3A_3205 : i32 to index
      %get3A_3208 = arith.constant 64 : index
      %get3A_3209 = tpu.vector_load %arg6[%get3A_3206, %get3A_3207, %get3A_3208] {strides = array<i32>} : memref<5x2x128xi32, #tpu.memory_space<vmem>>, vector<1x1x16xi32>,
      %get3A_3210 = vector.shape_cast %get3A_3209 : vector<1x1x16xi32> to vector<16xi32>
      %get3A_3211 = arith.constant 4 : i32
      %get3A_3212 = arith.constant 1 : i32
      %get3A_3213 = arith.index_cast %get3A_3211 : i32 to index
      %get3A_3214 = arith.index_cast %get3A_3212 : i32 to index
      %get3A_3215 = arith.constant 64 : index
      %get3A_3216 = tpu.vector_load %arg6[%get3A_3213, %get3A_3214, %get3A_3215] {strides = array<i32>} : memref<5x2x128xi32, #tpu.memory_space<vmem>>, vector<1x1x16xi32>,
      %get3A_3217 = vector.shape_cast %get3A_3216 : vector<1x1x16xi32> to vector<16xi32>
      %mul3A_3218 = arith.constant 7 : i32
      %mul3A_3219 = vector.broadcast %mul3A_3218 : i32 to vector<16xi32>
      %mul3A_3220 = arith.muli %get3A_3210, %mul3A_3219 : vector<16xi32>
      %add3A_3221 = arith.addi %mul3A_3220, %get3A_3217 : vector<16xi32>
      %swap3A_3222 = arith.constant 4 : i32
      %swap3A_3223 = arith.constant 0 : i32
      %swap3A_3224 = arith.index_cast %swap3A_3222 : i32 to index
      %swap3A_3225 = arith.index_cast %swap3A_3223 : i32 to index
      %swap3A_3226 = arith.constant 64 : index
      %swap3A_3227 = tpu.vector_load %arg7[%swap3A_3224, %swap3A_3225, %swap3A_3226] {strides = array<i32>} : memref<5x1x128xi32, #tpu.memory_space<vmem>>, vector<1x1x16xi32>,
      %swap3A_3228 = vector.shape_cast %swap3A_3227 : vector<1x1x16xi32> to vector<16xi32>
      %swap3A_3229 = vector.shape_cast %add3A_3221 : vector<16xi32> to vector<1x1x16xi32>
      tpu.vector_store %arg7[%swap3A_3224, %swap3A_3225, %swap3A_3226], %swap3A_3229 {strides = array<i32>} : memref<5x1x128xi32, #tpu.memory_space<vmem>>, vector<1x1x16xi32>,
      %get3A_3230 = arith.constant 4 : i32
      %get3A_3231 = arith.constant 0 : i32
      %get3A_3232 = arith.index_cast %get3A_3230 : i32 to index
      %get3A_3233 = arith.index_cast %get3A_3231 : i32 to index
      %get3A_3234 = arith.constant 80 : index
      %get3A_3235 = tpu.vector_load %arg6[%get3A_3232, %get3A_3233, %get3A_3234] {strides = array<i32>} : memref<5x2x128xi32, #tpu.memory_space<vmem>>, vector<1x1x16xi32>,
      %get3A_3236 = vector.shape_cast %get3A_3235 : vector<1x1x16xi32> to vector<16xi32>
      %get3A_3237 = arith.constant 4 : i32
      %get3A_3238 = arith.constant 1 : i32
      %get3A_3239 = arith.index_cast %get3A_3237 : i32 to index
      %get3A_3240 = arith.index_cast %get3A_3238 : i32 to index
      %get3A_3241 = arith.constant 80 : index
      %get3A_3242 = tpu.vector_load %arg6[%get3A_3239, %get3A_3240, %get3A_3241] {strides = array<i32>} : memref<5x2x128xi32, #tpu.memory_space<vmem>>, vector<1x1x16xi32>,
      %get3A_3243 = vector.shape_cast %get3A_3242 : vector<1x1x16xi32> to vector<16xi32>
      %mul3A_3244 = arith.constant 7 : i32
      %mul3A_3245 = vector.broadcast %mul3A_3244 : i32 to vector<16xi32>
      %mul3A_3246 = arith.muli %get3A_3236, %mul3A_3245 : vector<16xi32>
      %add3A_3247 = arith.addi %mul3A_3246, %get3A_3243 : vector<16xi32>
      %swap3A_3248 = arith.constant 4 : i32
      %swap3A_3249 = arith.constant 0 : i32
      %swap3A_3250 = arith.index_cast %swap3A_3248 : i32 to index
      %swap3A_3251 = arith.index_cast %swap3A_3249 : i32 to index
      %swap3A_3252 = arith.constant 80 : index
      %swap3A_3253 = tpu.vector_load %arg7[%swap3A_3250, %swap3A_3251, %swap3A_3252] {strides = array<i32>} : memref<5x1x128xi32, #tpu.memory_space<vmem>>, vector<1x1x16xi32>,
      %swap3A_3254 = vector.shape_cast %swap3A_3253 : vector<1x1x16xi32> to vector<16xi32>
      %swap3A_3255 = vector.shape_cast %add3A_3247 : vector<16xi32> to vector<1x1x16xi32>
      tpu.vector_store %arg7[%swap3A_3250, %swap3A_3251, %swap3A_3252], %swap3A_3255 {strides = array<i32>} : memref<5x1x128xi32, #tpu.memory_space<vmem>>, vector<1x1x16xi32>,
      %get3A_3256 = arith.constant 4 : i32
      %get3A_3257 = arith.constant 0 : i32
      %get3A_3258 = arith.index_cast %get3A_3256 : i32 to index
      %get3A_3259 = arith.index_cast %get3A_3257 : i32 to index
      %get3A_3260 = arith.constant 96 : index
      %get3A_3261 = tpu.vector_load %arg6[%get3A_3258, %get3A_3259, %get3A_3260] {strides = array<i32>} : memref<5x2x128xi32, #tpu.memory_space<vmem>>, vector<1x1x16xi32>,
      %get3A_3262 = vector.shape_cast %get3A_3261 : vector<1x1x16xi32> to vector<16xi32>
      %get3A_3263 = arith.constant 4 : i32
      %get3A_3264 = arith.constant 1 : i32
      %get3A_3265 = arith.index_cast %get3A_3263 : i32 to index
      %get3A_3266 = arith.index_cast %get3A_3264 : i32 to index
      %get3A_3267 = arith.constant 96 : index
      %get3A_3268 = tpu.vector_load %arg6[%get3A_3265, %get3A_3266, %get3A_3267] {strides = array<i32>} : memref<5x2x128xi32, #tpu.memory_space<vmem>>, vector<1x1x16xi32>,
      %get3A_3269 = vector.shape_cast %get3A_3268 : vector<1x1x16xi32> to vector<16xi32>
      %mul3A_3270 = arith.constant 7 : i32
      %mul3A_3271 = vector.broadcast %mul3A_3270 : i32 to vector<16xi32>
      %mul3A_3272 = arith.muli %get3A_3262, %mul3A_3271 : vector<16xi32>
      %add3A_3273 = arith.addi %mul3A_3272, %get3A_3269 : vector<16xi32>
      %swap3A_3274 = arith.constant 4 : i32
      %swap3A_3275 = arith.constant 0 : i32
      %swap3A_3276 = arith.index_cast %swap3A_3274 : i32 to index
      %swap3A_3277 = arith.index_cast %swap3A_3275 : i32 to index
      %swap3A_3278 = arith.constant 96 : index
      %swap3A_3279 = tpu.vector_load %arg7[%swap3A_3276, %swap3A_3277, %swap3A_3278] {strides = array<i32>} : memref<5x1x128xi32, #tpu.memory_space<vmem>>, vector<1x1x16xi32>,
      %swap3A_3280 = vector.shape_cast %swap3A_3279 : vector<1x1x16xi32> to vector<16xi32>
      %swap3A_3281 = vector.shape_cast %add3A_3273 : vector<16xi32> to vector<1x1x16xi32>
      tpu.vector_store %arg7[%swap3A_3276, %swap3A_3277, %swap3A_3278], %swap3A_3281 {strides = array<i32>} : memref<5x1x128xi32, #tpu.memory_space<vmem>>, vector<1x1x16xi32>,
      %get3A_3282 = arith.constant 4 : i32
      %get3A_3283 = arith.constant 0 : i32
      %get3A_3284 = arith.index_cast %get3A_3282 : i32 to index
      %get3A_3285 = arith.index_cast %get3A_3283 : i32 to index
      %get3A_3286 = arith.constant 112 : index
      %get3A_3287 = tpu.vector_load %arg6[%get3A_3284, %get3A_3285, %get3A_3286] {strides = array<i32>} : memref<5x2x128xi32, #tpu.memory_space<vmem>>, vector<1x1x16xi32>,
      %get3A_3288 = vector.shape_cast %get3A_3287 : vector<1x1x16xi32> to vector<16xi32>
      %get3A_3289 = arith.constant 4 : i32
      %get3A_3290 = arith.constant 1 : i32
      %get3A_3291 = arith.index_cast %get3A_3289 : i32 to index
      %get3A_3292 = arith.index_cast %get3A_3290 : i32 to index
      %get3A_3293 = arith.constant 112 : index
      %get3A_3294 = tpu.vector_load %arg6[%get3A_3291, %get3A_3292, %get3A_3293] {strides = array<i32>} : memref<5x2x128xi32, #tpu.memory_space<vmem>>, vector<1x1x16xi32>,
      %get3A_3295 = vector.shape_cast %get3A_3294 : vector<1x1x16xi32> to vector<16xi32>
      %mul3A_3296 = arith.constant 7 : i32
      %mul3A_3297 = vector.broadcast %mul3A_3296 : i32 to vector<16xi32>
      %mul3A_3298 = arith.muli %get3A_3288, %mul3A_3297 : vector<16xi32>
      %add3A_3299 = arith.addi %mul3A_3298, %get3A_3295 : vector<16xi32>
      %swap3A_3300 = arith.constant 4 : i32
      %swap3A_3301 = arith.constant 0 : i32
      %swap3A_3302 = arith.index_cast %swap3A_3300 : i32 to index
      %swap3A_3303 = arith.index_cast %swap3A_3301 : i32 to index
      %swap3A_3304 = arith.constant 112 : index
      %swap3A_3305 = tpu.vector_load %arg7[%swap3A_3302, %swap3A_3303, %swap3A_3304] {strides = array<i32>} : memref<5x1x128xi32, #tpu.memory_space<vmem>>, vector<1x1x16xi32>,
      %swap3A_3306 = vector.shape_cast %swap3A_3305 : vector<1x1x16xi32> to vector<16xi32>
      %swap3A_3307 = vector.shape_cast %add3A_3299 : vector<16xi32> to vector<1x1x16xi32>
      tpu.vector_store %arg7[%swap3A_3302, %swap3A_3303, %swap3A_3304], %swap3A_3307 {strides = array<i32>} : memref<5x1x128xi32, #tpu.memory_space<vmem>>, vector<1x1x16xi32>,
      %add3A_3308 = arith.constant 5 : i32
      %add3A_3309 = arith.addi %add3A_3076, %add3A_3308 : i32
      %min3A_3310 = arith.constant 199 : i32
      %min3A_3311 = arith.minsi %add3A_3309, %min3A_3310 : i32
      %mul3A_3312 = arith.constant 128 : i32
      %mul3A_3313 = arith.muli %min3A_3311, %mul3A_3312 : i32
      %add3A_3314 = arith.addi %mul3A_2, %mul3A_3313 : i32
      %dma_start3A_3315 = arith.constant 4 : i32
      %dma_start3A_3316 = arith.constant 0 : i32
      %dma_start3A_3317 = arith.constant 0 : i32
      %dma_start3A_3318 = tpu.memref_slice %arg6[%dma_start3A_3315, %dma_start3A_3316, %dma_start3A_3317] : memref<5x2x128xi32, #tpu.memory_space<vmem>> -> memref<1x1x128xi32, #tpu.memory_space<vmem>>
      %dma_start3A_3319 = tpu.memref_squeeze %dma_start3A_3318 : memref<1x1x128xi32, #tpu.memory_space<vmem>> -> memref<128xi32, #tpu.memory_space<vmem>>
      %dma_start3A_3320 = tpu.memref_slice %arg2[%add3A_3314] : memref<819200xi32, #tpu.memory_space<hbm>> -> memref<128xi32, #tpu.memory_space<hbm>>
      %dma_start3A_3321 = arith.constant 0 : i32
      %dma_start3A_3322 = tpu.memref_slice %arg6[%dma_start3A_3315, %dma_start3A_3316, %dma_start3A_3321] : memref<5x2x128xi32, #tpu.memory_space<vmem>> -> memref<1x1x128xi32, #tpu.memory_space<vmem>>
      %dma_start3A_3323 = tpu.memref_squeeze %dma_start3A_3322 : memref<1x1x128xi32, #tpu.memory_space<vmem>> -> memref<128xi32, #tpu.memory_space<vmem>>
      %dma_start3A_3324 = tpu.memref_slice %arg2[%add3A_3314] : memref<819200xi32, #tpu.memory_space<hbm>> -> memref<128xi32, #tpu.memory_space<hbm>>
      tpu.enqueue_dma source(%dma_start3A_3324 : memref<128xi32, #tpu.memory_space<hbm>>) target(%dma_start3A_3323 : memref<128xi32, #tpu.memory_space<vmem>>) target_semaphore(%arg14 : memref<!tpu.dma_semaphore, #tpu.memory_space<semaphore_mem>>)
      %dma_start3A_3325 = arith.constant 4 : i32
      %dma_start3A_3326 = arith.constant 1 : i32
      %dma_start3A_3327 = arith.constant 0 : i32
      %dma_start3A_3328 = tpu.memref_slice %arg6[%dma_start3A_3325, %dma_start3A_3326, %dma_start3A_3327] : memref<5x2x128xi32, #tpu.memory_space<vmem>> -> memref<1x1x128xi32, #tpu.memory_space<vmem>>
      %dma_start3A_3329 = tpu.memref_squeeze %dma_start3A_3328 : memref<1x1x128xi32, #tpu.memory_space<vmem>> -> memref<128xi32, #tpu.memory_space<vmem>>
      %dma_start3A_3330 = tpu.memref_slice %arg3[%add3A_3314] : memref<819200xi32, #tpu.memory_space<hbm>> -> memref<128xi32, #tpu.memory_space<hbm>>
      %dma_start3A_3331 = arith.constant 0 : i32
      %dma_start3A_3332 = tpu.memref_slice %arg6[%dma_start3A_3325, %dma_start3A_3326, %dma_start3A_3331] : memref<5x2x128xi32, #tpu.memory_space<vmem>> -> memref<1x1x128xi32, #tpu.memory_space<vmem>>
      %dma_start3A_3333 = tpu.memref_squeeze %dma_start3A_3332 : memref<1x1x128xi32, #tpu.memory_space<vmem>> -> memref<128xi32, #tpu.memory_space<vmem>>
      %dma_start3A_3334 = tpu.memref_slice %arg3[%add3A_3314] : memref<819200xi32, #tpu.memory_space<hbm>> -> memref<128xi32, #tpu.memory_space<hbm>>
      tpu.enqueue_dma source(%dma_start3A_3334 : memref<128xi32, #tpu.memory_space<hbm>>) target(%dma_start3A_3333 : memref<128xi32, #tpu.memory_space<vmem>>) target_semaphore(%arg14 : memref<!tpu.dma_semaphore, #tpu.memory_space<semaphore_mem>>)
      %mul3A_3335 = arith.constant 128 : i32
      %mul3A_3336 = arith.muli %add3A_3076, %mul3A_3335 : i32
      %add3A_3337 = arith.addi %mul3A_2, %mul3A_3336 : i32
      %dma_wait3A_3338 = arith.constant 4 : i32
      %dma_wait3A_3339 = arith.constant 0 : i32
      %dma_wait3A_3340 = arith.constant 0 : i32
      %dma_wait3A_3341 = tpu.memref_slice %arg8[%dma_wait3A_3338, %dma_wait3A_3339, %dma_wait3A_3340] : memref<5x128x128xf32, #tpu.memory_space<vmem>> -> memref<1x128x128xf32, #tpu.memory_space<vmem>>
      %dma_wait3A_3342 = tpu.memref_squeeze %dma_wait3A_3341 : memref<1x128x128xf32, #tpu.memory_space<vmem>> -> memref<128x128xf32, #tpu.memory_space<vmem>>
      %dma_wait3A_3343 = arith.constant 0 : i32
      %dma_wait3A_3344 = tpu.memref_slice %arg5[%add3A_3337, %dma_wait3A_3343] : memref<819200x128xf32, #tpu.memory_space<hbm>> -> memref<128x128xf32, #tpu.memory_space<hbm>>
      %dma_wait3A_3345 = arith.constant 0 : i32
      %dma_wait3A_3346 = tpu.memref_slice %arg5[%add3A_3337, %dma_wait3A_3345] : memref<819200x128xf32, #tpu.memory_space<hbm>> -> memref<128x128xf32, #tpu.memory_space<hbm>>
      %dma_wait3A_3347 = arith.constant 0 : i32
      %dma_wait3A_3348 = arith.constant 0 : i32
      %dma_wait3A_3349 = tpu.memref_slice %arg8[%dma_wait3A_3338, %dma_wait3A_3347, %dma_wait3A_3348] : memref<5x128x128xf32, #tpu.memory_space<vmem>> -> memref<1x128x128xf32, #tpu.memory_space<vmem>>
      %dma_wait3A_3350 = tpu.memref_squeeze %dma_wait3A_3349 : memref<1x128x128xf32, #tpu.memory_space<vmem>> -> memref<128x128xf32, #tpu.memory_space<vmem>>
      tpu.wait_dma2 semaphore(%arg24 : memref<!tpu.dma_semaphore, #tpu.memory_space<semaphore_mem>>) src(%dma_wait3A_3350 : memref<128x128xf32, #tpu.memory_space<vmem>>) dst(%dma_wait3A_3346 : memref<128x128xf32, #tpu.memory_space<hbm>>)
      %dma_start3A_3351 = arith.constant 4 : i32
      %dma_start3A_3352 = arith.constant 0 : i32
      %dma_start3A_3353 = arith.constant 4 : i32
      %dma_start3A_3354 = arith.constant 0 : i32
      %dma_start3A_3355 = arith.constant 0 : i32
      %dma_start3A_3356 = tpu.memref_slice %arg8[%dma_start3A_3353, %dma_start3A_3354, %dma_start3A_3355] : memref<5x128x128xf32, #tpu.memory_space<vmem>> -> memref<1x128x128xf32, #tpu.memory_space<vmem>>
      %dma_start3A_3357 = tpu.memref_squeeze %dma_start3A_3356 : memref<1x128x128xf32, #tpu.memory_space<vmem>> -> memref<128x128xf32, #tpu.memory_space<vmem>>
      %dma_start3A_3358 = arith.constant 0 : i32
      %dma_start3A_3359 = tpu.memref_slice %arg7[%dma_start3A_3351, %dma_start3A_3352, %dma_start3A_3358] : memref<5x1x128xi32, #tpu.memory_space<vmem>> -> memref<1x1x128xi32, #tpu.memory_space<vmem>>
      %dma_start3A_3360 = tpu.memref_squeeze %dma_start3A_3359 : memref<1x1x128xi32, #tpu.memory_space<vmem>> -> memref<128xi32, #tpu.memory_space<vmem>>
      %dma_start3A_3361 = arith.constant 0 : i32
      %dma_start3A_3362 = arith.constant 0 : i32
      %dma_start3A_3363 = tpu.memref_slice %arg9[%dma_start3A_3361, %dma_start3A_3362] : memref<168x128xf32, #tpu.memory_space<vmem_shared>> -> memref<168x128xf32, #tpu.memory_space<vmem_shared>>
      tpu.enqueue_indirect_dma source(%dma_start3A_3363 : memref<168x128xf32, #tpu.memory_space<vmem_shared>>) target(%dma_start3A_3357 : memref<128x128xf32, #tpu.memory_space<vmem>>) offsets(%dma_start3A_3360 : memref<128xi32, #tpu.memory_space<vmem>>) semaphore(%arg19 : memref<!tpu.dma_semaphore, #tpu.memory_space<semaphore_mem>>)
      %dma_wait3A_3364 = arith.constant 3 : i32
      %dma_wait3A_3365 = arith.constant 0 : i32
      %dma_wait3A_3366 = arith.constant 3 : i32
      %dma_wait3A_3367 = arith.constant 0 : i32
      %dma_wait3A_3368 = arith.constant 0 : i32
      %dma_wait3A_3369 = tpu.memref_slice %arg8[%dma_wait3A_3366, %dma_wait3A_3367, %dma_wait3A_3368] : memref<5x128x128xf32, #tpu.memory_space<vmem>> -> memref<1x128x128xf32, #tpu.memory_space<vmem>>
      %dma_wait3A_3370 = tpu.memref_squeeze %dma_wait3A_3369 : memref<1x128x128xf32, #tpu.memory_space<vmem>> -> memref<128x128xf32, #tpu.memory_space<vmem>>
      %dma_wait3A_3371 = arith.constant 0 : i32
      %dma_wait3A_3372 = tpu.memref_slice %arg7[%dma_wait3A_3364, %dma_wait3A_3365, %dma_wait3A_3371] : memref<5x1x128xi32, #tpu.memory_space<vmem>> -> memref<1x1x128xi32, #tpu.memory_space<vmem>>
      %dma_wait3A_3373 = tpu.memref_squeeze %dma_wait3A_3372 : memref<1x1x128xi32, #tpu.memory_space<vmem>> -> memref<128xi32, #tpu.memory_space<vmem>>
      %dma_wait3A_3374 = arith.constant 0 : i32
      %dma_wait3A_3375 = arith.constant 0 : i32
      %dma_wait3A_3376 = tpu.memref_slice %arg9[%dma_wait3A_3374, %dma_wait3A_3375] : memref<168x128xf32, #tpu.memory_space<vmem_shared>> -> memref<168x128xf32, #tpu.memory_space<vmem_shared>>
      tpu.wait_indirect_dma semaphore(%arg18 : memref<!tpu.dma_semaphore, #tpu.memory_space<semaphore_mem>>) src(%dma_wait3A_3376 : memref<168x128xf32, #tpu.memory_space<vmem_shared>>) dst(%dma_wait3A_3370 : memref<128x128xf32, #tpu.memory_space<vmem>>)
      %sub3A_3377 = arith.constant 1 : i32
      %sub3A_3378 = arith.subi %add3A_3076, %sub3A_3377 : i32
      %mul3A_3379 = arith.constant 128 : i32
      %mul3A_3380 = arith.muli %sub3A_3378, %mul3A_3379 : i32
      %add3A_3381 = arith.addi %mul3A_2, %mul3A_3380 : i32
      %dma_start3A_3382 = arith.constant 3 : i32
      %dma_start3A_3383 = arith.constant 0 : i32
      %dma_start3A_3384 = arith.constant 0 : i32
      %dma_start3A_3385 = tpu.memref_slice %arg8[%dma_start3A_3382, %dma_start3A_3383, %dma_start3A_3384] : memref<5x128x128xf32, #tpu.memory_space<vmem>> -> memref<1x128x128xf32, #tpu.memory_space<vmem>>
      %dma_start3A_3386 = tpu.memref_squeeze %dma_start3A_3385 : memref<1x128x128xf32, #tpu.memory_space<vmem>> -> memref<128x128xf32, #tpu.memory_space<vmem>>
      %dma_start3A_3387 = arith.constant 0 : i32
      %dma_start3A_3388 = tpu.memref_slice %arg5[%add3A_3381, %dma_start3A_3387] : memref<819200x128xf32, #tpu.memory_space<hbm>> -> memref<128x128xf32, #tpu.memory_space<hbm>>
      %dma_start3A_3389 = arith.constant 0 : i32
      %dma_start3A_3390 = tpu.memref_slice %arg5[%add3A_3381, %dma_start3A_3389] : memref<819200x128xf32, #tpu.memory_space<hbm>> -> memref<128x128xf32, #tpu.memory_space<hbm>>
      %dma_start3A_3391 = arith.constant 0 : i32
      %dma_start3A_3392 = arith.constant 0 : i32
      %dma_start3A_3393 = tpu.memref_slice %arg8[%dma_start3A_3382, %dma_start3A_3391, %dma_start3A_3392] : memref<5x128x128xf32, #tpu.memory_space<vmem>> -> memref<1x128x128xf32, #tpu.memory_space<vmem>>
      %dma_start3A_3394 = tpu.memref_squeeze %dma_start3A_3393 : memref<1x128x128xf32, #tpu.memory_space<vmem>> -> memref<128x128xf32, #tpu.memory_space<vmem>>
      tpu.enqueue_dma source(%dma_start3A_3394 : memref<128x128xf32, #tpu.memory_space<vmem>>) target(%dma_start3A_3390 : memref<128x128xf32, #tpu.memory_space<hbm>>) target_semaphore(%arg23 : memref<!tpu.dma_semaphore, #tpu.memory_space<semaphore_mem>>)
    }
    %scan3A_1571 = arith.constant 39 : i32
    %dma_wait3A_1572 = arith.constant 4 : i32
    %dma_wait3A_1573 = arith.constant 0 : i32
    %dma_wait3A_1574 = arith.constant 4 : i32
    %dma_wait3A_1575 = arith.constant 0 : i32
    %dma_wait3A_1576 = arith.constant 0 : i32
    %dma_wait3A_1577 = tpu.memref_slice %arg8[%dma_wait3A_1574, %dma_wait3A_1575, %dma_wait3A_1576] : memref<5x128x128xf32, #tpu.memory_space<vmem>> -> memref<1x128x128xf32, #tpu.memory_space<vmem>>
    %dma_wait3A_1578 = tpu.memref_squeeze %dma_wait3A_1577 : memref<1x128x128xf32, #tpu.memory_space<vmem>> -> memref<128x128xf32, #tpu.memory_space<vmem>>
    %dma_wait3A_1579 = arith.constant 0 : i32
    %dma_wait3A_1580 = tpu.memref_slice %arg7[%dma_wait3A_1572, %dma_wait3A_1573, %dma_wait3A_1579] : memref<5x1x128xi32, #tpu.memory_space<vmem>> -> memref<1x1x128xi32, #tpu.memory_space<vmem>>
    %dma_wait3A_1581 = tpu.memref_squeeze %dma_wait3A_1580 : memref<1x1x128xi32, #tpu.memory_space<vmem>> -> memref<128xi32, #tpu.memory_space<vmem>>
    %dma_wait3A_1582 = arith.constant 0 : i32
    %dma_wait3A_1583 = arith.constant 0 : i32
    %dma_wait3A_1584 = tpu.memref_slice %arg9[%dma_wait3A_1582, %dma_wait3A_1583] : memref<168x128xf32, #tpu.memory_space<vmem_shared>> -> memref<168x128xf32, #tpu.memory_space<vmem_shared>>
    tpu.wait_indirect_dma semaphore(%arg19 : memref<!tpu.dma_semaphore, #tpu.memory_space<semaphore_mem>>) src(%dma_wait3A_1584 : memref<168x128xf32, #tpu.memory_space<vmem_shared>>) dst(%dma_wait3A_1578 : memref<128x128xf32, #tpu.memory_space<vmem>>)
    %add3A_1585 = arith.constant 25472 : i32
    %add3A_1586 = arith.addi %mul3A_2, %add3A_1585 : i32
    %dma_start3A_1587 = arith.constant 4 : i32
    %dma_start3A_1588 = arith.constant 0 : i32
    %dma_start3A_1589 = arith.constant 0 : i32
    %dma_start3A_1590 = tpu.memref_slice %arg8[%dma_start3A_1587, %dma_start3A_1588, %dma_start3A_1589] : memref<5x128x128xf32, #tpu.memory_space<vmem>> -> memref<1x128x128xf32, #tpu.memory_space<vmem>>
    %dma_start3A_1591 = tpu.memref_squeeze %dma_start3A_1590 : memref<1x128x128xf32, #tpu.memory_space<vmem>> -> memref<128x128xf32, #tpu.memory_space<vmem>>
    %dma_start3A_1592 = arith.constant 0 : i32
    %dma_start3A_1593 = tpu.memref_slice %arg5[%add3A_1586, %dma_start3A_1592] : memref<819200x128xf32, #tpu.memory_space<hbm>> -> memref<128x128xf32, #tpu.memory_space<hbm>>
    %dma_start3A_1594 = arith.constant 0 : i32
    %dma_start3A_1595 = tpu.memref_slice %arg5[%add3A_1586, %dma_start3A_1594] : memref<819200x128xf32, #tpu.memory_space<hbm>> -> memref<128x128xf32, #tpu.memory_space<hbm>>
    %dma_start3A_1596 = arith.constant 0 : i32
    %dma_start3A_1597 = arith.constant 0 : i32
    %dma_start3A_1598 = tpu.memref_slice %arg8[%dma_start3A_1587, %dma_start3A_1596, %dma_start3A_1597] : memref<5x128x128xf32, #tpu.memory_space<vmem>> -> memref<1x128x128xf32, #tpu.memory_space<vmem>>
    %dma_start3A_1599 = tpu.memref_squeeze %dma_start3A_1598 : memref<1x128x128xf32, #tpu.memory_space<vmem>> -> memref<128x128xf32, #tpu.memory_space<vmem>>
    tpu.enqueue_dma source(%dma_start3A_1599 : memref<128x128xf32, #tpu.memory_space<vmem>>) target(%dma_start3A_1595 : memref<128x128xf32, #tpu.memory_space<hbm>>) target_semaphore(%arg24 : memref<!tpu.dma_semaphore, #tpu.memory_space<semaphore_mem>>)
    %add3A_1600 = arith.constant 25472 : i32
    %add3A_1601 = arith.addi %mul3A_2, %add3A_1600 : i32
    %dma_wait3A_1602 = arith.constant 0 : i32
    %dma_wait3A_1603 = arith.constant 0 : i32
    %dma_wait3A_1604 = arith.constant 0 : i32
    %dma_wait3A_1605 = tpu.memref_slice %arg8[%dma_wait3A_1602, %dma_wait3A_1603, %dma_wait3A_1604] : memref<5x128x128xf32, #tpu.memory_space<vmem>> -> memref<1x128x128xf32, #tpu.memory_space<vmem>>
    %dma_wait3A_1606 = tpu.memref_squeeze %dma_wait3A_1605 : memref<1x128x128xf32, #tpu.memory_space<vmem>> -> memref<128x128xf32, #tpu.memory_space<vmem>>
    %dma_wait3A_1607 = arith.constant 0 : i32
    %dma_wait3A_1608 = tpu.memref_slice %arg5[%add3A_1601, %dma_wait3A_1607] : memref<819200x128xf32, #tpu.memory_space<hbm>> -> memref<128x128xf32, #tpu.memory_space<hbm>>
    %dma_wait3A_1609 = arith.constant 0 : i32
    %dma_wait3A_1610 = tpu.memref_slice %arg5[%add3A_1601, %dma_wait3A_1609] : memref<819200x128xf32, #tpu.memory_space<hbm>> -> memref<128x128xf32, #tpu.memory_space<hbm>>
    %dma_wait3A_1611 = arith.constant 0 : i32
    %dma_wait3A_1612 = arith.constant 0 : i32
    %dma_wait3A_1613 = tpu.memref_slice %arg8[%dma_wait3A_1602, %dma_wait3A_1611, %dma_wait3A_1612] : memref<5x128x128xf32, #tpu.memory_space<vmem>> -> memref<1x128x128xf32, #tpu.memory_space<vmem>>
    %dma_wait3A_1614 = tpu.memref_squeeze %dma_wait3A_1613 : memref<1x128x128xf32, #tpu.memory_space<vmem>> -> memref<128x128xf32, #tpu.memory_space<vmem>>
    tpu.wait_dma2 semaphore(%arg20 : memref<!tpu.dma_semaphore, #tpu.memory_space<semaphore_mem>>) src(%dma_wait3A_1614 : memref<128x128xf32, #tpu.memory_space<vmem>>) dst(%dma_wait3A_1610 : memref<128x128xf32, #tpu.memory_space<hbm>>)
    %add3A_1615 = arith.constant 25472 : i32
    %add3A_1616 = arith.addi %mul3A_2, %add3A_1615 : i32
    %dma_wait3A_1617 = arith.constant 0 : i32
    %dma_wait3A_1618 = arith.constant 0 : i32
    %dma_wait3A_1619 = arith.constant 0 : i32
    %dma_wait3A_1620 = tpu.memref_slice %arg6[%dma_wait3A_1617, %dma_wait3A_1618, %dma_wait3A_1619] : memref<5x2x128xi32, #tpu.memory_space<vmem>> -> memref<1x1x128xi32, #tpu.memory_space<vmem>>
    %dma_wait3A_1621 = tpu.memref_squeeze %dma_wait3A_1620 : memref<1x1x128xi32, #tpu.memory_space<vmem>> -> memref<128xi32, #tpu.memory_space<vmem>>
    %dma_wait3A_1622 = tpu.memref_slice %arg2[%add3A_1616] : memref<819200xi32, #tpu.memory_space<hbm>> -> memref<128xi32, #tpu.memory_space<hbm>>
    %dma_wait3A_1623 = arith.constant 0 : i32
    %dma_wait3A_1624 = tpu.memref_slice %arg6[%dma_wait3A_1617, %dma_wait3A_1618, %dma_wait3A_1623] : memref<5x2x128xi32, #tpu.memory_space<vmem>> -> memref<1x1x128xi32, #tpu.memory_space<vmem>>
    %dma_wait3A_1625 = tpu.memref_squeeze %dma_wait3A_1624 : memref<1x1x128xi32, #tpu.memory_space<vmem>> -> memref<128xi32, #tpu.memory_space<vmem>>
    %dma_wait3A_1626 = tpu.memref_slice %arg2[%add3A_1616] : memref<819200xi32, #tpu.memory_space<hbm>> -> memref<128xi32, #tpu.memory_space<hbm>>
    tpu.wait_dma2 semaphore(%arg10 : memref<!tpu.dma_semaphore, #tpu.memory_space<semaphore_mem>>) src(%dma_wait3A_1626 : memref<128xi32, #tpu.memory_space<hbm>>) dst(%dma_wait3A_1625 : memref<128xi32, #tpu.memory_space<vmem>>)
    %dma_wait3A_1627 = arith.constant 0 : i32
    %dma_wait3A_1628 = arith.constant 1 : i32
    %dma_wait3A_1629 = arith.constant 0 : i32
    %dma_wait3A_1630 = tpu.memref_slice %arg6[%dma_wait3A_1627, %dma_wait3A_1628, %dma_wait3A_1629] : memref<5x2x128xi32, #tpu.memory_space<vmem>> -> memref<1x1x128xi32, #tpu.memory_space<vmem>>
    %dma_wait3A_1631 = tpu.memref_squeeze %dma_wait3A_1630 : memref<1x1x128xi32, #tpu.memory_space<vmem>> -> memref<128xi32, #tpu.memory_space<vmem>>
    %dma_wait3A_1632 = tpu.memref_slice %arg3[%add3A_1616] : memref<819200xi32, #tpu.memory_space<hbm>> -> memref<128xi32, #tpu.memory_space<hbm>>
    %dma_wait3A_1633 = arith.constant 0 : i32
    %dma_wait3A_1634 = tpu.memref_slice %arg6[%dma_wait3A_1627, %dma_wait3A_1628, %dma_wait3A_1633] : memref<5x2x128xi32, #tpu.memory_space<vmem>> -> memref<1x1x128xi32, #tpu.memory_space<vmem>>
    %dma_wait3A_1635 = tpu.memref_squeeze %dma_wait3A_1634 : memref<1x1x128xi32, #tpu.memory_space<vmem>> -> memref<128xi32, #tpu.memory_space<vmem>>
    %dma_wait3A_1636 = tpu.memref_slice %arg3[%add3A_1616] : memref<819200xi32, #tpu.memory_space<hbm>> -> memref<128xi32, #tpu.memory_space<hbm>>
    tpu.wait_dma2 semaphore(%arg10 : memref<!tpu.dma_semaphore, #tpu.memory_space<semaphore_mem>>) src(%dma_wait3A_1636 : memref<128xi32, #tpu.memory_space<hbm>>) dst(%dma_wait3A_1635 : memref<128xi32, #tpu.memory_space<vmem>>)
    %add3A_1637 = arith.constant 25472 : i32
    %add3A_1638 = arith.addi %mul3A_2, %add3A_1637 : i32
    %dma_wait3A_1639 = arith.constant 1 : i32
    %dma_wait3A_1640 = arith.constant 0 : i32
    %dma_wait3A_1641 = arith.constant 0 : i32
    %dma_wait3A_1642 = tpu.memref_slice %arg8[%dma_wait3A_1639, %dma_wait3A_1640, %dma_wait3A_1641] : memref<5x128x128xf32, #tpu.memory_space<vmem>> -> memref<1x128x128xf32, #tpu.memory_space<vmem>>
    %dma_wait3A_1643 = tpu.memref_squeeze %dma_wait3A_1642 : memref<1x128x128xf32, #tpu.memory_space<vmem>> -> memref<128x128xf32, #tpu.memory_space<vmem>>
    %dma_wait3A_1644 = arith.constant 0 : i32
    %dma_wait3A_1645 = tpu.memref_slice %arg5[%add3A_1638, %dma_wait3A_1644] : memref<819200x128xf32, #tpu.memory_space<hbm>> -> memref<128x128xf32, #tpu.memory_space<hbm>>
    %dma_wait3A_1646 = arith.constant 0 : i32
    %dma_wait3A_1647 = tpu.memref_slice %arg5[%add3A_1638, %dma_wait3A_1646] : memref<819200x128xf32, #tpu.memory_space<hbm>> -> memref<128x128xf32, #tpu.memory_space<hbm>>
    %dma_wait3A_1648 = arith.constant 0 : i32
    %dma_wait3A_1649 = arith.constant 0 : i32
    %dma_wait3A_1650 = tpu.memref_slice %arg8[%dma_wait3A_1639, %dma_wait3A_1648, %dma_wait3A_1649] : memref<5x128x128xf32, #tpu.memory_space<vmem>> -> memref<1x128x128xf32, #tpu.memory_space<vmem>>
    %dma_wait3A_1651 = tpu.memref_squeeze %dma_wait3A_1650 : memref<1x128x128xf32, #tpu.memory_space<vmem>> -> memref<128x128xf32, #tpu.memory_space<vmem>>
    tpu.wait_dma2 semaphore(%arg21 : memref<!tpu.dma_semaphore, #tpu.memory_space<semaphore_mem>>) src(%dma_wait3A_1651 : memref<128x128xf32, #tpu.memory_space<vmem>>) dst(%dma_wait3A_1647 : memref<128x128xf32, #tpu.memory_space<hbm>>)
    %add3A_1652 = arith.constant 25472 : i32
    %add3A_1653 = arith.addi %mul3A_2, %add3A_1652 : i32
    %dma_wait3A_1654 = arith.constant 1 : i32
    %dma_wait3A_1655 = arith.constant 0 : i32
    %dma_wait3A_1656 = arith.constant 0 : i32
    %dma_wait3A_1657 = tpu.memref_slice %arg6[%dma_wait3A_1654, %dma_wait3A_1655, %dma_wait3A_1656] : memref<5x2x128xi32, #tpu.memory_space<vmem>> -> memref<1x1x128xi32, #tpu.memory_space<vmem>>
    %dma_wait3A_1658 = tpu.memref_squeeze %dma_wait3A_1657 : memref<1x1x128xi32, #tpu.memory_space<vmem>> -> memref<128xi32, #tpu.memory_space<vmem>>
    %dma_wait3A_1659 = tpu.memref_slice %arg2[%add3A_1653] : memref<819200xi32, #tpu.memory_space<hbm>> -> memref<128xi32, #tpu.memory_space<hbm>>
    %dma_wait3A_1660 = arith.constant 0 : i32
    %dma_wait3A_1661 = tpu.memref_slice %arg6[%dma_wait3A_1654, %dma_wait3A_1655, %dma_wait3A_1660] : memref<5x2x128xi32, #tpu.memory_space<vmem>> -> memref<1x1x128xi32, #tpu.memory_space<vmem>>
    %dma_wait3A_1662 = tpu.memref_squeeze %dma_wait3A_1661 : memref<1x1x128xi32, #tpu.memory_space<vmem>> -> memref<128xi32, #tpu.memory_space<vmem>>
    %dma_wait3A_1663 = tpu.memref_slice %arg2[%add3A_1653] : memref<819200xi32, #tpu.memory_space<hbm>> -> memref<128xi32, #tpu.memory_space<hbm>>
    tpu.wait_dma2 semaphore(%arg11 : memref<!tpu.dma_semaphore, #tpu.memory_space<semaphore_mem>>) src(%dma_wait3A_1663 : memref<128xi32, #tpu.memory_space<hbm>>) dst(%dma_wait3A_1662 : memref<128xi32, #tpu.memory_space<vmem>>)
    %dma_wait3A_1664 = arith.constant 1 : i32
    %dma_wait3A_1665 = arith.constant 1 : i32
    %dma_wait3A_1666 = arith.constant 0 : i32
    %dma_wait3A_1667 = tpu.memref_slice %arg6[%dma_wait3A_1664, %dma_wait3A_1665, %dma_wait3A_1666] : memref<5x2x128xi32, #tpu.memory_space<vmem>> -> memref<1x1x128xi32, #tpu.memory_space<vmem>>
    %dma_wait3A_1668 = tpu.memref_squeeze %dma_wait3A_1667 : memref<1x1x128xi32, #tpu.memory_space<vmem>> -> memref<128xi32, #tpu.memory_space<vmem>>
    %dma_wait3A_1669 = tpu.memref_slice %arg3[%add3A_1653] : memref<819200xi32, #tpu.memory_space<hbm>> -> memref<128xi32, #tpu.memory_space<hbm>>
    %dma_wait3A_1670 = arith.constant 0 : i32
    %dma_wait3A_1671 = tpu.memref_slice %arg6[%dma_wait3A_1664, %dma_wait3A_1665, %dma_wait3A_1670] : memref<5x2x128xi32, #tpu.memory_space<vmem>> -> memref<1x1x128xi32, #tpu.memory_space<vmem>>
    %dma_wait3A_1672 = tpu.memref_squeeze %dma_wait3A_1671 : memref<1x1x128xi32, #tpu.memory_space<vmem>> -> memref<128xi32, #tpu.memory_space<vmem>>
    %dma_wait3A_1673 = tpu.memref_slice %arg3[%add3A_1653] : memref<819200xi32, #tpu.memory_space<hbm>> -> memref<128xi32, #tpu.memory_space<hbm>>
    tpu.wait_dma2 semaphore(%arg11 : memref<!tpu.dma_semaphore, #tpu.memory_space<semaphore_mem>>) src(%dma_wait3A_1673 : memref<128xi32, #tpu.memory_space<hbm>>) dst(%dma_wait3A_1672 : memref<128xi32, #tpu.memory_space<vmem>>)
    %add3A_1674 = arith.constant 25472 : i32
    %add3A_1675 = arith.addi %mul3A_2, %add3A_1674 : i32
    %dma_wait3A_1676 = arith.constant 2 : i32
    %dma_wait3A_1677 = arith.constant 0 : i32
    %dma_wait3A_1678 = arith.constant 0 : i32
    %dma_wait3A_1679 = tpu.memref_slice %arg8[%dma_wait3A_1676, %dma_wait3A_1677, %dma_wait3A_1678] : memref<5x128x128xf32, #tpu.memory_space<vmem>> -> memref<1x128x128xf32, #tpu.memory_space<vmem>>
    %dma_wait3A_1680 = tpu.memref_squeeze %dma_wait3A_1679 : memref<1x128x128xf32, #tpu.memory_space<vmem>> -> memref<128x128xf32, #tpu.memory_space<vmem>>
    %dma_wait3A_1681 = arith.constant 0 : i32
    %dma_wait3A_1682 = tpu.memref_slice %arg5[%add3A_1675, %dma_wait3A_1681] : memref<819200x128xf32, #tpu.memory_space<hbm>> -> memref<128x128xf32, #tpu.memory_space<hbm>>
    %dma_wait3A_1683 = arith.constant 0 : i32
    %dma_wait3A_1684 = tpu.memref_slice %arg5[%add3A_1675, %dma_wait3A_1683] : memref<819200x128xf32, #tpu.memory_space<hbm>> -> memref<128x128xf32, #tpu.memory_space<hbm>>
    %dma_wait3A_1685 = arith.constant 0 : i32
    %dma_wait3A_1686 = arith.constant 0 : i32
    %dma_wait3A_1687 = tpu.memref_slice %arg8[%dma_wait3A_1676, %dma_wait3A_1685, %dma_wait3A_1686] : memref<5x128x128xf32, #tpu.memory_space<vmem>> -> memref<1x128x128xf32, #tpu.memory_space<vmem>>
    %dma_wait3A_1688 = tpu.memref_squeeze %dma_wait3A_1687 : memref<1x128x128xf32, #tpu.memory_space<vmem>> -> memref<128x128xf32, #tpu.memory_space<vmem>>
    tpu.wait_dma2 semaphore(%arg22 : memref<!tpu.dma_semaphore, #tpu.memory_space<semaphore_mem>>) src(%dma_wait3A_1688 : memref<128x128xf32, #tpu.memory_space<vmem>>) dst(%dma_wait3A_1684 : memref<128x128xf32, #tpu.memory_space<hbm>>)
    %add3A_1689 = arith.constant 25472 : i32
    %add3A_1690 = arith.addi %mul3A_2, %add3A_1689 : i32
    %dma_wait3A_1691 = arith.constant 2 : i32
    %dma_wait3A_1692 = arith.constant 0 : i32
    %dma_wait3A_1693 = arith.constant 0 : i32
    %dma_wait3A_1694 = tpu.memref_slice %arg6[%dma_wait3A_1691, %dma_wait3A_1692, %dma_wait3A_1693] : memref<5x2x128xi32, #tpu.memory_space<vmem>> -> memref<1x1x128xi32, #tpu.memory_space<vmem>>
    %dma_wait3A_1695 = tpu.memref_squeeze %dma_wait3A_1694 : memref<1x1x128xi32, #tpu.memory_space<vmem>> -> memref<128xi32, #tpu.memory_space<vmem>>
    %dma_wait3A_1696 = tpu.memref_slice %arg2[%add3A_1690] : memref<819200xi32, #tpu.memory_space<hbm>> -> memref<128xi32, #tpu.memory_space<hbm>>
    %dma_wait3A_1697 = arith.constant 0 : i32
    %dma_wait3A_1698 = tpu.memref_slice %arg6[%dma_wait3A_1691, %dma_wait3A_1692, %dma_wait3A_1697] : memref<5x2x128xi32, #tpu.memory_space<vmem>> -> memref<1x1x128xi32, #tpu.memory_space<vmem>>
    %dma_wait3A_1699 = tpu.memref_squeeze %dma_wait3A_1698 : memref<1x1x128xi32, #tpu.memory_space<vmem>> -> memref<128xi32, #tpu.memory_space<vmem>>
    %dma_wait3A_1700 = tpu.memref_slice %arg2[%add3A_1690] : memref<819200xi32, #tpu.memory_space<hbm>> -> memref<128xi32, #tpu.memory_space<hbm>>
    tpu.wait_dma2 semaphore(%arg12 : memref<!tpu.dma_semaphore, #tpu.memory_space<semaphore_mem>>) src(%dma_wait3A_1700 : memref<128xi32, #tpu.memory_space<hbm>>) dst(%dma_wait3A_1699 : memref<128xi32, #tpu.memory_space<vmem>>)
    %dma_wait3A_1701 = arith.constant 2 : i32
    %dma_wait3A_1702 = arith.constant 1 : i32
    %dma_wait3A_1703 = arith.constant 0 : i32
    %dma_wait3A_1704 = tpu.memref_slice %arg6[%dma_wait3A_1701, %dma_wait3A_1702, %dma_wait3A_1703] : memref<5x2x128xi32, #tpu.memory_space<vmem>> -> memref<1x1x128xi32, #tpu.memory_space<vmem>>
    %dma_wait3A_1705 = tpu.memref_squeeze %dma_wait3A_1704 : memref<1x1x128xi32, #tpu.memory_space<vmem>> -> memref<128xi32, #tpu.memory_space<vmem>>
    %dma_wait3A_1706 = tpu.memref_slice %arg3[%add3A_1690] : memref<819200xi32, #tpu.memory_space<hbm>> -> memref<128xi32, #tpu.memory_space<hbm>>
    %dma_wait3A_1707 = arith.constant 0 : i32
    %dma_wait3A_1708 = tpu.memref_slice %arg6[%dma_wait3A_1701, %dma_wait3A_1702, %dma_wait3A_1707] : memref<5x2x128xi32, #tpu.memory_space<vmem>> -> memref<1x1x128xi32, #tpu.memory_space<vmem>>
    %dma_wait3A_1709 = tpu.memref_squeeze %dma_wait3A_1708 : memref<1x1x128xi32, #tpu.memory_space<vmem>> -> memref<128xi32, #tpu.memory_space<vmem>>
    %dma_wait3A_1710 = tpu.memref_slice %arg3[%add3A_1690] : memref<819200xi32, #tpu.memory_space<hbm>> -> memref<128xi32, #tpu.memory_space<hbm>>
    tpu.wait_dma2 semaphore(%arg12 : memref<!tpu.dma_semaphore, #tpu.memory_space<semaphore_mem>>) src(%dma_wait3A_1710 : memref<128xi32, #tpu.memory_space<hbm>>) dst(%dma_wait3A_1709 : memref<128xi32, #tpu.memory_space<vmem>>)
    %add3A_1711 = arith.constant 25472 : i32
    %add3A_1712 = arith.addi %mul3A_2, %add3A_1711 : i32
    %dma_wait3A_1713 = arith.constant 3 : i32
    %dma_wait3A_1714 = arith.constant 0 : i32
    %dma_wait3A_1715 = arith.constant 0 : i32
    %dma_wait3A_1716 = tpu.memref_slice %arg8[%dma_wait3A_1713, %dma_wait3A_1714, %dma_wait3A_1715] : memref<5x128x128xf32, #tpu.memory_space<vmem>> -> memref<1x128x128xf32, #tpu.memory_space<vmem>>
    %dma_wait3A_1717 = tpu.memref_squeeze %dma_wait3A_1716 : memref<1x128x128xf32, #tpu.memory_space<vmem>> -> memref<128x128xf32, #tpu.memory_space<vmem>>
    %dma_wait3A_1718 = arith.constant 0 : i32
    %dma_wait3A_1719 = tpu.memref_slice %arg5[%add3A_1712, %dma_wait3A_1718] : memref<819200x128xf32, #tpu.memory_space<hbm>> -> memref<128x128xf32, #tpu.memory_space<hbm>>
    %dma_wait3A_1720 = arith.constant 0 : i32
    %dma_wait3A_1721 = tpu.memref_slice %arg5[%add3A_1712, %dma_wait3A_1720] : memref<819200x128xf32, #tpu.memory_space<hbm>> -> memref<128x128xf32, #tpu.memory_space<hbm>>
    %dma_wait3A_1722 = arith.constant 0 : i32
    %dma_wait3A_1723 = arith.constant 0 : i32
    %dma_wait3A_1724 = tpu.memref_slice %arg8[%dma_wait3A_1713, %dma_wait3A_1722, %dma_wait3A_1723] : memref<5x128x128xf32, #tpu.memory_space<vmem>> -> memref<1x128x128xf32, #tpu.memory_space<vmem>>
    %dma_wait3A_1725 = tpu.memref_squeeze %dma_wait3A_1724 : memref<1x128x128xf32, #tpu.memory_space<vmem>> -> memref<128x128xf32, #tpu.memory_space<vmem>>
    tpu.wait_dma2 semaphore(%arg23 : memref<!tpu.dma_semaphore, #tpu.memory_space<semaphore_mem>>) src(%dma_wait3A_1725 : memref<128x128xf32, #tpu.memory_space<vmem>>) dst(%dma_wait3A_1721 : memref<128x128xf32, #tpu.memory_space<hbm>>)
    %add3A_1726 = arith.constant 25472 : i32
    %add3A_1727 = arith.addi %mul3A_2, %add3A_1726 : i32
    %dma_wait3A_1728 = arith.constant 3 : i32
    %dma_wait3A_1729 = arith.constant 0 : i32
    %dma_wait3A_1730 = arith.constant 0 : i32
    %dma_wait3A_1731 = tpu.memref_slice %arg6[%dma_wait3A_1728, %dma_wait3A_1729, %dma_wait3A_1730] : memref<5x2x128xi32, #tpu.memory_space<vmem>> -> memref<1x1x128xi32, #tpu.memory_space<vmem>>
    %dma_wait3A_1732 = tpu.memref_squeeze %dma_wait3A_1731 : memref<1x1x128xi32, #tpu.memory_space<vmem>> -> memref<128xi32, #tpu.memory_space<vmem>>
    %dma_wait3A_1733 = tpu.memref_slice %arg2[%add3A_1727] : memref<819200xi32, #tpu.memory_space<hbm>> -> memref<128xi32, #tpu.memory_space<hbm>>
    %dma_wait3A_1734 = arith.constant 0 : i32
    %dma_wait3A_1735 = tpu.memref_slice %arg6[%dma_wait3A_1728, %dma_wait3A_1729, %dma_wait3A_1734] : memref<5x2x128xi32, #tpu.memory_space<vmem>> -> memref<1x1x128xi32, #tpu.memory_space<vmem>>
    %dma_wait3A_1736 = tpu.memref_squeeze %dma_wait3A_1735 : memref<1x1x128xi32, #tpu.memory_space<vmem>> -> memref<128xi32, #tpu.memory_space<vmem>>
    %dma_wait3A_1737 = tpu.memref_slice %arg2[%add3A_1727] : memref<819200xi32, #tpu.memory_space<hbm>> -> memref<128xi32, #tpu.memory_space<hbm>>
    tpu.wait_dma2 semaphore(%arg13 : memref<!tpu.dma_semaphore, #tpu.memory_space<semaphore_mem>>) src(%dma_wait3A_1737 : memref<128xi32, #tpu.memory_space<hbm>>) dst(%dma_wait3A_1736 : memref<128xi32, #tpu.memory_space<vmem>>)
    %dma_wait3A_1738 = arith.constant 3 : i32
    %dma_wait3A_1739 = arith.constant 1 : i32
    %dma_wait3A_1740 = arith.constant 0 : i32
    %dma_wait3A_1741 = tpu.memref_slice %arg6[%dma_wait3A_1738, %dma_wait3A_1739, %dma_wait3A_1740] : memref<5x2x128xi32, #tpu.memory_space<vmem>> -> memref<1x1x128xi32, #tpu.memory_space<vmem>>
    %dma_wait3A_1742 = tpu.memref_squeeze %dma_wait3A_1741 : memref<1x1x128xi32, #tpu.memory_space<vmem>> -> memref<128xi32, #tpu.memory_space<vmem>>
    %dma_wait3A_1743 = tpu.memref_slice %arg3[%add3A_1727] : memref<819200xi32, #tpu.memory_space<hbm>> -> memref<128xi32, #tpu.memory_space<hbm>>
    %dma_wait3A_1744 = arith.constant 0 : i32
    %dma_wait3A_1745 = tpu.memref_slice %arg6[%dma_wait3A_1738, %dma_wait3A_1739, %dma_wait3A_1744] : memref<5x2x128xi32, #tpu.memory_space<vmem>> -> memref<1x1x128xi32, #tpu.memory_space<vmem>>
    %dma_wait3A_1746 = tpu.memref_squeeze %dma_wait3A_1745 : memref<1x1x128xi32, #tpu.memory_space<vmem>> -> memref<128xi32, #tpu.memory_space<vmem>>
    %dma_wait3A_1747 = tpu.memref_slice %arg3[%add3A_1727] : memref<819200xi32, #tpu.memory_space<hbm>> -> memref<128xi32, #tpu.memory_space<hbm>>
    tpu.wait_dma2 semaphore(%arg13 : memref<!tpu.dma_semaphore, #tpu.memory_space<semaphore_mem>>) src(%dma_wait3A_1747 : memref<128xi32, #tpu.memory_space<hbm>>) dst(%dma_wait3A_1746 : memref<128xi32, #tpu.memory_space<vmem>>)
    %add3A_1748 = arith.constant 25472 : i32
    %add3A_1749 = arith.addi %mul3A_2, %add3A_1748 : i32
    %dma_wait3A_1750 = arith.constant 4 : i32
    %dma_wait3A_1751 = arith.constant 0 : i32
    %dma_wait3A_1752 = arith.constant 0 : i32
    %dma_wait3A_1753 = tpu.memref_slice %arg8[%dma_wait3A_1750, %dma_wait3A_1751, %dma_wait3A_1752] : memref<5x128x128xf32, #tpu.memory_space<vmem>> -> memref<1x128x128xf32, #tpu.memory_space<vmem>>
    %dma_wait3A_1754 = tpu.memref_squeeze %dma_wait3A_1753 : memref<1x128x128xf32, #tpu.memory_space<vmem>> -> memref<128x128xf32, #tpu.memory_space<vmem>>
    %dma_wait3A_1755 = arith.constant 0 : i32
    %dma_wait3A_1756 = tpu.memref_slice %arg5[%add3A_1749, %dma_wait3A_1755] : memref<819200x128xf32, #tpu.memory_space<hbm>> -> memref<128x128xf32, #tpu.memory_space<hbm>>
    %dma_wait3A_1757 = arith.constant 0 : i32
    %dma_wait3A_1758 = tpu.memref_slice %arg5[%add3A_1749, %dma_wait3A_1757] : memref<819200x128xf32, #tpu.memory_space<hbm>> -> memref<128x128xf32, #tpu.memory_space<hbm>>
    %dma_wait3A_1759 = arith.constant 0 : i32
    %dma_wait3A_1760 = arith.constant 0 : i32
    %dma_wait3A_1761 = tpu.memref_slice %arg8[%dma_wait3A_1750, %dma_wait3A_1759, %dma_wait3A_1760] : memref<5x128x128xf32, #tpu.memory_space<vmem>> -> memref<1x128x128xf32, #tpu.memory_space<vmem>>
    %dma_wait3A_1762 = tpu.memref_squeeze %dma_wait3A_1761 : memref<1x128x128xf32, #tpu.memory_space<vmem>> -> memref<128x128xf32, #tpu.memory_space<vmem>>
    tpu.wait_dma2 semaphore(%arg24 : memref<!tpu.dma_semaphore, #tpu.memory_space<semaphore_mem>>) src(%dma_wait3A_1762 : memref<128x128xf32, #tpu.memory_space<vmem>>) dst(%dma_wait3A_1758 : memref<128x128xf32, #tpu.memory_space<hbm>>)
    %add3A_1763 = arith.constant 25472 : i32
    %add3A_1764 = arith.addi %mul3A_2, %add3A_1763 : i32
    %dma_wait3A_1765 = arith.constant 4 : i32
    %dma_wait3A_1766 = arith.constant 0 : i32
    %dma_wait3A_1767 = arith.constant 0 : i32
    %dma_wait3A_1768 = tpu.memref_slice %arg6[%dma_wait3A_1765, %dma_wait3A_1766, %dma_wait3A_1767] : memref<5x2x128xi32, #tpu.memory_space<vmem>> -> memref<1x1x128xi32, #tpu.memory_space<vmem>>
    %dma_wait3A_1769 = tpu.memref_squeeze %dma_wait3A_1768 : memref<1x1x128xi32, #tpu.memory_space<vmem>> -> memref<128xi32, #tpu.memory_space<vmem>>
    %dma_wait3A_1770 = tpu.memref_slice %arg2[%add3A_1764] : memref<819200xi32, #tpu.memory_space<hbm>> -> memref<128xi32, #tpu.memory_space<hbm>>
    %dma_wait3A_1771 = arith.constant 0 : i32
    %dma_wait3A_1772 = tpu.memref_slice %arg6[%dma_wait3A_1765, %dma_wait3A_1766, %dma_wait3A_1771] : memref<5x2x128xi32, #tpu.memory_space<vmem>> -> memref<1x1x128xi32, #tpu.memory_space<vmem>>
    %dma_wait3A_1773 = tpu.memref_squeeze %dma_wait3A_1772 : memref<1x1x128xi32, #tpu.memory_space<vmem>> -> memref<128xi32, #tpu.memory_space<vmem>>
    %dma_wait3A_1774 = tpu.memref_slice %arg2[%add3A_1764] : memref<819200xi32, #tpu.memory_space<hbm>> -> memref<128xi32, #tpu.memory_space<hbm>>
    tpu.wait_dma2 semaphore(%arg14 : memref<!tpu.dma_semaphore, #tpu.memory_space<semaphore_mem>>) src(%dma_wait3A_1774 : memref<128xi32, #tpu.memory_space<hbm>>) dst(%dma_wait3A_1773 : memref<128xi32, #tpu.memory_space<vmem>>)
    %dma_wait3A_1775 = arith.constant 4 : i32
    %dma_wait3A_1776 = arith.constant 1 : i32
    %dma_wait3A_1777 = arith.constant 0 : i32
    %dma_wait3A_1778 = tpu.memref_slice %arg6[%dma_wait3A_1775, %dma_wait3A_1776, %dma_wait3A_1777] : memref<5x2x128xi32, #tpu.memory_space<vmem>> -> memref<1x1x128xi32, #tpu.memory_space<vmem>>
    %dma_wait3A_1779 = tpu.memref_squeeze %dma_wait3A_1778 : memref<1x1x128xi32, #tpu.memory_space<vmem>> -> memref<128xi32, #tpu.memory_space<vmem>>
    %dma_wait3A_1780 = tpu.memref_slice %arg3[%add3A_1764] : memref<819200xi32, #tpu.memory_space<hbm>> -> memref<128xi32, #tpu.memory_space<hbm>>
    %dma_wait3A_1781 = arith.constant 0 : i32
    %dma_wait3A_1782 = tpu.memref_slice %arg6[%dma_wait3A_1775, %dma_wait3A_1776, %dma_wait3A_1781] : memref<5x2x128xi32, #tpu.memory_space<vmem>> -> memref<1x1x128xi32, #tpu.memory_space<vmem>>
    %dma_wait3A_1783 = tpu.memref_squeeze %dma_wait3A_1782 : memref<1x1x128xi32, #tpu.memory_space<vmem>> -> memref<128xi32, #tpu.memory_space<vmem>>
    %dma_wait3A_1784 = tpu.memref_slice %arg3[%add3A_1764] : memref<819200xi32, #tpu.memory_space<hbm>> -> memref<128xi32, #tpu.memory_space<hbm>>
    tpu.wait_dma2 semaphore(%arg14 : memref<!tpu.dma_semaphore, #tpu.memory_space<semaphore_mem>>) src(%dma_wait3A_1784 : memref<128xi32, #tpu.memory_space<hbm>>) dst(%dma_wait3A_1783 : memref<128xi32, #tpu.memory_space<vmem>>)
    return
  }
}

module attributes {stable_mosaic.version = 14 : i64} {
  func.func @_prep_kernel(%arg0: memref<24x128xf32, #tpu.memory_space<vmem>>, %arg1: memref<8x128xf32, #tpu.memory_space<vmem>>, %arg2: memref<128x128xf32, #tpu.memory_space<vmem>>, %arg3: memref<1x128xf32, #tpu.memory_space<vmem>>, %arg4: memref<168x128xf32, #tpu.memory_space<vmem>>) attributes {dimension_semantics = [], scalar_prefetch = 0 : i64, scratch_operands = 0 : i64, tpu.core_type = #tpu.core_type<tc>} {
    %iota3A = tpu.iota {dimensions = array<i32: 0>} : vector<168x24xi32>
    %jit3A = arith.constant 7 : i32
    %div3A = vector.broadcast %jit3A : i32 to vector<168x24xi32>
    %div3A_0 = arith.divsi %iota3A, %div3A : vector<168x24xi32>
    %sign3A = arith.constant 0 : i32
    %sign3A_1 = vector.broadcast %sign3A : i32 to vector<168x24xi32>
    %sign3A_2 = arith.cmpi sgt, %iota3A, %sign3A_1 : vector<168x24xi32>
    %sign3A_3 = arith.extui %sign3A_2 : vector<168x24xi1> to vector<168x24xi32>
    %sign3A_4 = arith.constant 0 : i32
    %sign3A_5 = vector.broadcast %sign3A_4 : i32 to vector<168x24xi32>
    %sign3A_6 = arith.cmpi slt, %iota3A, %sign3A_5 : vector<168x24xi32>
    %sign3A_7 = arith.extui %sign3A_6 : vector<168x24xi1> to vector<168x24xi32>
    %sign3A_8 = arith.subi %sign3A_3, %sign3A_7 : vector<168x24xi32>
    %sign3A_9 = arith.constant 0 : i32
    %sign3A_10 = arith.cmpi sgt, %jit3A, %sign3A_9 : i32
    %sign3A_11 = arith.extui %sign3A_10 : i1 to i32
    %sign3A_12 = arith.constant 0 : i32
    %sign3A_13 = arith.cmpi slt, %jit3A, %sign3A_12 : i32
    %sign3A_14 = arith.extui %sign3A_13 : i1 to i32
    %sign3A_15 = arith.subi %sign3A_11, %sign3A_14 : i32
    %ne3A = vector.broadcast %sign3A_15 : i32 to vector<168x24xi32>
    %ne3A_16 = arith.cmpi ne, %sign3A_8, %ne3A : vector<168x24xi32>
    %rem3A = vector.broadcast %jit3A : i32 to vector<168x24xi32>
    %rem3A_17 = arith.remsi %iota3A, %rem3A : vector<168x24xi32>
    %ne3A_18 = arith.constant 0 : i32
    %ne3A_19 = vector.broadcast %ne3A_18 : i32 to vector<168x24xi32>
    %ne3A_20 = arith.cmpi ne, %rem3A_17, %ne3A_19 : vector<168x24xi32>
    %and3A = arith.andi %ne3A_16, %ne3A_20 : vector<168x24xi1>
    %sub3A = arith.constant 1 : i32
    %sub3A_21 = vector.broadcast %sub3A : i32 to vector<168x24xi32>
    %sub3A_22 = arith.subi %div3A_0, %sub3A_21 : vector<168x24xi32>
    %select_n3A = arith.select %and3A, %sub3A_22, %div3A_0 : vector<168x24xi1>, vector<168x24xi32>
    %iota3A_23 = tpu.iota {dimensions = array<i32: 1>} : vector<168x24xi32>
    %eq3A = arith.cmpi eq, %select_n3A, %iota3A_23 : vector<168x24xi32>
    %convert_element_type3A = arith.extui %eq3A : vector<168x24xi1> to vector<168x24xi32>
    %convert_element_type3A_24 = arith.sitofp %convert_element_type3A : vector<168x24xi32> to vector<168x24xf32>
    %iota3A_25 = tpu.iota {dimensions = array<i32: 0>} : vector<168x8xi32>
    %jit3A_26 = arith.constant 7 : i32
    %eq3A_27 = arith.constant 0 : i32
    %eq3A_28 = arith.cmpi eq, %jit3A_26, %eq3A_27 : i32
    %jit3A_29 = arith.constant 1 : i32
    %select_n3A_30 = arith.select %eq3A_28, %jit3A_29, %jit3A_26 : i32
    %rem3A_31 = vector.broadcast %select_n3A_30 : i32 to vector<168x8xi32>
    %rem3A_32 = arith.remsi %iota3A_25, %rem3A_31 : vector<168x8xi32>
    %ne3A_33 = arith.constant 0 : i32
    %ne3A_34 = vector.broadcast %ne3A_33 : i32 to vector<168x8xi32>
    %ne3A_35 = arith.cmpi ne, %rem3A_32, %ne3A_34 : vector<168x8xi32>
    %lt3A = arith.constant 0 : i32
    %lt3A_36 = vector.broadcast %lt3A : i32 to vector<168x8xi32>
    %lt3A_37 = arith.cmpi slt, %rem3A_32, %lt3A_36 : vector<168x8xi32>
    %lt3A_38 = arith.constant 0 : i32
    %lt3A_39 = arith.cmpi slt, %select_n3A_30, %lt3A_38 : i32
    %ne3A_40 = vector.broadcast %lt3A_39 : i1 to vector<168x8xi1>
    %ne3A_41 = vector.broadcast %ne3A_40 : vector<168x8xi1> to vector<168x8xi1>
    %ne3A_42 = arith.xori %lt3A_37, %ne3A_41 : vector<168x8xi1>
    %and3A_43 = arith.andi %ne3A_42, %ne3A_35 : vector<168x8xi1>
    %add3A = vector.broadcast %select_n3A_30 : i32 to vector<168x8xi32>
    %add3A_44 = arith.addi %rem3A_32, %add3A : vector<168x8xi32>
    %select_n3A_45 = arith.select %and3A_43, %add3A_44, %rem3A_32 : vector<168x8xi1>, vector<168x8xi32>
    %iota3A_46 = tpu.iota {dimensions = array<i32: 1>} : vector<168x8xi32>
    %eq3A_47 = arith.cmpi eq, %select_n3A_45, %iota3A_46 : vector<168x8xi32>
    %convert_element_type3A_48 = arith.extui %eq3A_47 : vector<168x8xi1> to vector<168x8xi32>
    %convert_element_type3A_49 = arith.sitofp %convert_element_type3A_48 : vector<168x8xi32> to vector<168x8xf32>
    %get3A = arith.constant 0 : index
    %get3A_50 = arith.constant 0 : index
    %get3A_51 = vector.load %arg0[%get3A, %get3A_50] : memref<24x128xf32, #tpu.memory_space<vmem>>, vector<24x128xf32>
    %dot_general3A = arith.constant dense<0.000000e+00> : vector<168x128xf32>
    %dot_general3A_52 = tpu.matmul %convert_element_type3A_24, %get3A_51, %dot_general3A {dimension_numbers = #tpu.dot_dimension_numbers<[1], [0], [0], [1], [0, 0, 1, 1], [], []>, transpose_lhs_hint = false} : vector<168x24xf32>, vector<24x128xf32>, vector<168x128xf32> -> vector<168x128xf32>
    %get3A_53 = arith.constant 0 : index
    %get3A_54 = arith.constant 0 : index
    %get3A_55 = vector.load %arg1[%get3A_53, %get3A_54] : memref<8x128xf32, #tpu.memory_space<vmem>>, vector<8x128xf32>
    %dot_general3A_56 = arith.constant dense<0.000000e+00> : vector<168x128xf32>
    %dot_general3A_57 = tpu.matmul %convert_element_type3A_49, %get3A_55, %dot_general3A_56 {dimension_numbers = #tpu.dot_dimension_numbers<[1], [0], [0], [1], [0, 0, 1, 1], [], []>, transpose_lhs_hint = false} : vector<168x8xf32>, vector<8x128xf32>, vector<168x128xf32> -> vector<168x128xf32>
    %add3A_58 = arith.addf %dot_general3A_52, %dot_general3A_57 : vector<168x128xf32>
    %get3A_59 = arith.constant 0 : index
    %get3A_60 = arith.constant 0 : index
    %get3A_61 = vector.load %arg2[%get3A_59, %get3A_60] : memref<128x128xf32, #tpu.memory_space<vmem>>, vector<128x128xf32>
    %dot_general3A_62 = arith.constant dense<0.000000e+00> : vector<168x128xf32>
    %dot_general3A_63 = tpu.matmul %add3A_58, %get3A_61, %dot_general3A_62 {dimension_numbers = #tpu.dot_dimension_numbers<[1], [1], [0], [0], [0, 0, 1, 0], [], []>, transpose_lhs_hint = false} : vector<168x128xf32>, vector<128x128xf32>, vector<168x128xf32> -> vector<168x128xf32>
    %get3A_64 = arith.constant 0 : index
    %get3A_65 = arith.constant 0 : index
    %get3A_66 = vector.load %arg3[%get3A_64, %get3A_65] : memref<1x128xf32, #tpu.memory_space<vmem>>, vector<1x128xf32>
    %add3A_67 = vector.broadcast %get3A_66 : vector<1x128xf32> to vector<168x128xf32>
    %add3A_68 = arith.addf %dot_general3A_63, %add3A_67 : vector<168x128xf32>
    %swap3A = arith.constant 0 : index
    %swap3A_69 = arith.constant 0 : index
    %swap3A_70 = vector.load %arg4[%swap3A, %swap3A_69] : memref<168x128xf32, #tpu.memory_space<vmem>>, vector<168x128xf32>
    tpu.vector_store %arg4[%swap3A, %swap3A_69], %add3A_68 {strides = array<i32>} : memref<168x128xf32, #tpu.memory_space<vmem>>, vector<168x128xf32>,
    return
  }
}

</mosaic_0001>

<sc_bundles>
// kernel: kernel.4.cloned.1.call-start
scs
__scs_entry_jumppad:
0x0: {  	(pc) =	sbr.rel $0x88, $3  }
0x1: {  	(tag) =	ssettag $0x0;
	lr =	simm.s32 $0x1  }
0x2: {  	[smem:$0x3F9C] =	sst lr;
	_ =	strace $0xD0000000  }
0x3: {  	_ = 	snop  }
0x4: {  	_ = 	snop  }
0x5: {  	_ = 	snop  }
0x6: {  	_ = 	snop  }
0x7: {  	_ = 	snop  }
__scs_overlays_trampoline_lowered:
0x8: {  	[smem:$0x3FAB] =	sst s0  }
0x9: {  	[smem:$0x3FAC] =	sst s1  }
0xa: {  	[smem:$0x3FAD] =	sst s2  }
0xb: {  	[smem:$0x3FAE] =	sst s3  }
0xc: {  	[smem:$0x3FAF] =	sst s4  }
0xd: {  	[smem:$0x3FB0] =	sst s5  }
0xe: {  	[smem:$0x3FB1] =	sst s6  }
0xf: {  	[smem:$0x3FB2] =	sst s7  }
0x10: {  	[smem:$0x3FB3] =	sst s8  }
0x11: {  	[smem:$0x3FB4] =	sst s9;
	s0 =	simm.s32 @!p0 $0x0  }
0x12: {  	s1 =	sld [smem:$0x3F9A];
	s0 =	simm.s32 @p0 $0x1  }
0x13: {  	[smem:$0x3FB5] =	sst s0;
	s0 =	simm.s32 @!p1 $0x0  }
0x14: {  	s2 =	sld [smem:$0x3F99];
	s0 =	simm.s32 @p1 $0x1  }
0x15: {  	[smem:$0x3FB6] =	sst s0;
	s0 =	simm.s32 @!p2 $0x0  }
0x16: {  	s3 =	sld [smem:$0x3FDB];
	s0 =	simm.s32 @p2 $0x1  }
0x17: {  	s4 =	simm.s32 $0x1BF5;
	[smem:$0x3FB8] =	sst s0  }
0x18: {  	s0 =	sld [smem:$0x3F9B];
	_ =	swait.ge [sflag:s4], $0x0  }
0x19: {  	s7 =	sld [smem:$0x3F9C]  }
0x1a: {  	s8 =	sadd.s32 $0xFFFFE003, lr  }
0x1b: {  	s9 =	sadd.s32 $0xFFFFFEF7, lr;
	s5 =	simm.s32 $0xFFFFFFFF;
	p2 =	slt.u32 s8, $0xFFFFF086  }
0x1c: {  	p1 =	slt.u32 s9, $0xF7A;
	s5 =	simm.s32 @!p2 $0x0  }
0x1d: {  	s5 =	simm.s32 @p1 $0x1;
	p0 =	seq.s32 s7, s2  }
0x1e: {  	s7 =	smul.u32 @!p0 $0xF7A, s2;
	p2 =	seq.s32 @!p0 s5, $0x0  }
0x1f: {  	s9 =	smul.u32 $0xF7A, s1;
	s8 =	simm.s32 @!p0 $0x1BF5;
	p2 =	por !p2, p0  }
0x20: {  	[sflag:s8] =	ssyncset.s32 @!p0 $0xFFFFF086;
	s6 =	sadd.s32 @!p0 s3, s7;
	s7 =	simm.s32 @!p0 $0x108  }
0x21: {  	s3 =	sadd.s32 s3, s9;
	s6 =	sadd.s32 @!p0 $0x88, s6;
	s7 =	simm.s32 @p2 $0x1082  }
0x22: {  	[simem:s7], [sflag:s8] =	dma.local @!p0 [hbm:s6], $0xF7A  }
0x23: {  	s9 =	sor.u32 $0xD0000000, s2;
	s6 =	simm.s32 $0x108;
	_ =	swait.ge @!p0 [sflag:s8], $0x0  }
0x24: {  	s3 =	sadd.s32 $0x88, s3;
	s6 =	simm.s32 @!p1 $0x1082;
	[sflag:s4] =	ssyncset.s32 $0xFFFFF086  }
0x25: {  	[simem:s6], [sflag:s4] =	dma.local [hbm:s3], $0xF7A  }
0x26: {  	[smem:$0x3F9C] =	sst s1;
	(tag) =	ssettag s2;
	_ =	strace s9  }
0x27: {  	s1 =	sld [smem:$0x3FAC]  }
0x28: {  	s2 =	sld [smem:$0x3FAD]  }
0x29: {  	s4 =	sld [smem:$0x3FAF]  }
0x2a: {  	p0 =	seq.s32 s5, $0x0;
	s5 =	sld [smem:$0x3FB0]  }
0x2b: {  	s6 =	sld [smem:$0x3FB1]  }
0x2c: {  	s7 =	sld [smem:$0x3FB2]  }
0x2d: {  	s3 =	simm.s32 $0x108;
	s8 =	sld [smem:$0x3FB3]  }
0x2e: {  	s3 =	simm.s32 @!p0 $0x1082;
	s9 =	sld [smem:$0x3FB4]  }
0x2f: {  	lr =	sadd.s32 s0, s3;
	s0 =	sld [smem:$0x3FAB]  }
0x30: {  	s3 =	sld [smem:$0x3FAE]  }
0x31: {  	[smem:$0x3FB7] =	sst s10  }
0x32: {  	s10 =	sld [smem:$0x3FB5];
	_ =	sdelay $0x3  }
0x33: {  	p0 =	seq.s32 s10, $0x1;
	s10 =	sld [smem:$0x3FB7];
	_ =	sdelay $0x3  }
0x34: {  	[smem:$0x3FB7] =	sst s10  }
0x35: {  	s10 =	sld [smem:$0x3FB6];
	_ =	sdelay $0x3  }
0x36: {  	p1 =	seq.s32 s10, $0x1;
	s10 =	sld [smem:$0x3FB7];
	_ =	sdelay $0x3  }
0x37: {  	[smem:$0x3FB7] =	sst s10  }
0x38: {  	s10 =	sld [smem:$0x3FB8]  }
0x39: {  	_ = 	snop;
	(pc) =	sbr.ind lr, $3  }
0x3a: {  	_ = 	snop  }
0x3b: {  	_ = 	snop  }
0x3c: {  	p2 =	seq.s32 s10, $0x1;
	s10 =	sld [smem:$0x3FB7]  }
0x3d: {  	_ =	shalt  }
0x3e: {  	_ =	shalt  }
0x3f: {  	_ =	shalt  }
0x40: {  	_ =	shalt  }
0x41: {  	_ =	shalt  }
0x42: {  	_ =	shalt  }
0x43: {  	_ =	shalt  }
0x44: {  	_ =	shalt  }
0x45: {  	_ =	shalt  }
0x46: {  	_ =	shalt  }
0x47: {  	_ =	shalt  }
0x48: {  	_ =	shalt  }
0x49: {  	_ =	shalt  }
0x4a: {  	_ =	shalt  }
0x4b: {  	_ =	shalt  }
0x4c: {  	_ =	shalt  }
0x4d: {  	_ =	shalt  }
0x4e: {  	_ =	shalt  }
0x4f: {  	_ =	shalt  }
0x50: {  	_ =	shalt  }
0x51: {  	_ =	shalt  }
0x52: {  	_ =	shalt  }
0x53: {  	_ =	shalt  }
0x54: {  	_ =	shalt  }
0x55: {  	_ =	shalt  }
0x56: {  	_ =	shalt  }
0x57: {  	_ =	shalt  }
0x58: {  	_ =	shalt  }
0x59: {  	_ =	shalt  }
0x5a: {  	_ =	shalt  }
0x5b: {  	_ =	shalt  }
0x5c: {  	_ =	shalt  }
0x5d: {  	_ =	shalt  }
0x5e: {  	_ =	shalt  }
0x5f: {  	_ =	shalt  }
0x60: {  	_ =	shalt  }
0x61: {  	_ =	shalt  }
0x62: {  	_ =	shalt  }
0x63: {  	_ =	shalt  }
0x64: {  	_ =	shalt  }
0x65: {  	_ =	shalt  }
0x66: {  	_ =	shalt  }
0x67: {  	_ =	shalt  }
0x68: {  	_ =	shalt  }
0x69: {  	_ =	shalt  }
0x6a: {  	_ =	shalt  }
0x6b: {  	_ =	shalt  }
0x6c: {  	_ =	shalt  }
0x6d: {  	_ =	shalt  }
0x6e: {  	_ =	shalt  }
0x6f: {  	_ =	shalt  }
0x70: {  	_ =	shalt  }
0x71: {  	_ =	shalt  }
0x72: {  	_ =	shalt  }
0x73: {  	_ =	shalt  }
0x74: {  	_ =	shalt  }
0x75: {  	_ =	shalt  }
0x76: {  	_ =	shalt  }
0x77: {  	_ =	shalt  }
0x78: {  	_ =	shalt  }
0x79: {  	_ =	shalt  }
0x7a: {  	_ =	shalt  }
0x7b: {  	_ =	shalt  }
0x7c: {  	_ =	shalt  }
0x7d: {  	_ =	shalt  }
0x7e: {  	_ =	shalt  }
0x7f: {  	_ =	shalt  }
0x80: {  	_ =	shalt  }
0x81: {  	_ =	shalt  }
0x82: {  	_ =	shalt  }
0x83: {  	_ =	shalt  }
0x84: {  	_ =	shalt  }
0x85: {  	_ =	shalt  }
0x86: {  	_ =	shalt  }
0x87: {  	_ =	shalt  }
.Lfunc_end0:
.L_simem_size_0:
called_computation_lowered:
.L_overlay_start_0:
0x88: {  	s2 =	sld [smem:$0x3FD9]  }
0x89: {  	s3 =	sld [smem:$0x3FFE];
	_ =	sdelay $0x1  }
0x8a: {  	s1 =	srdreg.scid  }
0x8b: {  	s0 =	sand.u32 $0x1, s1  }
0x8c: {  	s17 =	sshll.u32 s0, $0xA;
	s2 =	sadd.s32 s3, s2  }
0x8d: {  	s2 =	sadd.s32 s2, s17  }
0x8e: {  	[smem:$0x3FC3] =	sst s2  }
0x8f: {  	_ = 	snop  }
0x90: {  	s2 =	sld [smem:$0x3FD0];
	(tm) =	ssettm $0x1  }
0x91: {  	s18 =	sld [smem:$0x3FFB];
	_ =	sdelay $0x3  }
0x92: {  	_ =	strace s18  }
0x93: {  	s3 =	sld [smem:$0x3FFC];
	_ =	sdelay $0x3  }
0x94: {  	_ =	strace s3  }
0x95: {  	s3 =	sld [smem:$0x3FFD];
	_ =	sdelay $0x3  }
0x96: {  	_ =	strace s3  }
0x97: {  	_ =	strace $0x8FFFFFFF  }
0x98: {  	s19 =	sld [smem:$0x3FDB];
	_ =	sdelay $0x1  }
0x99: {  	s4 =	simm.s32 $_scs_section_size  }
0x9a: {  	s5 =	simm.s32 $_size__tile_overlayer_lowered;
	s6 =	simm.s32 $_tile_overlayer_lowered  }
0x9b: {  	s22 =	simm.s32 $0x1BFF;
	s21 =	sshll.u32 s6, $0x1;
	s3 =	sadd.s32 s4, s19  }
0x9c: {  	s7 =	simm.s32 $0x0;
	s20 =	sshll.u32 s5, $0x1;
	s5 =	sadd.s32 s21, s3  }
0x9d: {  	[timem:s7], [sflag:s22] =	dma.local [hbm:s5], s20  }
0x9e: {  	_ =	swait.ge [sflag:s22], s20  }
0x9f: {  	s4 =	ssub.s32 $0x0, s20;
	[sflag:s22] =	ssyncset.done $0x0  }
0xa0: {  	[sflag:s22] =	ssyncadd.s32 s4;
	_ =	sdelay $0x1  }
0xa1: {  	s23 =	simm.s32 $0x1B8B  }
0xa2: {  	_ =	swait.ge [sflag:s23], $0x1  }
0xa3: {  	[sflag:s23] =	ssyncset.done $0x0  }
0xa4: {  	s25 =	simm.s32 $0x1B8E;
	s24 =	sld [smem:$0x3FFE];
	[sflag:s23] =	ssyncadd.s32 $0xFFFFFFFF  }
0xa5: {  	s26 =	simm.s32 $execute0_lowered;
	[smem:$0x3FD2] =	sst s25  }
0xa6: {  	s5 =	sshll.u32 s26, $0x1;
	_ =	strace $0x80000046;
	[dreg:$0x1] =	wrdreg $0xFFFFFFFF  }
0xa7: {  	s28 =	simm.s32 $_size_execute0_lowered;
	s3 =	sadd.s32 s3, s5;
	[dreg:$0x0] =	wrdreg $0x0  }
0xa8: {  	s5 =	sshll.u32 s28, $0x1;
	[dreg:$0x2] =	wrdreg s3  }
0xa9: {  	[dreg:$0x3] =	wrdreg s5  }
0xaa: {  	[dreg:$0x4] =	wrdreg $0xC0  }
0xab: {  	_ =	task [dreg:s7], $0x5FFFF  }
0xac: {  	[dreg:$0x1] =	wrdreg $0xFFFFFFFF  }
0xad: {  	[dreg:$0x0] =	wrdreg $0x60  }
0xae: {  	[dreg:$0x2] =	wrdreg s24  }
0xaf: {  	[dreg:$0x3] =	wrdreg s2  }
0xb0: {  	[dreg:$0x4] =	wrdreg $0x147800  }
0xb1: {  	[dreg:$0x5] =	wrdreg $0x9  }
0xb2: {  	_ =	task.clear_ibuf [dreg:s7], $0x6FFFF;
	_ =	strace $0x90000046  }
0xb3: {  	s29 =	simm.s32 $0x9;
	_ =	strace $0x80000048  }
0xb4: {  	_ =	swait.ge [sflag:s29], $0x1  }
0xb5: {  	[sflag:s29] =	ssyncadd.s32 $0xFFFFFFFF  }
0xb6: {  	_ =	strace $0x90000048  }
0xb7: {  	_ =	sfence  }
0xb8: {  	s30 =	sld [smem:$0x0];
	_ =	sdelay $0x2  }
0xb9: {  	s31 =	sshll.u32 s1, $0xD;
	s1 =	sshrl.u32 s1, $0x2  }
0xba: {  	s3 =	sand.u32 $0x4000, s31;
	s1 =	sadd.s32 s1, s30  }
0xbb: {  	s0 =	sor.u32 s3, s0;
	s1 =	sshll.u32 s1, $0x11  }
0xbc: {  	s0 =	sor.u32 s1, s0  }
0xbd: {  	s0 =	sadd.s32 $0x8F2B, s0  }
0xbe: {  	[sflag:s0] =	ssyncadd.remote.s32 $0x1  }
0xbf: {  	_ =	sfence.sel $0xFFFF  }
0xc0: {  	[dreg:$0x0] =	wrdreg $0xFFFFFFFF;
	(pc) =	sbr.abs _section_cstart, $3  }
0xc1: {  	[dreg:$0x1] =	wrdreg $0xFFFFFFFF  }
0xc2: {  	_ =	task.clear_ibuf [dreg:s7], $0x2FFFF;
	_ =	strace $0x9FFFFFFF  }
0xc3: {  	(tm) =	ssettm $0x7FFFFFFF  }
tec
execute0_lowered:
.L_overlay_start_1:
0x0: {  	(tag) =	ssettag $0x1  }
0x1: {  	s0 =	rddreg [dreg:$0x0]  }
0x2: {  	s5 =	rddreg [dreg:$0x1]  }
0x3: {  	s1 =	rddreg [dreg:$0x2];
	s3 =	srdreg.scid;
	s2 =	simm.s32 $0x0  }
0x4: {  	s7 =	stileid.u32;
	s29 =	simm.s32 $0x300;
	s28 =	simm.s32 $0x380  }
0x5: {  	s30 =	simm.s32 $0x4;
	s31 =	simm.s32 $0xA;
	s6 =	sand.u32 $0x1, s3  }
0x6: {  	[smem:$0x7FF] =	sst s2;
	s4 =	sadd.s32 $0x1000, s0;
	p0 =	sne.s32 s7, $0x0  }
0x7: {  	s3 =	sshll.u32 s6, $0x4;
	_ =	strace $0x80000047;
	s9 =	ssub.s32 $0x2, s6  }
0x8: {  	s6 =	smul.u32 $0x640000, s6;
	s8 =	sor.u32 s7, s3;
	s3 =	sadd.s32 $0x1A000, s0  }
0x9: {  	s0 =	sadd.s32 $0x33000, s0;
	s24 =	sshrl.u32 s9, $0x1;
	s10 =	smul.u32 $0x6400, s8  }
0xa: {  	[dreg:$0x8] =	wrdreg s0;
	s0 =	ssub.s32 s9, s24;
	s19 =	smul.u32 $0x64000, s8  }
0xb: {  	s8 =	smul.u32 $0x320000, s8;
	s0 =	smax.u32 s0, $0x1;
	s9 =	sshrl.u32 s10, $0x3  }
0xc: {  	s11 =	sor.u32 $0x80, s10;
	s13 =	sor.u32 $0x100, s10;
	s15 =	sor.u32 $0x180, s10  }
0xd: {  	s23 =	sor.u32 $0x280, s10;
	s24 =	sor.u32 $0x300, s10;
	[smem:$0x7FD] =	sst s0  }
0xe: {  	s8 =	sshrl.u32 s8, $0x3;
	s0 =	simm.s32 $0x0;
	[dreg:$0x4] =	wrdreg s23  }
0xf: {  	s12 =	sadd.s32 s3, s9;
	s25 =	sshrl.u32 s11, $0x3;
	[dreg:$0x5] =	wrdreg s24  }
0x10: {  	s26 =	sshrl.u32 s13, $0x3;
	s23 =	sadd.s32 $0x480, s10;
	[dreg:$0x9] =	wrdreg s12  }
0x11: {  	s17 =	sshrl.u32 s15, $0x3;
	s14 =	sadd.s32 s3, s25;
	[dreg:$0x1e] =	wrdreg s23  }
0x12: {  	s20 =	sor.u32 $0x40, s9;
	s12 =	sadd.s32 s4, s25;
	[dreg:$0xa] =	wrdreg s14  }
0x13: {  	s11 =	sshll.u32 s11, $0x4;
	s16 =	sadd.s32 s3, s26;
	[dreg:$0xb] =	wrdreg s12  }
0x14: {  	s21 =	sshll.u32 s13, $0x4;
	s18 =	sadd.s32 s3, s17;
	[dreg:$0xc] =	wrdreg s16  }
0x15: {  	s22 =	sshll.u32 s15, $0x4;
	s11 =	sadd.s32 s5, s11;
	[dreg:$0xe] =	wrdreg s18  }
0x16: {  	s13 =	sor.u32 $0x50, s9;
	s25 =	sor.u32 $0x380, s10;
	[dreg:$0x11] =	wrdreg s11  }
0x17: {  	s8 =	sadd.s32 s5, s8;
	s15 =	sadd.s32 s3, s13;
	[dreg:$0x6] =	wrdreg s25  }
0x18: {  	s14 =	sadd.s32 s4, s26;
	s12 =	sadd.s32 s4, s17;
	[dreg:$0x16] =	wrdreg s15  }
0x19: {  	s11 =	sadd.s32 s5, s21;
	s26 =	smul.u32 $0x64000, s7;
	[dreg:$0xd] =	wrdreg s14  }
0x1a: {  	s16 =	sadd.s32 s4, s13;
	s17 =	sor.u32 $0x60, s9;
	[dreg:$0xf] =	wrdreg s12  }
0x1b: {  	s18 =	sadd.s32 s4, s9;
	s25 =	sshrl.u32 s23, $0x3;
	[dreg:$0x12] =	wrdreg s11  }
0x1c: {  	s7 =	simm.s32 $0x80;
	s15 =	simm.s32 $0x100;
	[dreg:$0x17] =	wrdreg s16  }
0x1d: {  	s23 =	simm.s32 $0x3;
	s14 =	sadd.s32 s5, s19;
	[dreg:$0x18] =	wrdreg s18  }
0x1e: {  	s11 =	sadd.s32 s5, s22;
	s5 =	sadd.s32 s6, s5;
	[dreg:$0x10] =	wrdreg s14  }
0x1f: {  	s19 =	sor.u32 $0x70, s9;
	s22 =	sadd.s32 $0x400, s10;
	[dreg:$0x13] =	wrdreg s11  }
0x20: {  	s18 =	simm.s32 $0x180;
	s11 =	sadd.s32 s3, s20;
	[dreg:$0x1c] =	wrdreg s22  }
0x21: {  	s16 =	simm.s32 $0x1;
	s14 =	sadd.s32 s4, s20;
	[dreg:$0x14] =	wrdreg s11  }
0x22: {  	s9 =	simm.s32 $0xD;
	s5 =	sadd.s32 s26, s5;
	[dreg:$0x15] =	wrdreg s14  }
0x23: {  	s10 =	simm.s32 $0x5;
	s20 =	sadd.s32 s3, s17;
	[dreg:$0x7] =	wrdreg s5  }
0x24: {  	s21 =	sadd.s32 s3, s19;
	s6 =	sadd.s32 s4, s19;
	[dreg:$0x19] =	wrdreg s20  }
0x25: {  	s26 =	sadd.s32 $0x63800, s8;
	s19 =	simm.s32 $0x2;
	[dreg:$0x1b] =	wrdreg s21  }
0x26: {  	s8 =	simm.s32 $0xC;
	s5 =	sadd.s32 s4, s17;
	[dreg:$0x1d] =	wrdreg s6  }
0x27: {  	s6 =	sadd.s32 s3, s25;
	[smem:$0x7FC] =	sst s26;
	s21 =	simm.s32 $0x200  }
0x28: {  	s17 =	simm.s32 $0x280;
	s20 =	simm.s32 $0x8;
	s26 =	simm.s32 $0x9  }
0x29: {  	s11 =	simm.s32 $0xF;
	[dreg:$0x1a] =	wrdreg s5;
	s5 =	sshrl.u32 s22, $0x3  }
0x2a: {  	[smem:$0x7FA] =	sst s6;
	s22 =	simm.s32 $0x6;
	s24 =	sadd.s32 s3, s5  }
0x2b: {  	s6 =	simm.s32 $0xE;
	s5 =	sadd.s32 s4, s5;
	[dreg:$0x1f] =	wrdreg s24  }
0x2c: {  	[smem:$0x7F9] =	sst s5;
	s5 =	sadd.s32 s4, s25;
	s25 =	simm.s32 $0x10780  }
0x2d: {  	s24 =	simm.s32 $0xB;
	[smem:$0x7FB] =	sst s5;
	s5 =	simm.s32 $0x7  }
.LBB2_1:
0x2e: {  	[smem:$0x7F8] =	sst s0  }
0x2f: {  	s12 =	sshrl.u32 @!p0 s1, $0x3;
	s13 =	simm.s32 @!p0 $0x1C10;
	s14 =	rddreg [dreg:$0x8]  }
0x30: {  	[spmem:s12], [sflag:s13] =	dma.local @!p0 [hbm:s14], $0xA80  }
0x31: {  	s12 =	simm.s32 @!p0 $0x10  }
0x32: {  	_ =	swait.ge @!p0 [sflag:s12], $0xA80  }
0x33: {  	[sflag:s12] =	ssyncset.done @!p0 $0x0  }
0x34: {  	[sflag:s12] =	ssyncadd.s32 @!p0 $0xFFFFF580  }
0x35: {  	[bflag:$0x0] =	sbarrier.arrive $0xFFFF  }
0x36: {  	s13 =	rddreg [dreg:$0x9]  }
0x37: {  	[tilespmem:s2], [sflag:$0x1] =	stream.linear.gather [hbm4b:s13+s2], $0x80, $0x38;
	[tilespmem:$0x14CC0] =	vst v63  }
0x38: {  	s14 =	rddreg [dreg:$0x18]  }
0x39: {  	[tilespmem:s7], [sflag:$0x1] =	stream.linear.gather [hbm4b:s14+s2], $0x80, $0x38;
	[tilespmem:$0x14CC0] =	vst v63  }
0x3a: {  	s0 =	rddreg [dreg:$0xa]  }
0x3b: {  	[tilespmem:s15], [sflag:$0x2] =	stream.linear.gather [hbm4b:s0+s2], $0x80, $0x38;
	[tilespmem:$0x14CC0] =	vst v63  }
0x3c: {  	s13 =	rddreg [dreg:$0xb]  }
0x3d: {  	[tilespmem:s18], [sflag:$0x2] =	stream.linear.gather [hbm4b:s13+s2], $0x80, $0x38;
	[tilespmem:$0x14CC0] =	vst v63  }
0x3e: {  	s14 =	rddreg [dreg:$0xc]  }
0x3f: {  	[tilespmem:s21], [sflag:$0x3] =	stream.linear.gather [hbm4b:s14+s2], $0x80, $0x38;
	[tilespmem:$0x14CC0] =	vst v63  }
0x40: {  	s0 =	rddreg [dreg:$0xd]  }
0x41: {  	[tilespmem:s17], [sflag:$0x3] =	stream.linear.gather [hbm4b:s0+s2], $0x80, $0x38;
	[tilespmem:$0x14CC0] =	vst v63  }
0x42: {  	s13 =	rddreg [dreg:$0xe]  }
0x43: {  	[tilespmem:s29], [sflag:$0x4] =	stream.linear.gather [hbm4b:s13+s2], $0x80, $0x38;
	[tilespmem:$0x14CC0] =	vst v63  }
0x44: {  	s14 =	rddreg [dreg:$0xf]  }
0x45: {  	[tilespmem:s28], [sflag:$0x4] =	stream.linear.gather [hbm4b:s14+s2], $0x80, $0x38;
	[tilespmem:$0x14CC0] =	vst v63  }
0x46: {  	s0 =	rddreg [dreg:$0x14];
	s13 =	simm.s32 $0x400  }
0x47: {  	[tilespmem:s13], [sflag:$0x5] =	stream.linear.gather [hbm4b:s0+s2], $0x80, $0x38;
	[tilespmem:$0x14CC0] =	vst v63  }
0x48: {  	s14 =	rddreg [dreg:$0x15];
	s0 =	simm.s32 $0x480  }
0x49: {  	[tilespmem:s0], [sflag:$0x5] =	stream.linear.gather [hbm4b:s14+s2], $0x80, $0x38;
	[tilespmem:$0x14CC0] =	vst v63  }
0x4a: {  	_ =	swait.ge [sflag:s16], $0x80  }
0x4b: {  	[sflag:s16] =	ssyncset.done $0x0  }
0x4c: {  	[sflag:s16] =	ssyncadd.s32 $0xFFFFFF80  }
0x4d: {  	_ =	swait.ge [sflag:s16], $0x80  }
0x4e: {  	[sflag:s16] =	ssyncset.done $0x0  }
0x4f: {  	[sflag:s16] =	ssyncadd.s32 $0xFFFFFF80  }
0x50: {  	v0 =	vld [tilespmem:$0x0]  }
0x51: {  	v1 =	vld [tilespmem:$0x80]  }
0x52: {  	v2 =	vld [tilespmem:$0x10]  }
0x53: {  	v3 =	vld [tilespmem:$0x90]  }
0x54: {  	v4 =	vld [tilespmem:$0x20]  }
0x55: {  	v5 =	vld [tilespmem:$0xA0]  }
0x56: {  	v6 =	vld [tilespmem:$0x30]  }
0x57: {  	v7 =	vld [tilespmem:$0xB0]  }
0x58: {  	v8 =	vld [tilespmem:$0x40]  }
0x59: {  	v9 =	vld [tilespmem:$0xC0]  }
0x5a: {  	v10 =	vld [tilespmem:$0x50]  }
0x5b: {  	v11 =	vld [tilespmem:$0xD0];
	v0 =	vmul.u32 $0x7, v0  }
0x5c: {  	v12 =	vld [tilespmem:$0x60];
	v2 =	vmul.u32 $0x7, v2  }
0x5d: {  	v32 =	vld [tilespmem:$0x70];
	v31 =	vmul.u32 $0x7, v4;
	v0 =	vadd.s32 v1, v0  }
0x5e: {  	v35 =	vld [tilespmem:$0xE0];
	v34 =	vmul.u32 $0x7, v6;
	v33 =	vadd.s32 v3, v2;
	[tilespmem:$0x500] =	vst v0  }
0x5f: {  	v38 =	vld [tilespmem:$0xF0];
	v37 =	vmul.u32 $0x7, v8;
	v36 =	vadd.s32 v5, v31;
	[tilespmem:$0x510] =	vst v33  }
0x60: {  	v40 =	vmul.u32 $0x7, v10;
	v39 =	vadd.s32 v7, v34;
	[tilespmem:$0x520] =	vst v36  }
0x61: {  	v42 =	vmul.u32 $0x7, v12;
	v41 =	vadd.s32 v9, v37;
	[tilespmem:$0x530] =	vst v39  }
0x62: {  	v44 =	vmul.u32 $0x7, v32;
	v43 =	vadd.s32 v11, v40;
	[tilespmem:$0x540] =	vst v41  }
0x63: {  	v45 =	vadd.s32 v35, v42;
	[tilespmem:$0x550] =	vst v43  }
0x64: {  	v46 =	vadd.s32 v38, v44;
	[tilespmem:$0x560] =	vst v45  }
0x65: {  	s14 =	rddreg [dreg:$0x16];
	[tilespmem:$0x570] =	vst v46  }
0x66: {  	[tilespmem:s2], [sflag:$0x1] =	stream.linear.gather [hbm4b:s14+s2], $0x80, $0x38;
	[tilespmem:$0x14CC0] =	vst v63  }
0x67: {  	s14 =	rddreg [dreg:$0x17]  }
0x68: {  	[tilespmem:s7], [sflag:$0x1] =	stream.linear.gather [hbm4b:s14+s2], $0x80, $0x38;
	[tilespmem:$0x14CC0] =	vst v63  }
0x69: {  	s12 =	simm.s32 $0x500;
	s14 =	simm.s32 $0x780  }
0x6a: {  	[tilespmem:s14], [sflag:$0x6] =	stream.indirect.gather [spmem:s1], $0x80, s12, s7, $0xb8;
	[tilespmem:$0x14CC0] =	vst v63  }
0x6b: {  	_ =	swait.ge [sflag:s19], $0x80  }
0x6c: {  	[sflag:s19] =	ssyncset.done $0x0  }
0x6d: {  	[sflag:s19] =	ssyncadd.s32 $0xFFFFFF80  }
0x6e: {  	_ =	swait.ge [sflag:s19], $0x80  }
0x6f: {  	[sflag:s19] =	ssyncset.done $0x0  }
0x70: {  	[sflag:s19] =	ssyncadd.s32 $0xFFFFFF80  }
0x71: {  	v47 =	vld [tilespmem:$0x100]  }
0x72: {  	v48 =	vld [tilespmem:$0x180]  }
0x73: {  	v49 =	vld [tilespmem:$0x110]  }
0x74: {  	v50 =	vld [tilespmem:$0x190]  }
0x75: {  	v51 =	vld [tilespmem:$0x120]  }
0x76: {  	v52 =	vld [tilespmem:$0x1A0]  }
0x77: {  	v53 =	vld [tilespmem:$0x130]  }
0x78: {  	v54 =	vld [tilespmem:$0x1B0]  }
0x79: {  	v55 =	vld [tilespmem:$0x140]  }
0x7a: {  	v56 =	vld [tilespmem:$0x1C0]  }
0x7b: {  	v57 =	vld [tilespmem:$0x150]  }
0x7c: {  	v58 =	vld [tilespmem:$0x1D0];
	v0 =	vmul.u32 $0x7, v47  }
0x7d: {  	v59 =	vld [tilespmem:$0x160];
	v2 =	vmul.u32 $0x7, v49  }
0x7e: {  	v61 =	vld [tilespmem:$0x170];
	v60 =	vmul.u32 $0x7, v51;
	v0 =	vadd.s32 v48, v0  }
0x7f: {  	v13 =	vld [tilespmem:$0x1E0];
	v63 =	vmul.u32 $0x7, v53;
	v62 =	vadd.s32 v50, v2;
	[tilespmem:$0x580] =	vst v0  }
0x80: {  	v16 =	vld [tilespmem:$0x1F0];
	v15 =	vmul.u32 $0x7, v55;
	v14 =	vadd.s32 v52, v60;
	[tilespmem:$0x590] =	vst v62  }
0x81: {  	v18 =	vmul.u32 $0x7, v57;
	v17 =	vadd.s32 v54, v63;
	[tilespmem:$0x5A0] =	vst v14  }
0x82: {  	v20 =	vmul.u32 $0x7, v59;
	v19 =	vadd.s32 v56, v15;
	[tilespmem:$0x5B0] =	vst v17  }
0x83: {  	v22 =	vmul.u32 $0x7, v61;
	v21 =	vadd.s32 v58, v18;
	[tilespmem:$0x5C0] =	vst v19  }
0x84: {  	v23 =	vadd.s32 v13, v20;
	[tilespmem:$0x5D0] =	vst v21  }
0x85: {  	v24 =	vadd.s32 v16, v22;
	[tilespmem:$0x5E0] =	vst v23  }
0x86: {  	s12 =	rddreg [dreg:$0x19];
	[tilespmem:$0x5F0] =	vst v24  }
0x87: {  	[tilespmem:s15], [sflag:$0x2] =	stream.linear.gather [hbm4b:s12+s2], $0x80, $0x38;
	[tilespmem:$0x14CC0] =	vst v63  }
0x88: {  	s15 =	rddreg [dreg:$0x1a]  }
0x89: {  	[tilespmem:s18], [sflag:$0x2] =	stream.linear.gather [hbm4b:s15+s2], $0x80, $0x38;
	[tilespmem:$0x14CC0] =	vst v63  }
0x8a: {  	s18 =	simm.s32 $0x580;
	s15 =	simm.s32 $0x4780  }
0x8b: {  	[tilespmem:s15], [sflag:$0x7] =	stream.indirect.gather [spmem:s1], $0x80, s18, s7, $0xb8;
	[tilespmem:$0x14CC0] =	vst v63  }
0x8c: {  	_ =	swait.ge [sflag:s22], $0x4000  }
0x8d: {  	[sflag:s22] =	ssyncset.done $0x0  }
0x8e: {  	s18 =	rddreg [dreg:$0x10];
	[sflag:s22] =	ssyncadd.s32 $0xFFFFC000  }
0x8f: {  	[hbm4b:s18+s2] =	stream.linear.scatter [tilespmem:s14], [sflag:$0xB], $0x4000, $0x38;
	[tilespmem:$0x14CC0] =	vst v63  }
0x90: {  	_ =	swait.ge [sflag:s23], $0x80  }
0x91: {  	[sflag:s23] =	ssyncset.done $0x0  }
0x92: {  	[sflag:s23] =	ssyncadd.s32 $0xFFFFFF80  }
0x93: {  	_ =	swait.ge [sflag:s23], $0x80  }
0x94: {  	[sflag:s23] =	ssyncset.done $0x0  }
0x95: {  	[sflag:s23] =	ssyncadd.s32 $0xFFFFFF80  }
0x96: {  	v25 =	vld [tilespmem:$0x200]  }
0x97: {  	v26 =	vld [tilespmem:$0x280]  }
0x98: {  	v27 =	vld [tilespmem:$0x210]  }
0x99: {  	v28 =	vld [tilespmem:$0x290]  }
0x9a: {  	v29 =	vld [tilespmem:$0x220]  }
0x9b: {  	v30 =	vld [tilespmem:$0x2A0]  }
0x9c: {  	v31 =	vld [tilespmem:$0x230]  }
0x9d: {  	v32 =	vld [tilespmem:$0x2B0]  }
0x9e: {  	v33 =	vld [tilespmem:$0x240]  }
0x9f: {  	v34 =	vld [tilespmem:$0x2C0]  }
0xa0: {  	v35 =	vld [tilespmem:$0x250]  }
0xa1: {  	v36 =	vld [tilespmem:$0x2D0];
	v0 =	vmul.u32 $0x7, v25  }
0xa2: {  	v37 =	vld [tilespmem:$0x260];
	v2 =	vmul.u32 $0x7, v27  }
0xa3: {  	v39 =	vld [tilespmem:$0x270];
	v38 =	vmul.u32 $0x7, v29;
	v0 =	vadd.s32 v26, v0  }
0xa4: {  	v42 =	vld [tilespmem:$0x2E0];
	v41 =	vmul.u32 $0x7, v31;
	v40 =	vadd.s32 v28, v2;
	[tilespmem:$0x600] =	vst v0  }
0xa5: {  	v45 =	vld [tilespmem:$0x2F0];
	v44 =	vmul.u32 $0x7, v33;
	v43 =	vadd.s32 v30, v38;
	[tilespmem:$0x610] =	vst v40  }
0xa6: {  	v47 =	vmul.u32 $0x7, v35;
	v46 =	vadd.s32 v32, v41;
	[tilespmem:$0x620] =	vst v43  }
0xa7: {  	v49 =	vmul.u32 $0x7, v37;
	v48 =	vadd.s32 v34, v44;
	[tilespmem:$0x630] =	vst v46  }
0xa8: {  	v51 =	vmul.u32 $0x7, v39;
	v50 =	vadd.s32 v36, v47;
	[tilespmem:$0x640] =	vst v48  }
0xa9: {  	v52 =	vadd.s32 v42, v49;
	[tilespmem:$0x650] =	vst v50  }
0xaa: {  	v53 =	vadd.s32 v45, v51;
	[tilespmem:$0x660] =	vst v52  }
0xab: {  	s22 =	rddreg [dreg:$0x1b];
	[tilespmem:$0x670] =	vst v53  }
0xac: {  	[tilespmem:s21], [sflag:$0x3] =	stream.linear.gather [hbm4b:s22+s2], $0x80, $0x38;
	[tilespmem:$0x14CC0] =	vst v63  }
0xad: {  	s14 =	rddreg [dreg:$0x1d]  }
0xae: {  	[tilespmem:s17], [sflag:$0x3] =	stream.linear.gather [hbm4b:s14+s2], $0x80, $0x38;
	[tilespmem:$0x14CC0] =	vst v63  }
0xaf: {  	s21 =	simm.s32 $0x8780;
	s17 =	simm.s32 $0x600  }
0xb0: {  	[tilespmem:s21], [sflag:$0x8] =	stream.indirect.gather [spmem:s1], $0x80, s17, s7, $0xb8;
	[tilespmem:$0x14CC0] =	vst v63  }
0xb1: {  	_ =	swait.ge [sflag:s5], $0x4000  }
0xb2: {  	[sflag:s5] =	ssyncset.done $0x0  }
0xb3: {  	s18 =	rddreg [dreg:$0x11];
	[sflag:s5] =	ssyncadd.s32 $0xFFFFC000  }
0xb4: {  	[hbm4b:s18+s2] =	stream.linear.scatter [tilespmem:s15], [sflag:$0xC], $0x4000, $0x38;
	[tilespmem:$0x14CC0] =	vst v63  }
0xb5: {  	_ =	swait.ge [sflag:s30], $0x80  }
0xb6: {  	[sflag:s30] =	ssyncset.done $0x0  }
0xb7: {  	[sflag:s30] =	ssyncadd.s32 $0xFFFFFF80  }
0xb8: {  	_ =	swait.ge [sflag:s30], $0x80  }
0xb9: {  	[sflag:s30] =	ssyncset.done $0x0  }
0xba: {  	[sflag:s30] =	ssyncadd.s32 $0xFFFFFF80  }
0xbb: {  	v54 =	vld [tilespmem:$0x300]  }
0xbc: {  	v55 =	vld [tilespmem:$0x380]  }
0xbd: {  	v56 =	vld [tilespmem:$0x310]  }
0xbe: {  	v57 =	vld [tilespmem:$0x390]  }
0xbf: {  	v58 =	vld [tilespmem:$0x320]  }
0xc0: {  	v59 =	vld [tilespmem:$0x3A0]  }
0xc1: {  	v60 =	vld [tilespmem:$0x330]  }
0xc2: {  	v61 =	vld [tilespmem:$0x3B0]  }
0xc3: {  	v62 =	vld [tilespmem:$0x340]  }
0xc4: {  	v63 =	vld [tilespmem:$0x3C0]  }
0xc5: {  	v16 =	vld [tilespmem:$0x350]  }
0xc6: {  	v17 =	vld [tilespmem:$0x3D0];
	v0 =	vmul.u32 $0x7, v54  }
0xc7: {  	v18 =	vld [tilespmem:$0x360];
	v2 =	vmul.u32 $0x7, v56  }
0xc8: {  	v20 =	vld [tilespmem:$0x370];
	v19 =	vmul.u32 $0x7, v58;
	v0 =	vadd.s32 v55, v0  }
0xc9: {  	v23 =	vld [tilespmem:$0x3E0];
	v22 =	vmul.u32 $0x7, v60;
	v21 =	vadd.s32 v57, v2;
	[tilespmem:$0x680] =	vst v0  }
0xca: {  	v26 =	vld [tilespmem:$0x3F0];
	v25 =	vmul.u32 $0x7, v62;
	v24 =	vadd.s32 v59, v19;
	[tilespmem:$0x690] =	vst v21  }
0xcb: {  	v28 =	vmul.u32 $0x7, v16;
	v27 =	vadd.s32 v61, v22;
	[tilespmem:$0x6A0] =	vst v24  }
0xcc: {  	v30 =	vmul.u32 $0x7, v18;
	v29 =	vadd.s32 v63, v25;
	[tilespmem:$0x6B0] =	vst v27  }
0xcd: {  	v32 =	vmul.u32 $0x7, v20;
	v31 =	vadd.s32 v17, v28;
	[tilespmem:$0x6C0] =	vst v29  }
0xce: {  	v33 =	vadd.s32 v23, v30;
	[tilespmem:$0x6D0] =	vst v31  }
0xcf: {  	s22 =	rddreg [dreg:$0x1f];
	v34 =	vadd.s32 v26, v32;
	[tilespmem:$0x6E0] =	vst v33  }
0xd0: {  	s5 =	sld [smem:$0x7F9];
	[tilespmem:$0x6F0] =	vst v34  }
0xd1: {  	[tilespmem:s29], [sflag:$0x4] =	stream.linear.gather [hbm4b:s22+s2], $0x80, $0x38;
	[tilespmem:$0x14CC0] =	vst v63  }
0xd2: {  	_ = 	snop  }
0xd3: {  	[tilespmem:s28], [sflag:$0x4] =	stream.linear.gather [hbm4b:s5+s2], $0x80, $0x38;
	[tilespmem:$0x14CC0] =	vst v63  }
0xd4: {  	s14 =	simm.s32 $0x680;
	s17 =	simm.s32 $0xC780  }
0xd5: {  	[tilespmem:s17], [sflag:$0x9] =	stream.indirect.gather [spmem:s1], $0x80, s14, s7, $0xb8;
	[tilespmem:$0x14CC0] =	vst v63  }
0xd6: {  	_ =	swait.ge [sflag:s20], $0x4000  }
0xd7: {  	[sflag:s20] =	ssyncset.done $0x0  }
0xd8: {  	s15 =	rddreg [dreg:$0x12];
	[sflag:s20] =	ssyncadd.s32 $0xFFFFC000  }
0xd9: {  	[hbm4b:s15+s2] =	stream.linear.scatter [tilespmem:s21], [sflag:$0xD], $0x4000, $0x38;
	[tilespmem:$0x14CC0] =	vst v63  }
0xda: {  	_ =	swait.ge [sflag:s10], $0x80  }
0xdb: {  	[sflag:s10] =	ssyncset.done $0x0  }
0xdc: {  	[sflag:s10] =	ssyncadd.s32 $0xFFFFFF80  }
0xdd: {  	_ =	swait.ge [sflag:s10], $0x80  }
0xde: {  	[sflag:s10] =	ssyncset.done $0x0  }
0xdf: {  	[sflag:s10] =	ssyncadd.s32 $0xFFFFFF80  }
0xe0: {  	v35 =	vld [tilespmem:$0x400]  }
0xe1: {  	v36 =	vld [tilespmem:$0x480]  }
0xe2: {  	v37 =	vld [tilespmem:$0x410]  }
0xe3: {  	v38 =	vld [tilespmem:$0x490]  }
0xe4: {  	v39 =	vld [tilespmem:$0x420]  }
0xe5: {  	v40 =	vld [tilespmem:$0x4A0]  }
0xe6: {  	v41 =	vld [tilespmem:$0x430]  }
0xe7: {  	v42 =	vld [tilespmem:$0x4B0]  }
0xe8: {  	v43 =	vld [tilespmem:$0x440]  }
0xe9: {  	v44 =	vld [tilespmem:$0x4C0]  }
0xea: {  	v45 =	vld [tilespmem:$0x450]  }
0xeb: {  	v46 =	vld [tilespmem:$0x4D0];
	v0 =	vmul.u32 $0x7, v35  }
0xec: {  	v47 =	vld [tilespmem:$0x460];
	v2 =	vmul.u32 $0x7, v37  }
0xed: {  	v49 =	vld [tilespmem:$0x470];
	v48 =	vmul.u32 $0x7, v39;
	v0 =	vadd.s32 v36, v0  }
0xee: {  	v52 =	vld [tilespmem:$0x4E0];
	v51 =	vmul.u32 $0x7, v41;
	v50 =	vadd.s32 v38, v2;
	[tilespmem:$0x700] =	vst v0  }
0xef: {  	v55 =	vld [tilespmem:$0x4F0];
	v54 =	vmul.u32 $0x7, v43;
	v53 =	vadd.s32 v40, v48;
	[tilespmem:$0x710] =	vst v50  }
0xf0: {  	v57 =	vmul.u32 $0x7, v45;
	v56 =	vadd.s32 v42, v51;
	[tilespmem:$0x720] =	vst v53  }
0xf1: {  	v59 =	vmul.u32 $0x7, v47;
	v58 =	vadd.s32 v44, v54;
	[tilespmem:$0x730] =	vst v56  }
0xf2: {  	v61 =	vmul.u32 $0x7, v49;
	v60 =	vadd.s32 v46, v57;
	[tilespmem:$0x740] =	vst v58  }
0xf3: {  	s18 =	sld [smem:$0x7FA];
	v62 =	vadd.s32 v52, v59;
	[tilespmem:$0x750] =	vst v60  }
0xf4: {  	v63 =	vadd.s32 v55, v61;
	[tilespmem:$0x760] =	vst v62  }
0xf5: {  	s20 =	sld [smem:$0x7FB];
	[tilespmem:$0x770] =	vst v63  }
0xf6: {  	[tilespmem:s13], [sflag:$0x5] =	stream.linear.gather [hbm4b:s18+s2], $0x80, $0x38;
	[tilespmem:$0x14CC0] =	vst v63  }
0xf7: {  	_ = 	snop  }
0xf8: {  	[tilespmem:s0], [sflag:$0x5] =	stream.linear.gather [hbm4b:s20+s2], $0x80, $0x38;
	[tilespmem:$0x14CC0] =	vst v63  }
0xf9: {  	s22 =	simm.s32 $0x700  }
0xfa: {  	[tilespmem:s25], [sflag:$0xA] =	stream.indirect.gather [spmem:s1], $0x80, s22, s7, $0xb8;
	[tilespmem:$0x14CC0] =	vst v63  }
0xfb: {  	s12 =	simm.s32 $0x5;
	_ =	swait.ge [sflag:s26], $0x4000  }
0xfc: {  	s29 =	simm.s32 $0x6;
	s5 =	simm.s32 $0x7;
	s28 =	rddreg [dreg:$0x1c]  }
0xfd: {  	s13 =	simm.s32 $0x0;
	[sflag:s26] =	ssyncset.done $0x0;
	s18 =	rddreg [dreg:$0x1e]  }
0xfe: {  	s20 =	simm.s32 $0x8;
	[sflag:s26] =	ssyncadd.s32 $0xFFFFC000;
	s26 =	rddreg [dreg:$0x13]  }
0xff: {  	[hbm4b:s26+s2] =	stream.linear.scatter [tilespmem:s17], [sflag:$0xE], $0x4000, $0x38;
	[tilespmem:$0x14CC0] =	vst v63  }
.LBB2_2:
0x100: {  	_ =	swait.ge [sflag:s16], $0x80  }
0x101: {  	[sflag:s16] =	ssyncset.done $0x0  }
0x102: {  	[sflag:s16] =	ssyncadd.s32 $0xFFFFFF80  }
0x103: {  	_ =	swait.ge [sflag:s16], $0x80  }
0x104: {  	[sflag:s16] =	ssyncset.done $0x0  }
0x105: {  	[sflag:s16] =	ssyncadd.s32 $0xFFFFFF80  }
0x106: {  	v0 =	vld [tilespmem:$0x0]  }
0x107: {  	v1 =	vld [tilespmem:$0x80]  }
0x108: {  	v2 =	vld [tilespmem:$0x10]  }
0x109: {  	v3 =	vld [tilespmem:$0x90]  }
0x10a: {  	v4 =	vld [tilespmem:$0x20]  }
0x10b: {  	v5 =	vld [tilespmem:$0xA0]  }
0x10c: {  	v6 =	vld [tilespmem:$0x30]  }
0x10d: {  	v7 =	vld [tilespmem:$0xB0]  }
0x10e: {  	v8 =	vld [tilespmem:$0x40]  }
0x10f: {  	v9 =	vld [tilespmem:$0xC0]  }
0x110: {  	v10 =	vld [tilespmem:$0x50]  }
0x111: {  	v11 =	vld [tilespmem:$0xD0];
	v0 =	vmul.u32 $0x7, v0  }
0x112: {  	v12 =	vld [tilespmem:$0x60];
	v2 =	vmul.u32 $0x7, v2  }
0x113: {  	v32 =	vld [tilespmem:$0x70];
	v31 =	vmul.u32 $0x7, v4;
	v0 =	vadd.s32 v1, v0  }
0x114: {  	v35 =	vld [tilespmem:$0xE0];
	v34 =	vmul.u32 $0x7, v6;
	v33 =	vadd.s32 v3, v2;
	[tilespmem:$0x500] =	vst v0  }
0x115: {  	v38 =	vld [tilespmem:$0xF0];
	v37 =	vmul.u32 $0x7, v8;
	v36 =	vadd.s32 v5, v31;
	[tilespmem:$0x510] =	vst v33  }
0x116: {  	v40 =	vmul.u32 $0x7, v10;
	v39 =	vadd.s32 v7, v34;
	[tilespmem:$0x520] =	vst v36  }
0x117: {  	s15 =	smin.u32 s12, $0xC2;
	v42 =	vmul.u32 $0x7, v12;
	v41 =	vadd.s32 v9, v37;
	[tilespmem:$0x530] =	vst v39  }
0x118: {  	s15 =	sshll.u32 s15, $0x7;
	s14 =	rddreg [dreg:$0x4];
	v44 =	vmul.u32 $0x7, v32;
	v43 =	vadd.s32 v11, v40;
	[tilespmem:$0x540] =	vst v41  }
0x119: {  	s14 =	sadd.s32 s15, s14;
	v45 =	vadd.s32 v35, v42;
	[tilespmem:$0x550] =	vst v43  }
0x11a: {  	s14 =	sshrl.u32 s14, $0x3;
	v46 =	vadd.s32 v38, v44;
	[tilespmem:$0x560] =	vst v45  }
0x11b: {  	s25 =	sadd.s32 s3, s14;
	[tilespmem:$0x570] =	vst v46  }
0x11c: {  	[tilespmem:s2], [sflag:$0x1] =	stream.linear.gather [hbm4b:s25+s2], $0x80, $0x38;
	[tilespmem:$0x14CC0] =	vst v63  }
0x11d: {  	s14 =	sadd.s32 s4, s14  }
0x11e: {  	[tilespmem:s7], [sflag:$0x1] =	stream.linear.gather [hbm4b:s14+s2], $0x80, $0x38;
	[tilespmem:$0x14CC0] =	vst v63  }
0x11f: {  	_ =	swait.ge [sflag:s24], $0x4000  }
0x120: {  	[sflag:s24] =	ssyncset.done $0x0  }
0x121: {  	s0 =	simm.s32 $0x500;
	s22 =	simm.s32 $0x780;
	[sflag:s24] =	ssyncadd.s32 $0xFFFFC000  }
0x122: {  	[tilespmem:s22], [sflag:$0x6] =	stream.indirect.gather [spmem:s1], $0x80, s0, s7, $0xb8;
	[tilespmem:$0x14CC0] =	vst v63  }
0x123: {  	_ =	swait.ge [sflag:s31], $0x4000  }
0x124: {  	s26 =	rddreg [dreg:$0x7]  }
0x125: {  	[sflag:s31] =	ssyncset.done $0x0;
	s14 =	sadd.s32 s13, s26  }
0x126: {  	[sflag:s31] =	ssyncadd.s32 $0xFFFFC000;
	s26 =	simm.s32 $0x10780;
	s0 =	sadd.s32 $0x2000, s14  }
0x127: {  	[hbm4b:s0+s2] =	stream.linear.scatter [tilespmem:s26], [sflag:$0xF], $0x4000, $0x38;
	[tilespmem:$0x14CC0] =	vst v63  }
0x128: {  	_ =	swait.ge [sflag:s19], $0x80  }
0x129: {  	[sflag:s19] =	ssyncset.done $0x0  }
0x12a: {  	[sflag:s19] =	ssyncadd.s32 $0xFFFFFF80  }
0x12b: {  	_ =	swait.ge [sflag:s19], $0x80  }
0x12c: {  	[sflag:s19] =	ssyncset.done $0x0  }
0x12d: {  	[sflag:s19] =	ssyncadd.s32 $0xFFFFFF80  }
0x12e: {  	v47 =	vld [tilespmem:$0x100]  }
0x12f: {  	v48 =	vld [tilespmem:$0x180]  }
0x130: {  	v49 =	vld [tilespmem:$0x110]  }
0x131: {  	v50 =	vld [tilespmem:$0x190]  }
0x132: {  	v51 =	vld [tilespmem:$0x120]  }
0x133: {  	v52 =	vld [tilespmem:$0x1A0]  }
0x134: {  	v53 =	vld [tilespmem:$0x130]  }
0x135: {  	v54 =	vld [tilespmem:$0x1B0]  }
0x136: {  	v55 =	vld [tilespmem:$0x140]  }
0x137: {  	v56 =	vld [tilespmem:$0x1C0]  }
0x138: {  	v57 =	vld [tilespmem:$0x150]  }
0x139: {  	v58 =	vld [tilespmem:$0x1D0];
	v0 =	vmul.u32 $0x7, v47  }
0x13a: {  	v59 =	vld [tilespmem:$0x160];
	v2 =	vmul.u32 $0x7, v49  }
0x13b: {  	v61 =	vld [tilespmem:$0x170];
	v60 =	vmul.u32 $0x7, v51;
	v0 =	vadd.s32 v48, v0  }
0x13c: {  	v13 =	vld [tilespmem:$0x1E0];
	v63 =	vmul.u32 $0x7, v53;
	v62 =	vadd.s32 v50, v2;
	[tilespmem:$0x580] =	vst v0  }
0x13d: {  	v16 =	vld [tilespmem:$0x1F0];
	v15 =	vmul.u32 $0x7, v55;
	v14 =	vadd.s32 v52, v60;
	[tilespmem:$0x590] =	vst v62  }
0x13e: {  	v18 =	vmul.u32 $0x7, v57;
	v17 =	vadd.s32 v54, v63;
	[tilespmem:$0x5A0] =	vst v14  }
0x13f: {  	s25 =	smin.u32 s12, $0xC1;
	v20 =	vmul.u32 $0x7, v59;
	v19 =	vadd.s32 v56, v15;
	[tilespmem:$0x5B0] =	vst v17  }
0x140: {  	s25 =	sshll.u32 s25, $0x7;
	s24 =	rddreg [dreg:$0x5];
	v22 =	vmul.u32 $0x7, v61;
	v21 =	vadd.s32 v58, v18;
	[tilespmem:$0x5C0] =	vst v19  }
0x141: {  	s15 =	sadd.s32 s25, s24;
	v23 =	vadd.s32 v13, v20;
	[tilespmem:$0x5D0] =	vst v21  }
0x142: {  	s15 =	sshrl.u32 s15, $0x3;
	v24 =	vadd.s32 v16, v22;
	[tilespmem:$0x5E0] =	vst v23  }
0x143: {  	s24 =	simm.s32 $0x100;
	s0 =	sadd.s32 s3, s15;
	[tilespmem:$0x5F0] =	vst v24  }
0x144: {  	[tilespmem:s24], [sflag:$0x2] =	stream.linear.gather [hbm4b:s0+s2], $0x80, $0x38;
	[tilespmem:$0x14CC0] =	vst v63  }
0x145: {  	s25 =	simm.s32 $0x180;
	s15 =	sadd.s32 s4, s15  }
0x146: {  	[tilespmem:s25], [sflag:$0x2] =	stream.linear.gather [hbm4b:s15+s2], $0x80, $0x38;
	[tilespmem:$0x14CC0] =	vst v63  }
0x147: {  	_ =	swait.ge [sflag:s8], $0x4000  }
0x148: {  	[sflag:s8] =	ssyncset.done $0x0  }
0x149: {  	s24 =	simm.s32 $0x4780;
	s15 =	simm.s32 $0x580;
	[sflag:s8] =	ssyncadd.s32 $0xFFFFC000  }
0x14a: {  	[tilespmem:s24], [sflag:$0x7] =	stream.indirect.gather [spmem:s1], $0x80, s15, s7, $0xb8;
	[tilespmem:$0x14CC0] =	vst v63  }
0x14b: {  	_ =	swait.ge [sflag:s29], $0x4000  }
0x14c: {  	[sflag:s29] =	ssyncset.done $0x0  }
0x14d: {  	s25 =	sadd.s32 $0x2800, s14;
	[sflag:s29] =	ssyncadd.s32 $0xFFFFC000  }
0x14e: {  	[hbm4b:s25+s2] =	stream.linear.scatter [tilespmem:s22], [sflag:$0xB], $0x4000, $0x38;
	[tilespmem:$0x14CC0] =	vst v63  }
0x14f: {  	_ =	swait.ge [sflag:s23], $0x80  }
0x150: {  	[sflag:s23] =	ssyncset.done $0x0  }
0x151: {  	[sflag:s23] =	ssyncadd.s32 $0xFFFFFF80  }
0x152: {  	_ =	swait.ge [sflag:s23], $0x80  }
0x153: {  	[sflag:s23] =	ssyncset.done $0x0  }
0x154: {  	[sflag:s23] =	ssyncadd.s32 $0xFFFFFF80  }
0x155: {  	v25 =	vld [tilespmem:$0x200]  }
0x156: {  	v26 =	vld [tilespmem:$0x280]  }
0x157: {  	v27 =	vld [tilespmem:$0x210]  }
0x158: {  	v28 =	vld [tilespmem:$0x290]  }
0x159: {  	v29 =	vld [tilespmem:$0x220]  }
0x15a: {  	v30 =	vld [tilespmem:$0x2A0]  }
0x15b: {  	v31 =	vld [tilespmem:$0x230]  }
0x15c: {  	v32 =	vld [tilespmem:$0x2B0]  }
0x15d: {  	v33 =	vld [tilespmem:$0x240]  }
0x15e: {  	v34 =	vld [tilespmem:$0x2C0]  }
0x15f: {  	v35 =	vld [tilespmem:$0x250]  }
0x160: {  	v36 =	vld [tilespmem:$0x2D0];
	v0 =	vmul.u32 $0x7, v25  }
0x161: {  	v37 =	vld [tilespmem:$0x260];
	v2 =	vmul.u32 $0x7, v27  }
0x162: {  	v39 =	vld [tilespmem:$0x270];
	v38 =	vmul.u32 $0x7, v29;
	v0 =	vadd.s32 v26, v0  }
0x163: {  	v42 =	vld [tilespmem:$0x2E0];
	v41 =	vmul.u32 $0x7, v31;
	v40 =	vadd.s32 v28, v2;
	[tilespmem:$0x600] =	vst v0  }
0x164: {  	v45 =	vld [tilespmem:$0x2F0];
	v44 =	vmul.u32 $0x7, v33;
	v43 =	vadd.s32 v30, v38;
	[tilespmem:$0x610] =	vst v40  }
0x165: {  	v47 =	vmul.u32 $0x7, v35;
	v46 =	vadd.s32 v32, v41;
	[tilespmem:$0x620] =	vst v43  }
0x166: {  	s22 =	smin.u32 s12, $0xC0;
	v49 =	vmul.u32 $0x7, v37;
	v48 =	vadd.s32 v34, v44;
	[tilespmem:$0x630] =	vst v46  }
0x167: {  	s25 =	sshll.u32 s22, $0x7;
	s0 =	rddreg [dreg:$0x6];
	v51 =	vmul.u32 $0x7, v39;
	v50 =	vadd.s32 v36, v47;
	[tilespmem:$0x640] =	vst v48  }
0x168: {  	s15 =	sadd.s32 s25, s0;
	v52 =	vadd.s32 v42, v49;
	[tilespmem:$0x650] =	vst v50  }
0x169: {  	s15 =	sshrl.u32 s15, $0x3;
	v53 =	vadd.s32 v45, v51;
	[tilespmem:$0x660] =	vst v52  }
0x16a: {  	s22 =	simm.s32 $0x200;
	s0 =	sadd.s32 s3, s15;
	[tilespmem:$0x670] =	vst v53  }
0x16b: {  	[tilespmem:s22], [sflag:$0x3] =	stream.linear.gather [hbm4b:s0+s2], $0x80, $0x38;
	[tilespmem:$0x14CC0] =	vst v63  }
0x16c: {  	s25 =	simm.s32 $0x280;
	s15 =	sadd.s32 s4, s15  }
0x16d: {  	[tilespmem:s25], [sflag:$0x3] =	stream.linear.gather [hbm4b:s15+s2], $0x80, $0x38;
	[tilespmem:$0x14CC0] =	vst v63  }
0x16e: {  	_ =	swait.ge [sflag:s9], $0x4000  }
0x16f: {  	[sflag:s9] =	ssyncset.done $0x0  }
0x170: {  	s15 =	simm.s32 $0x600;
	[sflag:s9] =	ssyncadd.s32 $0xFFFFC000  }
0x171: {  	[tilespmem:s21], [sflag:$0x8] =	stream.indirect.gather [spmem:s1], $0x80, s15, s7, $0xb8;
	[tilespmem:$0x14CC0] =	vst v63  }
0x172: {  	_ =	swait.ge [sflag:s5], $0x4000  }
0x173: {  	[sflag:s5] =	ssyncset.done $0x0  }
0x174: {  	s22 =	sadd.s32 $0x3000, s14;
	[sflag:s5] =	ssyncadd.s32 $0xFFFFC000  }
0x175: {  	[hbm4b:s22+s2] =	stream.linear.scatter [tilespmem:s24], [sflag:$0xC], $0x4000, $0x38;
	[tilespmem:$0x14CC0] =	vst v63  }
0x176: {  	_ =	swait.ge [sflag:s30], $0x80  }
0x177: {  	[sflag:s30] =	ssyncset.done $0x0  }
0x178: {  	[sflag:s30] =	ssyncadd.s32 $0xFFFFFF80  }
0x179: {  	_ =	swait.ge [sflag:s30], $0x80  }
0x17a: {  	[sflag:s30] =	ssyncset.done $0x0  }
0x17b: {  	[sflag:s30] =	ssyncadd.s32 $0xFFFFFF80  }
0x17c: {  	v54 =	vld [tilespmem:$0x300]  }
0x17d: {  	v55 =	vld [tilespmem:$0x380]  }
0x17e: {  	v56 =	vld [tilespmem:$0x310]  }
0x17f: {  	v57 =	vld [tilespmem:$0x390]  }
0x180: {  	v58 =	vld [tilespmem:$0x320]  }
0x181: {  	v59 =	vld [tilespmem:$0x3A0]  }
0x182: {  	v60 =	vld [tilespmem:$0x330]  }
0x183: {  	v61 =	vld [tilespmem:$0x3B0]  }
0x184: {  	v62 =	vld [tilespmem:$0x340]  }
0x185: {  	v63 =	vld [tilespmem:$0x3C0]  }
0x186: {  	v16 =	vld [tilespmem:$0x350]  }
0x187: {  	v17 =	vld [tilespmem:$0x3D0];
	v0 =	vmul.u32 $0x7, v54  }
0x188: {  	v18 =	vld [tilespmem:$0x360];
	v2 =	vmul.u32 $0x7, v56  }
0x189: {  	v20 =	vld [tilespmem:$0x370];
	v19 =	vmul.u32 $0x7, v58;
	v0 =	vadd.s32 v55, v0  }
0x18a: {  	v23 =	vld [tilespmem:$0x3E0];
	v22 =	vmul.u32 $0x7, v60;
	v21 =	vadd.s32 v57, v2;
	[tilespmem:$0x680] =	vst v0  }
0x18b: {  	v26 =	vld [tilespmem:$0x3F0];
	v25 =	vmul.u32 $0x7, v62;
	v24 =	vadd.s32 v59, v19;
	[tilespmem:$0x690] =	vst v21  }
0x18c: {  	v28 =	vmul.u32 $0x7, v16;
	v27 =	vadd.s32 v61, v22;
	[tilespmem:$0x6A0] =	vst v24  }
0x18d: {  	s25 =	smin.u32 s12, $0xBF;
	v30 =	vmul.u32 $0x7, v18;
	v29 =	vadd.s32 v63, v25;
	[tilespmem:$0x6B0] =	vst v27  }
0x18e: {  	s15 =	sshll.u32 s25, $0x7;
	v32 =	vmul.u32 $0x7, v20;
	v31 =	vadd.s32 v17, v28;
	[tilespmem:$0x6C0] =	vst v29  }
0x18f: {  	s15 =	sadd.s32 s15, s28;
	v33 =	vadd.s32 v23, v30;
	[tilespmem:$0x6D0] =	vst v31  }
0x190: {  	s15 =	sshrl.u32 s15, $0x3;
	v34 =	vadd.s32 v26, v32;
	[tilespmem:$0x6E0] =	vst v33  }
0x191: {  	s0 =	sadd.s32 s3, s15;
	s22 =	simm.s32 $0x300;
	[tilespmem:$0x6F0] =	vst v34  }
0x192: {  	[tilespmem:s22], [sflag:$0x4] =	stream.linear.gather [hbm4b:s0+s2], $0x80, $0x38;
	[tilespmem:$0x14CC0] =	vst v63  }
0x193: {  	s25 =	simm.s32 $0x380;
	s15 =	sadd.s32 s4, s15  }
0x194: {  	[tilespmem:s25], [sflag:$0x4] =	stream.linear.gather [hbm4b:s15+s2], $0x80, $0x38;
	[tilespmem:$0x14CC0] =	vst v63  }
0x195: {  	_ =	swait.ge [sflag:s6], $0x4000  }
0x196: {  	[sflag:s6] =	ssyncset.done $0x0  }
0x197: {  	s15 =	simm.s32 $0x680;
	[sflag:s6] =	ssyncadd.s32 $0xFFFFC000  }
0x198: {  	[tilespmem:s17], [sflag:$0x9] =	stream.indirect.gather [spmem:s1], $0x80, s15, s7, $0xb8;
	[tilespmem:$0x14CC0] =	vst v63  }
0x199: {  	_ =	swait.ge [sflag:s20], $0x4000  }
0x19a: {  	[sflag:s20] =	ssyncset.done $0x0  }
0x19b: {  	s22 =	sadd.s32 $0x3800, s14;
	[sflag:s20] =	ssyncadd.s32 $0xFFFFC000  }
0x19c: {  	[hbm4b:s22+s2] =	stream.linear.scatter [tilespmem:s21], [sflag:$0xD], $0x4000, $0x38;
	[tilespmem:$0x14CC0] =	vst v63  }
0x19d: {  	_ =	swait.ge [sflag:s10], $0x80  }
0x19e: {  	[sflag:s10] =	ssyncset.done $0x0  }
0x19f: {  	[sflag:s10] =	ssyncadd.s32 $0xFFFFFF80  }
0x1a0: {  	_ =	swait.ge [sflag:s10], $0x80  }
0x1a1: {  	[sflag:s10] =	ssyncset.done $0x0  }
0x1a2: {  	[sflag:s10] =	ssyncadd.s32 $0xFFFFFF80  }
0x1a3: {  	v35 =	vld [tilespmem:$0x400]  }
0x1a4: {  	v36 =	vld [tilespmem:$0x480]  }
0x1a5: {  	v37 =	vld [tilespmem:$0x410]  }
0x1a6: {  	v38 =	vld [tilespmem:$0x490]  }
0x1a7: {  	v39 =	vld [tilespmem:$0x420]  }
0x1a8: {  	v40 =	vld [tilespmem:$0x4A0]  }
0x1a9: {  	v41 =	vld [tilespmem:$0x430]  }
0x1aa: {  	v42 =	vld [tilespmem:$0x4B0]  }
0x1ab: {  	v43 =	vld [tilespmem:$0x440]  }
0x1ac: {  	v44 =	vld [tilespmem:$0x4C0]  }
0x1ad: {  	v45 =	vld [tilespmem:$0x450]  }
0x1ae: {  	v46 =	vld [tilespmem:$0x4D0];
	v0 =	vmul.u32 $0x7, v35  }
0x1af: {  	v47 =	vld [tilespmem:$0x460];
	v2 =	vmul.u32 $0x7, v37  }
0x1b0: {  	v49 =	vld [tilespmem:$0x470];
	v48 =	vmul.u32 $0x7, v39;
	v0 =	vadd.s32 v36, v0  }
0x1b1: {  	v52 =	vld [tilespmem:$0x4E0];
	v51 =	vmul.u32 $0x7, v41;
	v50 =	vadd.s32 v38, v2;
	[tilespmem:$0x700] =	vst v0  }
0x1b2: {  	v55 =	vld [tilespmem:$0x4F0];
	v54 =	vmul.u32 $0x7, v43;
	v53 =	vadd.s32 v40, v48;
	[tilespmem:$0x710] =	vst v50  }
0x1b3: {  	v57 =	vmul.u32 $0x7, v45;
	v56 =	vadd.s32 v42, v51;
	[tilespmem:$0x720] =	vst v53  }
0x1b4: {  	s25 =	smin.u32 s12, $0xBE;
	v59 =	vmul.u32 $0x7, v47;
	v58 =	vadd.s32 v44, v54;
	[tilespmem:$0x730] =	vst v56  }
0x1b5: {  	s15 =	sshll.u32 s25, $0x7;
	v61 =	vmul.u32 $0x7, v49;
	v60 =	vadd.s32 v46, v57;
	[tilespmem:$0x740] =	vst v58  }
0x1b6: {  	s15 =	sadd.s32 s15, s18;
	v62 =	vadd.s32 v52, v59;
	[tilespmem:$0x750] =	vst v60  }
0x1b7: {  	s15 =	sshrl.u32 s15, $0x3;
	v63 =	vadd.s32 v55, v61;
	[tilespmem:$0x760] =	vst v62  }
0x1b8: {  	s0 =	sadd.s32 s3, s15;
	s22 =	simm.s32 $0x400;
	[tilespmem:$0x770] =	vst v63  }
0x1b9: {  	[tilespmem:s22], [sflag:$0x5] =	stream.linear.gather [hbm4b:s0+s2], $0x80, $0x38;
	[tilespmem:$0x14CC0] =	vst v63  }
0x1ba: {  	s25 =	simm.s32 $0x480;
	s15 =	sadd.s32 s4, s15  }
0x1bb: {  	[tilespmem:s25], [sflag:$0x5] =	stream.linear.gather [hbm4b:s15+s2], $0x80, $0x38;
	[tilespmem:$0x14CC0] =	vst v63  }
0x1bc: {  	_ =	swait.ge [sflag:s11], $0x4000  }
0x1bd: {  	[sflag:s11] =	ssyncset.done $0x0  }
0x1be: {  	p1 =	sne.s32 s13, $0x5F000;
	s22 =	simm.s32 $0x700;
	[sflag:s11] =	ssyncadd.s32 $0xFFFFC000  }
0x1bf: {  	[tilespmem:s26], [sflag:$0xA] =	stream.indirect.gather [spmem:s1], $0x80, s22, s7, $0xb8;
	[tilespmem:$0x14CC0] =	vst v63  }
.Ltmp0:
0x1c0: {  	s26 =	simm.s32 $0x9;
	(pc) =	sbr.rel @p1 .LBB2_2-.Ltmp0, $4  }
0x1c1: {  	s13 =	sadd.s32 $0x2800, s13;
	_ =	swait.ge [sflag:s26], $0x4000  }
0x1c2: {  	s24 =	simm.s32 $0xB;
	s14 =	sadd.s32 $0x4000, s14;
	[sflag:s26] =	ssyncset.done $0x0  }
0x1c3: {  	s12 =	sadd.s32 $0x5, s12;
	s25 =	simm.s32 $0x10780;
	[sflag:s26] =	ssyncadd.s32 $0xFFFFC000  }
0x1c4: {  	[hbm4b:s14+s2] =	stream.linear.scatter [tilespmem:s17], [sflag:$0xE], $0x4000, $0x38;
	[tilespmem:$0x14CC0] =	vst v63  }
0x1c5: {  	_ =	swait.ge [sflag:s31], $0x4000  }
0x1c6: {  	s12 =	sld [smem:$0x7FC]  }
0x1c7: {  	[sflag:s31] =	ssyncset.done $0x0  }
0x1c8: {  	[sflag:s31] =	ssyncadd.s32 $0xFFFFC000  }
0x1c9: {  	[hbm4b:s12+s2] =	stream.linear.scatter [tilespmem:s25], [sflag:$0xF], $0x4000, $0x38;
	[tilespmem:$0x14CC0] =	vst v63  }
0x1ca: {  	_ =	swait.ge [sflag:s24], $0x4000  }
0x1cb: {  	[sflag:s24] =	ssyncset.done $0x0  }
0x1cc: {  	[sflag:s24] =	ssyncadd.s32 $0xFFFFC000  }
0x1cd: {  	_ =	swait.ge [sflag:s16], $0x80  }
0x1ce: {  	[sflag:s16] =	ssyncset.done $0x0  }
0x1cf: {  	[sflag:s16] =	ssyncadd.s32 $0xFFFFFF80  }
0x1d0: {  	_ =	swait.ge [sflag:s16], $0x80  }
0x1d1: {  	[sflag:s16] =	ssyncset.done $0x0  }
0x1d2: {  	[sflag:s16] =	ssyncadd.s32 $0xFFFFFF80  }
0x1d3: {  	_ =	swait.ge [sflag:s8], $0x4000  }
0x1d4: {  	[sflag:s8] =	ssyncset.done $0x0  }
0x1d5: {  	[sflag:s8] =	ssyncadd.s32 $0xFFFFC000  }
0x1d6: {  	_ =	swait.ge [sflag:s19], $0x80  }
0x1d7: {  	[sflag:s19] =	ssyncset.done $0x0  }
0x1d8: {  	[sflag:s19] =	ssyncadd.s32 $0xFFFFFF80  }
0x1d9: {  	_ =	swait.ge [sflag:s19], $0x80  }
0x1da: {  	[sflag:s19] =	ssyncset.done $0x0  }
0x1db: {  	[sflag:s19] =	ssyncadd.s32 $0xFFFFFF80  }
0x1dc: {  	_ =	swait.ge [sflag:s9], $0x4000  }
0x1dd: {  	[sflag:s9] =	ssyncset.done $0x0  }
0x1de: {  	[sflag:s9] =	ssyncadd.s32 $0xFFFFC000  }
0x1df: {  	_ =	swait.ge [sflag:s23], $0x80  }
0x1e0: {  	[sflag:s23] =	ssyncset.done $0x0  }
0x1e1: {  	[sflag:s23] =	ssyncadd.s32 $0xFFFFFF80  }
0x1e2: {  	_ =	swait.ge [sflag:s23], $0x80  }
0x1e3: {  	[sflag:s23] =	ssyncset.done $0x0  }
0x1e4: {  	[sflag:s23] =	ssyncadd.s32 $0xFFFFFF80  }
0x1e5: {  	_ =	swait.ge [sflag:s6], $0x4000  }
0x1e6: {  	[sflag:s6] =	ssyncset.done $0x0  }
0x1e7: {  	[sflag:s6] =	ssyncadd.s32 $0xFFFFC000  }
0x1e8: {  	_ =	swait.ge [sflag:s30], $0x80  }
0x1e9: {  	[sflag:s30] =	ssyncset.done $0x0  }
0x1ea: {  	[sflag:s30] =	ssyncadd.s32 $0xFFFFFF80  }
0x1eb: {  	_ =	swait.ge [sflag:s30], $0x80  }
0x1ec: {  	[sflag:s30] =	ssyncset.done $0x0  }
0x1ed: {  	[sflag:s30] =	ssyncadd.s32 $0xFFFFFF80  }
0x1ee: {  	_ =	swait.ge [sflag:s11], $0x4000  }
0x1ef: {  	[sflag:s11] =	ssyncset.done $0x0  }
0x1f0: {  	[sflag:s11] =	ssyncadd.s32 $0xFFFFC000  }
0x1f1: {  	_ =	swait.ge [sflag:s10], $0x80  }
0x1f2: {  	[sflag:s10] =	ssyncset.done $0x0  }
0x1f3: {  	[sflag:s10] =	ssyncadd.s32 $0xFFFFFF80  }
0x1f4: {  	_ =	swait.ge [sflag:s10], $0x80  }
0x1f5: {  	s0 =	sld [smem:$0x7F8]  }
0x1f6: {  	s22 =	sld [smem:$0x7FD];
	_ =	sdelay $0x1  }
0x1f7: {  	s0 =	sadd.s32 $0x1, s0  }
0x1f8: {  	p1 =	sne.s32 s0, s22  }
.Ltmp1:
0x1f9: {  	_ = 	snop;
	(pc) =	sbr.rel @p1 .LBB2_1-.Ltmp1, $4  }
0x1fa: {  	s15 =	simm.s32 $0x100;
	s18 =	simm.s32 $0x180  }
0x1fb: {  	s21 =	simm.s32 $0x200;
	s17 =	simm.s32 $0x280;
	s29 =	simm.s32 $0x300  }
0x1fc: {  	s28 =	simm.s32 $0x380;
	s5 =	simm.s32 $0x7;
	[sflag:s10] =	ssyncset.done $0x0  }
0x1fd: {  	s20 =	simm.s32 $0x8;
	[sflag:s10] =	ssyncadd.s32 $0xFFFFFF80;
	s22 =	simm.s32 $0x6  }
0x1fe: {  	_ =	sfence.sel $0x180000  }
0x1ff: {  	[bflag:$0x0] =	sbarrier.arrive $0xFFFF  }
0x200: {  	_ =	strace $0x90000047  }
0x201: {  	[bflag:$0x2] =	sbarrier.arrive $0xFFFF  }
0x202: {  	s0 =	rddreg [dreg:$0x3]  }
0x203: {  	s0 =	sadd.s32 @!p0 $0x100000, s0  }
0x204: {  	[sflag:s0] =	ssyncadd.tile.s32 @!p0 $0x1;
	_ =	shalt  }
.Lfunc_end2:
_tile_overlayer_lowered:
.L_overlay_start_2:
0x205: {  	(tag) =	ssettag $0x2  }
0x206: {  	s0 =	rddreg [dreg:$0x0];
	s2 =	stileid.u32  }
0x207: {  	s1 =	rddreg [dreg:$0x1];
	p0 =	sne.s32 s2, $0x0  }
0x208: {  	s3 =	rddreg [dreg:$0x2];
	[bflag:$0x3] =	sbarrier.arrive $0xFFFF;
	s2 =	simm.s32 @!p0 $0x1C10  }
0x209: {  	[timem:s3], [sflag:s2] =	dma.local @!p0 [hbm:s0], s1  }
0x20a: {  	s0 =	simm.s32 @!p0 $0x10  }
0x20b: {  	_ =	swait.ge @!p0 [sflag:s0], s1  }
0x20c: {  	s1 =	ssub.s32 @!p0 $0x0, s1;
	[sflag:s0] =	ssyncset.done @!p0 $0x0  }
0x20d: {  	[sflag:s0] =	ssyncadd.s32 @!p0 s1  }
0x20e: {  	[bflag:$0x3] =	sbarrier.arrive $0xFFFF  }
0x20f: {  	_ =	shalt  }

</sc_bundles>
